<compile_context>
chip_gen: v7x
topology: tpu7x:2x2x1
jax: 0.10.2.dev20260603
libtpu: 0.0.44.dev20260713+nightly
codegen_flags: <defaults>
</compile_context>

<pallas_src>
import jax
import jax.numpy as jnp
from jax import lax
from jax.experimental import pallas as pl
from jax.experimental.pallas import tpu as pltpu
from jax.experimental.pallas import tpu_sc as plsc

B, T, D = 16, 512, 256
MAX_LEN = 2048
L = 16
CHUNK = 128
ROWS_PER_W = B * MAX_LEN // 32
NCHUNK = ROWS_PER_W // CHUNK
NBUF = 3
ZROWS = 64


def _lr_body(x_hbm, dur_hbm, out_hbm,
             dur_v, cum_v, idx_v,
             rows_v0, rows_v1, rows_v2, zbuf,
             gsem0, gsem1, gsem2, osem0, osem1, osem2):
    cid = lax.axis_index("c")
    sid = lax.axis_index("s")
    b = sid
    r0 = ((cid + sid) % 2) * ROWS_PER_W

    bufs = (rows_v0, rows_v1, rows_v2)
    gsems = (gsem0, gsem1, gsem2)
    osems = (osem0, osem1, osem2)

    pltpu.sync_copy(dur_hbm.at[b], dur_v)

    zero_v = jnp.zeros((L,), jnp.float32)

    def cs_body(j, carry):
        v = jnp.maximum(dur_v[pl.ds(j * L, L)], 0)
        s = plsc.cumsum(v) + carry
        cum_v[pl.ds(j * L, L)] = s
        return s[L - 1]

    total = lax.fori_loop(0, T // L, cs_body, jnp.int32(0))
    limit = jnp.minimum(total, MAX_LEN)

    @pl.when(limit < r0 + ROWS_PER_W)
    def _zinit():
        def z_body(r, carry):
            for k in range(D // L):
                zbuf[r, pl.ds(k * L, L)] = zero_v
            return carry

        lax.fori_loop(0, ZROWS, z_body, 0)

    lane = lax.iota(jnp.int32, L)

    def compute_idx(c):
        def ss_body(j, _):
            pos = r0 + c * CHUNK + j * L + lane
            base = jnp.zeros((L,), jnp.int32)
            for half in (256, 128, 64, 32, 16, 8, 4, 2, 1):
                val = plsc.load_gather(cum_v, [base + (half - 1)])
                base = base + jnp.where(val <= pos, half, 0)
            val = plsc.load_gather(cum_v, [base])
            cnt = base + jnp.where(val <= pos, 1, 0)
            src = jnp.where(cnt > T - 1, jnp.bitwise_and(pos, T - 1), cnt)
            idx_v[pl.ds(c * CHUNK + j * L, L)] = b * T + src
            return 0

        lax.fori_loop(0, CHUNK // L, ss_body, 0)

    out_base = b * MAX_LEN + r0

    def finish_chunk(c):
        buf = bufs[c % NBUF]
        gpos0 = r0 + c * CHUNK
        live = gpos0 < limit
        dst = out_hbm.at[pl.ds(out_base + c * CHUNK, CHUNK)]

        @pl.when(live)
        def _live():
            pltpu.make_async_copy(
                x_hbm.at[idx_v.at[pl.ds(c * CHUNK, CHUNK)]],
                buf, gsems[c % NBUF]).wait()
            mstart = jnp.clip(limit - gpos0, 0, CHUNK)

            def zrow(r, carry):
                for k in range(D // L):
                    buf[r, pl.ds(k * L, L)] = zero_v
                return carry

            lax.fori_loop(mstart, CHUNK, zrow, 0)
            pltpu.async_copy(buf, dst, osems[c % NBUF])

        @pl.when(jnp.logical_not(live))
        def _masked():
            pltpu.async_copy(zbuf, dst.at[pl.ds(0, ZROWS)], osems[c % NBUF])
            pltpu.async_copy(zbuf, dst.at[pl.ds(ZROWS, ZROWS)],
                             osems[c % NBUF])

    def drain_out(c):
        pltpu.make_async_copy(
            bufs[c % NBUF],
            out_hbm.at[pl.ds(out_base + c * CHUNK, CHUNK)],
            osems[c % NBUF]).wait()

    def issue_chunk(c):
        if c >= NBUF:
            drain_out(c - NBUF)

        @pl.when(r0 + c * CHUNK < limit)
        def _issue():
            compute_idx(c)
            pltpu.async_copy(
                x_hbm.at[idx_v.at[pl.ds(c * CHUNK, CHUNK)]],
                bufs[c % NBUF], gsems[c % NBUF])

    issue_chunk(0)
    issue_chunk(1)
    for c in range(NCHUNK):
        if c + 2 < NCHUNK:
            issue_chunk(c + 2)
        finish_chunk(c)
    for c in range(NCHUNK - NBUF, NCHUNK):
        drain_out(c)


def kernel(x, durations, max_len):
    xflat = x.reshape(B * T, D)
    durflat = durations
    mesh = plsc.VectorSubcoreMesh(core_axis_name="c", subcore_axis_name="s",
                                  num_cores=2, num_subcores=16)
    run = pl.kernel(
        _lr_body,
        out_type=jax.ShapeDtypeStruct((B * MAX_LEN, D), jnp.float32),
        mesh=mesh,
        scratch_types=[
            pltpu.VMEM((T,), jnp.int32),
            pltpu.VMEM((T,), jnp.int32),
            pltpu.VMEM((ROWS_PER_W,), jnp.int32),
            pltpu.VMEM((CHUNK, D), jnp.float32),
            pltpu.VMEM((CHUNK, D), jnp.float32),
            pltpu.VMEM((CHUNK, D), jnp.float32),
            pltpu.VMEM((ZROWS, D), jnp.float32),
            pltpu.SemaphoreType.DMA,
            pltpu.SemaphoreType.DMA,
            pltpu.SemaphoreType.DMA,
            pltpu.SemaphoreType.DMA,
            pltpu.SemaphoreType.DMA,
            pltpu.SemaphoreType.DMA,
        ],
        compiler_params=pltpu.CompilerParams(needs_layout_passes=False),
    )
    out = run(xflat, durflat)
    return out.reshape(B, MAX_LEN, D)

# --- scband reference (transcript-rebuilt; emitter-appended) ---
"""Pipeline reference for scband-length-regulator-83923660964128 (READ-ONLY COPY).

The authoritative reference and input builder live on the scoring server;
editing this copy changes nothing except your own understanding.
"""

import jax, jax.numpy as jnp
import numpy as np


def setup_inputs(seed: int = 0) -> dict:
    key = jax.random.key(seed)
    k1, k2 = jax.random.split(key)
    x = jax.random.normal(k1, (16, 512, 256), dtype=jnp.float32)
    durations = jax.random.randint(k2, (16, 512), 0, 8, dtype=jnp.int32)
    return {"x": x, "durations": durations, "max_len": 2048}


def reference(x, durations, max_len):
    # Faithful jax translation of LengthRegulator.forward with explicit max_len.
    B, T, D = x.shape
    dur = jnp.clip(durations.astype(jnp.int32), 0, None)  # dur.clamp(min=0)
    cum = jnp.cumsum(dur, axis=1)                          # [B, T]
    total = cum[:, -1]                                     # total expanded length per batch
    MAX_LEN = 2048
    pos = jnp.arange(MAX_LEN, dtype=jnp.int32)             # output positions
    # For output position p, the source frame t is the first index where cum[t] > p.
    # This is exactly repeat_interleave(arange(T), dur)[p].
    idx = jax.vmap(lambda c: jnp.searchsorted(c, pos, side='right'))(cum)  # [B, max_len]
    mask = pos[None, :] < jnp.minimum(total, max_len)[:, None]             # usable = min(total, max_len)
    idx_c = jnp.clip(idx, 0, T - 1)
    out = jnp.take_along_axis(x, idx_c[:, :, None], axis=1)               # gather: x[b, idx]
    out = jnp.where(mask[:, :, None], out, jnp.zeros((), dtype=x.dtype))  # zero padding beyond total
    return out

if __name__ == "__main__":
    import jax
    _d = setup_inputs()
    print(jax.jit(kernel)(*tuple(_d.values())))

</pallas_src>

<mosaic_0001>
#map = affine_map<(d0, d1) -> (0, 0)>
module attributes {stable_mosaic.version = 14 : i64} {
  func.func @_lr_body(%arg0: i32, %arg1: i32, %arg2: memref<8192x256xf32, #tpu.memory_space<hbm>>, %arg3: memref<16x512xi32, #tpu.memory_space<hbm>>, %arg4: memref<32768x256xf32, #tpu.memory_space<hbm>>, %arg5: memref<512xi32, #tpu.memory_space<vmem>>, %arg6: memref<512xi32, #tpu.memory_space<vmem>>, %arg7: memref<1024xi32, #tpu.memory_space<vmem>>, %arg8: memref<128x256xf32, #tpu.memory_space<vmem>>, %arg9: memref<128x256xf32, #tpu.memory_space<vmem>>, %arg10: memref<128x256xf32, #tpu.memory_space<vmem>>, %arg11: memref<64x256xf32, #tpu.memory_space<vmem>>, %arg12: memref<!tpu.dma_semaphore, #tpu.memory_space<semaphore_mem>>, %arg13: memref<!tpu.dma_semaphore, #tpu.memory_space<semaphore_mem>>, %arg14: memref<!tpu.dma_semaphore, #tpu.memory_space<semaphore_mem>>, %arg15: memref<!tpu.dma_semaphore, #tpu.memory_space<semaphore_mem>>, %arg16: memref<!tpu.dma_semaphore, #tpu.memory_space<semaphore_mem>>, %arg17: memref<!tpu.dma_semaphore, #tpu.memory_space<semaphore_mem>>) attributes {dimension_semantics = [#tpu.dimension_semantics<core_parallel>, #tpu.dimension_semantics<subcore_parallel>], iteration_bounds = array<i64: 2, 16>, scalar_prefetch = 0 : i64, scratch_operands = 13 : i64, tpu.core_type = #tpu.core_type<sc_vector_subcore>, window_params = [{transform_indices = #map}, {transform_indices = #map}, {transform_indices = #map}]} {
    %add3A = arith.addi %arg0, %arg1 : i32
    %jit3A = arith.constant 2 : i32
    %eq3A = arith.constant 0 : i32
    %eq3A_0 = arith.cmpi eq, %jit3A, %eq3A : i32
    %jit3A_1 = arith.constant 1 : i32
    %select_n3A = arith.select %eq3A_0, %jit3A_1, %jit3A : i32
    %rem3A = arith.remsi %add3A, %select_n3A : i32
    %ne3A = arith.constant 0 : i32
    %ne3A_2 = arith.cmpi ne, %rem3A, %ne3A : i32
    %lt3A = arith.constant 0 : i32
    %lt3A_3 = arith.cmpi slt, %rem3A, %lt3A : i32
    %lt3A_4 = arith.constant 0 : i32
    %lt3A_5 = arith.cmpi slt, %select_n3A, %lt3A_4 : i32
    %ne3A_6 = arith.xori %lt3A_3, %lt3A_5 : i1
    %and3A = arith.andi %ne3A_6, %ne3A_2 : i1
    %add3A_7 = arith.addi %rem3A, %select_n3A : i32
    %select_n3A_8 = arith.select %and3A, %add3A_7, %rem3A : i32
    %mul3A = arith.constant 1024 : i32
    %mul3A_9 = arith.muli %select_n3A_8, %mul3A : i32
    "tpu.region"() ({
      %run_scoped3A = tpu.sem_alloc : memref<!tpu.dma_semaphore, #tpu.memory_space<semaphore_mem>>
      %dma_start3A = arith.constant 0 : i32
      %dma_start3A_223 = tpu.memref_slice %arg3[%arg1, %dma_start3A] : memref<16x512xi32, #tpu.memory_space<hbm>> -> memref<1x512xi32, #tpu.memory_space<hbm>>
      %dma_start3A_224 = tpu.memref_squeeze %dma_start3A_223 : memref<1x512xi32, #tpu.memory_space<hbm>> -> memref<512xi32, #tpu.memory_space<hbm>>
      %dma_start3A_225 = arith.constant 0 : i32
      %dma_start3A_226 = tpu.memref_slice %arg3[%arg1, %dma_start3A_225] : memref<16x512xi32, #tpu.memory_space<hbm>> -> memref<1x512xi32, #tpu.memory_space<hbm>>
      %dma_start3A_227 = tpu.memref_squeeze %dma_start3A_226 : memref<1x512xi32, #tpu.memory_space<hbm>> -> memref<512xi32, #tpu.memory_space<hbm>>
      tpu.enqueue_dma source(%dma_start3A_227 : memref<512xi32, #tpu.memory_space<hbm>>) target(%arg5 : memref<512xi32, #tpu.memory_space<vmem>>) target_semaphore(%run_scoped3A : memref<!tpu.dma_semaphore, #tpu.memory_space<semaphore_mem>>)
      %dma_wait3A_228 = arith.constant 0 : i32
      %dma_wait3A_229 = tpu.memref_slice %arg3[%arg1, %dma_wait3A_228] : memref<16x512xi32, #tpu.memory_space<hbm>> -> memref<1x512xi32, #tpu.memory_space<hbm>>
      %dma_wait3A_230 = tpu.memref_squeeze %dma_wait3A_229 : memref<1x512xi32, #tpu.memory_space<hbm>> -> memref<512xi32, #tpu.memory_space<hbm>>
      %dma_wait3A_231 = arith.constant 0 : i32
      %dma_wait3A_232 = tpu.memref_slice %arg3[%arg1, %dma_wait3A_231] : memref<16x512xi32, #tpu.memory_space<hbm>> -> memref<1x512xi32, #tpu.memory_space<hbm>>
      %dma_wait3A_233 = tpu.memref_squeeze %dma_wait3A_232 : memref<1x512xi32, #tpu.memory_space<hbm>> -> memref<512xi32, #tpu.memory_space<hbm>>
      tpu.wait_dma2 semaphore(%run_scoped3A : memref<!tpu.dma_semaphore, #tpu.memory_space<semaphore_mem>>) src(%dma_wait3A_233 : memref<512xi32, #tpu.memory_space<hbm>>) dst(%arg5 : memref<512xi32, #tpu.memory_space<vmem>>)
      tpu.yield
    }) : () -> ()
    %broadcast_in_dim3A = arith.constant 0.000000e+00 : f32
    %broadcast_in_dim3A_10 = vector.broadcast %broadcast_in_dim3A : f32 to vector<16xf32>
    %scan3A = arith.constant 0 : i32
    %scan3A_11 = arith.constant 0 : i32
    %scan3A_12 = arith.constant 32 : i32
    %scan3A_13 = arith.addi %scan3A_11, %scan3A_12 : i32
    %scan3A_14 = arith.constant 1 : i32
    %scan3A_15 = scf.for %scan3A_223 = %scan3A_11 to %scan3A_13 step %scan3A_14 iter_args(%scan3A_224 = %scan3A) -> (i32)  : i32 {
      %mul3A_225 = arith.constant 16 : i32
      %mul3A_226 = arith.muli %scan3A_223, %mul3A_225 : i32
      %get3A = arith.index_cast %mul3A_226 : i32 to index
      %get3A_227 = tpu.vector_load %arg5[%get3A] {strides = array<i32>} : memref<512xi32, #tpu.memory_space<vmem>>, vector<16xi32>,
      %max3A = arith.constant 0 : i32
      %max3A_228 = vector.broadcast %max3A : i32 to vector<16xi32>
      %max3A_229 = arith.maxsi %get3A_227, %max3A_228 : vector<16xi32>
      %broadcast_in_dim3A_230 = arith.constant true
      %broadcast_in_dim3A_231 = vector.broadcast %broadcast_in_dim3A_230 : i1 to vector<16xi1>
      %masked_cumsum3A = tpu.scan <sum>, %max3A_229 masked %broadcast_in_dim3A_231 : vector<16xi32>, vector<16xi1> -> vector<16xi32>
      %add3A_232 = vector.broadcast %scan3A_224 : i32 to vector<16xi32>
      %add3A_233 = arith.addi %masked_cumsum3A, %add3A_232 : vector<16xi32>
      %mul3A_234 = arith.constant 16 : i32
      %mul3A_235 = arith.muli %scan3A_223, %mul3A_234 : i32
      %swap3A = arith.index_cast %mul3A_235 : i32 to index
      %swap3A_236 = tpu.vector_load %arg6[%swap3A] {strides = array<i32>} : memref<512xi32, #tpu.memory_space<vmem>>, vector<16xi32>,
      tpu.vector_store %arg6[%swap3A], %add3A_233 {strides = array<i32>} : memref<512xi32, #tpu.memory_space<vmem>>, vector<16xi32>,
      %slice3A = vector.extract_strided_slice %add3A_233 {offsets = [15], sizes = [1], strides = [1]} : vector<16xi32> to vector<1xi32>
      %squeeze3A = vector.extract %slice3A[0] : i32 from vector<1xi32>
      scf.yield %squeeze3A : i32
    }
    %scan3A_16 = arith.constant 32 : i32
    %min3A = arith.constant 2048 : i32
    %min3A_17 = arith.minsi %scan3A_15, %min3A : i32
    %add3A_18 = arith.constant 1024 : i32
    %add3A_19 = arith.addi %mul3A_9, %add3A_18 : i32
    %lt3A_20 = arith.cmpi slt, %min3A_17, %add3A_19 : i32
    %convert_element_type3A = arith.extui %lt3A_20 : i1 to i32
    %cond3A = arith.constant 0 : i32
    %cond3A_21 = arith.cmpi ne, %convert_element_type3A, %cond3A : i32
    scf.if %cond3A_21 {
      %scan3A_223 = arith.constant 0 : i32
      %scan3A_224 = arith.constant 0 : i32
      %scan3A_225 = arith.constant 64 : i32
      %scan3A_226 = arith.addi %scan3A_224, %scan3A_225 : i32
      %scan3A_227 = arith.constant 1 : i32
      scf.for %scan3A_229 = %scan3A_224 to %scan3A_226 step %scan3A_227  : i32 {
        %swap3A = arith.index_cast %scan3A_229 : i32 to index
        %swap3A_230 = arith.constant 0 : index
        %swap3A_231 = tpu.vector_load %arg11[%swap3A, %swap3A_230] {strides = array<i32>} : memref<64x256xf32, #tpu.memory_space<vmem>>, vector<16xf32>,
        tpu.vector_store %arg11[%swap3A, %swap3A_230], %broadcast_in_dim3A_10 {strides = array<i32>} : memref<64x256xf32, #tpu.memory_space<vmem>>, vector<16xf32>,
        %swap3A_232 = arith.index_cast %scan3A_229 : i32 to index
        %swap3A_233 = arith.constant 16 : index
        %swap3A_234 = tpu.vector_load %arg11[%swap3A_232, %swap3A_233] {strides = array<i32>} : memref<64x256xf32, #tpu.memory_space<vmem>>, vector<16xf32>,
        tpu.vector_store %arg11[%swap3A_232, %swap3A_233], %broadcast_in_dim3A_10 {strides = array<i32>} : memref<64x256xf32, #tpu.memory_space<vmem>>, vector<16xf32>,
        %swap3A_235 = arith.index_cast %scan3A_229 : i32 to index
        %swap3A_236 = arith.constant 32 : index
        %swap3A_237 = tpu.vector_load %arg11[%swap3A_235, %swap3A_236] {strides = array<i32>} : memref<64x256xf32, #tpu.memory_space<vmem>>, vector<16xf32>,
        tpu.vector_store %arg11[%swap3A_235, %swap3A_236], %broadcast_in_dim3A_10 {strides = array<i32>} : memref<64x256xf32, #tpu.memory_space<vmem>>, vector<16xf32>,
        %swap3A_238 = arith.index_cast %scan3A_229 : i32 to index
        %swap3A_239 = arith.constant 48 : index
        %swap3A_240 = tpu.vector_load %arg11[%swap3A_238, %swap3A_239] {strides = array<i32>} : memref<64x256xf32, #tpu.memory_space<vmem>>, vector<16xf32>,
        tpu.vector_store %arg11[%swap3A_238, %swap3A_239], %broadcast_in_dim3A_10 {strides = array<i32>} : memref<64x256xf32, #tpu.memory_space<vmem>>, vector<16xf32>,
        %swap3A_241 = arith.index_cast %scan3A_229 : i32 to index
        %swap3A_242 = arith.constant 64 : index
        %swap3A_243 = tpu.vector_load %arg11[%swap3A_241, %swap3A_242] {strides = array<i32>} : memref<64x256xf32, #tpu.memory_space<vmem>>, vector<16xf32>,
        tpu.vector_store %arg11[%swap3A_241, %swap3A_242], %broadcast_in_dim3A_10 {strides = array<i32>} : memref<64x256xf32, #tpu.memory_space<vmem>>, vector<16xf32>,
        %swap3A_244 = arith.index_cast %scan3A_229 : i32 to index
        %swap3A_245 = arith.constant 80 : index
        %swap3A_246 = tpu.vector_load %arg11[%swap3A_244, %swap3A_245] {strides = array<i32>} : memref<64x256xf32, #tpu.memory_space<vmem>>, vector<16xf32>,
        tpu.vector_store %arg11[%swap3A_244, %swap3A_245], %broadcast_in_dim3A_10 {strides = array<i32>} : memref<64x256xf32, #tpu.memory_space<vmem>>, vector<16xf32>,
        %swap3A_247 = arith.index_cast %scan3A_229 : i32 to index
        %swap3A_248 = arith.constant 96 : index
        %swap3A_249 = tpu.vector_load %arg11[%swap3A_247, %swap3A_248] {strides = array<i32>} : memref<64x256xf32, #tpu.memory_space<vmem>>, vector<16xf32>,
        tpu.vector_store %arg11[%swap3A_247, %swap3A_248], %broadcast_in_dim3A_10 {strides = array<i32>} : memref<64x256xf32, #tpu.memory_space<vmem>>, vector<16xf32>,
        %swap3A_250 = arith.index_cast %scan3A_229 : i32 to index
        %swap3A_251 = arith.constant 112 : index
        %swap3A_252 = tpu.vector_load %arg11[%swap3A_250, %swap3A_251] {strides = array<i32>} : memref<64x256xf32, #tpu.memory_space<vmem>>, vector<16xf32>,
        tpu.vector_store %arg11[%swap3A_250, %swap3A_251], %broadcast_in_dim3A_10 {strides = array<i32>} : memref<64x256xf32, #tpu.memory_space<vmem>>, vector<16xf32>,
        %swap3A_253 = arith.index_cast %scan3A_229 : i32 to index
        %swap3A_254 = arith.constant 128 : index
        %swap3A_255 = tpu.vector_load %arg11[%swap3A_253, %swap3A_254] {strides = array<i32>} : memref<64x256xf32, #tpu.memory_space<vmem>>, vector<16xf32>,
        tpu.vector_store %arg11[%swap3A_253, %swap3A_254], %broadcast_in_dim3A_10 {strides = array<i32>} : memref<64x256xf32, #tpu.memory_space<vmem>>, vector<16xf32>,
        %swap3A_256 = arith.index_cast %scan3A_229 : i32 to index
        %swap3A_257 = arith.constant 144 : index
        %swap3A_258 = tpu.vector_load %arg11[%swap3A_256, %swap3A_257] {strides = array<i32>} : memref<64x256xf32, #tpu.memory_space<vmem>>, vector<16xf32>,
        tpu.vector_store %arg11[%swap3A_256, %swap3A_257], %broadcast_in_dim3A_10 {strides = array<i32>} : memref<64x256xf32, #tpu.memory_space<vmem>>, vector<16xf32>,
        %swap3A_259 = arith.index_cast %scan3A_229 : i32 to index
        %swap3A_260 = arith.constant 160 : index
        %swap3A_261 = tpu.vector_load %arg11[%swap3A_259, %swap3A_260] {strides = array<i32>} : memref<64x256xf32, #tpu.memory_space<vmem>>, vector<16xf32>,
        tpu.vector_store %arg11[%swap3A_259, %swap3A_260], %broadcast_in_dim3A_10 {strides = array<i32>} : memref<64x256xf32, #tpu.memory_space<vmem>>, vector<16xf32>,
        %swap3A_262 = arith.index_cast %scan3A_229 : i32 to index
        %swap3A_263 = arith.constant 176 : index
        %swap3A_264 = tpu.vector_load %arg11[%swap3A_262, %swap3A_263] {strides = array<i32>} : memref<64x256xf32, #tpu.memory_space<vmem>>, vector<16xf32>,
        tpu.vector_store %arg11[%swap3A_262, %swap3A_263], %broadcast_in_dim3A_10 {strides = array<i32>} : memref<64x256xf32, #tpu.memory_space<vmem>>, vector<16xf32>,
        %swap3A_265 = arith.index_cast %scan3A_229 : i32 to index
        %swap3A_266 = arith.constant 192 : index
        %swap3A_267 = tpu.vector_load %arg11[%swap3A_265, %swap3A_266] {strides = array<i32>} : memref<64x256xf32, #tpu.memory_space<vmem>>, vector<16xf32>,
        tpu.vector_store %arg11[%swap3A_265, %swap3A_266], %broadcast_in_dim3A_10 {strides = array<i32>} : memref<64x256xf32, #tpu.memory_space<vmem>>, vector<16xf32>,
        %swap3A_268 = arith.index_cast %scan3A_229 : i32 to index
        %swap3A_269 = arith.constant 208 : index
        %swap3A_270 = tpu.vector_load %arg11[%swap3A_268, %swap3A_269] {strides = array<i32>} : memref<64x256xf32, #tpu.memory_space<vmem>>, vector<16xf32>,
        tpu.vector_store %arg11[%swap3A_268, %swap3A_269], %broadcast_in_dim3A_10 {strides = array<i32>} : memref<64x256xf32, #tpu.memory_space<vmem>>, vector<16xf32>,
        %swap3A_271 = arith.index_cast %scan3A_229 : i32 to index
        %swap3A_272 = arith.constant 224 : index
        %swap3A_273 = tpu.vector_load %arg11[%swap3A_271, %swap3A_272] {strides = array<i32>} : memref<64x256xf32, #tpu.memory_space<vmem>>, vector<16xf32>,
        tpu.vector_store %arg11[%swap3A_271, %swap3A_272], %broadcast_in_dim3A_10 {strides = array<i32>} : memref<64x256xf32, #tpu.memory_space<vmem>>, vector<16xf32>,
        %swap3A_274 = arith.index_cast %scan3A_229 : i32 to index
        %swap3A_275 = arith.constant 240 : index
        %swap3A_276 = tpu.vector_load %arg11[%swap3A_274, %swap3A_275] {strides = array<i32>} : memref<64x256xf32, #tpu.memory_space<vmem>>, vector<16xf32>,
        tpu.vector_store %arg11[%swap3A_274, %swap3A_275], %broadcast_in_dim3A_10 {strides = array<i32>} : memref<64x256xf32, #tpu.memory_space<vmem>>, vector<16xf32>,
      }
      %scan3A_228 = arith.constant 64 : i32
    } else {
    }
    %iota3A = tpu.iota {dimensions = array<i32: 0>} : vector<16xi32>
    %mul3A_22 = arith.constant 2048 : i32
    %mul3A_23 = arith.muli %arg1, %mul3A_22 : i32
    %add3A_24 = arith.addi %mul3A_23, %mul3A_9 : i32
    %add3A_25 = arith.constant 0 : i32
    %add3A_26 = arith.addi %mul3A_9, %add3A_25 : i32
    %lt3A_27 = arith.cmpi slt, %add3A_26, %min3A_17 : i32
    %convert_element_type3A_28 = arith.extui %lt3A_27 : i1 to i32
    %cond3A_29 = arith.constant 0 : i32
    %cond3A_30 = arith.cmpi ne, %convert_element_type3A_28, %cond3A_29 : i32
    scf.if %cond3A_30 {
      %scan3A_223 = arith.constant 0 : i32
      %scan3A_224 = arith.constant 0 : i32
      %scan3A_225 = arith.constant 8 : i32
      %scan3A_226 = arith.addi %scan3A_224, %scan3A_225 : i32
      %scan3A_227 = arith.constant 1 : i32
      %scan3A_228 = scf.for %scan3A_234 = %scan3A_224 to %scan3A_226 step %scan3A_227 iter_args(%scan3A_235 = %scan3A_223) -> (i32)  : i32 {
        %add3A_236 = arith.constant 0 : i32
        %add3A_237 = arith.addi %mul3A_9, %add3A_236 : i32
        %mul3A_238 = arith.constant 16 : i32
        %mul3A_239 = arith.muli %scan3A_234, %mul3A_238 : i32
        %add3A_240 = arith.addi %add3A_237, %mul3A_239 : i32
        %add3A_241 = vector.broadcast %add3A_240 : i32 to vector<16xi32>
        %add3A_242 = arith.addi %add3A_241, %iota3A : vector<16xi32>
        %broadcast_in_dim3A_243 = arith.constant 0 : i32
        %broadcast_in_dim3A_244 = vector.broadcast %broadcast_in_dim3A_243 : i32 to vector<16xi32>
        %add3A_245 = arith.constant 255 : i32
        %add3A_246 = vector.broadcast %add3A_245 : i32 to vector<16xi32>
        %add3A_247 = arith.addi %broadcast_in_dim3A_244, %add3A_246 : vector<16xi32>
        %gather3A = tpu.vector_load_idx %arg6[%add3A_247] : memref<512xi32, #tpu.memory_space<vmem>>[vector<16xi32>], vector<16xi32>,
        %le3A = arith.cmpi sle, %gather3A, %add3A_242 : vector<16xi32>
        %jit3A_248 = arith.constant 256 : i32
        %jit3A_249 = arith.constant 0 : i32
        %broadcast_in_dim3A_250 = vector.broadcast %jit3A_248 : i32 to vector<16xi32>
        %broadcast_in_dim3A_251 = vector.broadcast %jit3A_249 : i32 to vector<16xi32>
        %select_n3A_252 = arith.select %le3A, %broadcast_in_dim3A_250, %broadcast_in_dim3A_251 : vector<16xi1>, vector<16xi32>
        %add3A_253 = arith.addi %broadcast_in_dim3A_244, %select_n3A_252 : vector<16xi32>
        %add3A_254 = arith.constant 127 : i32
        %add3A_255 = vector.broadcast %add3A_254 : i32 to vector<16xi32>
        %add3A_256 = arith.addi %add3A_253, %add3A_255 : vector<16xi32>
        %gather3A_257 = tpu.vector_load_idx %arg6[%add3A_256] : memref<512xi32, #tpu.memory_space<vmem>>[vector<16xi32>], vector<16xi32>,
        %le3A_258 = arith.cmpi sle, %gather3A_257, %add3A_242 : vector<16xi32>
        %jit3A_259 = arith.constant 128 : i32
        %jit3A_260 = arith.constant 0 : i32
        %broadcast_in_dim3A_261 = vector.broadcast %jit3A_259 : i32 to vector<16xi32>
        %broadcast_in_dim3A_262 = vector.broadcast %jit3A_260 : i32 to vector<16xi32>
        %select_n3A_263 = arith.select %le3A_258, %broadcast_in_dim3A_261, %broadcast_in_dim3A_262 : vector<16xi1>, vector<16xi32>
        %add3A_264 = arith.addi %add3A_253, %select_n3A_263 : vector<16xi32>
        %add3A_265 = arith.constant 63 : i32
        %add3A_266 = vector.broadcast %add3A_265 : i32 to vector<16xi32>
        %add3A_267 = arith.addi %add3A_264, %add3A_266 : vector<16xi32>
        %gather3A_268 = tpu.vector_load_idx %arg6[%add3A_267] : memref<512xi32, #tpu.memory_space<vmem>>[vector<16xi32>], vector<16xi32>,
        %le3A_269 = arith.cmpi sle, %gather3A_268, %add3A_242 : vector<16xi32>
        %jit3A_270 = arith.constant 64 : i32
        %jit3A_271 = arith.constant 0 : i32
        %broadcast_in_dim3A_272 = vector.broadcast %jit3A_270 : i32 to vector<16xi32>
        %broadcast_in_dim3A_273 = vector.broadcast %jit3A_271 : i32 to vector<16xi32>
        %select_n3A_274 = arith.select %le3A_269, %broadcast_in_dim3A_272, %broadcast_in_dim3A_273 : vector<16xi1>, vector<16xi32>
        %add3A_275 = arith.addi %add3A_264, %select_n3A_274 : vector<16xi32>
        %add3A_276 = arith.constant 31 : i32
        %add3A_277 = vector.broadcast %add3A_276 : i32 to vector<16xi32>
        %add3A_278 = arith.addi %add3A_275, %add3A_277 : vector<16xi32>
        %gather3A_279 = tpu.vector_load_idx %arg6[%add3A_278] : memref<512xi32, #tpu.memory_space<vmem>>[vector<16xi32>], vector<16xi32>,
        %le3A_280 = arith.cmpi sle, %gather3A_279, %add3A_242 : vector<16xi32>
        %jit3A_281 = arith.constant 32 : i32
        %jit3A_282 = arith.constant 0 : i32
        %broadcast_in_dim3A_283 = vector.broadcast %jit3A_281 : i32 to vector<16xi32>
        %broadcast_in_dim3A_284 = vector.broadcast %jit3A_282 : i32 to vector<16xi32>
        %select_n3A_285 = arith.select %le3A_280, %broadcast_in_dim3A_283, %broadcast_in_dim3A_284 : vector<16xi1>, vector<16xi32>
        %add3A_286 = arith.addi %add3A_275, %select_n3A_285 : vector<16xi32>
        %add3A_287 = arith.constant 15 : i32
        %add3A_288 = vector.broadcast %add3A_287 : i32 to vector<16xi32>
        %add3A_289 = arith.addi %add3A_286, %add3A_288 : vector<16xi32>
        %gather3A_290 = tpu.vector_load_idx %arg6[%add3A_289] : memref<512xi32, #tpu.memory_space<vmem>>[vector<16xi32>], vector<16xi32>,
        %le3A_291 = arith.cmpi sle, %gather3A_290, %add3A_242 : vector<16xi32>
        %jit3A_292 = arith.constant 16 : i32
        %jit3A_293 = arith.constant 0 : i32
        %broadcast_in_dim3A_294 = vector.broadcast %jit3A_292 : i32 to vector<16xi32>
        %broadcast_in_dim3A_295 = vector.broadcast %jit3A_293 : i32 to vector<16xi32>
        %select_n3A_296 = arith.select %le3A_291, %broadcast_in_dim3A_294, %broadcast_in_dim3A_295 : vector<16xi1>, vector<16xi32>
        %add3A_297 = arith.addi %add3A_286, %select_n3A_296 : vector<16xi32>
        %add3A_298 = arith.constant 7 : i32
        %add3A_299 = vector.broadcast %add3A_298 : i32 to vector<16xi32>
        %add3A_300 = arith.addi %add3A_297, %add3A_299 : vector<16xi32>
        %gather3A_301 = tpu.vector_load_idx %arg6[%add3A_300] : memref<512xi32, #tpu.memory_space<vmem>>[vector<16xi32>], vector<16xi32>,
        %le3A_302 = arith.cmpi sle, %gather3A_301, %add3A_242 : vector<16xi32>
        %jit3A_303 = arith.constant 8 : i32
        %jit3A_304 = arith.constant 0 : i32
        %broadcast_in_dim3A_305 = vector.broadcast %jit3A_303 : i32 to vector<16xi32>
        %broadcast_in_dim3A_306 = vector.broadcast %jit3A_304 : i32 to vector<16xi32>
        %select_n3A_307 = arith.select %le3A_302, %broadcast_in_dim3A_305, %broadcast_in_dim3A_306 : vector<16xi1>, vector<16xi32>
        %add3A_308 = arith.addi %add3A_297, %select_n3A_307 : vector<16xi32>
        %add3A_309 = arith.constant 3 : i32
        %add3A_310 = vector.broadcast %add3A_309 : i32 to vector<16xi32>
        %add3A_311 = arith.addi %add3A_308, %add3A_310 : vector<16xi32>
        %gather3A_312 = tpu.vector_load_idx %arg6[%add3A_311] : memref<512xi32, #tpu.memory_space<vmem>>[vector<16xi32>], vector<16xi32>,
        %le3A_313 = arith.cmpi sle, %gather3A_312, %add3A_242 : vector<16xi32>
        %jit3A_314 = arith.constant 4 : i32
        %jit3A_315 = arith.constant 0 : i32
        %broadcast_in_dim3A_316 = vector.broadcast %jit3A_314 : i32 to vector<16xi32>
        %broadcast_in_dim3A_317 = vector.broadcast %jit3A_315 : i32 to vector<16xi32>
        %select_n3A_318 = arith.select %le3A_313, %broadcast_in_dim3A_316, %broadcast_in_dim3A_317 : vector<16xi1>, vector<16xi32>
        %add3A_319 = arith.addi %add3A_308, %select_n3A_318 : vector<16xi32>
        %add3A_320 = arith.constant 1 : i32
        %add3A_321 = vector.broadcast %add3A_320 : i32 to vector<16xi32>
        %add3A_322 = arith.addi %add3A_319, %add3A_321 : vector<16xi32>
        %gather3A_323 = tpu.vector_load_idx %arg6[%add3A_322] : memref<512xi32, #tpu.memory_space<vmem>>[vector<16xi32>], vector<16xi32>,
        %le3A_324 = arith.cmpi sle, %gather3A_323, %add3A_242 : vector<16xi32>
        %jit3A_325 = arith.constant 2 : i32
        %jit3A_326 = arith.constant 0 : i32
        %broadcast_in_dim3A_327 = vector.broadcast %jit3A_325 : i32 to vector<16xi32>
        %broadcast_in_dim3A_328 = vector.broadcast %jit3A_326 : i32 to vector<16xi32>
        %select_n3A_329 = arith.select %le3A_324, %broadcast_in_dim3A_327, %broadcast_in_dim3A_328 : vector<16xi1>, vector<16xi32>
        %add3A_330 = arith.addi %add3A_319, %select_n3A_329 : vector<16xi32>
        %add3A_331 = arith.constant 0 : i32
        %add3A_332 = vector.broadcast %add3A_331 : i32 to vector<16xi32>
        %add3A_333 = arith.addi %add3A_330, %add3A_332 : vector<16xi32>
        %gather3A_334 = tpu.vector_load_idx %arg6[%add3A_333] : memref<512xi32, #tpu.memory_space<vmem>>[vector<16xi32>], vector<16xi32>,
        %le3A_335 = arith.cmpi sle, %gather3A_334, %add3A_242 : vector<16xi32>
        %jit3A_336 = arith.constant 1 : i32
        %jit3A_337 = arith.constant 0 : i32
        %broadcast_in_dim3A_338 = vector.broadcast %jit3A_336 : i32 to vector<16xi32>
        %broadcast_in_dim3A_339 = vector.broadcast %jit3A_337 : i32 to vector<16xi32>
        %select_n3A_340 = arith.select %le3A_335, %broadcast_in_dim3A_338, %broadcast_in_dim3A_339 : vector<16xi1>, vector<16xi32>
        %add3A_341 = arith.addi %add3A_330, %select_n3A_340 : vector<16xi32>
        %gather3A_342 = tpu.vector_load_idx %arg6[%add3A_341] : memref<512xi32, #tpu.memory_space<vmem>>[vector<16xi32>], vector<16xi32>,
        %le3A_343 = arith.cmpi sle, %gather3A_342, %add3A_242 : vector<16xi32>
        %jit3A_344 = arith.constant 1 : i32
        %jit3A_345 = arith.constant 0 : i32
        %broadcast_in_dim3A_346 = vector.broadcast %jit3A_344 : i32 to vector<16xi32>
        %broadcast_in_dim3A_347 = vector.broadcast %jit3A_345 : i32 to vector<16xi32>
        %select_n3A_348 = arith.select %le3A_343, %broadcast_in_dim3A_346, %broadcast_in_dim3A_347 : vector<16xi1>, vector<16xi32>
        %add3A_349 = arith.addi %add3A_341, %select_n3A_348 : vector<16xi32>
        %gt3A = arith.constant 511 : i32
        %gt3A_350 = vector.broadcast %gt3A : i32 to vector<16xi32>
        %gt3A_351 = arith.cmpi sgt, %add3A_349, %gt3A_350 : vector<16xi32>
        %and3A_352 = arith.constant 511 : i32
        %and3A_353 = vector.broadcast %and3A_352 : i32 to vector<16xi32>
        %and3A_354 = arith.andi %add3A_242, %and3A_353 : vector<16xi32>
        %select_n3A_355 = arith.select %gt3A_351, %and3A_354, %add3A_349 : vector<16xi1>, vector<16xi32>
        %mul3A_356 = arith.constant 512 : i32
        %mul3A_357 = arith.muli %arg1, %mul3A_356 : i32
        %add3A_358 = vector.broadcast %mul3A_357 : i32 to vector<16xi32>
        %add3A_359 = arith.addi %add3A_358, %select_n3A_355 : vector<16xi32>
        %mul3A_360 = arith.constant 16 : i32
        %mul3A_361 = arith.muli %scan3A_234, %mul3A_360 : i32
        %add3A_362 = arith.constant 0 : i32
        %add3A_363 = arith.addi %add3A_362, %mul3A_361 : i32
        %swap3A = arith.index_cast %add3A_363 : i32 to index
        %swap3A_364 = tpu.vector_load %arg7[%swap3A] {strides = array<i32>} : memref<1024xi32, #tpu.memory_space<vmem>>, vector<16xi32>,
        tpu.vector_store %arg7[%swap3A], %add3A_359 {strides = array<i32>} : memref<1024xi32, #tpu.memory_space<vmem>>, vector<16xi32>,
        %scan3A_365 = arith.constant 0 : i32
        scf.yield %scan3A_365 : i32
      }
      %scan3A_229 = arith.constant 8 : i32
      %dma_start3A = arith.constant 0 : i32
      %dma_start3A_230 = tpu.memref_slice %arg7[%dma_start3A] : memref<1024xi32, #tpu.memory_space<vmem>> -> memref<128xi32, #tpu.memory_space<vmem>>
      %dma_start3A_231 = arith.constant 0 : i32
      %dma_start3A_232 = arith.constant 0 : i32
      %dma_start3A_233 = tpu.memref_slice %arg2[%dma_start3A_231, %dma_start3A_232] : memref<8192x256xf32, #tpu.memory_space<hbm>> -> memref<8192x256xf32, #tpu.memory_space<hbm>>
      tpu.enqueue_indirect_dma source(%dma_start3A_233 : memref<8192x256xf32, #tpu.memory_space<hbm>>) target(%arg8 : memref<128x256xf32, #tpu.memory_space<vmem>>) offsets(%dma_start3A_230 : memref<128xi32, #tpu.memory_space<vmem>>) semaphore(%arg12 : memref<!tpu.dma_semaphore, #tpu.memory_space<semaphore_mem>>)
    } else {
    }
    %add3A_31 = arith.constant 128 : i32
    %add3A_32 = arith.addi %mul3A_9, %add3A_31 : i32
    %lt3A_33 = arith.cmpi slt, %add3A_32, %min3A_17 : i32
    %convert_element_type3A_34 = arith.extui %lt3A_33 : i1 to i32
    %cond3A_35 = arith.constant 0 : i32
    %cond3A_36 = arith.cmpi ne, %convert_element_type3A_34, %cond3A_35 : i32
    scf.if %cond3A_36 {
      %scan3A_223 = arith.constant 0 : i32
      %scan3A_224 = arith.constant 0 : i32
      %scan3A_225 = arith.constant 8 : i32
      %scan3A_226 = arith.addi %scan3A_224, %scan3A_225 : i32
      %scan3A_227 = arith.constant 1 : i32
      %scan3A_228 = scf.for %scan3A_234 = %scan3A_224 to %scan3A_226 step %scan3A_227 iter_args(%scan3A_235 = %scan3A_223) -> (i32)  : i32 {
        %add3A_236 = arith.constant 128 : i32
        %add3A_237 = arith.addi %mul3A_9, %add3A_236 : i32
        %mul3A_238 = arith.constant 16 : i32
        %mul3A_239 = arith.muli %scan3A_234, %mul3A_238 : i32
        %add3A_240 = arith.addi %add3A_237, %mul3A_239 : i32
        %add3A_241 = vector.broadcast %add3A_240 : i32 to vector<16xi32>
        %add3A_242 = arith.addi %add3A_241, %iota3A : vector<16xi32>
        %broadcast_in_dim3A_243 = arith.constant 0 : i32
        %broadcast_in_dim3A_244 = vector.broadcast %broadcast_in_dim3A_243 : i32 to vector<16xi32>
        %add3A_245 = arith.constant 255 : i32
        %add3A_246 = vector.broadcast %add3A_245 : i32 to vector<16xi32>
        %add3A_247 = arith.addi %broadcast_in_dim3A_244, %add3A_246 : vector<16xi32>
        %gather3A = tpu.vector_load_idx %arg6[%add3A_247] : memref<512xi32, #tpu.memory_space<vmem>>[vector<16xi32>], vector<16xi32>,
        %le3A = arith.cmpi sle, %gather3A, %add3A_242 : vector<16xi32>
        %jit3A_248 = arith.constant 256 : i32
        %jit3A_249 = arith.constant 0 : i32
        %broadcast_in_dim3A_250 = vector.broadcast %jit3A_248 : i32 to vector<16xi32>
        %broadcast_in_dim3A_251 = vector.broadcast %jit3A_249 : i32 to vector<16xi32>
        %select_n3A_252 = arith.select %le3A, %broadcast_in_dim3A_250, %broadcast_in_dim3A_251 : vector<16xi1>, vector<16xi32>
        %add3A_253 = arith.addi %broadcast_in_dim3A_244, %select_n3A_252 : vector<16xi32>
        %add3A_254 = arith.constant 127 : i32
        %add3A_255 = vector.broadcast %add3A_254 : i32 to vector<16xi32>
        %add3A_256 = arith.addi %add3A_253, %add3A_255 : vector<16xi32>
        %gather3A_257 = tpu.vector_load_idx %arg6[%add3A_256] : memref<512xi32, #tpu.memory_space<vmem>>[vector<16xi32>], vector<16xi32>,
        %le3A_258 = arith.cmpi sle, %gather3A_257, %add3A_242 : vector<16xi32>
        %jit3A_259 = arith.constant 128 : i32
        %jit3A_260 = arith.constant 0 : i32
        %broadcast_in_dim3A_261 = vector.broadcast %jit3A_259 : i32 to vector<16xi32>
        %broadcast_in_dim3A_262 = vector.broadcast %jit3A_260 : i32 to vector<16xi32>
        %select_n3A_263 = arith.select %le3A_258, %broadcast_in_dim3A_261, %broadcast_in_dim3A_262 : vector<16xi1>, vector<16xi32>
        %add3A_264 = arith.addi %add3A_253, %select_n3A_263 : vector<16xi32>
        %add3A_265 = arith.constant 63 : i32
        %add3A_266 = vector.broadcast %add3A_265 : i32 to vector<16xi32>
        %add3A_267 = arith.addi %add3A_264, %add3A_266 : vector<16xi32>
        %gather3A_268 = tpu.vector_load_idx %arg6[%add3A_267] : memref<512xi32, #tpu.memory_space<vmem>>[vector<16xi32>], vector<16xi32>,
        %le3A_269 = arith.cmpi sle, %gather3A_268, %add3A_242 : vector<16xi32>
        %jit3A_270 = arith.constant 64 : i32
        %jit3A_271 = arith.constant 0 : i32
        %broadcast_in_dim3A_272 = vector.broadcast %jit3A_270 : i32 to vector<16xi32>
        %broadcast_in_dim3A_273 = vector.broadcast %jit3A_271 : i32 to vector<16xi32>
        %select_n3A_274 = arith.select %le3A_269, %broadcast_in_dim3A_272, %broadcast_in_dim3A_273 : vector<16xi1>, vector<16xi32>
        %add3A_275 = arith.addi %add3A_264, %select_n3A_274 : vector<16xi32>
        %add3A_276 = arith.constant 31 : i32
        %add3A_277 = vector.broadcast %add3A_276 : i32 to vector<16xi32>
        %add3A_278 = arith.addi %add3A_275, %add3A_277 : vector<16xi32>
        %gather3A_279 = tpu.vector_load_idx %arg6[%add3A_278] : memref<512xi32, #tpu.memory_space<vmem>>[vector<16xi32>], vector<16xi32>,
        %le3A_280 = arith.cmpi sle, %gather3A_279, %add3A_242 : vector<16xi32>
        %jit3A_281 = arith.constant 32 : i32
        %jit3A_282 = arith.constant 0 : i32
        %broadcast_in_dim3A_283 = vector.broadcast %jit3A_281 : i32 to vector<16xi32>
        %broadcast_in_dim3A_284 = vector.broadcast %jit3A_282 : i32 to vector<16xi32>
        %select_n3A_285 = arith.select %le3A_280, %broadcast_in_dim3A_283, %broadcast_in_dim3A_284 : vector<16xi1>, vector<16xi32>
        %add3A_286 = arith.addi %add3A_275, %select_n3A_285 : vector<16xi32>
        %add3A_287 = arith.constant 15 : i32
        %add3A_288 = vector.broadcast %add3A_287 : i32 to vector<16xi32>
        %add3A_289 = arith.addi %add3A_286, %add3A_288 : vector<16xi32>
        %gather3A_290 = tpu.vector_load_idx %arg6[%add3A_289] : memref<512xi32, #tpu.memory_space<vmem>>[vector<16xi32>], vector<16xi32>,
        %le3A_291 = arith.cmpi sle, %gather3A_290, %add3A_242 : vector<16xi32>
        %jit3A_292 = arith.constant 16 : i32
        %jit3A_293 = arith.constant 0 : i32
        %broadcast_in_dim3A_294 = vector.broadcast %jit3A_292 : i32 to vector<16xi32>
        %broadcast_in_dim3A_295 = vector.broadcast %jit3A_293 : i32 to vector<16xi32>
        %select_n3A_296 = arith.select %le3A_291, %broadcast_in_dim3A_294, %broadcast_in_dim3A_295 : vector<16xi1>, vector<16xi32>
        %add3A_297 = arith.addi %add3A_286, %select_n3A_296 : vector<16xi32>
        %add3A_298 = arith.constant 7 : i32
        %add3A_299 = vector.broadcast %add3A_298 : i32 to vector<16xi32>
        %add3A_300 = arith.addi %add3A_297, %add3A_299 : vector<16xi32>
        %gather3A_301 = tpu.vector_load_idx %arg6[%add3A_300] : memref<512xi32, #tpu.memory_space<vmem>>[vector<16xi32>], vector<16xi32>,
        %le3A_302 = arith.cmpi sle, %gather3A_301, %add3A_242 : vector<16xi32>
        %jit3A_303 = arith.constant 8 : i32
        %jit3A_304 = arith.constant 0 : i32
        %broadcast_in_dim3A_305 = vector.broadcast %jit3A_303 : i32 to vector<16xi32>
        %broadcast_in_dim3A_306 = vector.broadcast %jit3A_304 : i32 to vector<16xi32>
        %select_n3A_307 = arith.select %le3A_302, %broadcast_in_dim3A_305, %broadcast_in_dim3A_306 : vector<16xi1>, vector<16xi32>
        %add3A_308 = arith.addi %add3A_297, %select_n3A_307 : vector<16xi32>
        %add3A_309 = arith.constant 3 : i32
        %add3A_310 = vector.broadcast %add3A_309 : i32 to vector<16xi32>
        %add3A_311 = arith.addi %add3A_308, %add3A_310 : vector<16xi32>
        %gather3A_312 = tpu.vector_load_idx %arg6[%add3A_311] : memref<512xi32, #tpu.memory_space<vmem>>[vector<16xi32>], vector<16xi32>,
        %le3A_313 = arith.cmpi sle, %gather3A_312, %add3A_242 : vector<16xi32>
        %jit3A_314 = arith.constant 4 : i32
        %jit3A_315 = arith.constant 0 : i32
        %broadcast_in_dim3A_316 = vector.broadcast %jit3A_314 : i32 to vector<16xi32>
        %broadcast_in_dim3A_317 = vector.broadcast %jit3A_315 : i32 to vector<16xi32>
        %select_n3A_318 = arith.select %le3A_313, %broadcast_in_dim3A_316, %broadcast_in_dim3A_317 : vector<16xi1>, vector<16xi32>
        %add3A_319 = arith.addi %add3A_308, %select_n3A_318 : vector<16xi32>
        %add3A_320 = arith.constant 1 : i32
        %add3A_321 = vector.broadcast %add3A_320 : i32 to vector<16xi32>
        %add3A_322 = arith.addi %add3A_319, %add3A_321 : vector<16xi32>
        %gather3A_323 = tpu.vector_load_idx %arg6[%add3A_322] : memref<512xi32, #tpu.memory_space<vmem>>[vector<16xi32>], vector<16xi32>,
        %le3A_324 = arith.cmpi sle, %gather3A_323, %add3A_242 : vector<16xi32>
        %jit3A_325 = arith.constant 2 : i32
        %jit3A_326 = arith.constant 0 : i32
        %broadcast_in_dim3A_327 = vector.broadcast %jit3A_325 : i32 to vector<16xi32>
        %broadcast_in_dim3A_328 = vector.broadcast %jit3A_326 : i32 to vector<16xi32>
        %select_n3A_329 = arith.select %le3A_324, %broadcast_in_dim3A_327, %broadcast_in_dim3A_328 : vector<16xi1>, vector<16xi32>
        %add3A_330 = arith.addi %add3A_319, %select_n3A_329 : vector<16xi32>
        %add3A_331 = arith.constant 0 : i32
        %add3A_332 = vector.broadcast %add3A_331 : i32 to vector<16xi32>
        %add3A_333 = arith.addi %add3A_330, %add3A_332 : vector<16xi32>
        %gather3A_334 = tpu.vector_load_idx %arg6[%add3A_333] : memref<512xi32, #tpu.memory_space<vmem>>[vector<16xi32>], vector<16xi32>,
        %le3A_335 = arith.cmpi sle, %gather3A_334, %add3A_242 : vector<16xi32>
        %jit3A_336 = arith.constant 1 : i32
        %jit3A_337 = arith.constant 0 : i32
        %broadcast_in_dim3A_338 = vector.broadcast %jit3A_336 : i32 to vector<16xi32>
        %broadcast_in_dim3A_339 = vector.broadcast %jit3A_337 : i32 to vector<16xi32>
        %select_n3A_340 = arith.select %le3A_335, %broadcast_in_dim3A_338, %broadcast_in_dim3A_339 : vector<16xi1>, vector<16xi32>
        %add3A_341 = arith.addi %add3A_330, %select_n3A_340 : vector<16xi32>
        %gather3A_342 = tpu.vector_load_idx %arg6[%add3A_341] : memref<512xi32, #tpu.memory_space<vmem>>[vector<16xi32>], vector<16xi32>,
        %le3A_343 = arith.cmpi sle, %gather3A_342, %add3A_242 : vector<16xi32>
        %jit3A_344 = arith.constant 1 : i32
        %jit3A_345 = arith.constant 0 : i32
        %broadcast_in_dim3A_346 = vector.broadcast %jit3A_344 : i32 to vector<16xi32>
        %broadcast_in_dim3A_347 = vector.broadcast %jit3A_345 : i32 to vector<16xi32>
        %select_n3A_348 = arith.select %le3A_343, %broadcast_in_dim3A_346, %broadcast_in_dim3A_347 : vector<16xi1>, vector<16xi32>
        %add3A_349 = arith.addi %add3A_341, %select_n3A_348 : vector<16xi32>
        %gt3A = arith.constant 511 : i32
        %gt3A_350 = vector.broadcast %gt3A : i32 to vector<16xi32>
        %gt3A_351 = arith.cmpi sgt, %add3A_349, %gt3A_350 : vector<16xi32>
        %and3A_352 = arith.constant 511 : i32
        %and3A_353 = vector.broadcast %and3A_352 : i32 to vector<16xi32>
        %and3A_354 = arith.andi %add3A_242, %and3A_353 : vector<16xi32>
        %select_n3A_355 = arith.select %gt3A_351, %and3A_354, %add3A_349 : vector<16xi1>, vector<16xi32>
        %mul3A_356 = arith.constant 512 : i32
        %mul3A_357 = arith.muli %arg1, %mul3A_356 : i32
        %add3A_358 = vector.broadcast %mul3A_357 : i32 to vector<16xi32>
        %add3A_359 = arith.addi %add3A_358, %select_n3A_355 : vector<16xi32>
        %mul3A_360 = arith.constant 16 : i32
        %mul3A_361 = arith.muli %scan3A_234, %mul3A_360 : i32
        %add3A_362 = arith.constant 128 : i32
        %add3A_363 = arith.addi %add3A_362, %mul3A_361 : i32
        %swap3A = arith.index_cast %add3A_363 : i32 to index
        %swap3A_364 = tpu.vector_load %arg7[%swap3A] {strides = array<i32>} : memref<1024xi32, #tpu.memory_space<vmem>>, vector<16xi32>,
        tpu.vector_store %arg7[%swap3A], %add3A_359 {strides = array<i32>} : memref<1024xi32, #tpu.memory_space<vmem>>, vector<16xi32>,
        %scan3A_365 = arith.constant 0 : i32
        scf.yield %scan3A_365 : i32
      }
      %scan3A_229 = arith.constant 8 : i32
      %dma_start3A = arith.constant 128 : i32
      %dma_start3A_230 = tpu.memref_slice %arg7[%dma_start3A] : memref<1024xi32, #tpu.memory_space<vmem>> -> memref<128xi32, #tpu.memory_space<vmem>>
      %dma_start3A_231 = arith.constant 0 : i32
      %dma_start3A_232 = arith.constant 0 : i32
      %dma_start3A_233 = tpu.memref_slice %arg2[%dma_start3A_231, %dma_start3A_232] : memref<8192x256xf32, #tpu.memory_space<hbm>> -> memref<8192x256xf32, #tpu.memory_space<hbm>>
      tpu.enqueue_indirect_dma source(%dma_start3A_233 : memref<8192x256xf32, #tpu.memory_space<hbm>>) target(%arg9 : memref<128x256xf32, #tpu.memory_space<vmem>>) offsets(%dma_start3A_230 : memref<128xi32, #tpu.memory_space<vmem>>) semaphore(%arg13 : memref<!tpu.dma_semaphore, #tpu.memory_space<semaphore_mem>>)
    } else {
    }
    %add3A_37 = arith.constant 256 : i32
    %add3A_38 = arith.addi %mul3A_9, %add3A_37 : i32
    %lt3A_39 = arith.cmpi slt, %add3A_38, %min3A_17 : i32
    %convert_element_type3A_40 = arith.extui %lt3A_39 : i1 to i32
    %cond3A_41 = arith.constant 0 : i32
    %cond3A_42 = arith.cmpi ne, %convert_element_type3A_40, %cond3A_41 : i32
    scf.if %cond3A_42 {
      %scan3A_223 = arith.constant 0 : i32
      %scan3A_224 = arith.constant 0 : i32
      %scan3A_225 = arith.constant 8 : i32
      %scan3A_226 = arith.addi %scan3A_224, %scan3A_225 : i32
      %scan3A_227 = arith.constant 1 : i32
      %scan3A_228 = scf.for %scan3A_234 = %scan3A_224 to %scan3A_226 step %scan3A_227 iter_args(%scan3A_235 = %scan3A_223) -> (i32)  : i32 {
        %add3A_236 = arith.constant 256 : i32
        %add3A_237 = arith.addi %mul3A_9, %add3A_236 : i32
        %mul3A_238 = arith.constant 16 : i32
        %mul3A_239 = arith.muli %scan3A_234, %mul3A_238 : i32
        %add3A_240 = arith.addi %add3A_237, %mul3A_239 : i32
        %add3A_241 = vector.broadcast %add3A_240 : i32 to vector<16xi32>
        %add3A_242 = arith.addi %add3A_241, %iota3A : vector<16xi32>
        %broadcast_in_dim3A_243 = arith.constant 0 : i32
        %broadcast_in_dim3A_244 = vector.broadcast %broadcast_in_dim3A_243 : i32 to vector<16xi32>
        %add3A_245 = arith.constant 255 : i32
        %add3A_246 = vector.broadcast %add3A_245 : i32 to vector<16xi32>
        %add3A_247 = arith.addi %broadcast_in_dim3A_244, %add3A_246 : vector<16xi32>
        %gather3A = tpu.vector_load_idx %arg6[%add3A_247] : memref<512xi32, #tpu.memory_space<vmem>>[vector<16xi32>], vector<16xi32>,
        %le3A = arith.cmpi sle, %gather3A, %add3A_242 : vector<16xi32>
        %jit3A_248 = arith.constant 256 : i32
        %jit3A_249 = arith.constant 0 : i32
        %broadcast_in_dim3A_250 = vector.broadcast %jit3A_248 : i32 to vector<16xi32>
        %broadcast_in_dim3A_251 = vector.broadcast %jit3A_249 : i32 to vector<16xi32>
        %select_n3A_252 = arith.select %le3A, %broadcast_in_dim3A_250, %broadcast_in_dim3A_251 : vector<16xi1>, vector<16xi32>
        %add3A_253 = arith.addi %broadcast_in_dim3A_244, %select_n3A_252 : vector<16xi32>
        %add3A_254 = arith.constant 127 : i32
        %add3A_255 = vector.broadcast %add3A_254 : i32 to vector<16xi32>
        %add3A_256 = arith.addi %add3A_253, %add3A_255 : vector<16xi32>
        %gather3A_257 = tpu.vector_load_idx %arg6[%add3A_256] : memref<512xi32, #tpu.memory_space<vmem>>[vector<16xi32>], vector<16xi32>,
        %le3A_258 = arith.cmpi sle, %gather3A_257, %add3A_242 : vector<16xi32>
        %jit3A_259 = arith.constant 128 : i32
        %jit3A_260 = arith.constant 0 : i32
        %broadcast_in_dim3A_261 = vector.broadcast %jit3A_259 : i32 to vector<16xi32>
        %broadcast_in_dim3A_262 = vector.broadcast %jit3A_260 : i32 to vector<16xi32>
        %select_n3A_263 = arith.select %le3A_258, %broadcast_in_dim3A_261, %broadcast_in_dim3A_262 : vector<16xi1>, vector<16xi32>
        %add3A_264 = arith.addi %add3A_253, %select_n3A_263 : vector<16xi32>
        %add3A_265 = arith.constant 63 : i32
        %add3A_266 = vector.broadcast %add3A_265 : i32 to vector<16xi32>
        %add3A_267 = arith.addi %add3A_264, %add3A_266 : vector<16xi32>
        %gather3A_268 = tpu.vector_load_idx %arg6[%add3A_267] : memref<512xi32, #tpu.memory_space<vmem>>[vector<16xi32>], vector<16xi32>,
        %le3A_269 = arith.cmpi sle, %gather3A_268, %add3A_242 : vector<16xi32>
        %jit3A_270 = arith.constant 64 : i32
        %jit3A_271 = arith.constant 0 : i32
        %broadcast_in_dim3A_272 = vector.broadcast %jit3A_270 : i32 to vector<16xi32>
        %broadcast_in_dim3A_273 = vector.broadcast %jit3A_271 : i32 to vector<16xi32>
        %select_n3A_274 = arith.select %le3A_269, %broadcast_in_dim3A_272, %broadcast_in_dim3A_273 : vector<16xi1>, vector<16xi32>
        %add3A_275 = arith.addi %add3A_264, %select_n3A_274 : vector<16xi32>
        %add3A_276 = arith.constant 31 : i32
        %add3A_277 = vector.broadcast %add3A_276 : i32 to vector<16xi32>
        %add3A_278 = arith.addi %add3A_275, %add3A_277 : vector<16xi32>
        %gather3A_279 = tpu.vector_load_idx %arg6[%add3A_278] : memref<512xi32, #tpu.memory_space<vmem>>[vector<16xi32>], vector<16xi32>,
        %le3A_280 = arith.cmpi sle, %gather3A_279, %add3A_242 : vector<16xi32>
        %jit3A_281 = arith.constant 32 : i32
        %jit3A_282 = arith.constant 0 : i32
        %broadcast_in_dim3A_283 = vector.broadcast %jit3A_281 : i32 to vector<16xi32>
        %broadcast_in_dim3A_284 = vector.broadcast %jit3A_282 : i32 to vector<16xi32>
        %select_n3A_285 = arith.select %le3A_280, %broadcast_in_dim3A_283, %broadcast_in_dim3A_284 : vector<16xi1>, vector<16xi32>
        %add3A_286 = arith.addi %add3A_275, %select_n3A_285 : vector<16xi32>
        %add3A_287 = arith.constant 15 : i32
        %add3A_288 = vector.broadcast %add3A_287 : i32 to vector<16xi32>
        %add3A_289 = arith.addi %add3A_286, %add3A_288 : vector<16xi32>
        %gather3A_290 = tpu.vector_load_idx %arg6[%add3A_289] : memref<512xi32, #tpu.memory_space<vmem>>[vector<16xi32>], vector<16xi32>,
        %le3A_291 = arith.cmpi sle, %gather3A_290, %add3A_242 : vector<16xi32>
        %jit3A_292 = arith.constant 16 : i32
        %jit3A_293 = arith.constant 0 : i32
        %broadcast_in_dim3A_294 = vector.broadcast %jit3A_292 : i32 to vector<16xi32>
        %broadcast_in_dim3A_295 = vector.broadcast %jit3A_293 : i32 to vector<16xi32>
        %select_n3A_296 = arith.select %le3A_291, %broadcast_in_dim3A_294, %broadcast_in_dim3A_295 : vector<16xi1>, vector<16xi32>
        %add3A_297 = arith.addi %add3A_286, %select_n3A_296 : vector<16xi32>
        %add3A_298 = arith.constant 7 : i32
        %add3A_299 = vector.broadcast %add3A_298 : i32 to vector<16xi32>
        %add3A_300 = arith.addi %add3A_297, %add3A_299 : vector<16xi32>
        %gather3A_301 = tpu.vector_load_idx %arg6[%add3A_300] : memref<512xi32, #tpu.memory_space<vmem>>[vector<16xi32>], vector<16xi32>,
        %le3A_302 = arith.cmpi sle, %gather3A_301, %add3A_242 : vector<16xi32>
        %jit3A_303 = arith.constant 8 : i32
        %jit3A_304 = arith.constant 0 : i32
        %broadcast_in_dim3A_305 = vector.broadcast %jit3A_303 : i32 to vector<16xi32>
        %broadcast_in_dim3A_306 = vector.broadcast %jit3A_304 : i32 to vector<16xi32>
        %select_n3A_307 = arith.select %le3A_302, %broadcast_in_dim3A_305, %broadcast_in_dim3A_306 : vector<16xi1>, vector<16xi32>
        %add3A_308 = arith.addi %add3A_297, %select_n3A_307 : vector<16xi32>
        %add3A_309 = arith.constant 3 : i32
        %add3A_310 = vector.broadcast %add3A_309 : i32 to vector<16xi32>
        %add3A_311 = arith.addi %add3A_308, %add3A_310 : vector<16xi32>
        %gather3A_312 = tpu.vector_load_idx %arg6[%add3A_311] : memref<512xi32, #tpu.memory_space<vmem>>[vector<16xi32>], vector<16xi32>,
        %le3A_313 = arith.cmpi sle, %gather3A_312, %add3A_242 : vector<16xi32>
        %jit3A_314 = arith.constant 4 : i32
        %jit3A_315 = arith.constant 0 : i32
        %broadcast_in_dim3A_316 = vector.broadcast %jit3A_314 : i32 to vector<16xi32>
        %broadcast_in_dim3A_317 = vector.broadcast %jit3A_315 : i32 to vector<16xi32>
        %select_n3A_318 = arith.select %le3A_313, %broadcast_in_dim3A_316, %broadcast_in_dim3A_317 : vector<16xi1>, vector<16xi32>
        %add3A_319 = arith.addi %add3A_308, %select_n3A_318 : vector<16xi32>
        %add3A_320 = arith.constant 1 : i32
        %add3A_321 = vector.broadcast %add3A_320 : i32 to vector<16xi32>
        %add3A_322 = arith.addi %add3A_319, %add3A_321 : vector<16xi32>
        %gather3A_323 = tpu.vector_load_idx %arg6[%add3A_322] : memref<512xi32, #tpu.memory_space<vmem>>[vector<16xi32>], vector<16xi32>,
        %le3A_324 = arith.cmpi sle, %gather3A_323, %add3A_242 : vector<16xi32>
        %jit3A_325 = arith.constant 2 : i32
        %jit3A_326 = arith.constant 0 : i32
        %broadcast_in_dim3A_327 = vector.broadcast %jit3A_325 : i32 to vector<16xi32>
        %broadcast_in_dim3A_328 = vector.broadcast %jit3A_326 : i32 to vector<16xi32>
        %select_n3A_329 = arith.select %le3A_324, %broadcast_in_dim3A_327, %broadcast_in_dim3A_328 : vector<16xi1>, vector<16xi32>
        %add3A_330 = arith.addi %add3A_319, %select_n3A_329 : vector<16xi32>
        %add3A_331 = arith.constant 0 : i32
        %add3A_332 = vector.broadcast %add3A_331 : i32 to vector<16xi32>
        %add3A_333 = arith.addi %add3A_330, %add3A_332 : vector<16xi32>
        %gather3A_334 = tpu.vector_load_idx %arg6[%add3A_333] : memref<512xi32, #tpu.memory_space<vmem>>[vector<16xi32>], vector<16xi32>,
        %le3A_335 = arith.cmpi sle, %gather3A_334, %add3A_242 : vector<16xi32>
        %jit3A_336 = arith.constant 1 : i32
        %jit3A_337 = arith.constant 0 : i32
        %broadcast_in_dim3A_338 = vector.broadcast %jit3A_336 : i32 to vector<16xi32>
        %broadcast_in_dim3A_339 = vector.broadcast %jit3A_337 : i32 to vector<16xi32>
        %select_n3A_340 = arith.select %le3A_335, %broadcast_in_dim3A_338, %broadcast_in_dim3A_339 : vector<16xi1>, vector<16xi32>
        %add3A_341 = arith.addi %add3A_330, %select_n3A_340 : vector<16xi32>
        %gather3A_342 = tpu.vector_load_idx %arg6[%add3A_341] : memref<512xi32, #tpu.memory_space<vmem>>[vector<16xi32>], vector<16xi32>,
        %le3A_343 = arith.cmpi sle, %gather3A_342, %add3A_242 : vector<16xi32>
        %jit3A_344 = arith.constant 1 : i32
        %jit3A_345 = arith.constant 0 : i32
        %broadcast_in_dim3A_346 = vector.broadcast %jit3A_344 : i32 to vector<16xi32>
        %broadcast_in_dim3A_347 = vector.broadcast %jit3A_345 : i32 to vector<16xi32>
        %select_n3A_348 = arith.select %le3A_343, %broadcast_in_dim3A_346, %broadcast_in_dim3A_347 : vector<16xi1>, vector<16xi32>
        %add3A_349 = arith.addi %add3A_341, %select_n3A_348 : vector<16xi32>
        %gt3A = arith.constant 511 : i32
        %gt3A_350 = vector.broadcast %gt3A : i32 to vector<16xi32>
        %gt3A_351 = arith.cmpi sgt, %add3A_349, %gt3A_350 : vector<16xi32>
        %and3A_352 = arith.constant 511 : i32
        %and3A_353 = vector.broadcast %and3A_352 : i32 to vector<16xi32>
        %and3A_354 = arith.andi %add3A_242, %and3A_353 : vector<16xi32>
        %select_n3A_355 = arith.select %gt3A_351, %and3A_354, %add3A_349 : vector<16xi1>, vector<16xi32>
        %mul3A_356 = arith.constant 512 : i32
        %mul3A_357 = arith.muli %arg1, %mul3A_356 : i32
        %add3A_358 = vector.broadcast %mul3A_357 : i32 to vector<16xi32>
        %add3A_359 = arith.addi %add3A_358, %select_n3A_355 : vector<16xi32>
        %mul3A_360 = arith.constant 16 : i32
        %mul3A_361 = arith.muli %scan3A_234, %mul3A_360 : i32
        %add3A_362 = arith.constant 256 : i32
        %add3A_363 = arith.addi %add3A_362, %mul3A_361 : i32
        %swap3A = arith.index_cast %add3A_363 : i32 to index
        %swap3A_364 = tpu.vector_load %arg7[%swap3A] {strides = array<i32>} : memref<1024xi32, #tpu.memory_space<vmem>>, vector<16xi32>,
        tpu.vector_store %arg7[%swap3A], %add3A_359 {strides = array<i32>} : memref<1024xi32, #tpu.memory_space<vmem>>, vector<16xi32>,
        %scan3A_365 = arith.constant 0 : i32
        scf.yield %scan3A_365 : i32
      }
      %scan3A_229 = arith.constant 8 : i32
      %dma_start3A = arith.constant 256 : i32
      %dma_start3A_230 = tpu.memref_slice %arg7[%dma_start3A] : memref<1024xi32, #tpu.memory_space<vmem>> -> memref<128xi32, #tpu.memory_space<vmem>>
      %dma_start3A_231 = arith.constant 0 : i32
      %dma_start3A_232 = arith.constant 0 : i32
      %dma_start3A_233 = tpu.memref_slice %arg2[%dma_start3A_231, %dma_start3A_232] : memref<8192x256xf32, #tpu.memory_space<hbm>> -> memref<8192x256xf32, #tpu.memory_space<hbm>>
      tpu.enqueue_indirect_dma source(%dma_start3A_233 : memref<8192x256xf32, #tpu.memory_space<hbm>>) target(%arg10 : memref<128x256xf32, #tpu.memory_space<vmem>>) offsets(%dma_start3A_230 : memref<128xi32, #tpu.memory_space<vmem>>) semaphore(%arg14 : memref<!tpu.dma_semaphore, #tpu.memory_space<semaphore_mem>>)
    } else {
    }
    %add3A_43 = arith.constant 0 : i32
    %add3A_44 = arith.addi %mul3A_9, %add3A_43 : i32
    %lt3A_45 = arith.cmpi slt, %add3A_44, %min3A_17 : i32
    %add3A_46 = arith.constant 0 : i32
    %add3A_47 = arith.addi %add3A_24, %add3A_46 : i32
    %convert_element_type3A_48 = arith.extui %lt3A_45 : i1 to i32
    %cond3A_49 = arith.constant 0 : i32
    %cond3A_50 = arith.cmpi ne, %convert_element_type3A_48, %cond3A_49 : i32
    scf.if %cond3A_50 {
      %dma_wait3A_223 = arith.constant 0 : i32
      %dma_wait3A_224 = tpu.memref_slice %arg7[%dma_wait3A_223] : memref<1024xi32, #tpu.memory_space<vmem>> -> memref<128xi32, #tpu.memory_space<vmem>>
      %dma_wait3A_225 = arith.constant 0 : i32
      %dma_wait3A_226 = arith.constant 0 : i32
      %dma_wait3A_227 = tpu.memref_slice %arg2[%dma_wait3A_225, %dma_wait3A_226] : memref<8192x256xf32, #tpu.memory_space<hbm>> -> memref<8192x256xf32, #tpu.memory_space<hbm>>
      tpu.wait_indirect_dma semaphore(%arg12 : memref<!tpu.dma_semaphore, #tpu.memory_space<semaphore_mem>>) src(%dma_wait3A_227 : memref<8192x256xf32, #tpu.memory_space<hbm>>) dst(%arg8 : memref<128x256xf32, #tpu.memory_space<vmem>>)
      %sub3A = arith.subi %min3A_17, %add3A_44 : i32
      %jit3A_228 = arith.constant 0 : i32
      %jit3A_229 = arith.constant 128 : i32
      %max3A = arith.maxsi %jit3A_228, %sub3A : i32
      %min3A_230 = arith.minsi %jit3A_229, %max3A : i32
      %while3A = arith.constant 0 : i32
      %while3A_231 = arith.constant 128 : i32
      %while3A_232 = arith.subi %while3A_231, %min3A_230 : i32
      %while3A_233 = arith.addi %min3A_230, %while3A_232 : i32
      %while3A_234 = arith.constant 1 : i32
      %while3A_235 = arith.divsi %while3A_232, %while3A_234 : i32
      %while3A_236 = arith.muli %while3A_235, %while3A_234 : i32
      %while3A_237 = arith.addi %min3A_230, %while3A_236 : i32
      %while3A_238 = arith.constant 1 : i32
      scf.for %while3A_243 = %min3A_230 to %while3A_237 step %while3A_238  : i32 {
        %swap3A = arith.index_cast %while3A_243 : i32 to index
        %swap3A_244 = arith.constant 0 : index
        %swap3A_245 = tpu.vector_load %arg8[%swap3A, %swap3A_244] {strides = array<i32>} : memref<128x256xf32, #tpu.memory_space<vmem>>, vector<16xf32>,
        tpu.vector_store %arg8[%swap3A, %swap3A_244], %broadcast_in_dim3A_10 {strides = array<i32>} : memref<128x256xf32, #tpu.memory_space<vmem>>, vector<16xf32>,
        %swap3A_246 = arith.index_cast %while3A_243 : i32 to index
        %swap3A_247 = arith.constant 16 : index
        %swap3A_248 = tpu.vector_load %arg8[%swap3A_246, %swap3A_247] {strides = array<i32>} : memref<128x256xf32, #tpu.memory_space<vmem>>, vector<16xf32>,
        tpu.vector_store %arg8[%swap3A_246, %swap3A_247], %broadcast_in_dim3A_10 {strides = array<i32>} : memref<128x256xf32, #tpu.memory_space<vmem>>, vector<16xf32>,
        %swap3A_249 = arith.index_cast %while3A_243 : i32 to index
        %swap3A_250 = arith.constant 32 : index
        %swap3A_251 = tpu.vector_load %arg8[%swap3A_249, %swap3A_250] {strides = array<i32>} : memref<128x256xf32, #tpu.memory_space<vmem>>, vector<16xf32>,
        tpu.vector_store %arg8[%swap3A_249, %swap3A_250], %broadcast_in_dim3A_10 {strides = array<i32>} : memref<128x256xf32, #tpu.memory_space<vmem>>, vector<16xf32>,
        %swap3A_252 = arith.index_cast %while3A_243 : i32 to index
        %swap3A_253 = arith.constant 48 : index
        %swap3A_254 = tpu.vector_load %arg8[%swap3A_252, %swap3A_253] {strides = array<i32>} : memref<128x256xf32, #tpu.memory_space<vmem>>, vector<16xf32>,
        tpu.vector_store %arg8[%swap3A_252, %swap3A_253], %broadcast_in_dim3A_10 {strides = array<i32>} : memref<128x256xf32, #tpu.memory_space<vmem>>, vector<16xf32>,
        %swap3A_255 = arith.index_cast %while3A_243 : i32 to index
        %swap3A_256 = arith.constant 64 : index
        %swap3A_257 = tpu.vector_load %arg8[%swap3A_255, %swap3A_256] {strides = array<i32>} : memref<128x256xf32, #tpu.memory_space<vmem>>, vector<16xf32>,
        tpu.vector_store %arg8[%swap3A_255, %swap3A_256], %broadcast_in_dim3A_10 {strides = array<i32>} : memref<128x256xf32, #tpu.memory_space<vmem>>, vector<16xf32>,
        %swap3A_258 = arith.index_cast %while3A_243 : i32 to index
        %swap3A_259 = arith.constant 80 : index
        %swap3A_260 = tpu.vector_load %arg8[%swap3A_258, %swap3A_259] {strides = array<i32>} : memref<128x256xf32, #tpu.memory_space<vmem>>, vector<16xf32>,
        tpu.vector_store %arg8[%swap3A_258, %swap3A_259], %broadcast_in_dim3A_10 {strides = array<i32>} : memref<128x256xf32, #tpu.memory_space<vmem>>, vector<16xf32>,
        %swap3A_261 = arith.index_cast %while3A_243 : i32 to index
        %swap3A_262 = arith.constant 96 : index
        %swap3A_263 = tpu.vector_load %arg8[%swap3A_261, %swap3A_262] {strides = array<i32>} : memref<128x256xf32, #tpu.memory_space<vmem>>, vector<16xf32>,
        tpu.vector_store %arg8[%swap3A_261, %swap3A_262], %broadcast_in_dim3A_10 {strides = array<i32>} : memref<128x256xf32, #tpu.memory_space<vmem>>, vector<16xf32>,
        %swap3A_264 = arith.index_cast %while3A_243 : i32 to index
        %swap3A_265 = arith.constant 112 : index
        %swap3A_266 = tpu.vector_load %arg8[%swap3A_264, %swap3A_265] {strides = array<i32>} : memref<128x256xf32, #tpu.memory_space<vmem>>, vector<16xf32>,
        tpu.vector_store %arg8[%swap3A_264, %swap3A_265], %broadcast_in_dim3A_10 {strides = array<i32>} : memref<128x256xf32, #tpu.memory_space<vmem>>, vector<16xf32>,
        %swap3A_267 = arith.index_cast %while3A_243 : i32 to index
        %swap3A_268 = arith.constant 128 : index
        %swap3A_269 = tpu.vector_load %arg8[%swap3A_267, %swap3A_268] {strides = array<i32>} : memref<128x256xf32, #tpu.memory_space<vmem>>, vector<16xf32>,
        tpu.vector_store %arg8[%swap3A_267, %swap3A_268], %broadcast_in_dim3A_10 {strides = array<i32>} : memref<128x256xf32, #tpu.memory_space<vmem>>, vector<16xf32>,
        %swap3A_270 = arith.index_cast %while3A_243 : i32 to index
        %swap3A_271 = arith.constant 144 : index
        %swap3A_272 = tpu.vector_load %arg8[%swap3A_270, %swap3A_271] {strides = array<i32>} : memref<128x256xf32, #tpu.memory_space<vmem>>, vector<16xf32>,
        tpu.vector_store %arg8[%swap3A_270, %swap3A_271], %broadcast_in_dim3A_10 {strides = array<i32>} : memref<128x256xf32, #tpu.memory_space<vmem>>, vector<16xf32>,
        %swap3A_273 = arith.index_cast %while3A_243 : i32 to index
        %swap3A_274 = arith.constant 160 : index
        %swap3A_275 = tpu.vector_load %arg8[%swap3A_273, %swap3A_274] {strides = array<i32>} : memref<128x256xf32, #tpu.memory_space<vmem>>, vector<16xf32>,
        tpu.vector_store %arg8[%swap3A_273, %swap3A_274], %broadcast_in_dim3A_10 {strides = array<i32>} : memref<128x256xf32, #tpu.memory_space<vmem>>, vector<16xf32>,
        %swap3A_276 = arith.index_cast %while3A_243 : i32 to index
        %swap3A_277 = arith.constant 176 : index
        %swap3A_278 = tpu.vector_load %arg8[%swap3A_276, %swap3A_277] {strides = array<i32>} : memref<128x256xf32, #tpu.memory_space<vmem>>, vector<16xf32>,
        tpu.vector_store %arg8[%swap3A_276, %swap3A_277], %broadcast_in_dim3A_10 {strides = array<i32>} : memref<128x256xf32, #tpu.memory_space<vmem>>, vector<16xf32>,
        %swap3A_279 = arith.index_cast %while3A_243 : i32 to index
        %swap3A_280 = arith.constant 192 : index
        %swap3A_281 = tpu.vector_load %arg8[%swap3A_279, %swap3A_280] {strides = array<i32>} : memref<128x256xf32, #tpu.memory_space<vmem>>, vector<16xf32>,
        tpu.vector_store %arg8[%swap3A_279, %swap3A_280], %broadcast_in_dim3A_10 {strides = array<i32>} : memref<128x256xf32, #tpu.memory_space<vmem>>, vector<16xf32>,
        %swap3A_282 = arith.index_cast %while3A_243 : i32 to index
        %swap3A_283 = arith.constant 208 : index
        %swap3A_284 = tpu.vector_load %arg8[%swap3A_282, %swap3A_283] {strides = array<i32>} : memref<128x256xf32, #tpu.memory_space<vmem>>, vector<16xf32>,
        tpu.vector_store %arg8[%swap3A_282, %swap3A_283], %broadcast_in_dim3A_10 {strides = array<i32>} : memref<128x256xf32, #tpu.memory_space<vmem>>, vector<16xf32>,
        %swap3A_285 = arith.index_cast %while3A_243 : i32 to index
        %swap3A_286 = arith.constant 224 : index
        %swap3A_287 = tpu.vector_load %arg8[%swap3A_285, %swap3A_286] {strides = array<i32>} : memref<128x256xf32, #tpu.memory_space<vmem>>, vector<16xf32>,
        tpu.vector_store %arg8[%swap3A_285, %swap3A_286], %broadcast_in_dim3A_10 {strides = array<i32>} : memref<128x256xf32, #tpu.memory_space<vmem>>, vector<16xf32>,
        %swap3A_288 = arith.index_cast %while3A_243 : i32 to index
        %swap3A_289 = arith.constant 240 : index
        %swap3A_290 = tpu.vector_load %arg8[%swap3A_288, %swap3A_289] {strides = array<i32>} : memref<128x256xf32, #tpu.memory_space<vmem>>, vector<16xf32>,
        tpu.vector_store %arg8[%swap3A_288, %swap3A_289], %broadcast_in_dim3A_10 {strides = array<i32>} : memref<128x256xf32, #tpu.memory_space<vmem>>, vector<16xf32>,
      }
      %while3A_239 = arith.constant 1 : i32
      scf.for %while3A_243 = %while3A_237 to %while3A_233 step %while3A_239  : i32 {
        %swap3A = arith.index_cast %while3A_243 : i32 to index
        %swap3A_244 = arith.constant 0 : index
        %swap3A_245 = tpu.vector_load %arg8[%swap3A, %swap3A_244] {strides = array<i32>} : memref<128x256xf32, #tpu.memory_space<vmem>>, vector<16xf32>,
        tpu.vector_store %arg8[%swap3A, %swap3A_244], %broadcast_in_dim3A_10 {strides = array<i32>} : memref<128x256xf32, #tpu.memory_space<vmem>>, vector<16xf32>,
        %swap3A_246 = arith.index_cast %while3A_243 : i32 to index
        %swap3A_247 = arith.constant 16 : index
        %swap3A_248 = tpu.vector_load %arg8[%swap3A_246, %swap3A_247] {strides = array<i32>} : memref<128x256xf32, #tpu.memory_space<vmem>>, vector<16xf32>,
        tpu.vector_store %arg8[%swap3A_246, %swap3A_247], %broadcast_in_dim3A_10 {strides = array<i32>} : memref<128x256xf32, #tpu.memory_space<vmem>>, vector<16xf32>,
        %swap3A_249 = arith.index_cast %while3A_243 : i32 to index
        %swap3A_250 = arith.constant 32 : index
        %swap3A_251 = tpu.vector_load %arg8[%swap3A_249, %swap3A_250] {strides = array<i32>} : memref<128x256xf32, #tpu.memory_space<vmem>>, vector<16xf32>,
        tpu.vector_store %arg8[%swap3A_249, %swap3A_250], %broadcast_in_dim3A_10 {strides = array<i32>} : memref<128x256xf32, #tpu.memory_space<vmem>>, vector<16xf32>,
        %swap3A_252 = arith.index_cast %while3A_243 : i32 to index
        %swap3A_253 = arith.constant 48 : index
        %swap3A_254 = tpu.vector_load %arg8[%swap3A_252, %swap3A_253] {strides = array<i32>} : memref<128x256xf32, #tpu.memory_space<vmem>>, vector<16xf32>,
        tpu.vector_store %arg8[%swap3A_252, %swap3A_253], %broadcast_in_dim3A_10 {strides = array<i32>} : memref<128x256xf32, #tpu.memory_space<vmem>>, vector<16xf32>,
        %swap3A_255 = arith.index_cast %while3A_243 : i32 to index
        %swap3A_256 = arith.constant 64 : index
        %swap3A_257 = tpu.vector_load %arg8[%swap3A_255, %swap3A_256] {strides = array<i32>} : memref<128x256xf32, #tpu.memory_space<vmem>>, vector<16xf32>,
        tpu.vector_store %arg8[%swap3A_255, %swap3A_256], %broadcast_in_dim3A_10 {strides = array<i32>} : memref<128x256xf32, #tpu.memory_space<vmem>>, vector<16xf32>,
        %swap3A_258 = arith.index_cast %while3A_243 : i32 to index
        %swap3A_259 = arith.constant 80 : index
        %swap3A_260 = tpu.vector_load %arg8[%swap3A_258, %swap3A_259] {strides = array<i32>} : memref<128x256xf32, #tpu.memory_space<vmem>>, vector<16xf32>,
        tpu.vector_store %arg8[%swap3A_258, %swap3A_259], %broadcast_in_dim3A_10 {strides = array<i32>} : memref<128x256xf32, #tpu.memory_space<vmem>>, vector<16xf32>,
        %swap3A_261 = arith.index_cast %while3A_243 : i32 to index
        %swap3A_262 = arith.constant 96 : index
        %swap3A_263 = tpu.vector_load %arg8[%swap3A_261, %swap3A_262] {strides = array<i32>} : memref<128x256xf32, #tpu.memory_space<vmem>>, vector<16xf32>,
        tpu.vector_store %arg8[%swap3A_261, %swap3A_262], %broadcast_in_dim3A_10 {strides = array<i32>} : memref<128x256xf32, #tpu.memory_space<vmem>>, vector<16xf32>,
        %swap3A_264 = arith.index_cast %while3A_243 : i32 to index
        %swap3A_265 = arith.constant 112 : index
        %swap3A_266 = tpu.vector_load %arg8[%swap3A_264, %swap3A_265] {strides = array<i32>} : memref<128x256xf32, #tpu.memory_space<vmem>>, vector<16xf32>,
        tpu.vector_store %arg8[%swap3A_264, %swap3A_265], %broadcast_in_dim3A_10 {strides = array<i32>} : memref<128x256xf32, #tpu.memory_space<vmem>>, vector<16xf32>,
        %swap3A_267 = arith.index_cast %while3A_243 : i32 to index
        %swap3A_268 = arith.constant 128 : index
        %swap3A_269 = tpu.vector_load %arg8[%swap3A_267, %swap3A_268] {strides = array<i32>} : memref<128x256xf32, #tpu.memory_space<vmem>>, vector<16xf32>,
        tpu.vector_store %arg8[%swap3A_267, %swap3A_268], %broadcast_in_dim3A_10 {strides = array<i32>} : memref<128x256xf32, #tpu.memory_space<vmem>>, vector<16xf32>,
        %swap3A_270 = arith.index_cast %while3A_243 : i32 to index
        %swap3A_271 = arith.constant 144 : index
        %swap3A_272 = tpu.vector_load %arg8[%swap3A_270, %swap3A_271] {strides = array<i32>} : memref<128x256xf32, #tpu.memory_space<vmem>>, vector<16xf32>,
        tpu.vector_store %arg8[%swap3A_270, %swap3A_271], %broadcast_in_dim3A_10 {strides = array<i32>} : memref<128x256xf32, #tpu.memory_space<vmem>>, vector<16xf32>,
        %swap3A_273 = arith.index_cast %while3A_243 : i32 to index
        %swap3A_274 = arith.constant 160 : index
        %swap3A_275 = tpu.vector_load %arg8[%swap3A_273, %swap3A_274] {strides = array<i32>} : memref<128x256xf32, #tpu.memory_space<vmem>>, vector<16xf32>,
        tpu.vector_store %arg8[%swap3A_273, %swap3A_274], %broadcast_in_dim3A_10 {strides = array<i32>} : memref<128x256xf32, #tpu.memory_space<vmem>>, vector<16xf32>,
        %swap3A_276 = arith.index_cast %while3A_243 : i32 to index
        %swap3A_277 = arith.constant 176 : index
        %swap3A_278 = tpu.vector_load %arg8[%swap3A_276, %swap3A_277] {strides = array<i32>} : memref<128x256xf32, #tpu.memory_space<vmem>>, vector<16xf32>,
        tpu.vector_store %arg8[%swap3A_276, %swap3A_277], %broadcast_in_dim3A_10 {strides = array<i32>} : memref<128x256xf32, #tpu.memory_space<vmem>>, vector<16xf32>,
        %swap3A_279 = arith.index_cast %while3A_243 : i32 to index
        %swap3A_280 = arith.constant 192 : index
        %swap3A_281 = tpu.vector_load %arg8[%swap3A_279, %swap3A_280] {strides = array<i32>} : memref<128x256xf32, #tpu.memory_space<vmem>>, vector<16xf32>,
        tpu.vector_store %arg8[%swap3A_279, %swap3A_280], %broadcast_in_dim3A_10 {strides = array<i32>} : memref<128x256xf32, #tpu.memory_space<vmem>>, vector<16xf32>,
        %swap3A_282 = arith.index_cast %while3A_243 : i32 to index
        %swap3A_283 = arith.constant 208 : index
        %swap3A_284 = tpu.vector_load %arg8[%swap3A_282, %swap3A_283] {strides = array<i32>} : memref<128x256xf32, #tpu.memory_space<vmem>>, vector<16xf32>,
        tpu.vector_store %arg8[%swap3A_282, %swap3A_283], %broadcast_in_dim3A_10 {strides = array<i32>} : memref<128x256xf32, #tpu.memory_space<vmem>>, vector<16xf32>,
        %swap3A_285 = arith.index_cast %while3A_243 : i32 to index
        %swap3A_286 = arith.constant 224 : index
        %swap3A_287 = tpu.vector_load %arg8[%swap3A_285, %swap3A_286] {strides = array<i32>} : memref<128x256xf32, #tpu.memory_space<vmem>>, vector<16xf32>,
        tpu.vector_store %arg8[%swap3A_285, %swap3A_286], %broadcast_in_dim3A_10 {strides = array<i32>} : memref<128x256xf32, #tpu.memory_space<vmem>>, vector<16xf32>,
        %swap3A_288 = arith.index_cast %while3A_243 : i32 to index
        %swap3A_289 = arith.constant 240 : index
        %swap3A_290 = tpu.vector_load %arg8[%swap3A_288, %swap3A_289] {strides = array<i32>} : memref<128x256xf32, #tpu.memory_space<vmem>>, vector<16xf32>,
        tpu.vector_store %arg8[%swap3A_288, %swap3A_289], %broadcast_in_dim3A_10 {strides = array<i32>} : memref<128x256xf32, #tpu.memory_space<vmem>>, vector<16xf32>,
      }
      %dma_start3A = arith.constant 0 : i32
      %dma_start3A_240 = tpu.memref_slice %arg4[%add3A_47, %dma_start3A] : memref<32768x256xf32, #tpu.memory_space<hbm>> -> memref<128x256xf32, #tpu.memory_space<hbm>>
      %dma_start3A_241 = arith.constant 0 : i32
      %dma_start3A_242 = tpu.memref_slice %arg4[%add3A_47, %dma_start3A_241] : memref<32768x256xf32, #tpu.memory_space<hbm>> -> memref<128x256xf32, #tpu.memory_space<hbm>>
      tpu.enqueue_dma source(%arg8 : memref<128x256xf32, #tpu.memory_space<vmem>>) target(%dma_start3A_242 : memref<128x256xf32, #tpu.memory_space<hbm>>) target_semaphore(%arg15 : memref<!tpu.dma_semaphore, #tpu.memory_space<semaphore_mem>>)
    } else {
    }
    %not3A = arith.constant true
    %not3A_51 = arith.xori %lt3A_45, %not3A : i1
    %convert_element_type3A_52 = arith.extui %not3A_51 : i1 to i32
    %cond3A_53 = arith.constant 0 : i32
    %cond3A_54 = arith.cmpi ne, %convert_element_type3A_52, %cond3A_53 : i32
    scf.if %cond3A_54 {
      %dma_start3A = arith.constant 0 : i32
      %dma_start3A_223 = tpu.memref_slice %arg4[%add3A_47, %dma_start3A] : memref<32768x256xf32, #tpu.memory_space<hbm>> -> memref<128x256xf32, #tpu.memory_space<hbm>>
      %dma_start3A_224 = arith.constant 0 : i32
      %dma_start3A_225 = arith.constant 0 : i32
      %dma_start3A_226 = tpu.memref_slice %dma_start3A_223[%dma_start3A_224, %dma_start3A_225] : memref<128x256xf32, #tpu.memory_space<hbm>> -> memref<64x256xf32, #tpu.memory_space<hbm>>
      %dma_start3A_227 = arith.constant 0 : i32
      %dma_start3A_228 = tpu.memref_slice %arg4[%add3A_47, %dma_start3A_227] : memref<32768x256xf32, #tpu.memory_space<hbm>> -> memref<128x256xf32, #tpu.memory_space<hbm>>
      %dma_start3A_229 = arith.constant 0 : i32
      %dma_start3A_230 = arith.constant 0 : i32
      %dma_start3A_231 = tpu.memref_slice %dma_start3A_228[%dma_start3A_229, %dma_start3A_230] : memref<128x256xf32, #tpu.memory_space<hbm>> -> memref<64x256xf32, #tpu.memory_space<hbm>>
      tpu.enqueue_dma source(%arg11 : memref<64x256xf32, #tpu.memory_space<vmem>>) target(%dma_start3A_231 : memref<64x256xf32, #tpu.memory_space<hbm>>) target_semaphore(%arg15 : memref<!tpu.dma_semaphore, #tpu.memory_space<semaphore_mem>>)
      %dma_start3A_232 = arith.constant 0 : i32
      %dma_start3A_233 = tpu.memref_slice %arg4[%add3A_47, %dma_start3A_232] : memref<32768x256xf32, #tpu.memory_space<hbm>> -> memref<128x256xf32, #tpu.memory_space<hbm>>
      %dma_start3A_234 = arith.constant 64 : i32
      %dma_start3A_235 = arith.constant 0 : i32
      %dma_start3A_236 = tpu.memref_slice %dma_start3A_233[%dma_start3A_234, %dma_start3A_235] : memref<128x256xf32, #tpu.memory_space<hbm>> -> memref<64x256xf32, #tpu.memory_space<hbm>>
      %dma_start3A_237 = arith.constant 0 : i32
      %dma_start3A_238 = tpu.memref_slice %arg4[%add3A_47, %dma_start3A_237] : memref<32768x256xf32, #tpu.memory_space<hbm>> -> memref<128x256xf32, #tpu.memory_space<hbm>>
      %dma_start3A_239 = arith.constant 64 : i32
      %dma_start3A_240 = arith.constant 0 : i32
      %dma_start3A_241 = tpu.memref_slice %dma_start3A_238[%dma_start3A_239, %dma_start3A_240] : memref<128x256xf32, #tpu.memory_space<hbm>> -> memref<64x256xf32, #tpu.memory_space<hbm>>
      tpu.enqueue_dma source(%arg11 : memref<64x256xf32, #tpu.memory_space<vmem>>) target(%dma_start3A_241 : memref<64x256xf32, #tpu.memory_space<hbm>>) target_semaphore(%arg15 : memref<!tpu.dma_semaphore, #tpu.memory_space<semaphore_mem>>)
    } else {
    }
    %add3A_55 = arith.constant 0 : i32
    %add3A_56 = arith.addi %add3A_24, %add3A_55 : i32
    %dma_wait3A = arith.constant 0 : i32
    %dma_wait3A_57 = tpu.memref_slice %arg4[%add3A_56, %dma_wait3A] : memref<32768x256xf32, #tpu.memory_space<hbm>> -> memref<128x256xf32, #tpu.memory_space<hbm>>
    %dma_wait3A_58 = arith.constant 0 : i32
    %dma_wait3A_59 = tpu.memref_slice %arg4[%add3A_56, %dma_wait3A_58] : memref<32768x256xf32, #tpu.memory_space<hbm>> -> memref<128x256xf32, #tpu.memory_space<hbm>>
    tpu.wait_dma2 semaphore(%arg15 : memref<!tpu.dma_semaphore, #tpu.memory_space<semaphore_mem>>) src(%arg8 : memref<128x256xf32, #tpu.memory_space<vmem>>) dst(%dma_wait3A_59 : memref<128x256xf32, #tpu.memory_space<hbm>>)
    %add3A_60 = arith.constant 384 : i32
    %add3A_61 = arith.addi %mul3A_9, %add3A_60 : i32
    %lt3A_62 = arith.cmpi slt, %add3A_61, %min3A_17 : i32
    %convert_element_type3A_63 = arith.extui %lt3A_62 : i1 to i32
    %cond3A_64 = arith.constant 0 : i32
    %cond3A_65 = arith.cmpi ne, %convert_element_type3A_63, %cond3A_64 : i32
    scf.if %cond3A_65 {
      %scan3A_223 = arith.constant 0 : i32
      %scan3A_224 = arith.constant 0 : i32
      %scan3A_225 = arith.constant 8 : i32
      %scan3A_226 = arith.addi %scan3A_224, %scan3A_225 : i32
      %scan3A_227 = arith.constant 1 : i32
      %scan3A_228 = scf.for %scan3A_234 = %scan3A_224 to %scan3A_226 step %scan3A_227 iter_args(%scan3A_235 = %scan3A_223) -> (i32)  : i32 {
        %add3A_236 = arith.constant 384 : i32
        %add3A_237 = arith.addi %mul3A_9, %add3A_236 : i32
        %mul3A_238 = arith.constant 16 : i32
        %mul3A_239 = arith.muli %scan3A_234, %mul3A_238 : i32
        %add3A_240 = arith.addi %add3A_237, %mul3A_239 : i32
        %add3A_241 = vector.broadcast %add3A_240 : i32 to vector<16xi32>
        %add3A_242 = arith.addi %add3A_241, %iota3A : vector<16xi32>
        %broadcast_in_dim3A_243 = arith.constant 0 : i32
        %broadcast_in_dim3A_244 = vector.broadcast %broadcast_in_dim3A_243 : i32 to vector<16xi32>
        %add3A_245 = arith.constant 255 : i32
        %add3A_246 = vector.broadcast %add3A_245 : i32 to vector<16xi32>
        %add3A_247 = arith.addi %broadcast_in_dim3A_244, %add3A_246 : vector<16xi32>
        %gather3A = tpu.vector_load_idx %arg6[%add3A_247] : memref<512xi32, #tpu.memory_space<vmem>>[vector<16xi32>], vector<16xi32>,
        %le3A = arith.cmpi sle, %gather3A, %add3A_242 : vector<16xi32>
        %jit3A_248 = arith.constant 256 : i32
        %jit3A_249 = arith.constant 0 : i32
        %broadcast_in_dim3A_250 = vector.broadcast %jit3A_248 : i32 to vector<16xi32>
        %broadcast_in_dim3A_251 = vector.broadcast %jit3A_249 : i32 to vector<16xi32>
        %select_n3A_252 = arith.select %le3A, %broadcast_in_dim3A_250, %broadcast_in_dim3A_251 : vector<16xi1>, vector<16xi32>
        %add3A_253 = arith.addi %broadcast_in_dim3A_244, %select_n3A_252 : vector<16xi32>
        %add3A_254 = arith.constant 127 : i32
        %add3A_255 = vector.broadcast %add3A_254 : i32 to vector<16xi32>
        %add3A_256 = arith.addi %add3A_253, %add3A_255 : vector<16xi32>
        %gather3A_257 = tpu.vector_load_idx %arg6[%add3A_256] : memref<512xi32, #tpu.memory_space<vmem>>[vector<16xi32>], vector<16xi32>,
        %le3A_258 = arith.cmpi sle, %gather3A_257, %add3A_242 : vector<16xi32>
        %jit3A_259 = arith.constant 128 : i32
        %jit3A_260 = arith.constant 0 : i32
        %broadcast_in_dim3A_261 = vector.broadcast %jit3A_259 : i32 to vector<16xi32>
        %broadcast_in_dim3A_262 = vector.broadcast %jit3A_260 : i32 to vector<16xi32>
        %select_n3A_263 = arith.select %le3A_258, %broadcast_in_dim3A_261, %broadcast_in_dim3A_262 : vector<16xi1>, vector<16xi32>
        %add3A_264 = arith.addi %add3A_253, %select_n3A_263 : vector<16xi32>
        %add3A_265 = arith.constant 63 : i32
        %add3A_266 = vector.broadcast %add3A_265 : i32 to vector<16xi32>
        %add3A_267 = arith.addi %add3A_264, %add3A_266 : vector<16xi32>
        %gather3A_268 = tpu.vector_load_idx %arg6[%add3A_267] : memref<512xi32, #tpu.memory_space<vmem>>[vector<16xi32>], vector<16xi32>,
        %le3A_269 = arith.cmpi sle, %gather3A_268, %add3A_242 : vector<16xi32>
        %jit3A_270 = arith.constant 64 : i32
        %jit3A_271 = arith.constant 0 : i32
        %broadcast_in_dim3A_272 = vector.broadcast %jit3A_270 : i32 to vector<16xi32>
        %broadcast_in_dim3A_273 = vector.broadcast %jit3A_271 : i32 to vector<16xi32>
        %select_n3A_274 = arith.select %le3A_269, %broadcast_in_dim3A_272, %broadcast_in_dim3A_273 : vector<16xi1>, vector<16xi32>
        %add3A_275 = arith.addi %add3A_264, %select_n3A_274 : vector<16xi32>
        %add3A_276 = arith.constant 31 : i32
        %add3A_277 = vector.broadcast %add3A_276 : i32 to vector<16xi32>
        %add3A_278 = arith.addi %add3A_275, %add3A_277 : vector<16xi32>
        %gather3A_279 = tpu.vector_load_idx %arg6[%add3A_278] : memref<512xi32, #tpu.memory_space<vmem>>[vector<16xi32>], vector<16xi32>,
        %le3A_280 = arith.cmpi sle, %gather3A_279, %add3A_242 : vector<16xi32>
        %jit3A_281 = arith.constant 32 : i32
        %jit3A_282 = arith.constant 0 : i32
        %broadcast_in_dim3A_283 = vector.broadcast %jit3A_281 : i32 to vector<16xi32>
        %broadcast_in_dim3A_284 = vector.broadcast %jit3A_282 : i32 to vector<16xi32>
        %select_n3A_285 = arith.select %le3A_280, %broadcast_in_dim3A_283, %broadcast_in_dim3A_284 : vector<16xi1>, vector<16xi32>
        %add3A_286 = arith.addi %add3A_275, %select_n3A_285 : vector<16xi32>
        %add3A_287 = arith.constant 15 : i32
        %add3A_288 = vector.broadcast %add3A_287 : i32 to vector<16xi32>
        %add3A_289 = arith.addi %add3A_286, %add3A_288 : vector<16xi32>
        %gather3A_290 = tpu.vector_load_idx %arg6[%add3A_289] : memref<512xi32, #tpu.memory_space<vmem>>[vector<16xi32>], vector<16xi32>,
        %le3A_291 = arith.cmpi sle, %gather3A_290, %add3A_242 : vector<16xi32>
        %jit3A_292 = arith.constant 16 : i32
        %jit3A_293 = arith.constant 0 : i32
        %broadcast_in_dim3A_294 = vector.broadcast %jit3A_292 : i32 to vector<16xi32>
        %broadcast_in_dim3A_295 = vector.broadcast %jit3A_293 : i32 to vector<16xi32>
        %select_n3A_296 = arith.select %le3A_291, %broadcast_in_dim3A_294, %broadcast_in_dim3A_295 : vector<16xi1>, vector<16xi32>
        %add3A_297 = arith.addi %add3A_286, %select_n3A_296 : vector<16xi32>
        %add3A_298 = arith.constant 7 : i32
        %add3A_299 = vector.broadcast %add3A_298 : i32 to vector<16xi32>
        %add3A_300 = arith.addi %add3A_297, %add3A_299 : vector<16xi32>
        %gather3A_301 = tpu.vector_load_idx %arg6[%add3A_300] : memref<512xi32, #tpu.memory_space<vmem>>[vector<16xi32>], vector<16xi32>,
        %le3A_302 = arith.cmpi sle, %gather3A_301, %add3A_242 : vector<16xi32>
        %jit3A_303 = arith.constant 8 : i32
        %jit3A_304 = arith.constant 0 : i32
        %broadcast_in_dim3A_305 = vector.broadcast %jit3A_303 : i32 to vector<16xi32>
        %broadcast_in_dim3A_306 = vector.broadcast %jit3A_304 : i32 to vector<16xi32>
        %select_n3A_307 = arith.select %le3A_302, %broadcast_in_dim3A_305, %broadcast_in_dim3A_306 : vector<16xi1>, vector<16xi32>
        %add3A_308 = arith.addi %add3A_297, %select_n3A_307 : vector<16xi32>
        %add3A_309 = arith.constant 3 : i32
        %add3A_310 = vector.broadcast %add3A_309 : i32 to vector<16xi32>
        %add3A_311 = arith.addi %add3A_308, %add3A_310 : vector<16xi32>
        %gather3A_312 = tpu.vector_load_idx %arg6[%add3A_311] : memref<512xi32, #tpu.memory_space<vmem>>[vector<16xi32>], vector<16xi32>,
        %le3A_313 = arith.cmpi sle, %gather3A_312, %add3A_242 : vector<16xi32>
        %jit3A_314 = arith.constant 4 : i32
        %jit3A_315 = arith.constant 0 : i32
        %broadcast_in_dim3A_316 = vector.broadcast %jit3A_314 : i32 to vector<16xi32>
        %broadcast_in_dim3A_317 = vector.broadcast %jit3A_315 : i32 to vector<16xi32>
        %select_n3A_318 = arith.select %le3A_313, %broadcast_in_dim3A_316, %broadcast_in_dim3A_317 : vector<16xi1>, vector<16xi32>
        %add3A_319 = arith.addi %add3A_308, %select_n3A_318 : vector<16xi32>
        %add3A_320 = arith.constant 1 : i32
        %add3A_321 = vector.broadcast %add3A_320 : i32 to vector<16xi32>
        %add3A_322 = arith.addi %add3A_319, %add3A_321 : vector<16xi32>
        %gather3A_323 = tpu.vector_load_idx %arg6[%add3A_322] : memref<512xi32, #tpu.memory_space<vmem>>[vector<16xi32>], vector<16xi32>,
        %le3A_324 = arith.cmpi sle, %gather3A_323, %add3A_242 : vector<16xi32>
        %jit3A_325 = arith.constant 2 : i32
        %jit3A_326 = arith.constant 0 : i32
        %broadcast_in_dim3A_327 = vector.broadcast %jit3A_325 : i32 to vector<16xi32>
        %broadcast_in_dim3A_328 = vector.broadcast %jit3A_326 : i32 to vector<16xi32>
        %select_n3A_329 = arith.select %le3A_324, %broadcast_in_dim3A_327, %broadcast_in_dim3A_328 : vector<16xi1>, vector<16xi32>
        %add3A_330 = arith.addi %add3A_319, %select_n3A_329 : vector<16xi32>
        %add3A_331 = arith.constant 0 : i32
        %add3A_332 = vector.broadcast %add3A_331 : i32 to vector<16xi32>
        %add3A_333 = arith.addi %add3A_330, %add3A_332 : vector<16xi32>
        %gather3A_334 = tpu.vector_load_idx %arg6[%add3A_333] : memref<512xi32, #tpu.memory_space<vmem>>[vector<16xi32>], vector<16xi32>,
        %le3A_335 = arith.cmpi sle, %gather3A_334, %add3A_242 : vector<16xi32>
        %jit3A_336 = arith.constant 1 : i32
        %jit3A_337 = arith.constant 0 : i32
        %broadcast_in_dim3A_338 = vector.broadcast %jit3A_336 : i32 to vector<16xi32>
        %broadcast_in_dim3A_339 = vector.broadcast %jit3A_337 : i32 to vector<16xi32>
        %select_n3A_340 = arith.select %le3A_335, %broadcast_in_dim3A_338, %broadcast_in_dim3A_339 : vector<16xi1>, vector<16xi32>
        %add3A_341 = arith.addi %add3A_330, %select_n3A_340 : vector<16xi32>
        %gather3A_342 = tpu.vector_load_idx %arg6[%add3A_341] : memref<512xi32, #tpu.memory_space<vmem>>[vector<16xi32>], vector<16xi32>,
        %le3A_343 = arith.cmpi sle, %gather3A_342, %add3A_242 : vector<16xi32>
        %jit3A_344 = arith.constant 1 : i32
        %jit3A_345 = arith.constant 0 : i32
        %broadcast_in_dim3A_346 = vector.broadcast %jit3A_344 : i32 to vector<16xi32>
        %broadcast_in_dim3A_347 = vector.broadcast %jit3A_345 : i32 to vector<16xi32>
        %select_n3A_348 = arith.select %le3A_343, %broadcast_in_dim3A_346, %broadcast_in_dim3A_347 : vector<16xi1>, vector<16xi32>
        %add3A_349 = arith.addi %add3A_341, %select_n3A_348 : vector<16xi32>
        %gt3A = arith.constant 511 : i32
        %gt3A_350 = vector.broadcast %gt3A : i32 to vector<16xi32>
        %gt3A_351 = arith.cmpi sgt, %add3A_349, %gt3A_350 : vector<16xi32>
        %and3A_352 = arith.constant 511 : i32
        %and3A_353 = vector.broadcast %and3A_352 : i32 to vector<16xi32>
        %and3A_354 = arith.andi %add3A_242, %and3A_353 : vector<16xi32>
        %select_n3A_355 = arith.select %gt3A_351, %and3A_354, %add3A_349 : vector<16xi1>, vector<16xi32>
        %mul3A_356 = arith.constant 512 : i32
        %mul3A_357 = arith.muli %arg1, %mul3A_356 : i32
        %add3A_358 = vector.broadcast %mul3A_357 : i32 to vector<16xi32>
        %add3A_359 = arith.addi %add3A_358, %select_n3A_355 : vector<16xi32>
        %mul3A_360 = arith.constant 16 : i32
        %mul3A_361 = arith.muli %scan3A_234, %mul3A_360 : i32
        %add3A_362 = arith.constant 384 : i32
        %add3A_363 = arith.addi %add3A_362, %mul3A_361 : i32
        %swap3A = arith.index_cast %add3A_363 : i32 to index
        %swap3A_364 = tpu.vector_load %arg7[%swap3A] {strides = array<i32>} : memref<1024xi32, #tpu.memory_space<vmem>>, vector<16xi32>,
        tpu.vector_store %arg7[%swap3A], %add3A_359 {strides = array<i32>} : memref<1024xi32, #tpu.memory_space<vmem>>, vector<16xi32>,
        %scan3A_365 = arith.constant 0 : i32
        scf.yield %scan3A_365 : i32
      }
      %scan3A_229 = arith.constant 8 : i32
      %dma_start3A = arith.constant 384 : i32
      %dma_start3A_230 = tpu.memref_slice %arg7[%dma_start3A] : memref<1024xi32, #tpu.memory_space<vmem>> -> memref<128xi32, #tpu.memory_space<vmem>>
      %dma_start3A_231 = arith.constant 0 : i32
      %dma_start3A_232 = arith.constant 0 : i32
      %dma_start3A_233 = tpu.memref_slice %arg2[%dma_start3A_231, %dma_start3A_232] : memref<8192x256xf32, #tpu.memory_space<hbm>> -> memref<8192x256xf32, #tpu.memory_space<hbm>>
      tpu.enqueue_indirect_dma source(%dma_start3A_233 : memref<8192x256xf32, #tpu.memory_space<hbm>>) target(%arg8 : memref<128x256xf32, #tpu.memory_space<vmem>>) offsets(%dma_start3A_230 : memref<128xi32, #tpu.memory_space<vmem>>) semaphore(%arg12 : memref<!tpu.dma_semaphore, #tpu.memory_space<semaphore_mem>>)
    } else {
    }
    %add3A_66 = arith.constant 128 : i32
    %add3A_67 = arith.addi %mul3A_9, %add3A_66 : i32
    %lt3A_68 = arith.cmpi slt, %add3A_67, %min3A_17 : i32
    %add3A_69 = arith.constant 128 : i32
    %add3A_70 = arith.addi %add3A_24, %add3A_69 : i32
    %convert_element_type3A_71 = arith.extui %lt3A_68 : i1 to i32
    %cond3A_72 = arith.constant 0 : i32
    %cond3A_73 = arith.cmpi ne, %convert_element_type3A_71, %cond3A_72 : i32
    scf.if %cond3A_73 {
      %dma_wait3A_223 = arith.constant 128 : i32
      %dma_wait3A_224 = tpu.memref_slice %arg7[%dma_wait3A_223] : memref<1024xi32, #tpu.memory_space<vmem>> -> memref<128xi32, #tpu.memory_space<vmem>>
      %dma_wait3A_225 = arith.constant 0 : i32
      %dma_wait3A_226 = arith.constant 0 : i32
      %dma_wait3A_227 = tpu.memref_slice %arg2[%dma_wait3A_225, %dma_wait3A_226] : memref<8192x256xf32, #tpu.memory_space<hbm>> -> memref<8192x256xf32, #tpu.memory_space<hbm>>
      tpu.wait_indirect_dma semaphore(%arg13 : memref<!tpu.dma_semaphore, #tpu.memory_space<semaphore_mem>>) src(%dma_wait3A_227 : memref<8192x256xf32, #tpu.memory_space<hbm>>) dst(%arg9 : memref<128x256xf32, #tpu.memory_space<vmem>>)
      %sub3A = arith.subi %min3A_17, %add3A_67 : i32
      %jit3A_228 = arith.constant 0 : i32
      %jit3A_229 = arith.constant 128 : i32
      %max3A = arith.maxsi %jit3A_228, %sub3A : i32
      %min3A_230 = arith.minsi %jit3A_229, %max3A : i32
      %while3A = arith.constant 0 : i32
      %while3A_231 = arith.constant 128 : i32
      %while3A_232 = arith.subi %while3A_231, %min3A_230 : i32
      %while3A_233 = arith.addi %min3A_230, %while3A_232 : i32
      %while3A_234 = arith.constant 1 : i32
      %while3A_235 = arith.divsi %while3A_232, %while3A_234 : i32
      %while3A_236 = arith.muli %while3A_235, %while3A_234 : i32
      %while3A_237 = arith.addi %min3A_230, %while3A_236 : i32
      %while3A_238 = arith.constant 1 : i32
      scf.for %while3A_243 = %min3A_230 to %while3A_237 step %while3A_238  : i32 {
        %swap3A = arith.index_cast %while3A_243 : i32 to index
        %swap3A_244 = arith.constant 0 : index
        %swap3A_245 = tpu.vector_load %arg9[%swap3A, %swap3A_244] {strides = array<i32>} : memref<128x256xf32, #tpu.memory_space<vmem>>, vector<16xf32>,
        tpu.vector_store %arg9[%swap3A, %swap3A_244], %broadcast_in_dim3A_10 {strides = array<i32>} : memref<128x256xf32, #tpu.memory_space<vmem>>, vector<16xf32>,
        %swap3A_246 = arith.index_cast %while3A_243 : i32 to index
        %swap3A_247 = arith.constant 16 : index
        %swap3A_248 = tpu.vector_load %arg9[%swap3A_246, %swap3A_247] {strides = array<i32>} : memref<128x256xf32, #tpu.memory_space<vmem>>, vector<16xf32>,
        tpu.vector_store %arg9[%swap3A_246, %swap3A_247], %broadcast_in_dim3A_10 {strides = array<i32>} : memref<128x256xf32, #tpu.memory_space<vmem>>, vector<16xf32>,
        %swap3A_249 = arith.index_cast %while3A_243 : i32 to index
        %swap3A_250 = arith.constant 32 : index
        %swap3A_251 = tpu.vector_load %arg9[%swap3A_249, %swap3A_250] {strides = array<i32>} : memref<128x256xf32, #tpu.memory_space<vmem>>, vector<16xf32>,
        tpu.vector_store %arg9[%swap3A_249, %swap3A_250], %broadcast_in_dim3A_10 {strides = array<i32>} : memref<128x256xf32, #tpu.memory_space<vmem>>, vector<16xf32>,
        %swap3A_252 = arith.index_cast %while3A_243 : i32 to index
        %swap3A_253 = arith.constant 48 : index
        %swap3A_254 = tpu.vector_load %arg9[%swap3A_252, %swap3A_253] {strides = array<i32>} : memref<128x256xf32, #tpu.memory_space<vmem>>, vector<16xf32>,
        tpu.vector_store %arg9[%swap3A_252, %swap3A_253], %broadcast_in_dim3A_10 {strides = array<i32>} : memref<128x256xf32, #tpu.memory_space<vmem>>, vector<16xf32>,
        %swap3A_255 = arith.index_cast %while3A_243 : i32 to index
        %swap3A_256 = arith.constant 64 : index
        %swap3A_257 = tpu.vector_load %arg9[%swap3A_255, %swap3A_256] {strides = array<i32>} : memref<128x256xf32, #tpu.memory_space<vmem>>, vector<16xf32>,
        tpu.vector_store %arg9[%swap3A_255, %swap3A_256], %broadcast_in_dim3A_10 {strides = array<i32>} : memref<128x256xf32, #tpu.memory_space<vmem>>, vector<16xf32>,
        %swap3A_258 = arith.index_cast %while3A_243 : i32 to index
        %swap3A_259 = arith.constant 80 : index
        %swap3A_260 = tpu.vector_load %arg9[%swap3A_258, %swap3A_259] {strides = array<i32>} : memref<128x256xf32, #tpu.memory_space<vmem>>, vector<16xf32>,
        tpu.vector_store %arg9[%swap3A_258, %swap3A_259], %broadcast_in_dim3A_10 {strides = array<i32>} : memref<128x256xf32, #tpu.memory_space<vmem>>, vector<16xf32>,
        %swap3A_261 = arith.index_cast %while3A_243 : i32 to index
        %swap3A_262 = arith.constant 96 : index
        %swap3A_263 = tpu.vector_load %arg9[%swap3A_261, %swap3A_262] {strides = array<i32>} : memref<128x256xf32, #tpu.memory_space<vmem>>, vector<16xf32>,
        tpu.vector_store %arg9[%swap3A_261, %swap3A_262], %broadcast_in_dim3A_10 {strides = array<i32>} : memref<128x256xf32, #tpu.memory_space<vmem>>, vector<16xf32>,
        %swap3A_264 = arith.index_cast %while3A_243 : i32 to index
        %swap3A_265 = arith.constant 112 : index
        %swap3A_266 = tpu.vector_load %arg9[%swap3A_264, %swap3A_265] {strides = array<i32>} : memref<128x256xf32, #tpu.memory_space<vmem>>, vector<16xf32>,
        tpu.vector_store %arg9[%swap3A_264, %swap3A_265], %broadcast_in_dim3A_10 {strides = array<i32>} : memref<128x256xf32, #tpu.memory_space<vmem>>, vector<16xf32>,
        %swap3A_267 = arith.index_cast %while3A_243 : i32 to index
        %swap3A_268 = arith.constant 128 : index
        %swap3A_269 = tpu.vector_load %arg9[%swap3A_267, %swap3A_268] {strides = array<i32>} : memref<128x256xf32, #tpu.memory_space<vmem>>, vector<16xf32>,
        tpu.vector_store %arg9[%swap3A_267, %swap3A_268], %broadcast_in_dim3A_10 {strides = array<i32>} : memref<128x256xf32, #tpu.memory_space<vmem>>, vector<16xf32>,
        %swap3A_270 = arith.index_cast %while3A_243 : i32 to index
        %swap3A_271 = arith.constant 144 : index
        %swap3A_272 = tpu.vector_load %arg9[%swap3A_270, %swap3A_271] {strides = array<i32>} : memref<128x256xf32, #tpu.memory_space<vmem>>, vector<16xf32>,
        tpu.vector_store %arg9[%swap3A_270, %swap3A_271], %broadcast_in_dim3A_10 {strides = array<i32>} : memref<128x256xf32, #tpu.memory_space<vmem>>, vector<16xf32>,
        %swap3A_273 = arith.index_cast %while3A_243 : i32 to index
        %swap3A_274 = arith.constant 160 : index
        %swap3A_275 = tpu.vector_load %arg9[%swap3A_273, %swap3A_274] {strides = array<i32>} : memref<128x256xf32, #tpu.memory_space<vmem>>, vector<16xf32>,
        tpu.vector_store %arg9[%swap3A_273, %swap3A_274], %broadcast_in_dim3A_10 {strides = array<i32>} : memref<128x256xf32, #tpu.memory_space<vmem>>, vector<16xf32>,
        %swap3A_276 = arith.index_cast %while3A_243 : i32 to index
        %swap3A_277 = arith.constant 176 : index
        %swap3A_278 = tpu.vector_load %arg9[%swap3A_276, %swap3A_277] {strides = array<i32>} : memref<128x256xf32, #tpu.memory_space<vmem>>, vector<16xf32>,
        tpu.vector_store %arg9[%swap3A_276, %swap3A_277], %broadcast_in_dim3A_10 {strides = array<i32>} : memref<128x256xf32, #tpu.memory_space<vmem>>, vector<16xf32>,
        %swap3A_279 = arith.index_cast %while3A_243 : i32 to index
        %swap3A_280 = arith.constant 192 : index
        %swap3A_281 = tpu.vector_load %arg9[%swap3A_279, %swap3A_280] {strides = array<i32>} : memref<128x256xf32, #tpu.memory_space<vmem>>, vector<16xf32>,
        tpu.vector_store %arg9[%swap3A_279, %swap3A_280], %broadcast_in_dim3A_10 {strides = array<i32>} : memref<128x256xf32, #tpu.memory_space<vmem>>, vector<16xf32>,
        %swap3A_282 = arith.index_cast %while3A_243 : i32 to index
        %swap3A_283 = arith.constant 208 : index
        %swap3A_284 = tpu.vector_load %arg9[%swap3A_282, %swap3A_283] {strides = array<i32>} : memref<128x256xf32, #tpu.memory_space<vmem>>, vector<16xf32>,
        tpu.vector_store %arg9[%swap3A_282, %swap3A_283], %broadcast_in_dim3A_10 {strides = array<i32>} : memref<128x256xf32, #tpu.memory_space<vmem>>, vector<16xf32>,
        %swap3A_285 = arith.index_cast %while3A_243 : i32 to index
        %swap3A_286 = arith.constant 224 : index
        %swap3A_287 = tpu.vector_load %arg9[%swap3A_285, %swap3A_286] {strides = array<i32>} : memref<128x256xf32, #tpu.memory_space<vmem>>, vector<16xf32>,
        tpu.vector_store %arg9[%swap3A_285, %swap3A_286], %broadcast_in_dim3A_10 {strides = array<i32>} : memref<128x256xf32, #tpu.memory_space<vmem>>, vector<16xf32>,
        %swap3A_288 = arith.index_cast %while3A_243 : i32 to index
        %swap3A_289 = arith.constant 240 : index
        %swap3A_290 = tpu.vector_load %arg9[%swap3A_288, %swap3A_289] {strides = array<i32>} : memref<128x256xf32, #tpu.memory_space<vmem>>, vector<16xf32>,
        tpu.vector_store %arg9[%swap3A_288, %swap3A_289], %broadcast_in_dim3A_10 {strides = array<i32>} : memref<128x256xf32, #tpu.memory_space<vmem>>, vector<16xf32>,
      }
      %while3A_239 = arith.constant 1 : i32
      scf.for %while3A_243 = %while3A_237 to %while3A_233 step %while3A_239  : i32 {
        %swap3A = arith.index_cast %while3A_243 : i32 to index
        %swap3A_244 = arith.constant 0 : index
        %swap3A_245 = tpu.vector_load %arg9[%swap3A, %swap3A_244] {strides = array<i32>} : memref<128x256xf32, #tpu.memory_space<vmem>>, vector<16xf32>,
        tpu.vector_store %arg9[%swap3A, %swap3A_244], %broadcast_in_dim3A_10 {strides = array<i32>} : memref<128x256xf32, #tpu.memory_space<vmem>>, vector<16xf32>,
        %swap3A_246 = arith.index_cast %while3A_243 : i32 to index
        %swap3A_247 = arith.constant 16 : index
        %swap3A_248 = tpu.vector_load %arg9[%swap3A_246, %swap3A_247] {strides = array<i32>} : memref<128x256xf32, #tpu.memory_space<vmem>>, vector<16xf32>,
        tpu.vector_store %arg9[%swap3A_246, %swap3A_247], %broadcast_in_dim3A_10 {strides = array<i32>} : memref<128x256xf32, #tpu.memory_space<vmem>>, vector<16xf32>,
        %swap3A_249 = arith.index_cast %while3A_243 : i32 to index
        %swap3A_250 = arith.constant 32 : index
        %swap3A_251 = tpu.vector_load %arg9[%swap3A_249, %swap3A_250] {strides = array<i32>} : memref<128x256xf32, #tpu.memory_space<vmem>>, vector<16xf32>,
        tpu.vector_store %arg9[%swap3A_249, %swap3A_250], %broadcast_in_dim3A_10 {strides = array<i32>} : memref<128x256xf32, #tpu.memory_space<vmem>>, vector<16xf32>,
        %swap3A_252 = arith.index_cast %while3A_243 : i32 to index
        %swap3A_253 = arith.constant 48 : index
        %swap3A_254 = tpu.vector_load %arg9[%swap3A_252, %swap3A_253] {strides = array<i32>} : memref<128x256xf32, #tpu.memory_space<vmem>>, vector<16xf32>,
        tpu.vector_store %arg9[%swap3A_252, %swap3A_253], %broadcast_in_dim3A_10 {strides = array<i32>} : memref<128x256xf32, #tpu.memory_space<vmem>>, vector<16xf32>,
        %swap3A_255 = arith.index_cast %while3A_243 : i32 to index
        %swap3A_256 = arith.constant 64 : index
        %swap3A_257 = tpu.vector_load %arg9[%swap3A_255, %swap3A_256] {strides = array<i32>} : memref<128x256xf32, #tpu.memory_space<vmem>>, vector<16xf32>,
        tpu.vector_store %arg9[%swap3A_255, %swap3A_256], %broadcast_in_dim3A_10 {strides = array<i32>} : memref<128x256xf32, #tpu.memory_space<vmem>>, vector<16xf32>,
        %swap3A_258 = arith.index_cast %while3A_243 : i32 to index
        %swap3A_259 = arith.constant 80 : index
        %swap3A_260 = tpu.vector_load %arg9[%swap3A_258, %swap3A_259] {strides = array<i32>} : memref<128x256xf32, #tpu.memory_space<vmem>>, vector<16xf32>,
        tpu.vector_store %arg9[%swap3A_258, %swap3A_259], %broadcast_in_dim3A_10 {strides = array<i32>} : memref<128x256xf32, #tpu.memory_space<vmem>>, vector<16xf32>,
        %swap3A_261 = arith.index_cast %while3A_243 : i32 to index
        %swap3A_262 = arith.constant 96 : index
        %swap3A_263 = tpu.vector_load %arg9[%swap3A_261, %swap3A_262] {strides = array<i32>} : memref<128x256xf32, #tpu.memory_space<vmem>>, vector<16xf32>,
        tpu.vector_store %arg9[%swap3A_261, %swap3A_262], %broadcast_in_dim3A_10 {strides = array<i32>} : memref<128x256xf32, #tpu.memory_space<vmem>>, vector<16xf32>,
        %swap3A_264 = arith.index_cast %while3A_243 : i32 to index
        %swap3A_265 = arith.constant 112 : index
        %swap3A_266 = tpu.vector_load %arg9[%swap3A_264, %swap3A_265] {strides = array<i32>} : memref<128x256xf32, #tpu.memory_space<vmem>>, vector<16xf32>,
        tpu.vector_store %arg9[%swap3A_264, %swap3A_265], %broadcast_in_dim3A_10 {strides = array<i32>} : memref<128x256xf32, #tpu.memory_space<vmem>>, vector<16xf32>,
        %swap3A_267 = arith.index_cast %while3A_243 : i32 to index
        %swap3A_268 = arith.constant 128 : index
        %swap3A_269 = tpu.vector_load %arg9[%swap3A_267, %swap3A_268] {strides = array<i32>} : memref<128x256xf32, #tpu.memory_space<vmem>>, vector<16xf32>,
        tpu.vector_store %arg9[%swap3A_267, %swap3A_268], %broadcast_in_dim3A_10 {strides = array<i32>} : memref<128x256xf32, #tpu.memory_space<vmem>>, vector<16xf32>,
        %swap3A_270 = arith.index_cast %while3A_243 : i32 to index
        %swap3A_271 = arith.constant 144 : index
        %swap3A_272 = tpu.vector_load %arg9[%swap3A_270, %swap3A_271] {strides = array<i32>} : memref<128x256xf32, #tpu.memory_space<vmem>>, vector<16xf32>,
        tpu.vector_store %arg9[%swap3A_270, %swap3A_271], %broadcast_in_dim3A_10 {strides = array<i32>} : memref<128x256xf32, #tpu.memory_space<vmem>>, vector<16xf32>,
        %swap3A_273 = arith.index_cast %while3A_243 : i32 to index
        %swap3A_274 = arith.constant 160 : index
        %swap3A_275 = tpu.vector_load %arg9[%swap3A_273, %swap3A_274] {strides = array<i32>} : memref<128x256xf32, #tpu.memory_space<vmem>>, vector<16xf32>,
        tpu.vector_store %arg9[%swap3A_273, %swap3A_274], %broadcast_in_dim3A_10 {strides = array<i32>} : memref<128x256xf32, #tpu.memory_space<vmem>>, vector<16xf32>,
        %swap3A_276 = arith.index_cast %while3A_243 : i32 to index
        %swap3A_277 = arith.constant 176 : index
        %swap3A_278 = tpu.vector_load %arg9[%swap3A_276, %swap3A_277] {strides = array<i32>} : memref<128x256xf32, #tpu.memory_space<vmem>>, vector<16xf32>,
        tpu.vector_store %arg9[%swap3A_276, %swap3A_277], %broadcast_in_dim3A_10 {strides = array<i32>} : memref<128x256xf32, #tpu.memory_space<vmem>>, vector<16xf32>,
        %swap3A_279 = arith.index_cast %while3A_243 : i32 to index
        %swap3A_280 = arith.constant 192 : index
        %swap3A_281 = tpu.vector_load %arg9[%swap3A_279, %swap3A_280] {strides = array<i32>} : memref<128x256xf32, #tpu.memory_space<vmem>>, vector<16xf32>,
        tpu.vector_store %arg9[%swap3A_279, %swap3A_280], %broadcast_in_dim3A_10 {strides = array<i32>} : memref<128x256xf32, #tpu.memory_space<vmem>>, vector<16xf32>,
        %swap3A_282 = arith.index_cast %while3A_243 : i32 to index
        %swap3A_283 = arith.constant 208 : index
        %swap3A_284 = tpu.vector_load %arg9[%swap3A_282, %swap3A_283] {strides = array<i32>} : memref<128x256xf32, #tpu.memory_space<vmem>>, vector<16xf32>,
        tpu.vector_store %arg9[%swap3A_282, %swap3A_283], %broadcast_in_dim3A_10 {strides = array<i32>} : memref<128x256xf32, #tpu.memory_space<vmem>>, vector<16xf32>,
        %swap3A_285 = arith.index_cast %while3A_243 : i32 to index
        %swap3A_286 = arith.constant 224 : index
        %swap3A_287 = tpu.vector_load %arg9[%swap3A_285, %swap3A_286] {strides = array<i32>} : memref<128x256xf32, #tpu.memory_space<vmem>>, vector<16xf32>,
        tpu.vector_store %arg9[%swap3A_285, %swap3A_286], %broadcast_in_dim3A_10 {strides = array<i32>} : memref<128x256xf32, #tpu.memory_space<vmem>>, vector<16xf32>,
        %swap3A_288 = arith.index_cast %while3A_243 : i32 to index
        %swap3A_289 = arith.constant 240 : index
        %swap3A_290 = tpu.vector_load %arg9[%swap3A_288, %swap3A_289] {strides = array<i32>} : memref<128x256xf32, #tpu.memory_space<vmem>>, vector<16xf32>,
        tpu.vector_store %arg9[%swap3A_288, %swap3A_289], %broadcast_in_dim3A_10 {strides = array<i32>} : memref<128x256xf32, #tpu.memory_space<vmem>>, vector<16xf32>,
      }
      %dma_start3A = arith.constant 0 : i32
      %dma_start3A_240 = tpu.memref_slice %arg4[%add3A_70, %dma_start3A] : memref<32768x256xf32, #tpu.memory_space<hbm>> -> memref<128x256xf32, #tpu.memory_space<hbm>>
      %dma_start3A_241 = arith.constant 0 : i32
      %dma_start3A_242 = tpu.memref_slice %arg4[%add3A_70, %dma_start3A_241] : memref<32768x256xf32, #tpu.memory_space<hbm>> -> memref<128x256xf32, #tpu.memory_space<hbm>>
      tpu.enqueue_dma source(%arg9 : memref<128x256xf32, #tpu.memory_space<vmem>>) target(%dma_start3A_242 : memref<128x256xf32, #tpu.memory_space<hbm>>) target_semaphore(%arg16 : memref<!tpu.dma_semaphore, #tpu.memory_space<semaphore_mem>>)
    } else {
    }
    %not3A_74 = arith.constant true
    %not3A_75 = arith.xori %lt3A_68, %not3A_74 : i1
    %convert_element_type3A_76 = arith.extui %not3A_75 : i1 to i32
    %cond3A_77 = arith.constant 0 : i32
    %cond3A_78 = arith.cmpi ne, %convert_element_type3A_76, %cond3A_77 : i32
    scf.if %cond3A_78 {
      %dma_start3A = arith.constant 0 : i32
      %dma_start3A_223 = tpu.memref_slice %arg4[%add3A_70, %dma_start3A] : memref<32768x256xf32, #tpu.memory_space<hbm>> -> memref<128x256xf32, #tpu.memory_space<hbm>>
      %dma_start3A_224 = arith.constant 0 : i32
      %dma_start3A_225 = arith.constant 0 : i32
      %dma_start3A_226 = tpu.memref_slice %dma_start3A_223[%dma_start3A_224, %dma_start3A_225] : memref<128x256xf32, #tpu.memory_space<hbm>> -> memref<64x256xf32, #tpu.memory_space<hbm>>
      %dma_start3A_227 = arith.constant 0 : i32
      %dma_start3A_228 = tpu.memref_slice %arg4[%add3A_70, %dma_start3A_227] : memref<32768x256xf32, #tpu.memory_space<hbm>> -> memref<128x256xf32, #tpu.memory_space<hbm>>
      %dma_start3A_229 = arith.constant 0 : i32
      %dma_start3A_230 = arith.constant 0 : i32
      %dma_start3A_231 = tpu.memref_slice %dma_start3A_228[%dma_start3A_229, %dma_start3A_230] : memref<128x256xf32, #tpu.memory_space<hbm>> -> memref<64x256xf32, #tpu.memory_space<hbm>>
      tpu.enqueue_dma source(%arg11 : memref<64x256xf32, #tpu.memory_space<vmem>>) target(%dma_start3A_231 : memref<64x256xf32, #tpu.memory_space<hbm>>) target_semaphore(%arg16 : memref<!tpu.dma_semaphore, #tpu.memory_space<semaphore_mem>>)
      %dma_start3A_232 = arith.constant 0 : i32
      %dma_start3A_233 = tpu.memref_slice %arg4[%add3A_70, %dma_start3A_232] : memref<32768x256xf32, #tpu.memory_space<hbm>> -> memref<128x256xf32, #tpu.memory_space<hbm>>
      %dma_start3A_234 = arith.constant 64 : i32
      %dma_start3A_235 = arith.constant 0 : i32
      %dma_start3A_236 = tpu.memref_slice %dma_start3A_233[%dma_start3A_234, %dma_start3A_235] : memref<128x256xf32, #tpu.memory_space<hbm>> -> memref<64x256xf32, #tpu.memory_space<hbm>>
      %dma_start3A_237 = arith.constant 0 : i32
      %dma_start3A_238 = tpu.memref_slice %arg4[%add3A_70, %dma_start3A_237] : memref<32768x256xf32, #tpu.memory_space<hbm>> -> memref<128x256xf32, #tpu.memory_space<hbm>>
      %dma_start3A_239 = arith.constant 64 : i32
      %dma_start3A_240 = arith.constant 0 : i32
      %dma_start3A_241 = tpu.memref_slice %dma_start3A_238[%dma_start3A_239, %dma_start3A_240] : memref<128x256xf32, #tpu.memory_space<hbm>> -> memref<64x256xf32, #tpu.memory_space<hbm>>
      tpu.enqueue_dma source(%arg11 : memref<64x256xf32, #tpu.memory_space<vmem>>) target(%dma_start3A_241 : memref<64x256xf32, #tpu.memory_space<hbm>>) target_semaphore(%arg16 : memref<!tpu.dma_semaphore, #tpu.memory_space<semaphore_mem>>)
    } else {
    }
    %add3A_79 = arith.constant 128 : i32
    %add3A_80 = arith.addi %add3A_24, %add3A_79 : i32
    %dma_wait3A_81 = arith.constant 0 : i32
    %dma_wait3A_82 = tpu.memref_slice %arg4[%add3A_80, %dma_wait3A_81] : memref<32768x256xf32, #tpu.memory_space<hbm>> -> memref<128x256xf32, #tpu.memory_space<hbm>>
    %dma_wait3A_83 = arith.constant 0 : i32
    %dma_wait3A_84 = tpu.memref_slice %arg4[%add3A_80, %dma_wait3A_83] : memref<32768x256xf32, #tpu.memory_space<hbm>> -> memref<128x256xf32, #tpu.memory_space<hbm>>
    tpu.wait_dma2 semaphore(%arg16 : memref<!tpu.dma_semaphore, #tpu.memory_space<semaphore_mem>>) src(%arg9 : memref<128x256xf32, #tpu.memory_space<vmem>>) dst(%dma_wait3A_84 : memref<128x256xf32, #tpu.memory_space<hbm>>)
    %add3A_85 = arith.constant 512 : i32
    %add3A_86 = arith.addi %mul3A_9, %add3A_85 : i32
    %lt3A_87 = arith.cmpi slt, %add3A_86, %min3A_17 : i32
    %convert_element_type3A_88 = arith.extui %lt3A_87 : i1 to i32
    %cond3A_89 = arith.constant 0 : i32
    %cond3A_90 = arith.cmpi ne, %convert_element_type3A_88, %cond3A_89 : i32
    scf.if %cond3A_90 {
      %scan3A_223 = arith.constant 0 : i32
      %scan3A_224 = arith.constant 0 : i32
      %scan3A_225 = arith.constant 8 : i32
      %scan3A_226 = arith.addi %scan3A_224, %scan3A_225 : i32
      %scan3A_227 = arith.constant 1 : i32
      %scan3A_228 = scf.for %scan3A_234 = %scan3A_224 to %scan3A_226 step %scan3A_227 iter_args(%scan3A_235 = %scan3A_223) -> (i32)  : i32 {
        %add3A_236 = arith.constant 512 : i32
        %add3A_237 = arith.addi %mul3A_9, %add3A_236 : i32
        %mul3A_238 = arith.constant 16 : i32
        %mul3A_239 = arith.muli %scan3A_234, %mul3A_238 : i32
        %add3A_240 = arith.addi %add3A_237, %mul3A_239 : i32
        %add3A_241 = vector.broadcast %add3A_240 : i32 to vector<16xi32>
        %add3A_242 = arith.addi %add3A_241, %iota3A : vector<16xi32>
        %broadcast_in_dim3A_243 = arith.constant 0 : i32
        %broadcast_in_dim3A_244 = vector.broadcast %broadcast_in_dim3A_243 : i32 to vector<16xi32>
        %add3A_245 = arith.constant 255 : i32
        %add3A_246 = vector.broadcast %add3A_245 : i32 to vector<16xi32>
        %add3A_247 = arith.addi %broadcast_in_dim3A_244, %add3A_246 : vector<16xi32>
        %gather3A = tpu.vector_load_idx %arg6[%add3A_247] : memref<512xi32, #tpu.memory_space<vmem>>[vector<16xi32>], vector<16xi32>,
        %le3A = arith.cmpi sle, %gather3A, %add3A_242 : vector<16xi32>
        %jit3A_248 = arith.constant 256 : i32
        %jit3A_249 = arith.constant 0 : i32
        %broadcast_in_dim3A_250 = vector.broadcast %jit3A_248 : i32 to vector<16xi32>
        %broadcast_in_dim3A_251 = vector.broadcast %jit3A_249 : i32 to vector<16xi32>
        %select_n3A_252 = arith.select %le3A, %broadcast_in_dim3A_250, %broadcast_in_dim3A_251 : vector<16xi1>, vector<16xi32>
        %add3A_253 = arith.addi %broadcast_in_dim3A_244, %select_n3A_252 : vector<16xi32>
        %add3A_254 = arith.constant 127 : i32
        %add3A_255 = vector.broadcast %add3A_254 : i32 to vector<16xi32>
        %add3A_256 = arith.addi %add3A_253, %add3A_255 : vector<16xi32>
        %gather3A_257 = tpu.vector_load_idx %arg6[%add3A_256] : memref<512xi32, #tpu.memory_space<vmem>>[vector<16xi32>], vector<16xi32>,
        %le3A_258 = arith.cmpi sle, %gather3A_257, %add3A_242 : vector<16xi32>
        %jit3A_259 = arith.constant 128 : i32
        %jit3A_260 = arith.constant 0 : i32
        %broadcast_in_dim3A_261 = vector.broadcast %jit3A_259 : i32 to vector<16xi32>
        %broadcast_in_dim3A_262 = vector.broadcast %jit3A_260 : i32 to vector<16xi32>
        %select_n3A_263 = arith.select %le3A_258, %broadcast_in_dim3A_261, %broadcast_in_dim3A_262 : vector<16xi1>, vector<16xi32>
        %add3A_264 = arith.addi %add3A_253, %select_n3A_263 : vector<16xi32>
        %add3A_265 = arith.constant 63 : i32
        %add3A_266 = vector.broadcast %add3A_265 : i32 to vector<16xi32>
        %add3A_267 = arith.addi %add3A_264, %add3A_266 : vector<16xi32>
        %gather3A_268 = tpu.vector_load_idx %arg6[%add3A_267] : memref<512xi32, #tpu.memory_space<vmem>>[vector<16xi32>], vector<16xi32>,
        %le3A_269 = arith.cmpi sle, %gather3A_268, %add3A_242 : vector<16xi32>
        %jit3A_270 = arith.constant 64 : i32
        %jit3A_271 = arith.constant 0 : i32
        %broadcast_in_dim3A_272 = vector.broadcast %jit3A_270 : i32 to vector<16xi32>
        %broadcast_in_dim3A_273 = vector.broadcast %jit3A_271 : i32 to vector<16xi32>
        %select_n3A_274 = arith.select %le3A_269, %broadcast_in_dim3A_272, %broadcast_in_dim3A_273 : vector<16xi1>, vector<16xi32>
        %add3A_275 = arith.addi %add3A_264, %select_n3A_274 : vector<16xi32>
        %add3A_276 = arith.constant 31 : i32
        %add3A_277 = vector.broadcast %add3A_276 : i32 to vector<16xi32>
        %add3A_278 = arith.addi %add3A_275, %add3A_277 : vector<16xi32>
        %gather3A_279 = tpu.vector_load_idx %arg6[%add3A_278] : memref<512xi32, #tpu.memory_space<vmem>>[vector<16xi32>], vector<16xi32>,
        %le3A_280 = arith.cmpi sle, %gather3A_279, %add3A_242 : vector<16xi32>
        %jit3A_281 = arith.constant 32 : i32
        %jit3A_282 = arith.constant 0 : i32
        %broadcast_in_dim3A_283 = vector.broadcast %jit3A_281 : i32 to vector<16xi32>
        %broadcast_in_dim3A_284 = vector.broadcast %jit3A_282 : i32 to vector<16xi32>
        %select_n3A_285 = arith.select %le3A_280, %broadcast_in_dim3A_283, %broadcast_in_dim3A_284 : vector<16xi1>, vector<16xi32>
        %add3A_286 = arith.addi %add3A_275, %select_n3A_285 : vector<16xi32>
        %add3A_287 = arith.constant 15 : i32
        %add3A_288 = vector.broadcast %add3A_287 : i32 to vector<16xi32>
        %add3A_289 = arith.addi %add3A_286, %add3A_288 : vector<16xi32>
        %gather3A_290 = tpu.vector_load_idx %arg6[%add3A_289] : memref<512xi32, #tpu.memory_space<vmem>>[vector<16xi32>], vector<16xi32>,
        %le3A_291 = arith.cmpi sle, %gather3A_290, %add3A_242 : vector<16xi32>
        %jit3A_292 = arith.constant 16 : i32
        %jit3A_293 = arith.constant 0 : i32
        %broadcast_in_dim3A_294 = vector.broadcast %jit3A_292 : i32 to vector<16xi32>
        %broadcast_in_dim3A_295 = vector.broadcast %jit3A_293 : i32 to vector<16xi32>
        %select_n3A_296 = arith.select %le3A_291, %broadcast_in_dim3A_294, %broadcast_in_dim3A_295 : vector<16xi1>, vector<16xi32>
        %add3A_297 = arith.addi %add3A_286, %select_n3A_296 : vector<16xi32>
        %add3A_298 = arith.constant 7 : i32
        %add3A_299 = vector.broadcast %add3A_298 : i32 to vector<16xi32>
        %add3A_300 = arith.addi %add3A_297, %add3A_299 : vector<16xi32>
        %gather3A_301 = tpu.vector_load_idx %arg6[%add3A_300] : memref<512xi32, #tpu.memory_space<vmem>>[vector<16xi32>], vector<16xi32>,
        %le3A_302 = arith.cmpi sle, %gather3A_301, %add3A_242 : vector<16xi32>
        %jit3A_303 = arith.constant 8 : i32
        %jit3A_304 = arith.constant 0 : i32
        %broadcast_in_dim3A_305 = vector.broadcast %jit3A_303 : i32 to vector<16xi32>
        %broadcast_in_dim3A_306 = vector.broadcast %jit3A_304 : i32 to vector<16xi32>
        %select_n3A_307 = arith.select %le3A_302, %broadcast_in_dim3A_305, %broadcast_in_dim3A_306 : vector<16xi1>, vector<16xi32>
        %add3A_308 = arith.addi %add3A_297, %select_n3A_307 : vector<16xi32>
        %add3A_309 = arith.constant 3 : i32
        %add3A_310 = vector.broadcast %add3A_309 : i32 to vector<16xi32>
        %add3A_311 = arith.addi %add3A_308, %add3A_310 : vector<16xi32>
        %gather3A_312 = tpu.vector_load_idx %arg6[%add3A_311] : memref<512xi32, #tpu.memory_space<vmem>>[vector<16xi32>], vector<16xi32>,
        %le3A_313 = arith.cmpi sle, %gather3A_312, %add3A_242 : vector<16xi32>
        %jit3A_314 = arith.constant 4 : i32
        %jit3A_315 = arith.constant 0 : i32
        %broadcast_in_dim3A_316 = vector.broadcast %jit3A_314 : i32 to vector<16xi32>
        %broadcast_in_dim3A_317 = vector.broadcast %jit3A_315 : i32 to vector<16xi32>
        %select_n3A_318 = arith.select %le3A_313, %broadcast_in_dim3A_316, %broadcast_in_dim3A_317 : vector<16xi1>, vector<16xi32>
        %add3A_319 = arith.addi %add3A_308, %select_n3A_318 : vector<16xi32>
        %add3A_320 = arith.constant 1 : i32
        %add3A_321 = vector.broadcast %add3A_320 : i32 to vector<16xi32>
        %add3A_322 = arith.addi %add3A_319, %add3A_321 : vector<16xi32>
        %gather3A_323 = tpu.vector_load_idx %arg6[%add3A_322] : memref<512xi32, #tpu.memory_space<vmem>>[vector<16xi32>], vector<16xi32>,
        %le3A_324 = arith.cmpi sle, %gather3A_323, %add3A_242 : vector<16xi32>
        %jit3A_325 = arith.constant 2 : i32
        %jit3A_326 = arith.constant 0 : i32
        %broadcast_in_dim3A_327 = vector.broadcast %jit3A_325 : i32 to vector<16xi32>
        %broadcast_in_dim3A_328 = vector.broadcast %jit3A_326 : i32 to vector<16xi32>
        %select_n3A_329 = arith.select %le3A_324, %broadcast_in_dim3A_327, %broadcast_in_dim3A_328 : vector<16xi1>, vector<16xi32>
        %add3A_330 = arith.addi %add3A_319, %select_n3A_329 : vector<16xi32>
        %add3A_331 = arith.constant 0 : i32
        %add3A_332 = vector.broadcast %add3A_331 : i32 to vector<16xi32>
        %add3A_333 = arith.addi %add3A_330, %add3A_332 : vector<16xi32>
        %gather3A_334 = tpu.vector_load_idx %arg6[%add3A_333] : memref<512xi32, #tpu.memory_space<vmem>>[vector<16xi32>], vector<16xi32>,
        %le3A_335 = arith.cmpi sle, %gather3A_334, %add3A_242 : vector<16xi32>
        %jit3A_336 = arith.constant 1 : i32
        %jit3A_337 = arith.constant 0 : i32
        %broadcast_in_dim3A_338 = vector.broadcast %jit3A_336 : i32 to vector<16xi32>
        %broadcast_in_dim3A_339 = vector.broadcast %jit3A_337 : i32 to vector<16xi32>
        %select_n3A_340 = arith.select %le3A_335, %broadcast_in_dim3A_338, %broadcast_in_dim3A_339 : vector<16xi1>, vector<16xi32>
        %add3A_341 = arith.addi %add3A_330, %select_n3A_340 : vector<16xi32>
        %gather3A_342 = tpu.vector_load_idx %arg6[%add3A_341] : memref<512xi32, #tpu.memory_space<vmem>>[vector<16xi32>], vector<16xi32>,
        %le3A_343 = arith.cmpi sle, %gather3A_342, %add3A_242 : vector<16xi32>
        %jit3A_344 = arith.constant 1 : i32
        %jit3A_345 = arith.constant 0 : i32
        %broadcast_in_dim3A_346 = vector.broadcast %jit3A_344 : i32 to vector<16xi32>
        %broadcast_in_dim3A_347 = vector.broadcast %jit3A_345 : i32 to vector<16xi32>
        %select_n3A_348 = arith.select %le3A_343, %broadcast_in_dim3A_346, %broadcast_in_dim3A_347 : vector<16xi1>, vector<16xi32>
        %add3A_349 = arith.addi %add3A_341, %select_n3A_348 : vector<16xi32>
        %gt3A = arith.constant 511 : i32
        %gt3A_350 = vector.broadcast %gt3A : i32 to vector<16xi32>
        %gt3A_351 = arith.cmpi sgt, %add3A_349, %gt3A_350 : vector<16xi32>
        %and3A_352 = arith.constant 511 : i32
        %and3A_353 = vector.broadcast %and3A_352 : i32 to vector<16xi32>
        %and3A_354 = arith.andi %add3A_242, %and3A_353 : vector<16xi32>
        %select_n3A_355 = arith.select %gt3A_351, %and3A_354, %add3A_349 : vector<16xi1>, vector<16xi32>
        %mul3A_356 = arith.constant 512 : i32
        %mul3A_357 = arith.muli %arg1, %mul3A_356 : i32
        %add3A_358 = vector.broadcast %mul3A_357 : i32 to vector<16xi32>
        %add3A_359 = arith.addi %add3A_358, %select_n3A_355 : vector<16xi32>
        %mul3A_360 = arith.constant 16 : i32
        %mul3A_361 = arith.muli %scan3A_234, %mul3A_360 : i32
        %add3A_362 = arith.constant 512 : i32
        %add3A_363 = arith.addi %add3A_362, %mul3A_361 : i32
        %swap3A = arith.index_cast %add3A_363 : i32 to index
        %swap3A_364 = tpu.vector_load %arg7[%swap3A] {strides = array<i32>} : memref<1024xi32, #tpu.memory_space<vmem>>, vector<16xi32>,
        tpu.vector_store %arg7[%swap3A], %add3A_359 {strides = array<i32>} : memref<1024xi32, #tpu.memory_space<vmem>>, vector<16xi32>,
        %scan3A_365 = arith.constant 0 : i32
        scf.yield %scan3A_365 : i32
      }
      %scan3A_229 = arith.constant 8 : i32
      %dma_start3A = arith.constant 512 : i32
      %dma_start3A_230 = tpu.memref_slice %arg7[%dma_start3A] : memref<1024xi32, #tpu.memory_space<vmem>> -> memref<128xi32, #tpu.memory_space<vmem>>
      %dma_start3A_231 = arith.constant 0 : i32
      %dma_start3A_232 = arith.constant 0 : i32
      %dma_start3A_233 = tpu.memref_slice %arg2[%dma_start3A_231, %dma_start3A_232] : memref<8192x256xf32, #tpu.memory_space<hbm>> -> memref<8192x256xf32, #tpu.memory_space<hbm>>
      tpu.enqueue_indirect_dma source(%dma_start3A_233 : memref<8192x256xf32, #tpu.memory_space<hbm>>) target(%arg9 : memref<128x256xf32, #tpu.memory_space<vmem>>) offsets(%dma_start3A_230 : memref<128xi32, #tpu.memory_space<vmem>>) semaphore(%arg13 : memref<!tpu.dma_semaphore, #tpu.memory_space<semaphore_mem>>)
    } else {
    }
    %add3A_91 = arith.constant 256 : i32
    %add3A_92 = arith.addi %mul3A_9, %add3A_91 : i32
    %lt3A_93 = arith.cmpi slt, %add3A_92, %min3A_17 : i32
    %add3A_94 = arith.constant 256 : i32
    %add3A_95 = arith.addi %add3A_24, %add3A_94 : i32
    %convert_element_type3A_96 = arith.extui %lt3A_93 : i1 to i32
    %cond3A_97 = arith.constant 0 : i32
    %cond3A_98 = arith.cmpi ne, %convert_element_type3A_96, %cond3A_97 : i32
    scf.if %cond3A_98 {
      %dma_wait3A_223 = arith.constant 256 : i32
      %dma_wait3A_224 = tpu.memref_slice %arg7[%dma_wait3A_223] : memref<1024xi32, #tpu.memory_space<vmem>> -> memref<128xi32, #tpu.memory_space<vmem>>
      %dma_wait3A_225 = arith.constant 0 : i32
      %dma_wait3A_226 = arith.constant 0 : i32
      %dma_wait3A_227 = tpu.memref_slice %arg2[%dma_wait3A_225, %dma_wait3A_226] : memref<8192x256xf32, #tpu.memory_space<hbm>> -> memref<8192x256xf32, #tpu.memory_space<hbm>>
      tpu.wait_indirect_dma semaphore(%arg14 : memref<!tpu.dma_semaphore, #tpu.memory_space<semaphore_mem>>) src(%dma_wait3A_227 : memref<8192x256xf32, #tpu.memory_space<hbm>>) dst(%arg10 : memref<128x256xf32, #tpu.memory_space<vmem>>)
      %sub3A = arith.subi %min3A_17, %add3A_92 : i32
      %jit3A_228 = arith.constant 0 : i32
      %jit3A_229 = arith.constant 128 : i32
      %max3A = arith.maxsi %jit3A_228, %sub3A : i32
      %min3A_230 = arith.minsi %jit3A_229, %max3A : i32
      %while3A = arith.constant 0 : i32
      %while3A_231 = arith.constant 128 : i32
      %while3A_232 = arith.subi %while3A_231, %min3A_230 : i32
      %while3A_233 = arith.addi %min3A_230, %while3A_232 : i32
      %while3A_234 = arith.constant 1 : i32
      %while3A_235 = arith.divsi %while3A_232, %while3A_234 : i32
      %while3A_236 = arith.muli %while3A_235, %while3A_234 : i32
      %while3A_237 = arith.addi %min3A_230, %while3A_236 : i32
      %while3A_238 = arith.constant 1 : i32
      scf.for %while3A_243 = %min3A_230 to %while3A_237 step %while3A_238  : i32 {
        %swap3A = arith.index_cast %while3A_243 : i32 to index
        %swap3A_244 = arith.constant 0 : index
        %swap3A_245 = tpu.vector_load %arg10[%swap3A, %swap3A_244] {strides = array<i32>} : memref<128x256xf32, #tpu.memory_space<vmem>>, vector<16xf32>,
        tpu.vector_store %arg10[%swap3A, %swap3A_244], %broadcast_in_dim3A_10 {strides = array<i32>} : memref<128x256xf32, #tpu.memory_space<vmem>>, vector<16xf32>,
        %swap3A_246 = arith.index_cast %while3A_243 : i32 to index
        %swap3A_247 = arith.constant 16 : index
        %swap3A_248 = tpu.vector_load %arg10[%swap3A_246, %swap3A_247] {strides = array<i32>} : memref<128x256xf32, #tpu.memory_space<vmem>>, vector<16xf32>,
        tpu.vector_store %arg10[%swap3A_246, %swap3A_247], %broadcast_in_dim3A_10 {strides = array<i32>} : memref<128x256xf32, #tpu.memory_space<vmem>>, vector<16xf32>,
        %swap3A_249 = arith.index_cast %while3A_243 : i32 to index
        %swap3A_250 = arith.constant 32 : index
        %swap3A_251 = tpu.vector_load %arg10[%swap3A_249, %swap3A_250] {strides = array<i32>} : memref<128x256xf32, #tpu.memory_space<vmem>>, vector<16xf32>,
        tpu.vector_store %arg10[%swap3A_249, %swap3A_250], %broadcast_in_dim3A_10 {strides = array<i32>} : memref<128x256xf32, #tpu.memory_space<vmem>>, vector<16xf32>,
        %swap3A_252 = arith.index_cast %while3A_243 : i32 to index
        %swap3A_253 = arith.constant 48 : index
        %swap3A_254 = tpu.vector_load %arg10[%swap3A_252, %swap3A_253] {strides = array<i32>} : memref<128x256xf32, #tpu.memory_space<vmem>>, vector<16xf32>,
        tpu.vector_store %arg10[%swap3A_252, %swap3A_253], %broadcast_in_dim3A_10 {strides = array<i32>} : memref<128x256xf32, #tpu.memory_space<vmem>>, vector<16xf32>,
        %swap3A_255 = arith.index_cast %while3A_243 : i32 to index
        %swap3A_256 = arith.constant 64 : index
        %swap3A_257 = tpu.vector_load %arg10[%swap3A_255, %swap3A_256] {strides = array<i32>} : memref<128x256xf32, #tpu.memory_space<vmem>>, vector<16xf32>,
        tpu.vector_store %arg10[%swap3A_255, %swap3A_256], %broadcast_in_dim3A_10 {strides = array<i32>} : memref<128x256xf32, #tpu.memory_space<vmem>>, vector<16xf32>,
        %swap3A_258 = arith.index_cast %while3A_243 : i32 to index
        %swap3A_259 = arith.constant 80 : index
        %swap3A_260 = tpu.vector_load %arg10[%swap3A_258, %swap3A_259] {strides = array<i32>} : memref<128x256xf32, #tpu.memory_space<vmem>>, vector<16xf32>,
        tpu.vector_store %arg10[%swap3A_258, %swap3A_259], %broadcast_in_dim3A_10 {strides = array<i32>} : memref<128x256xf32, #tpu.memory_space<vmem>>, vector<16xf32>,
        %swap3A_261 = arith.index_cast %while3A_243 : i32 to index
        %swap3A_262 = arith.constant 96 : index
        %swap3A_263 = tpu.vector_load %arg10[%swap3A_261, %swap3A_262] {strides = array<i32>} : memref<128x256xf32, #tpu.memory_space<vmem>>, vector<16xf32>,
        tpu.vector_store %arg10[%swap3A_261, %swap3A_262], %broadcast_in_dim3A_10 {strides = array<i32>} : memref<128x256xf32, #tpu.memory_space<vmem>>, vector<16xf32>,
        %swap3A_264 = arith.index_cast %while3A_243 : i32 to index
        %swap3A_265 = arith.constant 112 : index
        %swap3A_266 = tpu.vector_load %arg10[%swap3A_264, %swap3A_265] {strides = array<i32>} : memref<128x256xf32, #tpu.memory_space<vmem>>, vector<16xf32>,
        tpu.vector_store %arg10[%swap3A_264, %swap3A_265], %broadcast_in_dim3A_10 {strides = array<i32>} : memref<128x256xf32, #tpu.memory_space<vmem>>, vector<16xf32>,
        %swap3A_267 = arith.index_cast %while3A_243 : i32 to index
        %swap3A_268 = arith.constant 128 : index
        %swap3A_269 = tpu.vector_load %arg10[%swap3A_267, %swap3A_268] {strides = array<i32>} : memref<128x256xf32, #tpu.memory_space<vmem>>, vector<16xf32>,
        tpu.vector_store %arg10[%swap3A_267, %swap3A_268], %broadcast_in_dim3A_10 {strides = array<i32>} : memref<128x256xf32, #tpu.memory_space<vmem>>, vector<16xf32>,
        %swap3A_270 = arith.index_cast %while3A_243 : i32 to index
        %swap3A_271 = arith.constant 144 : index
        %swap3A_272 = tpu.vector_load %arg10[%swap3A_270, %swap3A_271] {strides = array<i32>} : memref<128x256xf32, #tpu.memory_space<vmem>>, vector<16xf32>,
        tpu.vector_store %arg10[%swap3A_270, %swap3A_271], %broadcast_in_dim3A_10 {strides = array<i32>} : memref<128x256xf32, #tpu.memory_space<vmem>>, vector<16xf32>,
        %swap3A_273 = arith.index_cast %while3A_243 : i32 to index
        %swap3A_274 = arith.constant 160 : index
        %swap3A_275 = tpu.vector_load %arg10[%swap3A_273, %swap3A_274] {strides = array<i32>} : memref<128x256xf32, #tpu.memory_space<vmem>>, vector<16xf32>,
        tpu.vector_store %arg10[%swap3A_273, %swap3A_274], %broadcast_in_dim3A_10 {strides = array<i32>} : memref<128x256xf32, #tpu.memory_space<vmem>>, vector<16xf32>,
        %swap3A_276 = arith.index_cast %while3A_243 : i32 to index
        %swap3A_277 = arith.constant 176 : index
        %swap3A_278 = tpu.vector_load %arg10[%swap3A_276, %swap3A_277] {strides = array<i32>} : memref<128x256xf32, #tpu.memory_space<vmem>>, vector<16xf32>,
        tpu.vector_store %arg10[%swap3A_276, %swap3A_277], %broadcast_in_dim3A_10 {strides = array<i32>} : memref<128x256xf32, #tpu.memory_space<vmem>>, vector<16xf32>,
        %swap3A_279 = arith.index_cast %while3A_243 : i32 to index
        %swap3A_280 = arith.constant 192 : index
        %swap3A_281 = tpu.vector_load %arg10[%swap3A_279, %swap3A_280] {strides = array<i32>} : memref<128x256xf32, #tpu.memory_space<vmem>>, vector<16xf32>,
        tpu.vector_store %arg10[%swap3A_279, %swap3A_280], %broadcast_in_dim3A_10 {strides = array<i32>} : memref<128x256xf32, #tpu.memory_space<vmem>>, vector<16xf32>,
        %swap3A_282 = arith.index_cast %while3A_243 : i32 to index
        %swap3A_283 = arith.constant 208 : index
        %swap3A_284 = tpu.vector_load %arg10[%swap3A_282, %swap3A_283] {strides = array<i32>} : memref<128x256xf32, #tpu.memory_space<vmem>>, vector<16xf32>,
        tpu.vector_store %arg10[%swap3A_282, %swap3A_283], %broadcast_in_dim3A_10 {strides = array<i32>} : memref<128x256xf32, #tpu.memory_space<vmem>>, vector<16xf32>,
        %swap3A_285 = arith.index_cast %while3A_243 : i32 to index
        %swap3A_286 = arith.constant 224 : index
        %swap3A_287 = tpu.vector_load %arg10[%swap3A_285, %swap3A_286] {strides = array<i32>} : memref<128x256xf32, #tpu.memory_space<vmem>>, vector<16xf32>,
        tpu.vector_store %arg10[%swap3A_285, %swap3A_286], %broadcast_in_dim3A_10 {strides = array<i32>} : memref<128x256xf32, #tpu.memory_space<vmem>>, vector<16xf32>,
        %swap3A_288 = arith.index_cast %while3A_243 : i32 to index
        %swap3A_289 = arith.constant 240 : index
        %swap3A_290 = tpu.vector_load %arg10[%swap3A_288, %swap3A_289] {strides = array<i32>} : memref<128x256xf32, #tpu.memory_space<vmem>>, vector<16xf32>,
        tpu.vector_store %arg10[%swap3A_288, %swap3A_289], %broadcast_in_dim3A_10 {strides = array<i32>} : memref<128x256xf32, #tpu.memory_space<vmem>>, vector<16xf32>,
      }
      %while3A_239 = arith.constant 1 : i32
      scf.for %while3A_243 = %while3A_237 to %while3A_233 step %while3A_239  : i32 {
        %swap3A = arith.index_cast %while3A_243 : i32 to index
        %swap3A_244 = arith.constant 0 : index
        %swap3A_245 = tpu.vector_load %arg10[%swap3A, %swap3A_244] {strides = array<i32>} : memref<128x256xf32, #tpu.memory_space<vmem>>, vector<16xf32>,
        tpu.vector_store %arg10[%swap3A, %swap3A_244], %broadcast_in_dim3A_10 {strides = array<i32>} : memref<128x256xf32, #tpu.memory_space<vmem>>, vector<16xf32>,
        %swap3A_246 = arith.index_cast %while3A_243 : i32 to index
        %swap3A_247 = arith.constant 16 : index
        %swap3A_248 = tpu.vector_load %arg10[%swap3A_246, %swap3A_247] {strides = array<i32>} : memref<128x256xf32, #tpu.memory_space<vmem>>, vector<16xf32>,
        tpu.vector_store %arg10[%swap3A_246, %swap3A_247], %broadcast_in_dim3A_10 {strides = array<i32>} : memref<128x256xf32, #tpu.memory_space<vmem>>, vector<16xf32>,
        %swap3A_249 = arith.index_cast %while3A_243 : i32 to index
        %swap3A_250 = arith.constant 32 : index
        %swap3A_251 = tpu.vector_load %arg10[%swap3A_249, %swap3A_250] {strides = array<i32>} : memref<128x256xf32, #tpu.memory_space<vmem>>, vector<16xf32>,
        tpu.vector_store %arg10[%swap3A_249, %swap3A_250], %broadcast_in_dim3A_10 {strides = array<i32>} : memref<128x256xf32, #tpu.memory_space<vmem>>, vector<16xf32>,
        %swap3A_252 = arith.index_cast %while3A_243 : i32 to index
        %swap3A_253 = arith.constant 48 : index
        %swap3A_254 = tpu.vector_load %arg10[%swap3A_252, %swap3A_253] {strides = array<i32>} : memref<128x256xf32, #tpu.memory_space<vmem>>, vector<16xf32>,
        tpu.vector_store %arg10[%swap3A_252, %swap3A_253], %broadcast_in_dim3A_10 {strides = array<i32>} : memref<128x256xf32, #tpu.memory_space<vmem>>, vector<16xf32>,
        %swap3A_255 = arith.index_cast %while3A_243 : i32 to index
        %swap3A_256 = arith.constant 64 : index
        %swap3A_257 = tpu.vector_load %arg10[%swap3A_255, %swap3A_256] {strides = array<i32>} : memref<128x256xf32, #tpu.memory_space<vmem>>, vector<16xf32>,
        tpu.vector_store %arg10[%swap3A_255, %swap3A_256], %broadcast_in_dim3A_10 {strides = array<i32>} : memref<128x256xf32, #tpu.memory_space<vmem>>, vector<16xf32>,
        %swap3A_258 = arith.index_cast %while3A_243 : i32 to index
        %swap3A_259 = arith.constant 80 : index
        %swap3A_260 = tpu.vector_load %arg10[%swap3A_258, %swap3A_259] {strides = array<i32>} : memref<128x256xf32, #tpu.memory_space<vmem>>, vector<16xf32>,
        tpu.vector_store %arg10[%swap3A_258, %swap3A_259], %broadcast_in_dim3A_10 {strides = array<i32>} : memref<128x256xf32, #tpu.memory_space<vmem>>, vector<16xf32>,
        %swap3A_261 = arith.index_cast %while3A_243 : i32 to index
        %swap3A_262 = arith.constant 96 : index
        %swap3A_263 = tpu.vector_load %arg10[%swap3A_261, %swap3A_262] {strides = array<i32>} : memref<128x256xf32, #tpu.memory_space<vmem>>, vector<16xf32>,
        tpu.vector_store %arg10[%swap3A_261, %swap3A_262], %broadcast_in_dim3A_10 {strides = array<i32>} : memref<128x256xf32, #tpu.memory_space<vmem>>, vector<16xf32>,
        %swap3A_264 = arith.index_cast %while3A_243 : i32 to index
        %swap3A_265 = arith.constant 112 : index
        %swap3A_266 = tpu.vector_load %arg10[%swap3A_264, %swap3A_265] {strides = array<i32>} : memref<128x256xf32, #tpu.memory_space<vmem>>, vector<16xf32>,
        tpu.vector_store %arg10[%swap3A_264, %swap3A_265], %broadcast_in_dim3A_10 {strides = array<i32>} : memref<128x256xf32, #tpu.memory_space<vmem>>, vector<16xf32>,
        %swap3A_267 = arith.index_cast %while3A_243 : i32 to index
        %swap3A_268 = arith.constant 128 : index
        %swap3A_269 = tpu.vector_load %arg10[%swap3A_267, %swap3A_268] {strides = array<i32>} : memref<128x256xf32, #tpu.memory_space<vmem>>, vector<16xf32>,
        tpu.vector_store %arg10[%swap3A_267, %swap3A_268], %broadcast_in_dim3A_10 {strides = array<i32>} : memref<128x256xf32, #tpu.memory_space<vmem>>, vector<16xf32>,
        %swap3A_270 = arith.index_cast %while3A_243 : i32 to index
        %swap3A_271 = arith.constant 144 : index
        %swap3A_272 = tpu.vector_load %arg10[%swap3A_270, %swap3A_271] {strides = array<i32>} : memref<128x256xf32, #tpu.memory_space<vmem>>, vector<16xf32>,
        tpu.vector_store %arg10[%swap3A_270, %swap3A_271], %broadcast_in_dim3A_10 {strides = array<i32>} : memref<128x256xf32, #tpu.memory_space<vmem>>, vector<16xf32>,
        %swap3A_273 = arith.index_cast %while3A_243 : i32 to index
        %swap3A_274 = arith.constant 160 : index
        %swap3A_275 = tpu.vector_load %arg10[%swap3A_273, %swap3A_274] {strides = array<i32>} : memref<128x256xf32, #tpu.memory_space<vmem>>, vector<16xf32>,
        tpu.vector_store %arg10[%swap3A_273, %swap3A_274], %broadcast_in_dim3A_10 {strides = array<i32>} : memref<128x256xf32, #tpu.memory_space<vmem>>, vector<16xf32>,
        %swap3A_276 = arith.index_cast %while3A_243 : i32 to index
        %swap3A_277 = arith.constant 176 : index
        %swap3A_278 = tpu.vector_load %arg10[%swap3A_276, %swap3A_277] {strides = array<i32>} : memref<128x256xf32, #tpu.memory_space<vmem>>, vector<16xf32>,
        tpu.vector_store %arg10[%swap3A_276, %swap3A_277], %broadcast_in_dim3A_10 {strides = array<i32>} : memref<128x256xf32, #tpu.memory_space<vmem>>, vector<16xf32>,
        %swap3A_279 = arith.index_cast %while3A_243 : i32 to index
        %swap3A_280 = arith.constant 192 : index
        %swap3A_281 = tpu.vector_load %arg10[%swap3A_279, %swap3A_280] {strides = array<i32>} : memref<128x256xf32, #tpu.memory_space<vmem>>, vector<16xf32>,
        tpu.vector_store %arg10[%swap3A_279, %swap3A_280], %broadcast_in_dim3A_10 {strides = array<i32>} : memref<128x256xf32, #tpu.memory_space<vmem>>, vector<16xf32>,
        %swap3A_282 = arith.index_cast %while3A_243 : i32 to index
        %swap3A_283 = arith.constant 208 : index
        %swap3A_284 = tpu.vector_load %arg10[%swap3A_282, %swap3A_283] {strides = array<i32>} : memref<128x256xf32, #tpu.memory_space<vmem>>, vector<16xf32>,
        tpu.vector_store %arg10[%swap3A_282, %swap3A_283], %broadcast_in_dim3A_10 {strides = array<i32>} : memref<128x256xf32, #tpu.memory_space<vmem>>, vector<16xf32>,
        %swap3A_285 = arith.index_cast %while3A_243 : i32 to index
        %swap3A_286 = arith.constant 224 : index
        %swap3A_287 = tpu.vector_load %arg10[%swap3A_285, %swap3A_286] {strides = array<i32>} : memref<128x256xf32, #tpu.memory_space<vmem>>, vector<16xf32>,
        tpu.vector_store %arg10[%swap3A_285, %swap3A_286], %broadcast_in_dim3A_10 {strides = array<i32>} : memref<128x256xf32, #tpu.memory_space<vmem>>, vector<16xf32>,
        %swap3A_288 = arith.index_cast %while3A_243 : i32 to index
        %swap3A_289 = arith.constant 240 : index
        %swap3A_290 = tpu.vector_load %arg10[%swap3A_288, %swap3A_289] {strides = array<i32>} : memref<128x256xf32, #tpu.memory_space<vmem>>, vector<16xf32>,
        tpu.vector_store %arg10[%swap3A_288, %swap3A_289], %broadcast_in_dim3A_10 {strides = array<i32>} : memref<128x256xf32, #tpu.memory_space<vmem>>, vector<16xf32>,
      }
      %dma_start3A = arith.constant 0 : i32
      %dma_start3A_240 = tpu.memref_slice %arg4[%add3A_95, %dma_start3A] : memref<32768x256xf32, #tpu.memory_space<hbm>> -> memref<128x256xf32, #tpu.memory_space<hbm>>
      %dma_start3A_241 = arith.constant 0 : i32
      %dma_start3A_242 = tpu.memref_slice %arg4[%add3A_95, %dma_start3A_241] : memref<32768x256xf32, #tpu.memory_space<hbm>> -> memref<128x256xf32, #tpu.memory_space<hbm>>
      tpu.enqueue_dma source(%arg10 : memref<128x256xf32, #tpu.memory_space<vmem>>) target(%dma_start3A_242 : memref<128x256xf32, #tpu.memory_space<hbm>>) target_semaphore(%arg17 : memref<!tpu.dma_semaphore, #tpu.memory_space<semaphore_mem>>)
    } else {
    }
    %not3A_99 = arith.constant true
    %not3A_100 = arith.xori %lt3A_93, %not3A_99 : i1
    %convert_element_type3A_101 = arith.extui %not3A_100 : i1 to i32
    %cond3A_102 = arith.constant 0 : i32
    %cond3A_103 = arith.cmpi ne, %convert_element_type3A_101, %cond3A_102 : i32
    scf.if %cond3A_103 {
      %dma_start3A = arith.constant 0 : i32
      %dma_start3A_223 = tpu.memref_slice %arg4[%add3A_95, %dma_start3A] : memref<32768x256xf32, #tpu.memory_space<hbm>> -> memref<128x256xf32, #tpu.memory_space<hbm>>
      %dma_start3A_224 = arith.constant 0 : i32
      %dma_start3A_225 = arith.constant 0 : i32
      %dma_start3A_226 = tpu.memref_slice %dma_start3A_223[%dma_start3A_224, %dma_start3A_225] : memref<128x256xf32, #tpu.memory_space<hbm>> -> memref<64x256xf32, #tpu.memory_space<hbm>>
      %dma_start3A_227 = arith.constant 0 : i32
      %dma_start3A_228 = tpu.memref_slice %arg4[%add3A_95, %dma_start3A_227] : memref<32768x256xf32, #tpu.memory_space<hbm>> -> memref<128x256xf32, #tpu.memory_space<hbm>>
      %dma_start3A_229 = arith.constant 0 : i32
      %dma_start3A_230 = arith.constant 0 : i32
      %dma_start3A_231 = tpu.memref_slice %dma_start3A_228[%dma_start3A_229, %dma_start3A_230] : memref<128x256xf32, #tpu.memory_space<hbm>> -> memref<64x256xf32, #tpu.memory_space<hbm>>
      tpu.enqueue_dma source(%arg11 : memref<64x256xf32, #tpu.memory_space<vmem>>) target(%dma_start3A_231 : memref<64x256xf32, #tpu.memory_space<hbm>>) target_semaphore(%arg17 : memref<!tpu.dma_semaphore, #tpu.memory_space<semaphore_mem>>)
      %dma_start3A_232 = arith.constant 0 : i32
      %dma_start3A_233 = tpu.memref_slice %arg4[%add3A_95, %dma_start3A_232] : memref<32768x256xf32, #tpu.memory_space<hbm>> -> memref<128x256xf32, #tpu.memory_space<hbm>>
      %dma_start3A_234 = arith.constant 64 : i32
      %dma_start3A_235 = arith.constant 0 : i32
      %dma_start3A_236 = tpu.memref_slice %dma_start3A_233[%dma_start3A_234, %dma_start3A_235] : memref<128x256xf32, #tpu.memory_space<hbm>> -> memref<64x256xf32, #tpu.memory_space<hbm>>
      %dma_start3A_237 = arith.constant 0 : i32
      %dma_start3A_238 = tpu.memref_slice %arg4[%add3A_95, %dma_start3A_237] : memref<32768x256xf32, #tpu.memory_space<hbm>> -> memref<128x256xf32, #tpu.memory_space<hbm>>
      %dma_start3A_239 = arith.constant 64 : i32
      %dma_start3A_240 = arith.constant 0 : i32
      %dma_start3A_241 = tpu.memref_slice %dma_start3A_238[%dma_start3A_239, %dma_start3A_240] : memref<128x256xf32, #tpu.memory_space<hbm>> -> memref<64x256xf32, #tpu.memory_space<hbm>>
      tpu.enqueue_dma source(%arg11 : memref<64x256xf32, #tpu.memory_space<vmem>>) target(%dma_start3A_241 : memref<64x256xf32, #tpu.memory_space<hbm>>) target_semaphore(%arg17 : memref<!tpu.dma_semaphore, #tpu.memory_space<semaphore_mem>>)
    } else {
    }
    %add3A_104 = arith.constant 256 : i32
    %add3A_105 = arith.addi %add3A_24, %add3A_104 : i32
    %dma_wait3A_106 = arith.constant 0 : i32
    %dma_wait3A_107 = tpu.memref_slice %arg4[%add3A_105, %dma_wait3A_106] : memref<32768x256xf32, #tpu.memory_space<hbm>> -> memref<128x256xf32, #tpu.memory_space<hbm>>
    %dma_wait3A_108 = arith.constant 0 : i32
    %dma_wait3A_109 = tpu.memref_slice %arg4[%add3A_105, %dma_wait3A_108] : memref<32768x256xf32, #tpu.memory_space<hbm>> -> memref<128x256xf32, #tpu.memory_space<hbm>>
    tpu.wait_dma2 semaphore(%arg17 : memref<!tpu.dma_semaphore, #tpu.memory_space<semaphore_mem>>) src(%arg10 : memref<128x256xf32, #tpu.memory_space<vmem>>) dst(%dma_wait3A_109 : memref<128x256xf32, #tpu.memory_space<hbm>>)
    %add3A_110 = arith.constant 640 : i32
    %add3A_111 = arith.addi %mul3A_9, %add3A_110 : i32
    %lt3A_112 = arith.cmpi slt, %add3A_111, %min3A_17 : i32
    %convert_element_type3A_113 = arith.extui %lt3A_112 : i1 to i32
    %cond3A_114 = arith.constant 0 : i32
    %cond3A_115 = arith.cmpi ne, %convert_element_type3A_113, %cond3A_114 : i32
    scf.if %cond3A_115 {
      %scan3A_223 = arith.constant 0 : i32
      %scan3A_224 = arith.constant 0 : i32
      %scan3A_225 = arith.constant 8 : i32
      %scan3A_226 = arith.addi %scan3A_224, %scan3A_225 : i32
      %scan3A_227 = arith.constant 1 : i32
      %scan3A_228 = scf.for %scan3A_234 = %scan3A_224 to %scan3A_226 step %scan3A_227 iter_args(%scan3A_235 = %scan3A_223) -> (i32)  : i32 {
        %add3A_236 = arith.constant 640 : i32
        %add3A_237 = arith.addi %mul3A_9, %add3A_236 : i32
        %mul3A_238 = arith.constant 16 : i32
        %mul3A_239 = arith.muli %scan3A_234, %mul3A_238 : i32
        %add3A_240 = arith.addi %add3A_237, %mul3A_239 : i32
        %add3A_241 = vector.broadcast %add3A_240 : i32 to vector<16xi32>
        %add3A_242 = arith.addi %add3A_241, %iota3A : vector<16xi32>
        %broadcast_in_dim3A_243 = arith.constant 0 : i32
        %broadcast_in_dim3A_244 = vector.broadcast %broadcast_in_dim3A_243 : i32 to vector<16xi32>
        %add3A_245 = arith.constant 255 : i32
        %add3A_246 = vector.broadcast %add3A_245 : i32 to vector<16xi32>
        %add3A_247 = arith.addi %broadcast_in_dim3A_244, %add3A_246 : vector<16xi32>
        %gather3A = tpu.vector_load_idx %arg6[%add3A_247] : memref<512xi32, #tpu.memory_space<vmem>>[vector<16xi32>], vector<16xi32>,
        %le3A = arith.cmpi sle, %gather3A, %add3A_242 : vector<16xi32>
        %jit3A_248 = arith.constant 256 : i32
        %jit3A_249 = arith.constant 0 : i32
        %broadcast_in_dim3A_250 = vector.broadcast %jit3A_248 : i32 to vector<16xi32>
        %broadcast_in_dim3A_251 = vector.broadcast %jit3A_249 : i32 to vector<16xi32>
        %select_n3A_252 = arith.select %le3A, %broadcast_in_dim3A_250, %broadcast_in_dim3A_251 : vector<16xi1>, vector<16xi32>
        %add3A_253 = arith.addi %broadcast_in_dim3A_244, %select_n3A_252 : vector<16xi32>
        %add3A_254 = arith.constant 127 : i32
        %add3A_255 = vector.broadcast %add3A_254 : i32 to vector<16xi32>
        %add3A_256 = arith.addi %add3A_253, %add3A_255 : vector<16xi32>
        %gather3A_257 = tpu.vector_load_idx %arg6[%add3A_256] : memref<512xi32, #tpu.memory_space<vmem>>[vector<16xi32>], vector<16xi32>,
        %le3A_258 = arith.cmpi sle, %gather3A_257, %add3A_242 : vector<16xi32>
        %jit3A_259 = arith.constant 128 : i32
        %jit3A_260 = arith.constant 0 : i32
        %broadcast_in_dim3A_261 = vector.broadcast %jit3A_259 : i32 to vector<16xi32>
        %broadcast_in_dim3A_262 = vector.broadcast %jit3A_260 : i32 to vector<16xi32>
        %select_n3A_263 = arith.select %le3A_258, %broadcast_in_dim3A_261, %broadcast_in_dim3A_262 : vector<16xi1>, vector<16xi32>
        %add3A_264 = arith.addi %add3A_253, %select_n3A_263 : vector<16xi32>
        %add3A_265 = arith.constant 63 : i32
        %add3A_266 = vector.broadcast %add3A_265 : i32 to vector<16xi32>
        %add3A_267 = arith.addi %add3A_264, %add3A_266 : vector<16xi32>
        %gather3A_268 = tpu.vector_load_idx %arg6[%add3A_267] : memref<512xi32, #tpu.memory_space<vmem>>[vector<16xi32>], vector<16xi32>,
        %le3A_269 = arith.cmpi sle, %gather3A_268, %add3A_242 : vector<16xi32>
        %jit3A_270 = arith.constant 64 : i32
        %jit3A_271 = arith.constant 0 : i32
        %broadcast_in_dim3A_272 = vector.broadcast %jit3A_270 : i32 to vector<16xi32>
        %broadcast_in_dim3A_273 = vector.broadcast %jit3A_271 : i32 to vector<16xi32>
        %select_n3A_274 = arith.select %le3A_269, %broadcast_in_dim3A_272, %broadcast_in_dim3A_273 : vector<16xi1>, vector<16xi32>
        %add3A_275 = arith.addi %add3A_264, %select_n3A_274 : vector<16xi32>
        %add3A_276 = arith.constant 31 : i32
        %add3A_277 = vector.broadcast %add3A_276 : i32 to vector<16xi32>
        %add3A_278 = arith.addi %add3A_275, %add3A_277 : vector<16xi32>
        %gather3A_279 = tpu.vector_load_idx %arg6[%add3A_278] : memref<512xi32, #tpu.memory_space<vmem>>[vector<16xi32>], vector<16xi32>,
        %le3A_280 = arith.cmpi sle, %gather3A_279, %add3A_242 : vector<16xi32>
        %jit3A_281 = arith.constant 32 : i32
        %jit3A_282 = arith.constant 0 : i32
        %broadcast_in_dim3A_283 = vector.broadcast %jit3A_281 : i32 to vector<16xi32>
        %broadcast_in_dim3A_284 = vector.broadcast %jit3A_282 : i32 to vector<16xi32>
        %select_n3A_285 = arith.select %le3A_280, %broadcast_in_dim3A_283, %broadcast_in_dim3A_284 : vector<16xi1>, vector<16xi32>
        %add3A_286 = arith.addi %add3A_275, %select_n3A_285 : vector<16xi32>
        %add3A_287 = arith.constant 15 : i32
        %add3A_288 = vector.broadcast %add3A_287 : i32 to vector<16xi32>
        %add3A_289 = arith.addi %add3A_286, %add3A_288 : vector<16xi32>
        %gather3A_290 = tpu.vector_load_idx %arg6[%add3A_289] : memref<512xi32, #tpu.memory_space<vmem>>[vector<16xi32>], vector<16xi32>,
        %le3A_291 = arith.cmpi sle, %gather3A_290, %add3A_242 : vector<16xi32>
        %jit3A_292 = arith.constant 16 : i32
        %jit3A_293 = arith.constant 0 : i32
        %broadcast_in_dim3A_294 = vector.broadcast %jit3A_292 : i32 to vector<16xi32>
        %broadcast_in_dim3A_295 = vector.broadcast %jit3A_293 : i32 to vector<16xi32>
        %select_n3A_296 = arith.select %le3A_291, %broadcast_in_dim3A_294, %broadcast_in_dim3A_295 : vector<16xi1>, vector<16xi32>
        %add3A_297 = arith.addi %add3A_286, %select_n3A_296 : vector<16xi32>
        %add3A_298 = arith.constant 7 : i32
        %add3A_299 = vector.broadcast %add3A_298 : i32 to vector<16xi32>
        %add3A_300 = arith.addi %add3A_297, %add3A_299 : vector<16xi32>
        %gather3A_301 = tpu.vector_load_idx %arg6[%add3A_300] : memref<512xi32, #tpu.memory_space<vmem>>[vector<16xi32>], vector<16xi32>,
        %le3A_302 = arith.cmpi sle, %gather3A_301, %add3A_242 : vector<16xi32>
        %jit3A_303 = arith.constant 8 : i32
        %jit3A_304 = arith.constant 0 : i32
        %broadcast_in_dim3A_305 = vector.broadcast %jit3A_303 : i32 to vector<16xi32>
        %broadcast_in_dim3A_306 = vector.broadcast %jit3A_304 : i32 to vector<16xi32>
        %select_n3A_307 = arith.select %le3A_302, %broadcast_in_dim3A_305, %broadcast_in_dim3A_306 : vector<16xi1>, vector<16xi32>
        %add3A_308 = arith.addi %add3A_297, %select_n3A_307 : vector<16xi32>
        %add3A_309 = arith.constant 3 : i32
        %add3A_310 = vector.broadcast %add3A_309 : i32 to vector<16xi32>
        %add3A_311 = arith.addi %add3A_308, %add3A_310 : vector<16xi32>
        %gather3A_312 = tpu.vector_load_idx %arg6[%add3A_311] : memref<512xi32, #tpu.memory_space<vmem>>[vector<16xi32>], vector<16xi32>,
        %le3A_313 = arith.cmpi sle, %gather3A_312, %add3A_242 : vector<16xi32>
        %jit3A_314 = arith.constant 4 : i32
        %jit3A_315 = arith.constant 0 : i32
        %broadcast_in_dim3A_316 = vector.broadcast %jit3A_314 : i32 to vector<16xi32>
        %broadcast_in_dim3A_317 = vector.broadcast %jit3A_315 : i32 to vector<16xi32>
        %select_n3A_318 = arith.select %le3A_313, %broadcast_in_dim3A_316, %broadcast_in_dim3A_317 : vector<16xi1>, vector<16xi32>
        %add3A_319 = arith.addi %add3A_308, %select_n3A_318 : vector<16xi32>
        %add3A_320 = arith.constant 1 : i32
        %add3A_321 = vector.broadcast %add3A_320 : i32 to vector<16xi32>
        %add3A_322 = arith.addi %add3A_319, %add3A_321 : vector<16xi32>
        %gather3A_323 = tpu.vector_load_idx %arg6[%add3A_322] : memref<512xi32, #tpu.memory_space<vmem>>[vector<16xi32>], vector<16xi32>,
        %le3A_324 = arith.cmpi sle, %gather3A_323, %add3A_242 : vector<16xi32>
        %jit3A_325 = arith.constant 2 : i32
        %jit3A_326 = arith.constant 0 : i32
        %broadcast_in_dim3A_327 = vector.broadcast %jit3A_325 : i32 to vector<16xi32>
        %broadcast_in_dim3A_328 = vector.broadcast %jit3A_326 : i32 to vector<16xi32>
        %select_n3A_329 = arith.select %le3A_324, %broadcast_in_dim3A_327, %broadcast_in_dim3A_328 : vector<16xi1>, vector<16xi32>
        %add3A_330 = arith.addi %add3A_319, %select_n3A_329 : vector<16xi32>
        %add3A_331 = arith.constant 0 : i32
        %add3A_332 = vector.broadcast %add3A_331 : i32 to vector<16xi32>
        %add3A_333 = arith.addi %add3A_330, %add3A_332 : vector<16xi32>
        %gather3A_334 = tpu.vector_load_idx %arg6[%add3A_333] : memref<512xi32, #tpu.memory_space<vmem>>[vector<16xi32>], vector<16xi32>,
        %le3A_335 = arith.cmpi sle, %gather3A_334, %add3A_242 : vector<16xi32>
        %jit3A_336 = arith.constant 1 : i32
        %jit3A_337 = arith.constant 0 : i32
        %broadcast_in_dim3A_338 = vector.broadcast %jit3A_336 : i32 to vector<16xi32>
        %broadcast_in_dim3A_339 = vector.broadcast %jit3A_337 : i32 to vector<16xi32>
        %select_n3A_340 = arith.select %le3A_335, %broadcast_in_dim3A_338, %broadcast_in_dim3A_339 : vector<16xi1>, vector<16xi32>
        %add3A_341 = arith.addi %add3A_330, %select_n3A_340 : vector<16xi32>
        %gather3A_342 = tpu.vector_load_idx %arg6[%add3A_341] : memref<512xi32, #tpu.memory_space<vmem>>[vector<16xi32>], vector<16xi32>,
        %le3A_343 = arith.cmpi sle, %gather3A_342, %add3A_242 : vector<16xi32>
        %jit3A_344 = arith.constant 1 : i32
        %jit3A_345 = arith.constant 0 : i32
        %broadcast_in_dim3A_346 = vector.broadcast %jit3A_344 : i32 to vector<16xi32>
        %broadcast_in_dim3A_347 = vector.broadcast %jit3A_345 : i32 to vector<16xi32>
        %select_n3A_348 = arith.select %le3A_343, %broadcast_in_dim3A_346, %broadcast_in_dim3A_347 : vector<16xi1>, vector<16xi32>
        %add3A_349 = arith.addi %add3A_341, %select_n3A_348 : vector<16xi32>
        %gt3A = arith.constant 511 : i32
        %gt3A_350 = vector.broadcast %gt3A : i32 to vector<16xi32>
        %gt3A_351 = arith.cmpi sgt, %add3A_349, %gt3A_350 : vector<16xi32>
        %and3A_352 = arith.constant 511 : i32
        %and3A_353 = vector.broadcast %and3A_352 : i32 to vector<16xi32>
        %and3A_354 = arith.andi %add3A_242, %and3A_353 : vector<16xi32>
        %select_n3A_355 = arith.select %gt3A_351, %and3A_354, %add3A_349 : vector<16xi1>, vector<16xi32>
        %mul3A_356 = arith.constant 512 : i32
        %mul3A_357 = arith.muli %arg1, %mul3A_356 : i32
        %add3A_358 = vector.broadcast %mul3A_357 : i32 to vector<16xi32>
        %add3A_359 = arith.addi %add3A_358, %select_n3A_355 : vector<16xi32>
        %mul3A_360 = arith.constant 16 : i32
        %mul3A_361 = arith.muli %scan3A_234, %mul3A_360 : i32
        %add3A_362 = arith.constant 640 : i32
        %add3A_363 = arith.addi %add3A_362, %mul3A_361 : i32
        %swap3A = arith.index_cast %add3A_363 : i32 to index
        %swap3A_364 = tpu.vector_load %arg7[%swap3A] {strides = array<i32>} : memref<1024xi32, #tpu.memory_space<vmem>>, vector<16xi32>,
        tpu.vector_store %arg7[%swap3A], %add3A_359 {strides = array<i32>} : memref<1024xi32, #tpu.memory_space<vmem>>, vector<16xi32>,
        %scan3A_365 = arith.constant 0 : i32
        scf.yield %scan3A_365 : i32
      }
      %scan3A_229 = arith.constant 8 : i32
      %dma_start3A = arith.constant 640 : i32
      %dma_start3A_230 = tpu.memref_slice %arg7[%dma_start3A] : memref<1024xi32, #tpu.memory_space<vmem>> -> memref<128xi32, #tpu.memory_space<vmem>>
      %dma_start3A_231 = arith.constant 0 : i32
      %dma_start3A_232 = arith.constant 0 : i32
      %dma_start3A_233 = tpu.memref_slice %arg2[%dma_start3A_231, %dma_start3A_232] : memref<8192x256xf32, #tpu.memory_space<hbm>> -> memref<8192x256xf32, #tpu.memory_space<hbm>>
      tpu.enqueue_indirect_dma source(%dma_start3A_233 : memref<8192x256xf32, #tpu.memory_space<hbm>>) target(%arg10 : memref<128x256xf32, #tpu.memory_space<vmem>>) offsets(%dma_start3A_230 : memref<128xi32, #tpu.memory_space<vmem>>) semaphore(%arg14 : memref<!tpu.dma_semaphore, #tpu.memory_space<semaphore_mem>>)
    } else {
    }
    %add3A_116 = arith.constant 384 : i32
    %add3A_117 = arith.addi %mul3A_9, %add3A_116 : i32
    %lt3A_118 = arith.cmpi slt, %add3A_117, %min3A_17 : i32
    %add3A_119 = arith.constant 384 : i32
    %add3A_120 = arith.addi %add3A_24, %add3A_119 : i32
    %convert_element_type3A_121 = arith.extui %lt3A_118 : i1 to i32
    %cond3A_122 = arith.constant 0 : i32
    %cond3A_123 = arith.cmpi ne, %convert_element_type3A_121, %cond3A_122 : i32
    scf.if %cond3A_123 {
      %dma_wait3A_223 = arith.constant 384 : i32
      %dma_wait3A_224 = tpu.memref_slice %arg7[%dma_wait3A_223] : memref<1024xi32, #tpu.memory_space<vmem>> -> memref<128xi32, #tpu.memory_space<vmem>>
      %dma_wait3A_225 = arith.constant 0 : i32
      %dma_wait3A_226 = arith.constant 0 : i32
      %dma_wait3A_227 = tpu.memref_slice %arg2[%dma_wait3A_225, %dma_wait3A_226] : memref<8192x256xf32, #tpu.memory_space<hbm>> -> memref<8192x256xf32, #tpu.memory_space<hbm>>
      tpu.wait_indirect_dma semaphore(%arg12 : memref<!tpu.dma_semaphore, #tpu.memory_space<semaphore_mem>>) src(%dma_wait3A_227 : memref<8192x256xf32, #tpu.memory_space<hbm>>) dst(%arg8 : memref<128x256xf32, #tpu.memory_space<vmem>>)
      %sub3A = arith.subi %min3A_17, %add3A_117 : i32
      %jit3A_228 = arith.constant 0 : i32
      %jit3A_229 = arith.constant 128 : i32
      %max3A = arith.maxsi %jit3A_228, %sub3A : i32
      %min3A_230 = arith.minsi %jit3A_229, %max3A : i32
      %while3A = arith.constant 0 : i32
      %while3A_231 = arith.constant 128 : i32
      %while3A_232 = arith.subi %while3A_231, %min3A_230 : i32
      %while3A_233 = arith.addi %min3A_230, %while3A_232 : i32
      %while3A_234 = arith.constant 1 : i32
      %while3A_235 = arith.divsi %while3A_232, %while3A_234 : i32
      %while3A_236 = arith.muli %while3A_235, %while3A_234 : i32
      %while3A_237 = arith.addi %min3A_230, %while3A_236 : i32
      %while3A_238 = arith.constant 1 : i32
      scf.for %while3A_243 = %min3A_230 to %while3A_237 step %while3A_238  : i32 {
        %swap3A = arith.index_cast %while3A_243 : i32 to index
        %swap3A_244 = arith.constant 0 : index
        %swap3A_245 = tpu.vector_load %arg8[%swap3A, %swap3A_244] {strides = array<i32>} : memref<128x256xf32, #tpu.memory_space<vmem>>, vector<16xf32>,
        tpu.vector_store %arg8[%swap3A, %swap3A_244], %broadcast_in_dim3A_10 {strides = array<i32>} : memref<128x256xf32, #tpu.memory_space<vmem>>, vector<16xf32>,
        %swap3A_246 = arith.index_cast %while3A_243 : i32 to index
        %swap3A_247 = arith.constant 16 : index
        %swap3A_248 = tpu.vector_load %arg8[%swap3A_246, %swap3A_247] {strides = array<i32>} : memref<128x256xf32, #tpu.memory_space<vmem>>, vector<16xf32>,
        tpu.vector_store %arg8[%swap3A_246, %swap3A_247], %broadcast_in_dim3A_10 {strides = array<i32>} : memref<128x256xf32, #tpu.memory_space<vmem>>, vector<16xf32>,
        %swap3A_249 = arith.index_cast %while3A_243 : i32 to index
        %swap3A_250 = arith.constant 32 : index
        %swap3A_251 = tpu.vector_load %arg8[%swap3A_249, %swap3A_250] {strides = array<i32>} : memref<128x256xf32, #tpu.memory_space<vmem>>, vector<16xf32>,
        tpu.vector_store %arg8[%swap3A_249, %swap3A_250], %broadcast_in_dim3A_10 {strides = array<i32>} : memref<128x256xf32, #tpu.memory_space<vmem>>, vector<16xf32>,
        %swap3A_252 = arith.index_cast %while3A_243 : i32 to index
        %swap3A_253 = arith.constant 48 : index
        %swap3A_254 = tpu.vector_load %arg8[%swap3A_252, %swap3A_253] {strides = array<i32>} : memref<128x256xf32, #tpu.memory_space<vmem>>, vector<16xf32>,
        tpu.vector_store %arg8[%swap3A_252, %swap3A_253], %broadcast_in_dim3A_10 {strides = array<i32>} : memref<128x256xf32, #tpu.memory_space<vmem>>, vector<16xf32>,
        %swap3A_255 = arith.index_cast %while3A_243 : i32 to index
        %swap3A_256 = arith.constant 64 : index
        %swap3A_257 = tpu.vector_load %arg8[%swap3A_255, %swap3A_256] {strides = array<i32>} : memref<128x256xf32, #tpu.memory_space<vmem>>, vector<16xf32>,
        tpu.vector_store %arg8[%swap3A_255, %swap3A_256], %broadcast_in_dim3A_10 {strides = array<i32>} : memref<128x256xf32, #tpu.memory_space<vmem>>, vector<16xf32>,
        %swap3A_258 = arith.index_cast %while3A_243 : i32 to index
        %swap3A_259 = arith.constant 80 : index
        %swap3A_260 = tpu.vector_load %arg8[%swap3A_258, %swap3A_259] {strides = array<i32>} : memref<128x256xf32, #tpu.memory_space<vmem>>, vector<16xf32>,
        tpu.vector_store %arg8[%swap3A_258, %swap3A_259], %broadcast_in_dim3A_10 {strides = array<i32>} : memref<128x256xf32, #tpu.memory_space<vmem>>, vector<16xf32>,
        %swap3A_261 = arith.index_cast %while3A_243 : i32 to index
        %swap3A_262 = arith.constant 96 : index
        %swap3A_263 = tpu.vector_load %arg8[%swap3A_261, %swap3A_262] {strides = array<i32>} : memref<128x256xf32, #tpu.memory_space<vmem>>, vector<16xf32>,
        tpu.vector_store %arg8[%swap3A_261, %swap3A_262], %broadcast_in_dim3A_10 {strides = array<i32>} : memref<128x256xf32, #tpu.memory_space<vmem>>, vector<16xf32>,
        %swap3A_264 = arith.index_cast %while3A_243 : i32 to index
        %swap3A_265 = arith.constant 112 : index
        %swap3A_266 = tpu.vector_load %arg8[%swap3A_264, %swap3A_265] {strides = array<i32>} : memref<128x256xf32, #tpu.memory_space<vmem>>, vector<16xf32>,
        tpu.vector_store %arg8[%swap3A_264, %swap3A_265], %broadcast_in_dim3A_10 {strides = array<i32>} : memref<128x256xf32, #tpu.memory_space<vmem>>, vector<16xf32>,
        %swap3A_267 = arith.index_cast %while3A_243 : i32 to index
        %swap3A_268 = arith.constant 128 : index
        %swap3A_269 = tpu.vector_load %arg8[%swap3A_267, %swap3A_268] {strides = array<i32>} : memref<128x256xf32, #tpu.memory_space<vmem>>, vector<16xf32>,
        tpu.vector_store %arg8[%swap3A_267, %swap3A_268], %broadcast_in_dim3A_10 {strides = array<i32>} : memref<128x256xf32, #tpu.memory_space<vmem>>, vector<16xf32>,
        %swap3A_270 = arith.index_cast %while3A_243 : i32 to index
        %swap3A_271 = arith.constant 144 : index
        %swap3A_272 = tpu.vector_load %arg8[%swap3A_270, %swap3A_271] {strides = array<i32>} : memref<128x256xf32, #tpu.memory_space<vmem>>, vector<16xf32>,
        tpu.vector_store %arg8[%swap3A_270, %swap3A_271], %broadcast_in_dim3A_10 {strides = array<i32>} : memref<128x256xf32, #tpu.memory_space<vmem>>, vector<16xf32>,
        %swap3A_273 = arith.index_cast %while3A_243 : i32 to index
        %swap3A_274 = arith.constant 160 : index
        %swap3A_275 = tpu.vector_load %arg8[%swap3A_273, %swap3A_274] {strides = array<i32>} : memref<128x256xf32, #tpu.memory_space<vmem>>, vector<16xf32>,
        tpu.vector_store %arg8[%swap3A_273, %swap3A_274], %broadcast_in_dim3A_10 {strides = array<i32>} : memref<128x256xf32, #tpu.memory_space<vmem>>, vector<16xf32>,
        %swap3A_276 = arith.index_cast %while3A_243 : i32 to index
        %swap3A_277 = arith.constant 176 : index
        %swap3A_278 = tpu.vector_load %arg8[%swap3A_276, %swap3A_277] {strides = array<i32>} : memref<128x256xf32, #tpu.memory_space<vmem>>, vector<16xf32>,
        tpu.vector_store %arg8[%swap3A_276, %swap3A_277], %broadcast_in_dim3A_10 {strides = array<i32>} : memref<128x256xf32, #tpu.memory_space<vmem>>, vector<16xf32>,
        %swap3A_279 = arith.index_cast %while3A_243 : i32 to index
        %swap3A_280 = arith.constant 192 : index
        %swap3A_281 = tpu.vector_load %arg8[%swap3A_279, %swap3A_280] {strides = array<i32>} : memref<128x256xf32, #tpu.memory_space<vmem>>, vector<16xf32>,
        tpu.vector_store %arg8[%swap3A_279, %swap3A_280], %broadcast_in_dim3A_10 {strides = array<i32>} : memref<128x256xf32, #tpu.memory_space<vmem>>, vector<16xf32>,
        %swap3A_282 = arith.index_cast %while3A_243 : i32 to index
        %swap3A_283 = arith.constant 208 : index
        %swap3A_284 = tpu.vector_load %arg8[%swap3A_282, %swap3A_283] {strides = array<i32>} : memref<128x256xf32, #tpu.memory_space<vmem>>, vector<16xf32>,
        tpu.vector_store %arg8[%swap3A_282, %swap3A_283], %broadcast_in_dim3A_10 {strides = array<i32>} : memref<128x256xf32, #tpu.memory_space<vmem>>, vector<16xf32>,
        %swap3A_285 = arith.index_cast %while3A_243 : i32 to index
        %swap3A_286 = arith.constant 224 : index
        %swap3A_287 = tpu.vector_load %arg8[%swap3A_285, %swap3A_286] {strides = array<i32>} : memref<128x256xf32, #tpu.memory_space<vmem>>, vector<16xf32>,
        tpu.vector_store %arg8[%swap3A_285, %swap3A_286], %broadcast_in_dim3A_10 {strides = array<i32>} : memref<128x256xf32, #tpu.memory_space<vmem>>, vector<16xf32>,
        %swap3A_288 = arith.index_cast %while3A_243 : i32 to index
        %swap3A_289 = arith.constant 240 : index
        %swap3A_290 = tpu.vector_load %arg8[%swap3A_288, %swap3A_289] {strides = array<i32>} : memref<128x256xf32, #tpu.memory_space<vmem>>, vector<16xf32>,
        tpu.vector_store %arg8[%swap3A_288, %swap3A_289], %broadcast_in_dim3A_10 {strides = array<i32>} : memref<128x256xf32, #tpu.memory_space<vmem>>, vector<16xf32>,
      }
      %while3A_239 = arith.constant 1 : i32
      scf.for %while3A_243 = %while3A_237 to %while3A_233 step %while3A_239  : i32 {
        %swap3A = arith.index_cast %while3A_243 : i32 to index
        %swap3A_244 = arith.constant 0 : index
        %swap3A_245 = tpu.vector_load %arg8[%swap3A, %swap3A_244] {strides = array<i32>} : memref<128x256xf32, #tpu.memory_space<vmem>>, vector<16xf32>,
        tpu.vector_store %arg8[%swap3A, %swap3A_244], %broadcast_in_dim3A_10 {strides = array<i32>} : memref<128x256xf32, #tpu.memory_space<vmem>>, vector<16xf32>,
        %swap3A_246 = arith.index_cast %while3A_243 : i32 to index
        %swap3A_247 = arith.constant 16 : index
        %swap3A_248 = tpu.vector_load %arg8[%swap3A_246, %swap3A_247] {strides = array<i32>} : memref<128x256xf32, #tpu.memory_space<vmem>>, vector<16xf32>,
        tpu.vector_store %arg8[%swap3A_246, %swap3A_247], %broadcast_in_dim3A_10 {strides = array<i32>} : memref<128x256xf32, #tpu.memory_space<vmem>>, vector<16xf32>,
        %swap3A_249 = arith.index_cast %while3A_243 : i32 to index
        %swap3A_250 = arith.constant 32 : index
        %swap3A_251 = tpu.vector_load %arg8[%swap3A_249, %swap3A_250] {strides = array<i32>} : memref<128x256xf32, #tpu.memory_space<vmem>>, vector<16xf32>,
        tpu.vector_store %arg8[%swap3A_249, %swap3A_250], %broadcast_in_dim3A_10 {strides = array<i32>} : memref<128x256xf32, #tpu.memory_space<vmem>>, vector<16xf32>,
        %swap3A_252 = arith.index_cast %while3A_243 : i32 to index
        %swap3A_253 = arith.constant 48 : index
        %swap3A_254 = tpu.vector_load %arg8[%swap3A_252, %swap3A_253] {strides = array<i32>} : memref<128x256xf32, #tpu.memory_space<vmem>>, vector<16xf32>,
        tpu.vector_store %arg8[%swap3A_252, %swap3A_253], %broadcast_in_dim3A_10 {strides = array<i32>} : memref<128x256xf32, #tpu.memory_space<vmem>>, vector<16xf32>,
        %swap3A_255 = arith.index_cast %while3A_243 : i32 to index
        %swap3A_256 = arith.constant 64 : index
        %swap3A_257 = tpu.vector_load %arg8[%swap3A_255, %swap3A_256] {strides = array<i32>} : memref<128x256xf32, #tpu.memory_space<vmem>>, vector<16xf32>,
        tpu.vector_store %arg8[%swap3A_255, %swap3A_256], %broadcast_in_dim3A_10 {strides = array<i32>} : memref<128x256xf32, #tpu.memory_space<vmem>>, vector<16xf32>,
        %swap3A_258 = arith.index_cast %while3A_243 : i32 to index
        %swap3A_259 = arith.constant 80 : index
        %swap3A_260 = tpu.vector_load %arg8[%swap3A_258, %swap3A_259] {strides = array<i32>} : memref<128x256xf32, #tpu.memory_space<vmem>>, vector<16xf32>,
        tpu.vector_store %arg8[%swap3A_258, %swap3A_259], %broadcast_in_dim3A_10 {strides = array<i32>} : memref<128x256xf32, #tpu.memory_space<vmem>>, vector<16xf32>,
        %swap3A_261 = arith.index_cast %while3A_243 : i32 to index
        %swap3A_262 = arith.constant 96 : index
        %swap3A_263 = tpu.vector_load %arg8[%swap3A_261, %swap3A_262] {strides = array<i32>} : memref<128x256xf32, #tpu.memory_space<vmem>>, vector<16xf32>,
        tpu.vector_store %arg8[%swap3A_261, %swap3A_262], %broadcast_in_dim3A_10 {strides = array<i32>} : memref<128x256xf32, #tpu.memory_space<vmem>>, vector<16xf32>,
        %swap3A_264 = arith.index_cast %while3A_243 : i32 to index
        %swap3A_265 = arith.constant 112 : index
        %swap3A_266 = tpu.vector_load %arg8[%swap3A_264, %swap3A_265] {strides = array<i32>} : memref<128x256xf32, #tpu.memory_space<vmem>>, vector<16xf32>,
        tpu.vector_store %arg8[%swap3A_264, %swap3A_265], %broadcast_in_dim3A_10 {strides = array<i32>} : memref<128x256xf32, #tpu.memory_space<vmem>>, vector<16xf32>,
        %swap3A_267 = arith.index_cast %while3A_243 : i32 to index
        %swap3A_268 = arith.constant 128 : index
        %swap3A_269 = tpu.vector_load %arg8[%swap3A_267, %swap3A_268] {strides = array<i32>} : memref<128x256xf32, #tpu.memory_space<vmem>>, vector<16xf32>,
        tpu.vector_store %arg8[%swap3A_267, %swap3A_268], %broadcast_in_dim3A_10 {strides = array<i32>} : memref<128x256xf32, #tpu.memory_space<vmem>>, vector<16xf32>,
        %swap3A_270 = arith.index_cast %while3A_243 : i32 to index
        %swap3A_271 = arith.constant 144 : index
        %swap3A_272 = tpu.vector_load %arg8[%swap3A_270, %swap3A_271] {strides = array<i32>} : memref<128x256xf32, #tpu.memory_space<vmem>>, vector<16xf32>,
        tpu.vector_store %arg8[%swap3A_270, %swap3A_271], %broadcast_in_dim3A_10 {strides = array<i32>} : memref<128x256xf32, #tpu.memory_space<vmem>>, vector<16xf32>,
        %swap3A_273 = arith.index_cast %while3A_243 : i32 to index
        %swap3A_274 = arith.constant 160 : index
        %swap3A_275 = tpu.vector_load %arg8[%swap3A_273, %swap3A_274] {strides = array<i32>} : memref<128x256xf32, #tpu.memory_space<vmem>>, vector<16xf32>,
        tpu.vector_store %arg8[%swap3A_273, %swap3A_274], %broadcast_in_dim3A_10 {strides = array<i32>} : memref<128x256xf32, #tpu.memory_space<vmem>>, vector<16xf32>,
        %swap3A_276 = arith.index_cast %while3A_243 : i32 to index
        %swap3A_277 = arith.constant 176 : index
        %swap3A_278 = tpu.vector_load %arg8[%swap3A_276, %swap3A_277] {strides = array<i32>} : memref<128x256xf32, #tpu.memory_space<vmem>>, vector<16xf32>,
        tpu.vector_store %arg8[%swap3A_276, %swap3A_277], %broadcast_in_dim3A_10 {strides = array<i32>} : memref<128x256xf32, #tpu.memory_space<vmem>>, vector<16xf32>,
        %swap3A_279 = arith.index_cast %while3A_243 : i32 to index
        %swap3A_280 = arith.constant 192 : index
        %swap3A_281 = tpu.vector_load %arg8[%swap3A_279, %swap3A_280] {strides = array<i32>} : memref<128x256xf32, #tpu.memory_space<vmem>>, vector<16xf32>,
        tpu.vector_store %arg8[%swap3A_279, %swap3A_280], %broadcast_in_dim3A_10 {strides = array<i32>} : memref<128x256xf32, #tpu.memory_space<vmem>>, vector<16xf32>,
        %swap3A_282 = arith.index_cast %while3A_243 : i32 to index
        %swap3A_283 = arith.constant 208 : index
        %swap3A_284 = tpu.vector_load %arg8[%swap3A_282, %swap3A_283] {strides = array<i32>} : memref<128x256xf32, #tpu.memory_space<vmem>>, vector<16xf32>,
        tpu.vector_store %arg8[%swap3A_282, %swap3A_283], %broadcast_in_dim3A_10 {strides = array<i32>} : memref<128x256xf32, #tpu.memory_space<vmem>>, vector<16xf32>,
        %swap3A_285 = arith.index_cast %while3A_243 : i32 to index
        %swap3A_286 = arith.constant 224 : index
        %swap3A_287 = tpu.vector_load %arg8[%swap3A_285, %swap3A_286] {strides = array<i32>} : memref<128x256xf32, #tpu.memory_space<vmem>>, vector<16xf32>,
        tpu.vector_store %arg8[%swap3A_285, %swap3A_286], %broadcast_in_dim3A_10 {strides = array<i32>} : memref<128x256xf32, #tpu.memory_space<vmem>>, vector<16xf32>,
        %swap3A_288 = arith.index_cast %while3A_243 : i32 to index
        %swap3A_289 = arith.constant 240 : index
        %swap3A_290 = tpu.vector_load %arg8[%swap3A_288, %swap3A_289] {strides = array<i32>} : memref<128x256xf32, #tpu.memory_space<vmem>>, vector<16xf32>,
        tpu.vector_store %arg8[%swap3A_288, %swap3A_289], %broadcast_in_dim3A_10 {strides = array<i32>} : memref<128x256xf32, #tpu.memory_space<vmem>>, vector<16xf32>,
      }
      %dma_start3A = arith.constant 0 : i32
      %dma_start3A_240 = tpu.memref_slice %arg4[%add3A_120, %dma_start3A] : memref<32768x256xf32, #tpu.memory_space<hbm>> -> memref<128x256xf32, #tpu.memory_space<hbm>>
      %dma_start3A_241 = arith.constant 0 : i32
      %dma_start3A_242 = tpu.memref_slice %arg4[%add3A_120, %dma_start3A_241] : memref<32768x256xf32, #tpu.memory_space<hbm>> -> memref<128x256xf32, #tpu.memory_space<hbm>>
      tpu.enqueue_dma source(%arg8 : memref<128x256xf32, #tpu.memory_space<vmem>>) target(%dma_start3A_242 : memref<128x256xf32, #tpu.memory_space<hbm>>) target_semaphore(%arg15 : memref<!tpu.dma_semaphore, #tpu.memory_space<semaphore_mem>>)
    } else {
    }
    %not3A_124 = arith.constant true
    %not3A_125 = arith.xori %lt3A_118, %not3A_124 : i1
    %convert_element_type3A_126 = arith.extui %not3A_125 : i1 to i32
    %cond3A_127 = arith.constant 0 : i32
    %cond3A_128 = arith.cmpi ne, %convert_element_type3A_126, %cond3A_127 : i32
    scf.if %cond3A_128 {
      %dma_start3A = arith.constant 0 : i32
      %dma_start3A_223 = tpu.memref_slice %arg4[%add3A_120, %dma_start3A] : memref<32768x256xf32, #tpu.memory_space<hbm>> -> memref<128x256xf32, #tpu.memory_space<hbm>>
      %dma_start3A_224 = arith.constant 0 : i32
      %dma_start3A_225 = arith.constant 0 : i32
      %dma_start3A_226 = tpu.memref_slice %dma_start3A_223[%dma_start3A_224, %dma_start3A_225] : memref<128x256xf32, #tpu.memory_space<hbm>> -> memref<64x256xf32, #tpu.memory_space<hbm>>
      %dma_start3A_227 = arith.constant 0 : i32
      %dma_start3A_228 = tpu.memref_slice %arg4[%add3A_120, %dma_start3A_227] : memref<32768x256xf32, #tpu.memory_space<hbm>> -> memref<128x256xf32, #tpu.memory_space<hbm>>
      %dma_start3A_229 = arith.constant 0 : i32
      %dma_start3A_230 = arith.constant 0 : i32
      %dma_start3A_231 = tpu.memref_slice %dma_start3A_228[%dma_start3A_229, %dma_start3A_230] : memref<128x256xf32, #tpu.memory_space<hbm>> -> memref<64x256xf32, #tpu.memory_space<hbm>>
      tpu.enqueue_dma source(%arg11 : memref<64x256xf32, #tpu.memory_space<vmem>>) target(%dma_start3A_231 : memref<64x256xf32, #tpu.memory_space<hbm>>) target_semaphore(%arg15 : memref<!tpu.dma_semaphore, #tpu.memory_space<semaphore_mem>>)
      %dma_start3A_232 = arith.constant 0 : i32
      %dma_start3A_233 = tpu.memref_slice %arg4[%add3A_120, %dma_start3A_232] : memref<32768x256xf32, #tpu.memory_space<hbm>> -> memref<128x256xf32, #tpu.memory_space<hbm>>
      %dma_start3A_234 = arith.constant 64 : i32
      %dma_start3A_235 = arith.constant 0 : i32
      %dma_start3A_236 = tpu.memref_slice %dma_start3A_233[%dma_start3A_234, %dma_start3A_235] : memref<128x256xf32, #tpu.memory_space<hbm>> -> memref<64x256xf32, #tpu.memory_space<hbm>>
      %dma_start3A_237 = arith.constant 0 : i32
      %dma_start3A_238 = tpu.memref_slice %arg4[%add3A_120, %dma_start3A_237] : memref<32768x256xf32, #tpu.memory_space<hbm>> -> memref<128x256xf32, #tpu.memory_space<hbm>>
      %dma_start3A_239 = arith.constant 64 : i32
      %dma_start3A_240 = arith.constant 0 : i32
      %dma_start3A_241 = tpu.memref_slice %dma_start3A_238[%dma_start3A_239, %dma_start3A_240] : memref<128x256xf32, #tpu.memory_space<hbm>> -> memref<64x256xf32, #tpu.memory_space<hbm>>
      tpu.enqueue_dma source(%arg11 : memref<64x256xf32, #tpu.memory_space<vmem>>) target(%dma_start3A_241 : memref<64x256xf32, #tpu.memory_space<hbm>>) target_semaphore(%arg15 : memref<!tpu.dma_semaphore, #tpu.memory_space<semaphore_mem>>)
    } else {
    }
    %add3A_129 = arith.constant 384 : i32
    %add3A_130 = arith.addi %add3A_24, %add3A_129 : i32
    %dma_wait3A_131 = arith.constant 0 : i32
    %dma_wait3A_132 = tpu.memref_slice %arg4[%add3A_130, %dma_wait3A_131] : memref<32768x256xf32, #tpu.memory_space<hbm>> -> memref<128x256xf32, #tpu.memory_space<hbm>>
    %dma_wait3A_133 = arith.constant 0 : i32
    %dma_wait3A_134 = tpu.memref_slice %arg4[%add3A_130, %dma_wait3A_133] : memref<32768x256xf32, #tpu.memory_space<hbm>> -> memref<128x256xf32, #tpu.memory_space<hbm>>
    tpu.wait_dma2 semaphore(%arg15 : memref<!tpu.dma_semaphore, #tpu.memory_space<semaphore_mem>>) src(%arg8 : memref<128x256xf32, #tpu.memory_space<vmem>>) dst(%dma_wait3A_134 : memref<128x256xf32, #tpu.memory_space<hbm>>)
    %add3A_135 = arith.constant 768 : i32
    %add3A_136 = arith.addi %mul3A_9, %add3A_135 : i32
    %lt3A_137 = arith.cmpi slt, %add3A_136, %min3A_17 : i32
    %convert_element_type3A_138 = arith.extui %lt3A_137 : i1 to i32
    %cond3A_139 = arith.constant 0 : i32
    %cond3A_140 = arith.cmpi ne, %convert_element_type3A_138, %cond3A_139 : i32
    scf.if %cond3A_140 {
      %scan3A_223 = arith.constant 0 : i32
      %scan3A_224 = arith.constant 0 : i32
      %scan3A_225 = arith.constant 8 : i32
      %scan3A_226 = arith.addi %scan3A_224, %scan3A_225 : i32
      %scan3A_227 = arith.constant 1 : i32
      %scan3A_228 = scf.for %scan3A_234 = %scan3A_224 to %scan3A_226 step %scan3A_227 iter_args(%scan3A_235 = %scan3A_223) -> (i32)  : i32 {
        %add3A_236 = arith.constant 768 : i32
        %add3A_237 = arith.addi %mul3A_9, %add3A_236 : i32
        %mul3A_238 = arith.constant 16 : i32
        %mul3A_239 = arith.muli %scan3A_234, %mul3A_238 : i32
        %add3A_240 = arith.addi %add3A_237, %mul3A_239 : i32
        %add3A_241 = vector.broadcast %add3A_240 : i32 to vector<16xi32>
        %add3A_242 = arith.addi %add3A_241, %iota3A : vector<16xi32>
        %broadcast_in_dim3A_243 = arith.constant 0 : i32
        %broadcast_in_dim3A_244 = vector.broadcast %broadcast_in_dim3A_243 : i32 to vector<16xi32>
        %add3A_245 = arith.constant 255 : i32
        %add3A_246 = vector.broadcast %add3A_245 : i32 to vector<16xi32>
        %add3A_247 = arith.addi %broadcast_in_dim3A_244, %add3A_246 : vector<16xi32>
        %gather3A = tpu.vector_load_idx %arg6[%add3A_247] : memref<512xi32, #tpu.memory_space<vmem>>[vector<16xi32>], vector<16xi32>,
        %le3A = arith.cmpi sle, %gather3A, %add3A_242 : vector<16xi32>
        %jit3A_248 = arith.constant 256 : i32
        %jit3A_249 = arith.constant 0 : i32
        %broadcast_in_dim3A_250 = vector.broadcast %jit3A_248 : i32 to vector<16xi32>
        %broadcast_in_dim3A_251 = vector.broadcast %jit3A_249 : i32 to vector<16xi32>
        %select_n3A_252 = arith.select %le3A, %broadcast_in_dim3A_250, %broadcast_in_dim3A_251 : vector<16xi1>, vector<16xi32>
        %add3A_253 = arith.addi %broadcast_in_dim3A_244, %select_n3A_252 : vector<16xi32>
        %add3A_254 = arith.constant 127 : i32
        %add3A_255 = vector.broadcast %add3A_254 : i32 to vector<16xi32>
        %add3A_256 = arith.addi %add3A_253, %add3A_255 : vector<16xi32>
        %gather3A_257 = tpu.vector_load_idx %arg6[%add3A_256] : memref<512xi32, #tpu.memory_space<vmem>>[vector<16xi32>], vector<16xi32>,
        %le3A_258 = arith.cmpi sle, %gather3A_257, %add3A_242 : vector<16xi32>
        %jit3A_259 = arith.constant 128 : i32
        %jit3A_260 = arith.constant 0 : i32
        %broadcast_in_dim3A_261 = vector.broadcast %jit3A_259 : i32 to vector<16xi32>
        %broadcast_in_dim3A_262 = vector.broadcast %jit3A_260 : i32 to vector<16xi32>
        %select_n3A_263 = arith.select %le3A_258, %broadcast_in_dim3A_261, %broadcast_in_dim3A_262 : vector<16xi1>, vector<16xi32>
        %add3A_264 = arith.addi %add3A_253, %select_n3A_263 : vector<16xi32>
        %add3A_265 = arith.constant 63 : i32
        %add3A_266 = vector.broadcast %add3A_265 : i32 to vector<16xi32>
        %add3A_267 = arith.addi %add3A_264, %add3A_266 : vector<16xi32>
        %gather3A_268 = tpu.vector_load_idx %arg6[%add3A_267] : memref<512xi32, #tpu.memory_space<vmem>>[vector<16xi32>], vector<16xi32>,
        %le3A_269 = arith.cmpi sle, %gather3A_268, %add3A_242 : vector<16xi32>
        %jit3A_270 = arith.constant 64 : i32
        %jit3A_271 = arith.constant 0 : i32
        %broadcast_in_dim3A_272 = vector.broadcast %jit3A_270 : i32 to vector<16xi32>
        %broadcast_in_dim3A_273 = vector.broadcast %jit3A_271 : i32 to vector<16xi32>
        %select_n3A_274 = arith.select %le3A_269, %broadcast_in_dim3A_272, %broadcast_in_dim3A_273 : vector<16xi1>, vector<16xi32>
        %add3A_275 = arith.addi %add3A_264, %select_n3A_274 : vector<16xi32>
        %add3A_276 = arith.constant 31 : i32
        %add3A_277 = vector.broadcast %add3A_276 : i32 to vector<16xi32>
        %add3A_278 = arith.addi %add3A_275, %add3A_277 : vector<16xi32>
        %gather3A_279 = tpu.vector_load_idx %arg6[%add3A_278] : memref<512xi32, #tpu.memory_space<vmem>>[vector<16xi32>], vector<16xi32>,
        %le3A_280 = arith.cmpi sle, %gather3A_279, %add3A_242 : vector<16xi32>
        %jit3A_281 = arith.constant 32 : i32
        %jit3A_282 = arith.constant 0 : i32
        %broadcast_in_dim3A_283 = vector.broadcast %jit3A_281 : i32 to vector<16xi32>
        %broadcast_in_dim3A_284 = vector.broadcast %jit3A_282 : i32 to vector<16xi32>
        %select_n3A_285 = arith.select %le3A_280, %broadcast_in_dim3A_283, %broadcast_in_dim3A_284 : vector<16xi1>, vector<16xi32>
        %add3A_286 = arith.addi %add3A_275, %select_n3A_285 : vector<16xi32>
        %add3A_287 = arith.constant 15 : i32
        %add3A_288 = vector.broadcast %add3A_287 : i32 to vector<16xi32>
        %add3A_289 = arith.addi %add3A_286, %add3A_288 : vector<16xi32>
        %gather3A_290 = tpu.vector_load_idx %arg6[%add3A_289] : memref<512xi32, #tpu.memory_space<vmem>>[vector<16xi32>], vector<16xi32>,
        %le3A_291 = arith.cmpi sle, %gather3A_290, %add3A_242 : vector<16xi32>
        %jit3A_292 = arith.constant 16 : i32
        %jit3A_293 = arith.constant 0 : i32
        %broadcast_in_dim3A_294 = vector.broadcast %jit3A_292 : i32 to vector<16xi32>
        %broadcast_in_dim3A_295 = vector.broadcast %jit3A_293 : i32 to vector<16xi32>
        %select_n3A_296 = arith.select %le3A_291, %broadcast_in_dim3A_294, %broadcast_in_dim3A_295 : vector<16xi1>, vector<16xi32>
        %add3A_297 = arith.addi %add3A_286, %select_n3A_296 : vector<16xi32>
        %add3A_298 = arith.constant 7 : i32
        %add3A_299 = vector.broadcast %add3A_298 : i32 to vector<16xi32>
        %add3A_300 = arith.addi %add3A_297, %add3A_299 : vector<16xi32>
        %gather3A_301 = tpu.vector_load_idx %arg6[%add3A_300] : memref<512xi32, #tpu.memory_space<vmem>>[vector<16xi32>], vector<16xi32>,
        %le3A_302 = arith.cmpi sle, %gather3A_301, %add3A_242 : vector<16xi32>
        %jit3A_303 = arith.constant 8 : i32
        %jit3A_304 = arith.constant 0 : i32
        %broadcast_in_dim3A_305 = vector.broadcast %jit3A_303 : i32 to vector<16xi32>
        %broadcast_in_dim3A_306 = vector.broadcast %jit3A_304 : i32 to vector<16xi32>
        %select_n3A_307 = arith.select %le3A_302, %broadcast_in_dim3A_305, %broadcast_in_dim3A_306 : vector<16xi1>, vector<16xi32>
        %add3A_308 = arith.addi %add3A_297, %select_n3A_307 : vector<16xi32>
        %add3A_309 = arith.constant 3 : i32
        %add3A_310 = vector.broadcast %add3A_309 : i32 to vector<16xi32>
        %add3A_311 = arith.addi %add3A_308, %add3A_310 : vector<16xi32>
        %gather3A_312 = tpu.vector_load_idx %arg6[%add3A_311] : memref<512xi32, #tpu.memory_space<vmem>>[vector<16xi32>], vector<16xi32>,
        %le3A_313 = arith.cmpi sle, %gather3A_312, %add3A_242 : vector<16xi32>
        %jit3A_314 = arith.constant 4 : i32
        %jit3A_315 = arith.constant 0 : i32
        %broadcast_in_dim3A_316 = vector.broadcast %jit3A_314 : i32 to vector<16xi32>
        %broadcast_in_dim3A_317 = vector.broadcast %jit3A_315 : i32 to vector<16xi32>
        %select_n3A_318 = arith.select %le3A_313, %broadcast_in_dim3A_316, %broadcast_in_dim3A_317 : vector<16xi1>, vector<16xi32>
        %add3A_319 = arith.addi %add3A_308, %select_n3A_318 : vector<16xi32>
        %add3A_320 = arith.constant 1 : i32
        %add3A_321 = vector.broadcast %add3A_320 : i32 to vector<16xi32>
        %add3A_322 = arith.addi %add3A_319, %add3A_321 : vector<16xi32>
        %gather3A_323 = tpu.vector_load_idx %arg6[%add3A_322] : memref<512xi32, #tpu.memory_space<vmem>>[vector<16xi32>], vector<16xi32>,
        %le3A_324 = arith.cmpi sle, %gather3A_323, %add3A_242 : vector<16xi32>
        %jit3A_325 = arith.constant 2 : i32
        %jit3A_326 = arith.constant 0 : i32
        %broadcast_in_dim3A_327 = vector.broadcast %jit3A_325 : i32 to vector<16xi32>
        %broadcast_in_dim3A_328 = vector.broadcast %jit3A_326 : i32 to vector<16xi32>
        %select_n3A_329 = arith.select %le3A_324, %broadcast_in_dim3A_327, %broadcast_in_dim3A_328 : vector<16xi1>, vector<16xi32>
        %add3A_330 = arith.addi %add3A_319, %select_n3A_329 : vector<16xi32>
        %add3A_331 = arith.constant 0 : i32
        %add3A_332 = vector.broadcast %add3A_331 : i32 to vector<16xi32>
        %add3A_333 = arith.addi %add3A_330, %add3A_332 : vector<16xi32>
        %gather3A_334 = tpu.vector_load_idx %arg6[%add3A_333] : memref<512xi32, #tpu.memory_space<vmem>>[vector<16xi32>], vector<16xi32>,
        %le3A_335 = arith.cmpi sle, %gather3A_334, %add3A_242 : vector<16xi32>
        %jit3A_336 = arith.constant 1 : i32
        %jit3A_337 = arith.constant 0 : i32
        %broadcast_in_dim3A_338 = vector.broadcast %jit3A_336 : i32 to vector<16xi32>
        %broadcast_in_dim3A_339 = vector.broadcast %jit3A_337 : i32 to vector<16xi32>
        %select_n3A_340 = arith.select %le3A_335, %broadcast_in_dim3A_338, %broadcast_in_dim3A_339 : vector<16xi1>, vector<16xi32>
        %add3A_341 = arith.addi %add3A_330, %select_n3A_340 : vector<16xi32>
        %gather3A_342 = tpu.vector_load_idx %arg6[%add3A_341] : memref<512xi32, #tpu.memory_space<vmem>>[vector<16xi32>], vector<16xi32>,
        %le3A_343 = arith.cmpi sle, %gather3A_342, %add3A_242 : vector<16xi32>
        %jit3A_344 = arith.constant 1 : i32
        %jit3A_345 = arith.constant 0 : i32
        %broadcast_in_dim3A_346 = vector.broadcast %jit3A_344 : i32 to vector<16xi32>
        %broadcast_in_dim3A_347 = vector.broadcast %jit3A_345 : i32 to vector<16xi32>
        %select_n3A_348 = arith.select %le3A_343, %broadcast_in_dim3A_346, %broadcast_in_dim3A_347 : vector<16xi1>, vector<16xi32>
        %add3A_349 = arith.addi %add3A_341, %select_n3A_348 : vector<16xi32>
        %gt3A = arith.constant 511 : i32
        %gt3A_350 = vector.broadcast %gt3A : i32 to vector<16xi32>
        %gt3A_351 = arith.cmpi sgt, %add3A_349, %gt3A_350 : vector<16xi32>
        %and3A_352 = arith.constant 511 : i32
        %and3A_353 = vector.broadcast %and3A_352 : i32 to vector<16xi32>
        %and3A_354 = arith.andi %add3A_242, %and3A_353 : vector<16xi32>
        %select_n3A_355 = arith.select %gt3A_351, %and3A_354, %add3A_349 : vector<16xi1>, vector<16xi32>
        %mul3A_356 = arith.constant 512 : i32
        %mul3A_357 = arith.muli %arg1, %mul3A_356 : i32
        %add3A_358 = vector.broadcast %mul3A_357 : i32 to vector<16xi32>
        %add3A_359 = arith.addi %add3A_358, %select_n3A_355 : vector<16xi32>
        %mul3A_360 = arith.constant 16 : i32
        %mul3A_361 = arith.muli %scan3A_234, %mul3A_360 : i32
        %add3A_362 = arith.constant 768 : i32
        %add3A_363 = arith.addi %add3A_362, %mul3A_361 : i32
        %swap3A = arith.index_cast %add3A_363 : i32 to index
        %swap3A_364 = tpu.vector_load %arg7[%swap3A] {strides = array<i32>} : memref<1024xi32, #tpu.memory_space<vmem>>, vector<16xi32>,
        tpu.vector_store %arg7[%swap3A], %add3A_359 {strides = array<i32>} : memref<1024xi32, #tpu.memory_space<vmem>>, vector<16xi32>,
        %scan3A_365 = arith.constant 0 : i32
        scf.yield %scan3A_365 : i32
      }
      %scan3A_229 = arith.constant 8 : i32
      %dma_start3A = arith.constant 768 : i32
      %dma_start3A_230 = tpu.memref_slice %arg7[%dma_start3A] : memref<1024xi32, #tpu.memory_space<vmem>> -> memref<128xi32, #tpu.memory_space<vmem>>
      %dma_start3A_231 = arith.constant 0 : i32
      %dma_start3A_232 = arith.constant 0 : i32
      %dma_start3A_233 = tpu.memref_slice %arg2[%dma_start3A_231, %dma_start3A_232] : memref<8192x256xf32, #tpu.memory_space<hbm>> -> memref<8192x256xf32, #tpu.memory_space<hbm>>
      tpu.enqueue_indirect_dma source(%dma_start3A_233 : memref<8192x256xf32, #tpu.memory_space<hbm>>) target(%arg8 : memref<128x256xf32, #tpu.memory_space<vmem>>) offsets(%dma_start3A_230 : memref<128xi32, #tpu.memory_space<vmem>>) semaphore(%arg12 : memref<!tpu.dma_semaphore, #tpu.memory_space<semaphore_mem>>)
    } else {
    }
    %add3A_141 = arith.constant 512 : i32
    %add3A_142 = arith.addi %mul3A_9, %add3A_141 : i32
    %lt3A_143 = arith.cmpi slt, %add3A_142, %min3A_17 : i32
    %add3A_144 = arith.constant 512 : i32
    %add3A_145 = arith.addi %add3A_24, %add3A_144 : i32
    %convert_element_type3A_146 = arith.extui %lt3A_143 : i1 to i32
    %cond3A_147 = arith.constant 0 : i32
    %cond3A_148 = arith.cmpi ne, %convert_element_type3A_146, %cond3A_147 : i32
    scf.if %cond3A_148 {
      %dma_wait3A_223 = arith.constant 512 : i32
      %dma_wait3A_224 = tpu.memref_slice %arg7[%dma_wait3A_223] : memref<1024xi32, #tpu.memory_space<vmem>> -> memref<128xi32, #tpu.memory_space<vmem>>
      %dma_wait3A_225 = arith.constant 0 : i32
      %dma_wait3A_226 = arith.constant 0 : i32
      %dma_wait3A_227 = tpu.memref_slice %arg2[%dma_wait3A_225, %dma_wait3A_226] : memref<8192x256xf32, #tpu.memory_space<hbm>> -> memref<8192x256xf32, #tpu.memory_space<hbm>>
      tpu.wait_indirect_dma semaphore(%arg13 : memref<!tpu.dma_semaphore, #tpu.memory_space<semaphore_mem>>) src(%dma_wait3A_227 : memref<8192x256xf32, #tpu.memory_space<hbm>>) dst(%arg9 : memref<128x256xf32, #tpu.memory_space<vmem>>)
      %sub3A = arith.subi %min3A_17, %add3A_142 : i32
      %jit3A_228 = arith.constant 0 : i32
      %jit3A_229 = arith.constant 128 : i32
      %max3A = arith.maxsi %jit3A_228, %sub3A : i32
      %min3A_230 = arith.minsi %jit3A_229, %max3A : i32
      %while3A = arith.constant 0 : i32
      %while3A_231 = arith.constant 128 : i32
      %while3A_232 = arith.subi %while3A_231, %min3A_230 : i32
      %while3A_233 = arith.addi %min3A_230, %while3A_232 : i32
      %while3A_234 = arith.constant 1 : i32
      %while3A_235 = arith.divsi %while3A_232, %while3A_234 : i32
      %while3A_236 = arith.muli %while3A_235, %while3A_234 : i32
      %while3A_237 = arith.addi %min3A_230, %while3A_236 : i32
      %while3A_238 = arith.constant 1 : i32
      scf.for %while3A_243 = %min3A_230 to %while3A_237 step %while3A_238  : i32 {
        %swap3A = arith.index_cast %while3A_243 : i32 to index
        %swap3A_244 = arith.constant 0 : index
        %swap3A_245 = tpu.vector_load %arg9[%swap3A, %swap3A_244] {strides = array<i32>} : memref<128x256xf32, #tpu.memory_space<vmem>>, vector<16xf32>,
        tpu.vector_store %arg9[%swap3A, %swap3A_244], %broadcast_in_dim3A_10 {strides = array<i32>} : memref<128x256xf32, #tpu.memory_space<vmem>>, vector<16xf32>,
        %swap3A_246 = arith.index_cast %while3A_243 : i32 to index
        %swap3A_247 = arith.constant 16 : index
        %swap3A_248 = tpu.vector_load %arg9[%swap3A_246, %swap3A_247] {strides = array<i32>} : memref<128x256xf32, #tpu.memory_space<vmem>>, vector<16xf32>,
        tpu.vector_store %arg9[%swap3A_246, %swap3A_247], %broadcast_in_dim3A_10 {strides = array<i32>} : memref<128x256xf32, #tpu.memory_space<vmem>>, vector<16xf32>,
        %swap3A_249 = arith.index_cast %while3A_243 : i32 to index
        %swap3A_250 = arith.constant 32 : index
        %swap3A_251 = tpu.vector_load %arg9[%swap3A_249, %swap3A_250] {strides = array<i32>} : memref<128x256xf32, #tpu.memory_space<vmem>>, vector<16xf32>,
        tpu.vector_store %arg9[%swap3A_249, %swap3A_250], %broadcast_in_dim3A_10 {strides = array<i32>} : memref<128x256xf32, #tpu.memory_space<vmem>>, vector<16xf32>,
        %swap3A_252 = arith.index_cast %while3A_243 : i32 to index
        %swap3A_253 = arith.constant 48 : index
        %swap3A_254 = tpu.vector_load %arg9[%swap3A_252, %swap3A_253] {strides = array<i32>} : memref<128x256xf32, #tpu.memory_space<vmem>>, vector<16xf32>,
        tpu.vector_store %arg9[%swap3A_252, %swap3A_253], %broadcast_in_dim3A_10 {strides = array<i32>} : memref<128x256xf32, #tpu.memory_space<vmem>>, vector<16xf32>,
        %swap3A_255 = arith.index_cast %while3A_243 : i32 to index
        %swap3A_256 = arith.constant 64 : index
        %swap3A_257 = tpu.vector_load %arg9[%swap3A_255, %swap3A_256] {strides = array<i32>} : memref<128x256xf32, #tpu.memory_space<vmem>>, vector<16xf32>,
        tpu.vector_store %arg9[%swap3A_255, %swap3A_256], %broadcast_in_dim3A_10 {strides = array<i32>} : memref<128x256xf32, #tpu.memory_space<vmem>>, vector<16xf32>,
        %swap3A_258 = arith.index_cast %while3A_243 : i32 to index
        %swap3A_259 = arith.constant 80 : index
        %swap3A_260 = tpu.vector_load %arg9[%swap3A_258, %swap3A_259] {strides = array<i32>} : memref<128x256xf32, #tpu.memory_space<vmem>>, vector<16xf32>,
        tpu.vector_store %arg9[%swap3A_258, %swap3A_259], %broadcast_in_dim3A_10 {strides = array<i32>} : memref<128x256xf32, #tpu.memory_space<vmem>>, vector<16xf32>,
        %swap3A_261 = arith.index_cast %while3A_243 : i32 to index
        %swap3A_262 = arith.constant 96 : index
        %swap3A_263 = tpu.vector_load %arg9[%swap3A_261, %swap3A_262] {strides = array<i32>} : memref<128x256xf32, #tpu.memory_space<vmem>>, vector<16xf32>,
        tpu.vector_store %arg9[%swap3A_261, %swap3A_262], %broadcast_in_dim3A_10 {strides = array<i32>} : memref<128x256xf32, #tpu.memory_space<vmem>>, vector<16xf32>,
        %swap3A_264 = arith.index_cast %while3A_243 : i32 to index
        %swap3A_265 = arith.constant 112 : index
        %swap3A_266 = tpu.vector_load %arg9[%swap3A_264, %swap3A_265] {strides = array<i32>} : memref<128x256xf32, #tpu.memory_space<vmem>>, vector<16xf32>,
        tpu.vector_store %arg9[%swap3A_264, %swap3A_265], %broadcast_in_dim3A_10 {strides = array<i32>} : memref<128x256xf32, #tpu.memory_space<vmem>>, vector<16xf32>,
        %swap3A_267 = arith.index_cast %while3A_243 : i32 to index
        %swap3A_268 = arith.constant 128 : index
        %swap3A_269 = tpu.vector_load %arg9[%swap3A_267, %swap3A_268] {strides = array<i32>} : memref<128x256xf32, #tpu.memory_space<vmem>>, vector<16xf32>,
        tpu.vector_store %arg9[%swap3A_267, %swap3A_268], %broadcast_in_dim3A_10 {strides = array<i32>} : memref<128x256xf32, #tpu.memory_space<vmem>>, vector<16xf32>,
        %swap3A_270 = arith.index_cast %while3A_243 : i32 to index
        %swap3A_271 = arith.constant 144 : index
        %swap3A_272 = tpu.vector_load %arg9[%swap3A_270, %swap3A_271] {strides = array<i32>} : memref<128x256xf32, #tpu.memory_space<vmem>>, vector<16xf32>,
        tpu.vector_store %arg9[%swap3A_270, %swap3A_271], %broadcast_in_dim3A_10 {strides = array<i32>} : memref<128x256xf32, #tpu.memory_space<vmem>>, vector<16xf32>,
        %swap3A_273 = arith.index_cast %while3A_243 : i32 to index
        %swap3A_274 = arith.constant 160 : index
        %swap3A_275 = tpu.vector_load %arg9[%swap3A_273, %swap3A_274] {strides = array<i32>} : memref<128x256xf32, #tpu.memory_space<vmem>>, vector<16xf32>,
        tpu.vector_store %arg9[%swap3A_273, %swap3A_274], %broadcast_in_dim3A_10 {strides = array<i32>} : memref<128x256xf32, #tpu.memory_space<vmem>>, vector<16xf32>,
        %swap3A_276 = arith.index_cast %while3A_243 : i32 to index
        %swap3A_277 = arith.constant 176 : index
        %swap3A_278 = tpu.vector_load %arg9[%swap3A_276, %swap3A_277] {strides = array<i32>} : memref<128x256xf32, #tpu.memory_space<vmem>>, vector<16xf32>,
        tpu.vector_store %arg9[%swap3A_276, %swap3A_277], %broadcast_in_dim3A_10 {strides = array<i32>} : memref<128x256xf32, #tpu.memory_space<vmem>>, vector<16xf32>,
        %swap3A_279 = arith.index_cast %while3A_243 : i32 to index
        %swap3A_280 = arith.constant 192 : index
        %swap3A_281 = tpu.vector_load %arg9[%swap3A_279, %swap3A_280] {strides = array<i32>} : memref<128x256xf32, #tpu.memory_space<vmem>>, vector<16xf32>,
        tpu.vector_store %arg9[%swap3A_279, %swap3A_280], %broadcast_in_dim3A_10 {strides = array<i32>} : memref<128x256xf32, #tpu.memory_space<vmem>>, vector<16xf32>,
        %swap3A_282 = arith.index_cast %while3A_243 : i32 to index
        %swap3A_283 = arith.constant 208 : index
        %swap3A_284 = tpu.vector_load %arg9[%swap3A_282, %swap3A_283] {strides = array<i32>} : memref<128x256xf32, #tpu.memory_space<vmem>>, vector<16xf32>,
        tpu.vector_store %arg9[%swap3A_282, %swap3A_283], %broadcast_in_dim3A_10 {strides = array<i32>} : memref<128x256xf32, #tpu.memory_space<vmem>>, vector<16xf32>,
        %swap3A_285 = arith.index_cast %while3A_243 : i32 to index
        %swap3A_286 = arith.constant 224 : index
        %swap3A_287 = tpu.vector_load %arg9[%swap3A_285, %swap3A_286] {strides = array<i32>} : memref<128x256xf32, #tpu.memory_space<vmem>>, vector<16xf32>,
        tpu.vector_store %arg9[%swap3A_285, %swap3A_286], %broadcast_in_dim3A_10 {strides = array<i32>} : memref<128x256xf32, #tpu.memory_space<vmem>>, vector<16xf32>,
        %swap3A_288 = arith.index_cast %while3A_243 : i32 to index
        %swap3A_289 = arith.constant 240 : index
        %swap3A_290 = tpu.vector_load %arg9[%swap3A_288, %swap3A_289] {strides = array<i32>} : memref<128x256xf32, #tpu.memory_space<vmem>>, vector<16xf32>,
        tpu.vector_store %arg9[%swap3A_288, %swap3A_289], %broadcast_in_dim3A_10 {strides = array<i32>} : memref<128x256xf32, #tpu.memory_space<vmem>>, vector<16xf32>,
      }
      %while3A_239 = arith.constant 1 : i32
      scf.for %while3A_243 = %while3A_237 to %while3A_233 step %while3A_239  : i32 {
        %swap3A = arith.index_cast %while3A_243 : i32 to index
        %swap3A_244 = arith.constant 0 : index
        %swap3A_245 = tpu.vector_load %arg9[%swap3A, %swap3A_244] {strides = array<i32>} : memref<128x256xf32, #tpu.memory_space<vmem>>, vector<16xf32>,
        tpu.vector_store %arg9[%swap3A, %swap3A_244], %broadcast_in_dim3A_10 {strides = array<i32>} : memref<128x256xf32, #tpu.memory_space<vmem>>, vector<16xf32>,
        %swap3A_246 = arith.index_cast %while3A_243 : i32 to index
        %swap3A_247 = arith.constant 16 : index
        %swap3A_248 = tpu.vector_load %arg9[%swap3A_246, %swap3A_247] {strides = array<i32>} : memref<128x256xf32, #tpu.memory_space<vmem>>, vector<16xf32>,
        tpu.vector_store %arg9[%swap3A_246, %swap3A_247], %broadcast_in_dim3A_10 {strides = array<i32>} : memref<128x256xf32, #tpu.memory_space<vmem>>, vector<16xf32>,
        %swap3A_249 = arith.index_cast %while3A_243 : i32 to index
        %swap3A_250 = arith.constant 32 : index
        %swap3A_251 = tpu.vector_load %arg9[%swap3A_249, %swap3A_250] {strides = array<i32>} : memref<128x256xf32, #tpu.memory_space<vmem>>, vector<16xf32>,
        tpu.vector_store %arg9[%swap3A_249, %swap3A_250], %broadcast_in_dim3A_10 {strides = array<i32>} : memref<128x256xf32, #tpu.memory_space<vmem>>, vector<16xf32>,
        %swap3A_252 = arith.index_cast %while3A_243 : i32 to index
        %swap3A_253 = arith.constant 48 : index
        %swap3A_254 = tpu.vector_load %arg9[%swap3A_252, %swap3A_253] {strides = array<i32>} : memref<128x256xf32, #tpu.memory_space<vmem>>, vector<16xf32>,
        tpu.vector_store %arg9[%swap3A_252, %swap3A_253], %broadcast_in_dim3A_10 {strides = array<i32>} : memref<128x256xf32, #tpu.memory_space<vmem>>, vector<16xf32>,
        %swap3A_255 = arith.index_cast %while3A_243 : i32 to index
        %swap3A_256 = arith.constant 64 : index
        %swap3A_257 = tpu.vector_load %arg9[%swap3A_255, %swap3A_256] {strides = array<i32>} : memref<128x256xf32, #tpu.memory_space<vmem>>, vector<16xf32>,
        tpu.vector_store %arg9[%swap3A_255, %swap3A_256], %broadcast_in_dim3A_10 {strides = array<i32>} : memref<128x256xf32, #tpu.memory_space<vmem>>, vector<16xf32>,
        %swap3A_258 = arith.index_cast %while3A_243 : i32 to index
        %swap3A_259 = arith.constant 80 : index
        %swap3A_260 = tpu.vector_load %arg9[%swap3A_258, %swap3A_259] {strides = array<i32>} : memref<128x256xf32, #tpu.memory_space<vmem>>, vector<16xf32>,
        tpu.vector_store %arg9[%swap3A_258, %swap3A_259], %broadcast_in_dim3A_10 {strides = array<i32>} : memref<128x256xf32, #tpu.memory_space<vmem>>, vector<16xf32>,
        %swap3A_261 = arith.index_cast %while3A_243 : i32 to index
        %swap3A_262 = arith.constant 96 : index
        %swap3A_263 = tpu.vector_load %arg9[%swap3A_261, %swap3A_262] {strides = array<i32>} : memref<128x256xf32, #tpu.memory_space<vmem>>, vector<16xf32>,
        tpu.vector_store %arg9[%swap3A_261, %swap3A_262], %broadcast_in_dim3A_10 {strides = array<i32>} : memref<128x256xf32, #tpu.memory_space<vmem>>, vector<16xf32>,
        %swap3A_264 = arith.index_cast %while3A_243 : i32 to index
        %swap3A_265 = arith.constant 112 : index
        %swap3A_266 = tpu.vector_load %arg9[%swap3A_264, %swap3A_265] {strides = array<i32>} : memref<128x256xf32, #tpu.memory_space<vmem>>, vector<16xf32>,
        tpu.vector_store %arg9[%swap3A_264, %swap3A_265], %broadcast_in_dim3A_10 {strides = array<i32>} : memref<128x256xf32, #tpu.memory_space<vmem>>, vector<16xf32>,
        %swap3A_267 = arith.index_cast %while3A_243 : i32 to index
        %swap3A_268 = arith.constant 128 : index
        %swap3A_269 = tpu.vector_load %arg9[%swap3A_267, %swap3A_268] {strides = array<i32>} : memref<128x256xf32, #tpu.memory_space<vmem>>, vector<16xf32>,
        tpu.vector_store %arg9[%swap3A_267, %swap3A_268], %broadcast_in_dim3A_10 {strides = array<i32>} : memref<128x256xf32, #tpu.memory_space<vmem>>, vector<16xf32>,
        %swap3A_270 = arith.index_cast %while3A_243 : i32 to index
        %swap3A_271 = arith.constant 144 : index
        %swap3A_272 = tpu.vector_load %arg9[%swap3A_270, %swap3A_271] {strides = array<i32>} : memref<128x256xf32, #tpu.memory_space<vmem>>, vector<16xf32>,
        tpu.vector_store %arg9[%swap3A_270, %swap3A_271], %broadcast_in_dim3A_10 {strides = array<i32>} : memref<128x256xf32, #tpu.memory_space<vmem>>, vector<16xf32>,
        %swap3A_273 = arith.index_cast %while3A_243 : i32 to index
        %swap3A_274 = arith.constant 160 : index
        %swap3A_275 = tpu.vector_load %arg9[%swap3A_273, %swap3A_274] {strides = array<i32>} : memref<128x256xf32, #tpu.memory_space<vmem>>, vector<16xf32>,
        tpu.vector_store %arg9[%swap3A_273, %swap3A_274], %broadcast_in_dim3A_10 {strides = array<i32>} : memref<128x256xf32, #tpu.memory_space<vmem>>, vector<16xf32>,
        %swap3A_276 = arith.index_cast %while3A_243 : i32 to index
        %swap3A_277 = arith.constant 176 : index
        %swap3A_278 = tpu.vector_load %arg9[%swap3A_276, %swap3A_277] {strides = array<i32>} : memref<128x256xf32, #tpu.memory_space<vmem>>, vector<16xf32>,
        tpu.vector_store %arg9[%swap3A_276, %swap3A_277], %broadcast_in_dim3A_10 {strides = array<i32>} : memref<128x256xf32, #tpu.memory_space<vmem>>, vector<16xf32>,
        %swap3A_279 = arith.index_cast %while3A_243 : i32 to index
        %swap3A_280 = arith.constant 192 : index
        %swap3A_281 = tpu.vector_load %arg9[%swap3A_279, %swap3A_280] {strides = array<i32>} : memref<128x256xf32, #tpu.memory_space<vmem>>, vector<16xf32>,
        tpu.vector_store %arg9[%swap3A_279, %swap3A_280], %broadcast_in_dim3A_10 {strides = array<i32>} : memref<128x256xf32, #tpu.memory_space<vmem>>, vector<16xf32>,
        %swap3A_282 = arith.index_cast %while3A_243 : i32 to index
        %swap3A_283 = arith.constant 208 : index
        %swap3A_284 = tpu.vector_load %arg9[%swap3A_282, %swap3A_283] {strides = array<i32>} : memref<128x256xf32, #tpu.memory_space<vmem>>, vector<16xf32>,
        tpu.vector_store %arg9[%swap3A_282, %swap3A_283], %broadcast_in_dim3A_10 {strides = array<i32>} : memref<128x256xf32, #tpu.memory_space<vmem>>, vector<16xf32>,
        %swap3A_285 = arith.index_cast %while3A_243 : i32 to index
        %swap3A_286 = arith.constant 224 : index
        %swap3A_287 = tpu.vector_load %arg9[%swap3A_285, %swap3A_286] {strides = array<i32>} : memref<128x256xf32, #tpu.memory_space<vmem>>, vector<16xf32>,
        tpu.vector_store %arg9[%swap3A_285, %swap3A_286], %broadcast_in_dim3A_10 {strides = array<i32>} : memref<128x256xf32, #tpu.memory_space<vmem>>, vector<16xf32>,
        %swap3A_288 = arith.index_cast %while3A_243 : i32 to index
        %swap3A_289 = arith.constant 240 : index
        %swap3A_290 = tpu.vector_load %arg9[%swap3A_288, %swap3A_289] {strides = array<i32>} : memref<128x256xf32, #tpu.memory_space<vmem>>, vector<16xf32>,
        tpu.vector_store %arg9[%swap3A_288, %swap3A_289], %broadcast_in_dim3A_10 {strides = array<i32>} : memref<128x256xf32, #tpu.memory_space<vmem>>, vector<16xf32>,
      }
      %dma_start3A = arith.constant 0 : i32
      %dma_start3A_240 = tpu.memref_slice %arg4[%add3A_145, %dma_start3A] : memref<32768x256xf32, #tpu.memory_space<hbm>> -> memref<128x256xf32, #tpu.memory_space<hbm>>
      %dma_start3A_241 = arith.constant 0 : i32
      %dma_start3A_242 = tpu.memref_slice %arg4[%add3A_145, %dma_start3A_241] : memref<32768x256xf32, #tpu.memory_space<hbm>> -> memref<128x256xf32, #tpu.memory_space<hbm>>
      tpu.enqueue_dma source(%arg9 : memref<128x256xf32, #tpu.memory_space<vmem>>) target(%dma_start3A_242 : memref<128x256xf32, #tpu.memory_space<hbm>>) target_semaphore(%arg16 : memref<!tpu.dma_semaphore, #tpu.memory_space<semaphore_mem>>)
    } else {
    }
    %not3A_149 = arith.constant true
    %not3A_150 = arith.xori %lt3A_143, %not3A_149 : i1
    %convert_element_type3A_151 = arith.extui %not3A_150 : i1 to i32
    %cond3A_152 = arith.constant 0 : i32
    %cond3A_153 = arith.cmpi ne, %convert_element_type3A_151, %cond3A_152 : i32
    scf.if %cond3A_153 {
      %dma_start3A = arith.constant 0 : i32
      %dma_start3A_223 = tpu.memref_slice %arg4[%add3A_145, %dma_start3A] : memref<32768x256xf32, #tpu.memory_space<hbm>> -> memref<128x256xf32, #tpu.memory_space<hbm>>
      %dma_start3A_224 = arith.constant 0 : i32
      %dma_start3A_225 = arith.constant 0 : i32
      %dma_start3A_226 = tpu.memref_slice %dma_start3A_223[%dma_start3A_224, %dma_start3A_225] : memref<128x256xf32, #tpu.memory_space<hbm>> -> memref<64x256xf32, #tpu.memory_space<hbm>>
      %dma_start3A_227 = arith.constant 0 : i32
      %dma_start3A_228 = tpu.memref_slice %arg4[%add3A_145, %dma_start3A_227] : memref<32768x256xf32, #tpu.memory_space<hbm>> -> memref<128x256xf32, #tpu.memory_space<hbm>>
      %dma_start3A_229 = arith.constant 0 : i32
      %dma_start3A_230 = arith.constant 0 : i32
      %dma_start3A_231 = tpu.memref_slice %dma_start3A_228[%dma_start3A_229, %dma_start3A_230] : memref<128x256xf32, #tpu.memory_space<hbm>> -> memref<64x256xf32, #tpu.memory_space<hbm>>
      tpu.enqueue_dma source(%arg11 : memref<64x256xf32, #tpu.memory_space<vmem>>) target(%dma_start3A_231 : memref<64x256xf32, #tpu.memory_space<hbm>>) target_semaphore(%arg16 : memref<!tpu.dma_semaphore, #tpu.memory_space<semaphore_mem>>)
      %dma_start3A_232 = arith.constant 0 : i32
      %dma_start3A_233 = tpu.memref_slice %arg4[%add3A_145, %dma_start3A_232] : memref<32768x256xf32, #tpu.memory_space<hbm>> -> memref<128x256xf32, #tpu.memory_space<hbm>>
      %dma_start3A_234 = arith.constant 64 : i32
      %dma_start3A_235 = arith.constant 0 : i32
      %dma_start3A_236 = tpu.memref_slice %dma_start3A_233[%dma_start3A_234, %dma_start3A_235] : memref<128x256xf32, #tpu.memory_space<hbm>> -> memref<64x256xf32, #tpu.memory_space<hbm>>
      %dma_start3A_237 = arith.constant 0 : i32
      %dma_start3A_238 = tpu.memref_slice %arg4[%add3A_145, %dma_start3A_237] : memref<32768x256xf32, #tpu.memory_space<hbm>> -> memref<128x256xf32, #tpu.memory_space<hbm>>
      %dma_start3A_239 = arith.constant 64 : i32
      %dma_start3A_240 = arith.constant 0 : i32
      %dma_start3A_241 = tpu.memref_slice %dma_start3A_238[%dma_start3A_239, %dma_start3A_240] : memref<128x256xf32, #tpu.memory_space<hbm>> -> memref<64x256xf32, #tpu.memory_space<hbm>>
      tpu.enqueue_dma source(%arg11 : memref<64x256xf32, #tpu.memory_space<vmem>>) target(%dma_start3A_241 : memref<64x256xf32, #tpu.memory_space<hbm>>) target_semaphore(%arg16 : memref<!tpu.dma_semaphore, #tpu.memory_space<semaphore_mem>>)
    } else {
    }
    %add3A_154 = arith.constant 512 : i32
    %add3A_155 = arith.addi %add3A_24, %add3A_154 : i32
    %dma_wait3A_156 = arith.constant 0 : i32
    %dma_wait3A_157 = tpu.memref_slice %arg4[%add3A_155, %dma_wait3A_156] : memref<32768x256xf32, #tpu.memory_space<hbm>> -> memref<128x256xf32, #tpu.memory_space<hbm>>
    %dma_wait3A_158 = arith.constant 0 : i32
    %dma_wait3A_159 = tpu.memref_slice %arg4[%add3A_155, %dma_wait3A_158] : memref<32768x256xf32, #tpu.memory_space<hbm>> -> memref<128x256xf32, #tpu.memory_space<hbm>>
    tpu.wait_dma2 semaphore(%arg16 : memref<!tpu.dma_semaphore, #tpu.memory_space<semaphore_mem>>) src(%arg9 : memref<128x256xf32, #tpu.memory_space<vmem>>) dst(%dma_wait3A_159 : memref<128x256xf32, #tpu.memory_space<hbm>>)
    %add3A_160 = arith.constant 896 : i32
    %add3A_161 = arith.addi %mul3A_9, %add3A_160 : i32
    %lt3A_162 = arith.cmpi slt, %add3A_161, %min3A_17 : i32
    %convert_element_type3A_163 = arith.extui %lt3A_162 : i1 to i32
    %cond3A_164 = arith.constant 0 : i32
    %cond3A_165 = arith.cmpi ne, %convert_element_type3A_163, %cond3A_164 : i32
    scf.if %cond3A_165 {
      %scan3A_223 = arith.constant 0 : i32
      %scan3A_224 = arith.constant 0 : i32
      %scan3A_225 = arith.constant 8 : i32
      %scan3A_226 = arith.addi %scan3A_224, %scan3A_225 : i32
      %scan3A_227 = arith.constant 1 : i32
      %scan3A_228 = scf.for %scan3A_234 = %scan3A_224 to %scan3A_226 step %scan3A_227 iter_args(%scan3A_235 = %scan3A_223) -> (i32)  : i32 {
        %add3A_236 = arith.constant 896 : i32
        %add3A_237 = arith.addi %mul3A_9, %add3A_236 : i32
        %mul3A_238 = arith.constant 16 : i32
        %mul3A_239 = arith.muli %scan3A_234, %mul3A_238 : i32
        %add3A_240 = arith.addi %add3A_237, %mul3A_239 : i32
        %add3A_241 = vector.broadcast %add3A_240 : i32 to vector<16xi32>
        %add3A_242 = arith.addi %add3A_241, %iota3A : vector<16xi32>
        %broadcast_in_dim3A_243 = arith.constant 0 : i32
        %broadcast_in_dim3A_244 = vector.broadcast %broadcast_in_dim3A_243 : i32 to vector<16xi32>
        %add3A_245 = arith.constant 255 : i32
        %add3A_246 = vector.broadcast %add3A_245 : i32 to vector<16xi32>
        %add3A_247 = arith.addi %broadcast_in_dim3A_244, %add3A_246 : vector<16xi32>
        %gather3A = tpu.vector_load_idx %arg6[%add3A_247] : memref<512xi32, #tpu.memory_space<vmem>>[vector<16xi32>], vector<16xi32>,
        %le3A = arith.cmpi sle, %gather3A, %add3A_242 : vector<16xi32>
        %jit3A_248 = arith.constant 256 : i32
        %jit3A_249 = arith.constant 0 : i32
        %broadcast_in_dim3A_250 = vector.broadcast %jit3A_248 : i32 to vector<16xi32>
        %broadcast_in_dim3A_251 = vector.broadcast %jit3A_249 : i32 to vector<16xi32>
        %select_n3A_252 = arith.select %le3A, %broadcast_in_dim3A_250, %broadcast_in_dim3A_251 : vector<16xi1>, vector<16xi32>
        %add3A_253 = arith.addi %broadcast_in_dim3A_244, %select_n3A_252 : vector<16xi32>
        %add3A_254 = arith.constant 127 : i32
        %add3A_255 = vector.broadcast %add3A_254 : i32 to vector<16xi32>
        %add3A_256 = arith.addi %add3A_253, %add3A_255 : vector<16xi32>
        %gather3A_257 = tpu.vector_load_idx %arg6[%add3A_256] : memref<512xi32, #tpu.memory_space<vmem>>[vector<16xi32>], vector<16xi32>,
        %le3A_258 = arith.cmpi sle, %gather3A_257, %add3A_242 : vector<16xi32>
        %jit3A_259 = arith.constant 128 : i32
        %jit3A_260 = arith.constant 0 : i32
        %broadcast_in_dim3A_261 = vector.broadcast %jit3A_259 : i32 to vector<16xi32>
        %broadcast_in_dim3A_262 = vector.broadcast %jit3A_260 : i32 to vector<16xi32>
        %select_n3A_263 = arith.select %le3A_258, %broadcast_in_dim3A_261, %broadcast_in_dim3A_262 : vector<16xi1>, vector<16xi32>
        %add3A_264 = arith.addi %add3A_253, %select_n3A_263 : vector<16xi32>
        %add3A_265 = arith.constant 63 : i32
        %add3A_266 = vector.broadcast %add3A_265 : i32 to vector<16xi32>
        %add3A_267 = arith.addi %add3A_264, %add3A_266 : vector<16xi32>
        %gather3A_268 = tpu.vector_load_idx %arg6[%add3A_267] : memref<512xi32, #tpu.memory_space<vmem>>[vector<16xi32>], vector<16xi32>,
        %le3A_269 = arith.cmpi sle, %gather3A_268, %add3A_242 : vector<16xi32>
        %jit3A_270 = arith.constant 64 : i32
        %jit3A_271 = arith.constant 0 : i32
        %broadcast_in_dim3A_272 = vector.broadcast %jit3A_270 : i32 to vector<16xi32>
        %broadcast_in_dim3A_273 = vector.broadcast %jit3A_271 : i32 to vector<16xi32>
        %select_n3A_274 = arith.select %le3A_269, %broadcast_in_dim3A_272, %broadcast_in_dim3A_273 : vector<16xi1>, vector<16xi32>
        %add3A_275 = arith.addi %add3A_264, %select_n3A_274 : vector<16xi32>
        %add3A_276 = arith.constant 31 : i32
        %add3A_277 = vector.broadcast %add3A_276 : i32 to vector<16xi32>
        %add3A_278 = arith.addi %add3A_275, %add3A_277 : vector<16xi32>
        %gather3A_279 = tpu.vector_load_idx %arg6[%add3A_278] : memref<512xi32, #tpu.memory_space<vmem>>[vector<16xi32>], vector<16xi32>,
        %le3A_280 = arith.cmpi sle, %gather3A_279, %add3A_242 : vector<16xi32>
        %jit3A_281 = arith.constant 32 : i32
        %jit3A_282 = arith.constant 0 : i32
        %broadcast_in_dim3A_283 = vector.broadcast %jit3A_281 : i32 to vector<16xi32>
        %broadcast_in_dim3A_284 = vector.broadcast %jit3A_282 : i32 to vector<16xi32>
        %select_n3A_285 = arith.select %le3A_280, %broadcast_in_dim3A_283, %broadcast_in_dim3A_284 : vector<16xi1>, vector<16xi32>
        %add3A_286 = arith.addi %add3A_275, %select_n3A_285 : vector<16xi32>
        %add3A_287 = arith.constant 15 : i32
        %add3A_288 = vector.broadcast %add3A_287 : i32 to vector<16xi32>
        %add3A_289 = arith.addi %add3A_286, %add3A_288 : vector<16xi32>
        %gather3A_290 = tpu.vector_load_idx %arg6[%add3A_289] : memref<512xi32, #tpu.memory_space<vmem>>[vector<16xi32>], vector<16xi32>,
        %le3A_291 = arith.cmpi sle, %gather3A_290, %add3A_242 : vector<16xi32>
        %jit3A_292 = arith.constant 16 : i32
        %jit3A_293 = arith.constant 0 : i32
        %broadcast_in_dim3A_294 = vector.broadcast %jit3A_292 : i32 to vector<16xi32>
        %broadcast_in_dim3A_295 = vector.broadcast %jit3A_293 : i32 to vector<16xi32>
        %select_n3A_296 = arith.select %le3A_291, %broadcast_in_dim3A_294, %broadcast_in_dim3A_295 : vector<16xi1>, vector<16xi32>
        %add3A_297 = arith.addi %add3A_286, %select_n3A_296 : vector<16xi32>
        %add3A_298 = arith.constant 7 : i32
        %add3A_299 = vector.broadcast %add3A_298 : i32 to vector<16xi32>
        %add3A_300 = arith.addi %add3A_297, %add3A_299 : vector<16xi32>
        %gather3A_301 = tpu.vector_load_idx %arg6[%add3A_300] : memref<512xi32, #tpu.memory_space<vmem>>[vector<16xi32>], vector<16xi32>,
        %le3A_302 = arith.cmpi sle, %gather3A_301, %add3A_242 : vector<16xi32>
        %jit3A_303 = arith.constant 8 : i32
        %jit3A_304 = arith.constant 0 : i32
        %broadcast_in_dim3A_305 = vector.broadcast %jit3A_303 : i32 to vector<16xi32>
        %broadcast_in_dim3A_306 = vector.broadcast %jit3A_304 : i32 to vector<16xi32>
        %select_n3A_307 = arith.select %le3A_302, %broadcast_in_dim3A_305, %broadcast_in_dim3A_306 : vector<16xi1>, vector<16xi32>
        %add3A_308 = arith.addi %add3A_297, %select_n3A_307 : vector<16xi32>
        %add3A_309 = arith.constant 3 : i32
        %add3A_310 = vector.broadcast %add3A_309 : i32 to vector<16xi32>
        %add3A_311 = arith.addi %add3A_308, %add3A_310 : vector<16xi32>
        %gather3A_312 = tpu.vector_load_idx %arg6[%add3A_311] : memref<512xi32, #tpu.memory_space<vmem>>[vector<16xi32>], vector<16xi32>,
        %le3A_313 = arith.cmpi sle, %gather3A_312, %add3A_242 : vector<16xi32>
        %jit3A_314 = arith.constant 4 : i32
        %jit3A_315 = arith.constant 0 : i32
        %broadcast_in_dim3A_316 = vector.broadcast %jit3A_314 : i32 to vector<16xi32>
        %broadcast_in_dim3A_317 = vector.broadcast %jit3A_315 : i32 to vector<16xi32>
        %select_n3A_318 = arith.select %le3A_313, %broadcast_in_dim3A_316, %broadcast_in_dim3A_317 : vector<16xi1>, vector<16xi32>
        %add3A_319 = arith.addi %add3A_308, %select_n3A_318 : vector<16xi32>
        %add3A_320 = arith.constant 1 : i32
        %add3A_321 = vector.broadcast %add3A_320 : i32 to vector<16xi32>
        %add3A_322 = arith.addi %add3A_319, %add3A_321 : vector<16xi32>
        %gather3A_323 = tpu.vector_load_idx %arg6[%add3A_322] : memref<512xi32, #tpu.memory_space<vmem>>[vector<16xi32>], vector<16xi32>,
        %le3A_324 = arith.cmpi sle, %gather3A_323, %add3A_242 : vector<16xi32>
        %jit3A_325 = arith.constant 2 : i32
        %jit3A_326 = arith.constant 0 : i32
        %broadcast_in_dim3A_327 = vector.broadcast %jit3A_325 : i32 to vector<16xi32>
        %broadcast_in_dim3A_328 = vector.broadcast %jit3A_326 : i32 to vector<16xi32>
        %select_n3A_329 = arith.select %le3A_324, %broadcast_in_dim3A_327, %broadcast_in_dim3A_328 : vector<16xi1>, vector<16xi32>
        %add3A_330 = arith.addi %add3A_319, %select_n3A_329 : vector<16xi32>
        %add3A_331 = arith.constant 0 : i32
        %add3A_332 = vector.broadcast %add3A_331 : i32 to vector<16xi32>
        %add3A_333 = arith.addi %add3A_330, %add3A_332 : vector<16xi32>
        %gather3A_334 = tpu.vector_load_idx %arg6[%add3A_333] : memref<512xi32, #tpu.memory_space<vmem>>[vector<16xi32>], vector<16xi32>,
        %le3A_335 = arith.cmpi sle, %gather3A_334, %add3A_242 : vector<16xi32>
        %jit3A_336 = arith.constant 1 : i32
        %jit3A_337 = arith.constant 0 : i32
        %broadcast_in_dim3A_338 = vector.broadcast %jit3A_336 : i32 to vector<16xi32>
        %broadcast_in_dim3A_339 = vector.broadcast %jit3A_337 : i32 to vector<16xi32>
        %select_n3A_340 = arith.select %le3A_335, %broadcast_in_dim3A_338, %broadcast_in_dim3A_339 : vector<16xi1>, vector<16xi32>
        %add3A_341 = arith.addi %add3A_330, %select_n3A_340 : vector<16xi32>
        %gather3A_342 = tpu.vector_load_idx %arg6[%add3A_341] : memref<512xi32, #tpu.memory_space<vmem>>[vector<16xi32>], vector<16xi32>,
        %le3A_343 = arith.cmpi sle, %gather3A_342, %add3A_242 : vector<16xi32>
        %jit3A_344 = arith.constant 1 : i32
        %jit3A_345 = arith.constant 0 : i32
        %broadcast_in_dim3A_346 = vector.broadcast %jit3A_344 : i32 to vector<16xi32>
        %broadcast_in_dim3A_347 = vector.broadcast %jit3A_345 : i32 to vector<16xi32>
        %select_n3A_348 = arith.select %le3A_343, %broadcast_in_dim3A_346, %broadcast_in_dim3A_347 : vector<16xi1>, vector<16xi32>
        %add3A_349 = arith.addi %add3A_341, %select_n3A_348 : vector<16xi32>
        %gt3A = arith.constant 511 : i32
        %gt3A_350 = vector.broadcast %gt3A : i32 to vector<16xi32>
        %gt3A_351 = arith.cmpi sgt, %add3A_349, %gt3A_350 : vector<16xi32>
        %and3A_352 = arith.constant 511 : i32
        %and3A_353 = vector.broadcast %and3A_352 : i32 to vector<16xi32>
        %and3A_354 = arith.andi %add3A_242, %and3A_353 : vector<16xi32>
        %select_n3A_355 = arith.select %gt3A_351, %and3A_354, %add3A_349 : vector<16xi1>, vector<16xi32>
        %mul3A_356 = arith.constant 512 : i32
        %mul3A_357 = arith.muli %arg1, %mul3A_356 : i32
        %add3A_358 = vector.broadcast %mul3A_357 : i32 to vector<16xi32>
        %add3A_359 = arith.addi %add3A_358, %select_n3A_355 : vector<16xi32>
        %mul3A_360 = arith.constant 16 : i32
        %mul3A_361 = arith.muli %scan3A_234, %mul3A_360 : i32
        %add3A_362 = arith.constant 896 : i32
        %add3A_363 = arith.addi %add3A_362, %mul3A_361 : i32
        %swap3A = arith.index_cast %add3A_363 : i32 to index
        %swap3A_364 = tpu.vector_load %arg7[%swap3A] {strides = array<i32>} : memref<1024xi32, #tpu.memory_space<vmem>>, vector<16xi32>,
        tpu.vector_store %arg7[%swap3A], %add3A_359 {strides = array<i32>} : memref<1024xi32, #tpu.memory_space<vmem>>, vector<16xi32>,
        %scan3A_365 = arith.constant 0 : i32
        scf.yield %scan3A_365 : i32
      }
      %scan3A_229 = arith.constant 8 : i32
      %dma_start3A = arith.constant 896 : i32
      %dma_start3A_230 = tpu.memref_slice %arg7[%dma_start3A] : memref<1024xi32, #tpu.memory_space<vmem>> -> memref<128xi32, #tpu.memory_space<vmem>>
      %dma_start3A_231 = arith.constant 0 : i32
      %dma_start3A_232 = arith.constant 0 : i32
      %dma_start3A_233 = tpu.memref_slice %arg2[%dma_start3A_231, %dma_start3A_232] : memref<8192x256xf32, #tpu.memory_space<hbm>> -> memref<8192x256xf32, #tpu.memory_space<hbm>>
      tpu.enqueue_indirect_dma source(%dma_start3A_233 : memref<8192x256xf32, #tpu.memory_space<hbm>>) target(%arg9 : memref<128x256xf32, #tpu.memory_space<vmem>>) offsets(%dma_start3A_230 : memref<128xi32, #tpu.memory_space<vmem>>) semaphore(%arg13 : memref<!tpu.dma_semaphore, #tpu.memory_space<semaphore_mem>>)
    } else {
    }
    %add3A_166 = arith.constant 640 : i32
    %add3A_167 = arith.addi %mul3A_9, %add3A_166 : i32
    %lt3A_168 = arith.cmpi slt, %add3A_167, %min3A_17 : i32
    %add3A_169 = arith.constant 640 : i32
    %add3A_170 = arith.addi %add3A_24, %add3A_169 : i32
    %convert_element_type3A_171 = arith.extui %lt3A_168 : i1 to i32
    %cond3A_172 = arith.constant 0 : i32
    %cond3A_173 = arith.cmpi ne, %convert_element_type3A_171, %cond3A_172 : i32
    scf.if %cond3A_173 {
      %dma_wait3A_223 = arith.constant 640 : i32
      %dma_wait3A_224 = tpu.memref_slice %arg7[%dma_wait3A_223] : memref<1024xi32, #tpu.memory_space<vmem>> -> memref<128xi32, #tpu.memory_space<vmem>>
      %dma_wait3A_225 = arith.constant 0 : i32
      %dma_wait3A_226 = arith.constant 0 : i32
      %dma_wait3A_227 = tpu.memref_slice %arg2[%dma_wait3A_225, %dma_wait3A_226] : memref<8192x256xf32, #tpu.memory_space<hbm>> -> memref<8192x256xf32, #tpu.memory_space<hbm>>
      tpu.wait_indirect_dma semaphore(%arg14 : memref<!tpu.dma_semaphore, #tpu.memory_space<semaphore_mem>>) src(%dma_wait3A_227 : memref<8192x256xf32, #tpu.memory_space<hbm>>) dst(%arg10 : memref<128x256xf32, #tpu.memory_space<vmem>>)
      %sub3A = arith.subi %min3A_17, %add3A_167 : i32
      %jit3A_228 = arith.constant 0 : i32
      %jit3A_229 = arith.constant 128 : i32
      %max3A = arith.maxsi %jit3A_228, %sub3A : i32
      %min3A_230 = arith.minsi %jit3A_229, %max3A : i32
      %while3A = arith.constant 0 : i32
      %while3A_231 = arith.constant 128 : i32
      %while3A_232 = arith.subi %while3A_231, %min3A_230 : i32
      %while3A_233 = arith.addi %min3A_230, %while3A_232 : i32
      %while3A_234 = arith.constant 1 : i32
      %while3A_235 = arith.divsi %while3A_232, %while3A_234 : i32
      %while3A_236 = arith.muli %while3A_235, %while3A_234 : i32
      %while3A_237 = arith.addi %min3A_230, %while3A_236 : i32
      %while3A_238 = arith.constant 1 : i32
      scf.for %while3A_243 = %min3A_230 to %while3A_237 step %while3A_238  : i32 {
        %swap3A = arith.index_cast %while3A_243 : i32 to index
        %swap3A_244 = arith.constant 0 : index
        %swap3A_245 = tpu.vector_load %arg10[%swap3A, %swap3A_244] {strides = array<i32>} : memref<128x256xf32, #tpu.memory_space<vmem>>, vector<16xf32>,
        tpu.vector_store %arg10[%swap3A, %swap3A_244], %broadcast_in_dim3A_10 {strides = array<i32>} : memref<128x256xf32, #tpu.memory_space<vmem>>, vector<16xf32>,
        %swap3A_246 = arith.index_cast %while3A_243 : i32 to index
        %swap3A_247 = arith.constant 16 : index
        %swap3A_248 = tpu.vector_load %arg10[%swap3A_246, %swap3A_247] {strides = array<i32>} : memref<128x256xf32, #tpu.memory_space<vmem>>, vector<16xf32>,
        tpu.vector_store %arg10[%swap3A_246, %swap3A_247], %broadcast_in_dim3A_10 {strides = array<i32>} : memref<128x256xf32, #tpu.memory_space<vmem>>, vector<16xf32>,
        %swap3A_249 = arith.index_cast %while3A_243 : i32 to index
        %swap3A_250 = arith.constant 32 : index
        %swap3A_251 = tpu.vector_load %arg10[%swap3A_249, %swap3A_250] {strides = array<i32>} : memref<128x256xf32, #tpu.memory_space<vmem>>, vector<16xf32>,
        tpu.vector_store %arg10[%swap3A_249, %swap3A_250], %broadcast_in_dim3A_10 {strides = array<i32>} : memref<128x256xf32, #tpu.memory_space<vmem>>, vector<16xf32>,
        %swap3A_252 = arith.index_cast %while3A_243 : i32 to index
        %swap3A_253 = arith.constant 48 : index
        %swap3A_254 = tpu.vector_load %arg10[%swap3A_252, %swap3A_253] {strides = array<i32>} : memref<128x256xf32, #tpu.memory_space<vmem>>, vector<16xf32>,
        tpu.vector_store %arg10[%swap3A_252, %swap3A_253], %broadcast_in_dim3A_10 {strides = array<i32>} : memref<128x256xf32, #tpu.memory_space<vmem>>, vector<16xf32>,
        %swap3A_255 = arith.index_cast %while3A_243 : i32 to index
        %swap3A_256 = arith.constant 64 : index
        %swap3A_257 = tpu.vector_load %arg10[%swap3A_255, %swap3A_256] {strides = array<i32>} : memref<128x256xf32, #tpu.memory_space<vmem>>, vector<16xf32>,
        tpu.vector_store %arg10[%swap3A_255, %swap3A_256], %broadcast_in_dim3A_10 {strides = array<i32>} : memref<128x256xf32, #tpu.memory_space<vmem>>, vector<16xf32>,
        %swap3A_258 = arith.index_cast %while3A_243 : i32 to index
        %swap3A_259 = arith.constant 80 : index
        %swap3A_260 = tpu.vector_load %arg10[%swap3A_258, %swap3A_259] {strides = array<i32>} : memref<128x256xf32, #tpu.memory_space<vmem>>, vector<16xf32>,
        tpu.vector_store %arg10[%swap3A_258, %swap3A_259], %broadcast_in_dim3A_10 {strides = array<i32>} : memref<128x256xf32, #tpu.memory_space<vmem>>, vector<16xf32>,
        %swap3A_261 = arith.index_cast %while3A_243 : i32 to index
        %swap3A_262 = arith.constant 96 : index
        %swap3A_263 = tpu.vector_load %arg10[%swap3A_261, %swap3A_262] {strides = array<i32>} : memref<128x256xf32, #tpu.memory_space<vmem>>, vector<16xf32>,
        tpu.vector_store %arg10[%swap3A_261, %swap3A_262], %broadcast_in_dim3A_10 {strides = array<i32>} : memref<128x256xf32, #tpu.memory_space<vmem>>, vector<16xf32>,
        %swap3A_264 = arith.index_cast %while3A_243 : i32 to index
        %swap3A_265 = arith.constant 112 : index
        %swap3A_266 = tpu.vector_load %arg10[%swap3A_264, %swap3A_265] {strides = array<i32>} : memref<128x256xf32, #tpu.memory_space<vmem>>, vector<16xf32>,
        tpu.vector_store %arg10[%swap3A_264, %swap3A_265], %broadcast_in_dim3A_10 {strides = array<i32>} : memref<128x256xf32, #tpu.memory_space<vmem>>, vector<16xf32>,
        %swap3A_267 = arith.index_cast %while3A_243 : i32 to index
        %swap3A_268 = arith.constant 128 : index
        %swap3A_269 = tpu.vector_load %arg10[%swap3A_267, %swap3A_268] {strides = array<i32>} : memref<128x256xf32, #tpu.memory_space<vmem>>, vector<16xf32>,
        tpu.vector_store %arg10[%swap3A_267, %swap3A_268], %broadcast_in_dim3A_10 {strides = array<i32>} : memref<128x256xf32, #tpu.memory_space<vmem>>, vector<16xf32>,
        %swap3A_270 = arith.index_cast %while3A_243 : i32 to index
        %swap3A_271 = arith.constant 144 : index
        %swap3A_272 = tpu.vector_load %arg10[%swap3A_270, %swap3A_271] {strides = array<i32>} : memref<128x256xf32, #tpu.memory_space<vmem>>, vector<16xf32>,
        tpu.vector_store %arg10[%swap3A_270, %swap3A_271], %broadcast_in_dim3A_10 {strides = array<i32>} : memref<128x256xf32, #tpu.memory_space<vmem>>, vector<16xf32>,
        %swap3A_273 = arith.index_cast %while3A_243 : i32 to index
        %swap3A_274 = arith.constant 160 : index
        %swap3A_275 = tpu.vector_load %arg10[%swap3A_273, %swap3A_274] {strides = array<i32>} : memref<128x256xf32, #tpu.memory_space<vmem>>, vector<16xf32>,
        tpu.vector_store %arg10[%swap3A_273, %swap3A_274], %broadcast_in_dim3A_10 {strides = array<i32>} : memref<128x256xf32, #tpu.memory_space<vmem>>, vector<16xf32>,
        %swap3A_276 = arith.index_cast %while3A_243 : i32 to index
        %swap3A_277 = arith.constant 176 : index
        %swap3A_278 = tpu.vector_load %arg10[%swap3A_276, %swap3A_277] {strides = array<i32>} : memref<128x256xf32, #tpu.memory_space<vmem>>, vector<16xf32>,
        tpu.vector_store %arg10[%swap3A_276, %swap3A_277], %broadcast_in_dim3A_10 {strides = array<i32>} : memref<128x256xf32, #tpu.memory_space<vmem>>, vector<16xf32>,
        %swap3A_279 = arith.index_cast %while3A_243 : i32 to index
        %swap3A_280 = arith.constant 192 : index
        %swap3A_281 = tpu.vector_load %arg10[%swap3A_279, %swap3A_280] {strides = array<i32>} : memref<128x256xf32, #tpu.memory_space<vmem>>, vector<16xf32>,
        tpu.vector_store %arg10[%swap3A_279, %swap3A_280], %broadcast_in_dim3A_10 {strides = array<i32>} : memref<128x256xf32, #tpu.memory_space<vmem>>, vector<16xf32>,
        %swap3A_282 = arith.index_cast %while3A_243 : i32 to index
        %swap3A_283 = arith.constant 208 : index
        %swap3A_284 = tpu.vector_load %arg10[%swap3A_282, %swap3A_283] {strides = array<i32>} : memref<128x256xf32, #tpu.memory_space<vmem>>, vector<16xf32>,
        tpu.vector_store %arg10[%swap3A_282, %swap3A_283], %broadcast_in_dim3A_10 {strides = array<i32>} : memref<128x256xf32, #tpu.memory_space<vmem>>, vector<16xf32>,
        %swap3A_285 = arith.index_cast %while3A_243 : i32 to index
        %swap3A_286 = arith.constant 224 : index
        %swap3A_287 = tpu.vector_load %arg10[%swap3A_285, %swap3A_286] {strides = array<i32>} : memref<128x256xf32, #tpu.memory_space<vmem>>, vector<16xf32>,
        tpu.vector_store %arg10[%swap3A_285, %swap3A_286], %broadcast_in_dim3A_10 {strides = array<i32>} : memref<128x256xf32, #tpu.memory_space<vmem>>, vector<16xf32>,
        %swap3A_288 = arith.index_cast %while3A_243 : i32 to index
        %swap3A_289 = arith.constant 240 : index
        %swap3A_290 = tpu.vector_load %arg10[%swap3A_288, %swap3A_289] {strides = array<i32>} : memref<128x256xf32, #tpu.memory_space<vmem>>, vector<16xf32>,
        tpu.vector_store %arg10[%swap3A_288, %swap3A_289], %broadcast_in_dim3A_10 {strides = array<i32>} : memref<128x256xf32, #tpu.memory_space<vmem>>, vector<16xf32>,
      }
      %while3A_239 = arith.constant 1 : i32
      scf.for %while3A_243 = %while3A_237 to %while3A_233 step %while3A_239  : i32 {
        %swap3A = arith.index_cast %while3A_243 : i32 to index
        %swap3A_244 = arith.constant 0 : index
        %swap3A_245 = tpu.vector_load %arg10[%swap3A, %swap3A_244] {strides = array<i32>} : memref<128x256xf32, #tpu.memory_space<vmem>>, vector<16xf32>,
        tpu.vector_store %arg10[%swap3A, %swap3A_244], %broadcast_in_dim3A_10 {strides = array<i32>} : memref<128x256xf32, #tpu.memory_space<vmem>>, vector<16xf32>,
        %swap3A_246 = arith.index_cast %while3A_243 : i32 to index
        %swap3A_247 = arith.constant 16 : index
        %swap3A_248 = tpu.vector_load %arg10[%swap3A_246, %swap3A_247] {strides = array<i32>} : memref<128x256xf32, #tpu.memory_space<vmem>>, vector<16xf32>,
        tpu.vector_store %arg10[%swap3A_246, %swap3A_247], %broadcast_in_dim3A_10 {strides = array<i32>} : memref<128x256xf32, #tpu.memory_space<vmem>>, vector<16xf32>,
        %swap3A_249 = arith.index_cast %while3A_243 : i32 to index
        %swap3A_250 = arith.constant 32 : index
        %swap3A_251 = tpu.vector_load %arg10[%swap3A_249, %swap3A_250] {strides = array<i32>} : memref<128x256xf32, #tpu.memory_space<vmem>>, vector<16xf32>,
        tpu.vector_store %arg10[%swap3A_249, %swap3A_250], %broadcast_in_dim3A_10 {strides = array<i32>} : memref<128x256xf32, #tpu.memory_space<vmem>>, vector<16xf32>,
        %swap3A_252 = arith.index_cast %while3A_243 : i32 to index
        %swap3A_253 = arith.constant 48 : index
        %swap3A_254 = tpu.vector_load %arg10[%swap3A_252, %swap3A_253] {strides = array<i32>} : memref<128x256xf32, #tpu.memory_space<vmem>>, vector<16xf32>,
        tpu.vector_store %arg10[%swap3A_252, %swap3A_253], %broadcast_in_dim3A_10 {strides = array<i32>} : memref<128x256xf32, #tpu.memory_space<vmem>>, vector<16xf32>,
        %swap3A_255 = arith.index_cast %while3A_243 : i32 to index
        %swap3A_256 = arith.constant 64 : index
        %swap3A_257 = tpu.vector_load %arg10[%swap3A_255, %swap3A_256] {strides = array<i32>} : memref<128x256xf32, #tpu.memory_space<vmem>>, vector<16xf32>,
        tpu.vector_store %arg10[%swap3A_255, %swap3A_256], %broadcast_in_dim3A_10 {strides = array<i32>} : memref<128x256xf32, #tpu.memory_space<vmem>>, vector<16xf32>,
        %swap3A_258 = arith.index_cast %while3A_243 : i32 to index
        %swap3A_259 = arith.constant 80 : index
        %swap3A_260 = tpu.vector_load %arg10[%swap3A_258, %swap3A_259] {strides = array<i32>} : memref<128x256xf32, #tpu.memory_space<vmem>>, vector<16xf32>,
        tpu.vector_store %arg10[%swap3A_258, %swap3A_259], %broadcast_in_dim3A_10 {strides = array<i32>} : memref<128x256xf32, #tpu.memory_space<vmem>>, vector<16xf32>,
        %swap3A_261 = arith.index_cast %while3A_243 : i32 to index
        %swap3A_262 = arith.constant 96 : index
        %swap3A_263 = tpu.vector_load %arg10[%swap3A_261, %swap3A_262] {strides = array<i32>} : memref<128x256xf32, #tpu.memory_space<vmem>>, vector<16xf32>,
        tpu.vector_store %arg10[%swap3A_261, %swap3A_262], %broadcast_in_dim3A_10 {strides = array<i32>} : memref<128x256xf32, #tpu.memory_space<vmem>>, vector<16xf32>,
        %swap3A_264 = arith.index_cast %while3A_243 : i32 to index
        %swap3A_265 = arith.constant 112 : index
        %swap3A_266 = tpu.vector_load %arg10[%swap3A_264, %swap3A_265] {strides = array<i32>} : memref<128x256xf32, #tpu.memory_space<vmem>>, vector<16xf32>,
        tpu.vector_store %arg10[%swap3A_264, %swap3A_265], %broadcast_in_dim3A_10 {strides = array<i32>} : memref<128x256xf32, #tpu.memory_space<vmem>>, vector<16xf32>,
        %swap3A_267 = arith.index_cast %while3A_243 : i32 to index
        %swap3A_268 = arith.constant 128 : index
        %swap3A_269 = tpu.vector_load %arg10[%swap3A_267, %swap3A_268] {strides = array<i32>} : memref<128x256xf32, #tpu.memory_space<vmem>>, vector<16xf32>,
        tpu.vector_store %arg10[%swap3A_267, %swap3A_268], %broadcast_in_dim3A_10 {strides = array<i32>} : memref<128x256xf32, #tpu.memory_space<vmem>>, vector<16xf32>,
        %swap3A_270 = arith.index_cast %while3A_243 : i32 to index
        %swap3A_271 = arith.constant 144 : index
        %swap3A_272 = tpu.vector_load %arg10[%swap3A_270, %swap3A_271] {strides = array<i32>} : memref<128x256xf32, #tpu.memory_space<vmem>>, vector<16xf32>,
        tpu.vector_store %arg10[%swap3A_270, %swap3A_271], %broadcast_in_dim3A_10 {strides = array<i32>} : memref<128x256xf32, #tpu.memory_space<vmem>>, vector<16xf32>,
        %swap3A_273 = arith.index_cast %while3A_243 : i32 to index
        %swap3A_274 = arith.constant 160 : index
        %swap3A_275 = tpu.vector_load %arg10[%swap3A_273, %swap3A_274] {strides = array<i32>} : memref<128x256xf32, #tpu.memory_space<vmem>>, vector<16xf32>,
        tpu.vector_store %arg10[%swap3A_273, %swap3A_274], %broadcast_in_dim3A_10 {strides = array<i32>} : memref<128x256xf32, #tpu.memory_space<vmem>>, vector<16xf32>,
        %swap3A_276 = arith.index_cast %while3A_243 : i32 to index
        %swap3A_277 = arith.constant 176 : index
        %swap3A_278 = tpu.vector_load %arg10[%swap3A_276, %swap3A_277] {strides = array<i32>} : memref<128x256xf32, #tpu.memory_space<vmem>>, vector<16xf32>,
        tpu.vector_store %arg10[%swap3A_276, %swap3A_277], %broadcast_in_dim3A_10 {strides = array<i32>} : memref<128x256xf32, #tpu.memory_space<vmem>>, vector<16xf32>,
        %swap3A_279 = arith.index_cast %while3A_243 : i32 to index
        %swap3A_280 = arith.constant 192 : index
        %swap3A_281 = tpu.vector_load %arg10[%swap3A_279, %swap3A_280] {strides = array<i32>} : memref<128x256xf32, #tpu.memory_space<vmem>>, vector<16xf32>,
        tpu.vector_store %arg10[%swap3A_279, %swap3A_280], %broadcast_in_dim3A_10 {strides = array<i32>} : memref<128x256xf32, #tpu.memory_space<vmem>>, vector<16xf32>,
        %swap3A_282 = arith.index_cast %while3A_243 : i32 to index
        %swap3A_283 = arith.constant 208 : index
        %swap3A_284 = tpu.vector_load %arg10[%swap3A_282, %swap3A_283] {strides = array<i32>} : memref<128x256xf32, #tpu.memory_space<vmem>>, vector<16xf32>,
        tpu.vector_store %arg10[%swap3A_282, %swap3A_283], %broadcast_in_dim3A_10 {strides = array<i32>} : memref<128x256xf32, #tpu.memory_space<vmem>>, vector<16xf32>,
        %swap3A_285 = arith.index_cast %while3A_243 : i32 to index
        %swap3A_286 = arith.constant 224 : index
        %swap3A_287 = tpu.vector_load %arg10[%swap3A_285, %swap3A_286] {strides = array<i32>} : memref<128x256xf32, #tpu.memory_space<vmem>>, vector<16xf32>,
        tpu.vector_store %arg10[%swap3A_285, %swap3A_286], %broadcast_in_dim3A_10 {strides = array<i32>} : memref<128x256xf32, #tpu.memory_space<vmem>>, vector<16xf32>,
        %swap3A_288 = arith.index_cast %while3A_243 : i32 to index
        %swap3A_289 = arith.constant 240 : index
        %swap3A_290 = tpu.vector_load %arg10[%swap3A_288, %swap3A_289] {strides = array<i32>} : memref<128x256xf32, #tpu.memory_space<vmem>>, vector<16xf32>,
        tpu.vector_store %arg10[%swap3A_288, %swap3A_289], %broadcast_in_dim3A_10 {strides = array<i32>} : memref<128x256xf32, #tpu.memory_space<vmem>>, vector<16xf32>,
      }
      %dma_start3A = arith.constant 0 : i32
      %dma_start3A_240 = tpu.memref_slice %arg4[%add3A_170, %dma_start3A] : memref<32768x256xf32, #tpu.memory_space<hbm>> -> memref<128x256xf32, #tpu.memory_space<hbm>>
      %dma_start3A_241 = arith.constant 0 : i32
      %dma_start3A_242 = tpu.memref_slice %arg4[%add3A_170, %dma_start3A_241] : memref<32768x256xf32, #tpu.memory_space<hbm>> -> memref<128x256xf32, #tpu.memory_space<hbm>>
      tpu.enqueue_dma source(%arg10 : memref<128x256xf32, #tpu.memory_space<vmem>>) target(%dma_start3A_242 : memref<128x256xf32, #tpu.memory_space<hbm>>) target_semaphore(%arg17 : memref<!tpu.dma_semaphore, #tpu.memory_space<semaphore_mem>>)
    } else {
    }
    %not3A_174 = arith.constant true
    %not3A_175 = arith.xori %lt3A_168, %not3A_174 : i1
    %convert_element_type3A_176 = arith.extui %not3A_175 : i1 to i32
    %cond3A_177 = arith.constant 0 : i32
    %cond3A_178 = arith.cmpi ne, %convert_element_type3A_176, %cond3A_177 : i32
    scf.if %cond3A_178 {
      %dma_start3A = arith.constant 0 : i32
      %dma_start3A_223 = tpu.memref_slice %arg4[%add3A_170, %dma_start3A] : memref<32768x256xf32, #tpu.memory_space<hbm>> -> memref<128x256xf32, #tpu.memory_space<hbm>>
      %dma_start3A_224 = arith.constant 0 : i32
      %dma_start3A_225 = arith.constant 0 : i32
      %dma_start3A_226 = tpu.memref_slice %dma_start3A_223[%dma_start3A_224, %dma_start3A_225] : memref<128x256xf32, #tpu.memory_space<hbm>> -> memref<64x256xf32, #tpu.memory_space<hbm>>
      %dma_start3A_227 = arith.constant 0 : i32
      %dma_start3A_228 = tpu.memref_slice %arg4[%add3A_170, %dma_start3A_227] : memref<32768x256xf32, #tpu.memory_space<hbm>> -> memref<128x256xf32, #tpu.memory_space<hbm>>
      %dma_start3A_229 = arith.constant 0 : i32
      %dma_start3A_230 = arith.constant 0 : i32
      %dma_start3A_231 = tpu.memref_slice %dma_start3A_228[%dma_start3A_229, %dma_start3A_230] : memref<128x256xf32, #tpu.memory_space<hbm>> -> memref<64x256xf32, #tpu.memory_space<hbm>>
      tpu.enqueue_dma source(%arg11 : memref<64x256xf32, #tpu.memory_space<vmem>>) target(%dma_start3A_231 : memref<64x256xf32, #tpu.memory_space<hbm>>) target_semaphore(%arg17 : memref<!tpu.dma_semaphore, #tpu.memory_space<semaphore_mem>>)
      %dma_start3A_232 = arith.constant 0 : i32
      %dma_start3A_233 = tpu.memref_slice %arg4[%add3A_170, %dma_start3A_232] : memref<32768x256xf32, #tpu.memory_space<hbm>> -> memref<128x256xf32, #tpu.memory_space<hbm>>
      %dma_start3A_234 = arith.constant 64 : i32
      %dma_start3A_235 = arith.constant 0 : i32
      %dma_start3A_236 = tpu.memref_slice %dma_start3A_233[%dma_start3A_234, %dma_start3A_235] : memref<128x256xf32, #tpu.memory_space<hbm>> -> memref<64x256xf32, #tpu.memory_space<hbm>>
      %dma_start3A_237 = arith.constant 0 : i32
      %dma_start3A_238 = tpu.memref_slice %arg4[%add3A_170, %dma_start3A_237] : memref<32768x256xf32, #tpu.memory_space<hbm>> -> memref<128x256xf32, #tpu.memory_space<hbm>>
      %dma_start3A_239 = arith.constant 64 : i32
      %dma_start3A_240 = arith.constant 0 : i32
      %dma_start3A_241 = tpu.memref_slice %dma_start3A_238[%dma_start3A_239, %dma_start3A_240] : memref<128x256xf32, #tpu.memory_space<hbm>> -> memref<64x256xf32, #tpu.memory_space<hbm>>
      tpu.enqueue_dma source(%arg11 : memref<64x256xf32, #tpu.memory_space<vmem>>) target(%dma_start3A_241 : memref<64x256xf32, #tpu.memory_space<hbm>>) target_semaphore(%arg17 : memref<!tpu.dma_semaphore, #tpu.memory_space<semaphore_mem>>)
    } else {
    }
    %add3A_179 = arith.constant 768 : i32
    %add3A_180 = arith.addi %mul3A_9, %add3A_179 : i32
    %lt3A_181 = arith.cmpi slt, %add3A_180, %min3A_17 : i32
    %add3A_182 = arith.constant 768 : i32
    %add3A_183 = arith.addi %add3A_24, %add3A_182 : i32
    %convert_element_type3A_184 = arith.extui %lt3A_181 : i1 to i32
    %cond3A_185 = arith.constant 0 : i32
    %cond3A_186 = arith.cmpi ne, %convert_element_type3A_184, %cond3A_185 : i32
    scf.if %cond3A_186 {
      %dma_wait3A_223 = arith.constant 768 : i32
      %dma_wait3A_224 = tpu.memref_slice %arg7[%dma_wait3A_223] : memref<1024xi32, #tpu.memory_space<vmem>> -> memref<128xi32, #tpu.memory_space<vmem>>
      %dma_wait3A_225 = arith.constant 0 : i32
      %dma_wait3A_226 = arith.constant 0 : i32
      %dma_wait3A_227 = tpu.memref_slice %arg2[%dma_wait3A_225, %dma_wait3A_226] : memref<8192x256xf32, #tpu.memory_space<hbm>> -> memref<8192x256xf32, #tpu.memory_space<hbm>>
      tpu.wait_indirect_dma semaphore(%arg12 : memref<!tpu.dma_semaphore, #tpu.memory_space<semaphore_mem>>) src(%dma_wait3A_227 : memref<8192x256xf32, #tpu.memory_space<hbm>>) dst(%arg8 : memref<128x256xf32, #tpu.memory_space<vmem>>)
      %sub3A = arith.subi %min3A_17, %add3A_180 : i32
      %jit3A_228 = arith.constant 0 : i32
      %jit3A_229 = arith.constant 128 : i32
      %max3A = arith.maxsi %jit3A_228, %sub3A : i32
      %min3A_230 = arith.minsi %jit3A_229, %max3A : i32
      %while3A = arith.constant 0 : i32
      %while3A_231 = arith.constant 128 : i32
      %while3A_232 = arith.subi %while3A_231, %min3A_230 : i32
      %while3A_233 = arith.addi %min3A_230, %while3A_232 : i32
      %while3A_234 = arith.constant 1 : i32
      %while3A_235 = arith.divsi %while3A_232, %while3A_234 : i32
      %while3A_236 = arith.muli %while3A_235, %while3A_234 : i32
      %while3A_237 = arith.addi %min3A_230, %while3A_236 : i32
      %while3A_238 = arith.constant 1 : i32
      scf.for %while3A_243 = %min3A_230 to %while3A_237 step %while3A_238  : i32 {
        %swap3A = arith.index_cast %while3A_243 : i32 to index
        %swap3A_244 = arith.constant 0 : index
        %swap3A_245 = tpu.vector_load %arg8[%swap3A, %swap3A_244] {strides = array<i32>} : memref<128x256xf32, #tpu.memory_space<vmem>>, vector<16xf32>,
        tpu.vector_store %arg8[%swap3A, %swap3A_244], %broadcast_in_dim3A_10 {strides = array<i32>} : memref<128x256xf32, #tpu.memory_space<vmem>>, vector<16xf32>,
        %swap3A_246 = arith.index_cast %while3A_243 : i32 to index
        %swap3A_247 = arith.constant 16 : index
        %swap3A_248 = tpu.vector_load %arg8[%swap3A_246, %swap3A_247] {strides = array<i32>} : memref<128x256xf32, #tpu.memory_space<vmem>>, vector<16xf32>,
        tpu.vector_store %arg8[%swap3A_246, %swap3A_247], %broadcast_in_dim3A_10 {strides = array<i32>} : memref<128x256xf32, #tpu.memory_space<vmem>>, vector<16xf32>,
        %swap3A_249 = arith.index_cast %while3A_243 : i32 to index
        %swap3A_250 = arith.constant 32 : index
        %swap3A_251 = tpu.vector_load %arg8[%swap3A_249, %swap3A_250] {strides = array<i32>} : memref<128x256xf32, #tpu.memory_space<vmem>>, vector<16xf32>,
        tpu.vector_store %arg8[%swap3A_249, %swap3A_250], %broadcast_in_dim3A_10 {strides = array<i32>} : memref<128x256xf32, #tpu.memory_space<vmem>>, vector<16xf32>,
        %swap3A_252 = arith.index_cast %while3A_243 : i32 to index
        %swap3A_253 = arith.constant 48 : index
        %swap3A_254 = tpu.vector_load %arg8[%swap3A_252, %swap3A_253] {strides = array<i32>} : memref<128x256xf32, #tpu.memory_space<vmem>>, vector<16xf32>,
        tpu.vector_store %arg8[%swap3A_252, %swap3A_253], %broadcast_in_dim3A_10 {strides = array<i32>} : memref<128x256xf32, #tpu.memory_space<vmem>>, vector<16xf32>,
        %swap3A_255 = arith.index_cast %while3A_243 : i32 to index
        %swap3A_256 = arith.constant 64 : index
        %swap3A_257 = tpu.vector_load %arg8[%swap3A_255, %swap3A_256] {strides = array<i32>} : memref<128x256xf32, #tpu.memory_space<vmem>>, vector<16xf32>,
        tpu.vector_store %arg8[%swap3A_255, %swap3A_256], %broadcast_in_dim3A_10 {strides = array<i32>} : memref<128x256xf32, #tpu.memory_space<vmem>>, vector<16xf32>,
        %swap3A_258 = arith.index_cast %while3A_243 : i32 to index
        %swap3A_259 = arith.constant 80 : index
        %swap3A_260 = tpu.vector_load %arg8[%swap3A_258, %swap3A_259] {strides = array<i32>} : memref<128x256xf32, #tpu.memory_space<vmem>>, vector<16xf32>,
        tpu.vector_store %arg8[%swap3A_258, %swap3A_259], %broadcast_in_dim3A_10 {strides = array<i32>} : memref<128x256xf32, #tpu.memory_space<vmem>>, vector<16xf32>,
        %swap3A_261 = arith.index_cast %while3A_243 : i32 to index
        %swap3A_262 = arith.constant 96 : index
        %swap3A_263 = tpu.vector_load %arg8[%swap3A_261, %swap3A_262] {strides = array<i32>} : memref<128x256xf32, #tpu.memory_space<vmem>>, vector<16xf32>,
        tpu.vector_store %arg8[%swap3A_261, %swap3A_262], %broadcast_in_dim3A_10 {strides = array<i32>} : memref<128x256xf32, #tpu.memory_space<vmem>>, vector<16xf32>,
        %swap3A_264 = arith.index_cast %while3A_243 : i32 to index
        %swap3A_265 = arith.constant 112 : index
        %swap3A_266 = tpu.vector_load %arg8[%swap3A_264, %swap3A_265] {strides = array<i32>} : memref<128x256xf32, #tpu.memory_space<vmem>>, vector<16xf32>,
        tpu.vector_store %arg8[%swap3A_264, %swap3A_265], %broadcast_in_dim3A_10 {strides = array<i32>} : memref<128x256xf32, #tpu.memory_space<vmem>>, vector<16xf32>,
        %swap3A_267 = arith.index_cast %while3A_243 : i32 to index
        %swap3A_268 = arith.constant 128 : index
        %swap3A_269 = tpu.vector_load %arg8[%swap3A_267, %swap3A_268] {strides = array<i32>} : memref<128x256xf32, #tpu.memory_space<vmem>>, vector<16xf32>,
        tpu.vector_store %arg8[%swap3A_267, %swap3A_268], %broadcast_in_dim3A_10 {strides = array<i32>} : memref<128x256xf32, #tpu.memory_space<vmem>>, vector<16xf32>,
        %swap3A_270 = arith.index_cast %while3A_243 : i32 to index
        %swap3A_271 = arith.constant 144 : index
        %swap3A_272 = tpu.vector_load %arg8[%swap3A_270, %swap3A_271] {strides = array<i32>} : memref<128x256xf32, #tpu.memory_space<vmem>>, vector<16xf32>,
        tpu.vector_store %arg8[%swap3A_270, %swap3A_271], %broadcast_in_dim3A_10 {strides = array<i32>} : memref<128x256xf32, #tpu.memory_space<vmem>>, vector<16xf32>,
        %swap3A_273 = arith.index_cast %while3A_243 : i32 to index
        %swap3A_274 = arith.constant 160 : index
        %swap3A_275 = tpu.vector_load %arg8[%swap3A_273, %swap3A_274] {strides = array<i32>} : memref<128x256xf32, #tpu.memory_space<vmem>>, vector<16xf32>,
        tpu.vector_store %arg8[%swap3A_273, %swap3A_274], %broadcast_in_dim3A_10 {strides = array<i32>} : memref<128x256xf32, #tpu.memory_space<vmem>>, vector<16xf32>,
        %swap3A_276 = arith.index_cast %while3A_243 : i32 to index
        %swap3A_277 = arith.constant 176 : index
        %swap3A_278 = tpu.vector_load %arg8[%swap3A_276, %swap3A_277] {strides = array<i32>} : memref<128x256xf32, #tpu.memory_space<vmem>>, vector<16xf32>,
        tpu.vector_store %arg8[%swap3A_276, %swap3A_277], %broadcast_in_dim3A_10 {strides = array<i32>} : memref<128x256xf32, #tpu.memory_space<vmem>>, vector<16xf32>,
        %swap3A_279 = arith.index_cast %while3A_243 : i32 to index
        %swap3A_280 = arith.constant 192 : index
        %swap3A_281 = tpu.vector_load %arg8[%swap3A_279, %swap3A_280] {strides = array<i32>} : memref<128x256xf32, #tpu.memory_space<vmem>>, vector<16xf32>,
        tpu.vector_store %arg8[%swap3A_279, %swap3A_280], %broadcast_in_dim3A_10 {strides = array<i32>} : memref<128x256xf32, #tpu.memory_space<vmem>>, vector<16xf32>,
        %swap3A_282 = arith.index_cast %while3A_243 : i32 to index
        %swap3A_283 = arith.constant 208 : index
        %swap3A_284 = tpu.vector_load %arg8[%swap3A_282, %swap3A_283] {strides = array<i32>} : memref<128x256xf32, #tpu.memory_space<vmem>>, vector<16xf32>,
        tpu.vector_store %arg8[%swap3A_282, %swap3A_283], %broadcast_in_dim3A_10 {strides = array<i32>} : memref<128x256xf32, #tpu.memory_space<vmem>>, vector<16xf32>,
        %swap3A_285 = arith.index_cast %while3A_243 : i32 to index
        %swap3A_286 = arith.constant 224 : index
        %swap3A_287 = tpu.vector_load %arg8[%swap3A_285, %swap3A_286] {strides = array<i32>} : memref<128x256xf32, #tpu.memory_space<vmem>>, vector<16xf32>,
        tpu.vector_store %arg8[%swap3A_285, %swap3A_286], %broadcast_in_dim3A_10 {strides = array<i32>} : memref<128x256xf32, #tpu.memory_space<vmem>>, vector<16xf32>,
        %swap3A_288 = arith.index_cast %while3A_243 : i32 to index
        %swap3A_289 = arith.constant 240 : index
        %swap3A_290 = tpu.vector_load %arg8[%swap3A_288, %swap3A_289] {strides = array<i32>} : memref<128x256xf32, #tpu.memory_space<vmem>>, vector<16xf32>,
        tpu.vector_store %arg8[%swap3A_288, %swap3A_289], %broadcast_in_dim3A_10 {strides = array<i32>} : memref<128x256xf32, #tpu.memory_space<vmem>>, vector<16xf32>,
      }
      %while3A_239 = arith.constant 1 : i32
      scf.for %while3A_243 = %while3A_237 to %while3A_233 step %while3A_239  : i32 {
        %swap3A = arith.index_cast %while3A_243 : i32 to index
        %swap3A_244 = arith.constant 0 : index
        %swap3A_245 = tpu.vector_load %arg8[%swap3A, %swap3A_244] {strides = array<i32>} : memref<128x256xf32, #tpu.memory_space<vmem>>, vector<16xf32>,
        tpu.vector_store %arg8[%swap3A, %swap3A_244], %broadcast_in_dim3A_10 {strides = array<i32>} : memref<128x256xf32, #tpu.memory_space<vmem>>, vector<16xf32>,
        %swap3A_246 = arith.index_cast %while3A_243 : i32 to index
        %swap3A_247 = arith.constant 16 : index
        %swap3A_248 = tpu.vector_load %arg8[%swap3A_246, %swap3A_247] {strides = array<i32>} : memref<128x256xf32, #tpu.memory_space<vmem>>, vector<16xf32>,
        tpu.vector_store %arg8[%swap3A_246, %swap3A_247], %broadcast_in_dim3A_10 {strides = array<i32>} : memref<128x256xf32, #tpu.memory_space<vmem>>, vector<16xf32>,
        %swap3A_249 = arith.index_cast %while3A_243 : i32 to index
        %swap3A_250 = arith.constant 32 : index
        %swap3A_251 = tpu.vector_load %arg8[%swap3A_249, %swap3A_250] {strides = array<i32>} : memref<128x256xf32, #tpu.memory_space<vmem>>, vector<16xf32>,
        tpu.vector_store %arg8[%swap3A_249, %swap3A_250], %broadcast_in_dim3A_10 {strides = array<i32>} : memref<128x256xf32, #tpu.memory_space<vmem>>, vector<16xf32>,
        %swap3A_252 = arith.index_cast %while3A_243 : i32 to index
        %swap3A_253 = arith.constant 48 : index
        %swap3A_254 = tpu.vector_load %arg8[%swap3A_252, %swap3A_253] {strides = array<i32>} : memref<128x256xf32, #tpu.memory_space<vmem>>, vector<16xf32>,
        tpu.vector_store %arg8[%swap3A_252, %swap3A_253], %broadcast_in_dim3A_10 {strides = array<i32>} : memref<128x256xf32, #tpu.memory_space<vmem>>, vector<16xf32>,
        %swap3A_255 = arith.index_cast %while3A_243 : i32 to index
        %swap3A_256 = arith.constant 64 : index
        %swap3A_257 = tpu.vector_load %arg8[%swap3A_255, %swap3A_256] {strides = array<i32>} : memref<128x256xf32, #tpu.memory_space<vmem>>, vector<16xf32>,
        tpu.vector_store %arg8[%swap3A_255, %swap3A_256], %broadcast_in_dim3A_10 {strides = array<i32>} : memref<128x256xf32, #tpu.memory_space<vmem>>, vector<16xf32>,
        %swap3A_258 = arith.index_cast %while3A_243 : i32 to index
        %swap3A_259 = arith.constant 80 : index
        %swap3A_260 = tpu.vector_load %arg8[%swap3A_258, %swap3A_259] {strides = array<i32>} : memref<128x256xf32, #tpu.memory_space<vmem>>, vector<16xf32>,
        tpu.vector_store %arg8[%swap3A_258, %swap3A_259], %broadcast_in_dim3A_10 {strides = array<i32>} : memref<128x256xf32, #tpu.memory_space<vmem>>, vector<16xf32>,
        %swap3A_261 = arith.index_cast %while3A_243 : i32 to index
        %swap3A_262 = arith.constant 96 : index
        %swap3A_263 = tpu.vector_load %arg8[%swap3A_261, %swap3A_262] {strides = array<i32>} : memref<128x256xf32, #tpu.memory_space<vmem>>, vector<16xf32>,
        tpu.vector_store %arg8[%swap3A_261, %swap3A_262], %broadcast_in_dim3A_10 {strides = array<i32>} : memref<128x256xf32, #tpu.memory_space<vmem>>, vector<16xf32>,
        %swap3A_264 = arith.index_cast %while3A_243 : i32 to index
        %swap3A_265 = arith.constant 112 : index
        %swap3A_266 = tpu.vector_load %arg8[%swap3A_264, %swap3A_265] {strides = array<i32>} : memref<128x256xf32, #tpu.memory_space<vmem>>, vector<16xf32>,
        tpu.vector_store %arg8[%swap3A_264, %swap3A_265], %broadcast_in_dim3A_10 {strides = array<i32>} : memref<128x256xf32, #tpu.memory_space<vmem>>, vector<16xf32>,
        %swap3A_267 = arith.index_cast %while3A_243 : i32 to index
        %swap3A_268 = arith.constant 128 : index
        %swap3A_269 = tpu.vector_load %arg8[%swap3A_267, %swap3A_268] {strides = array<i32>} : memref<128x256xf32, #tpu.memory_space<vmem>>, vector<16xf32>,
        tpu.vector_store %arg8[%swap3A_267, %swap3A_268], %broadcast_in_dim3A_10 {strides = array<i32>} : memref<128x256xf32, #tpu.memory_space<vmem>>, vector<16xf32>,
        %swap3A_270 = arith.index_cast %while3A_243 : i32 to index
        %swap3A_271 = arith.constant 144 : index
        %swap3A_272 = tpu.vector_load %arg8[%swap3A_270, %swap3A_271] {strides = array<i32>} : memref<128x256xf32, #tpu.memory_space<vmem>>, vector<16xf32>,
        tpu.vector_store %arg8[%swap3A_270, %swap3A_271], %broadcast_in_dim3A_10 {strides = array<i32>} : memref<128x256xf32, #tpu.memory_space<vmem>>, vector<16xf32>,
        %swap3A_273 = arith.index_cast %while3A_243 : i32 to index
        %swap3A_274 = arith.constant 160 : index
        %swap3A_275 = tpu.vector_load %arg8[%swap3A_273, %swap3A_274] {strides = array<i32>} : memref<128x256xf32, #tpu.memory_space<vmem>>, vector<16xf32>,
        tpu.vector_store %arg8[%swap3A_273, %swap3A_274], %broadcast_in_dim3A_10 {strides = array<i32>} : memref<128x256xf32, #tpu.memory_space<vmem>>, vector<16xf32>,
        %swap3A_276 = arith.index_cast %while3A_243 : i32 to index
        %swap3A_277 = arith.constant 176 : index
        %swap3A_278 = tpu.vector_load %arg8[%swap3A_276, %swap3A_277] {strides = array<i32>} : memref<128x256xf32, #tpu.memory_space<vmem>>, vector<16xf32>,
        tpu.vector_store %arg8[%swap3A_276, %swap3A_277], %broadcast_in_dim3A_10 {strides = array<i32>} : memref<128x256xf32, #tpu.memory_space<vmem>>, vector<16xf32>,
        %swap3A_279 = arith.index_cast %while3A_243 : i32 to index
        %swap3A_280 = arith.constant 192 : index
        %swap3A_281 = tpu.vector_load %arg8[%swap3A_279, %swap3A_280] {strides = array<i32>} : memref<128x256xf32, #tpu.memory_space<vmem>>, vector<16xf32>,
        tpu.vector_store %arg8[%swap3A_279, %swap3A_280], %broadcast_in_dim3A_10 {strides = array<i32>} : memref<128x256xf32, #tpu.memory_space<vmem>>, vector<16xf32>,
        %swap3A_282 = arith.index_cast %while3A_243 : i32 to index
        %swap3A_283 = arith.constant 208 : index
        %swap3A_284 = tpu.vector_load %arg8[%swap3A_282, %swap3A_283] {strides = array<i32>} : memref<128x256xf32, #tpu.memory_space<vmem>>, vector<16xf32>,
        tpu.vector_store %arg8[%swap3A_282, %swap3A_283], %broadcast_in_dim3A_10 {strides = array<i32>} : memref<128x256xf32, #tpu.memory_space<vmem>>, vector<16xf32>,
        %swap3A_285 = arith.index_cast %while3A_243 : i32 to index
        %swap3A_286 = arith.constant 224 : index
        %swap3A_287 = tpu.vector_load %arg8[%swap3A_285, %swap3A_286] {strides = array<i32>} : memref<128x256xf32, #tpu.memory_space<vmem>>, vector<16xf32>,
        tpu.vector_store %arg8[%swap3A_285, %swap3A_286], %broadcast_in_dim3A_10 {strides = array<i32>} : memref<128x256xf32, #tpu.memory_space<vmem>>, vector<16xf32>,
        %swap3A_288 = arith.index_cast %while3A_243 : i32 to index
        %swap3A_289 = arith.constant 240 : index
        %swap3A_290 = tpu.vector_load %arg8[%swap3A_288, %swap3A_289] {strides = array<i32>} : memref<128x256xf32, #tpu.memory_space<vmem>>, vector<16xf32>,
        tpu.vector_store %arg8[%swap3A_288, %swap3A_289], %broadcast_in_dim3A_10 {strides = array<i32>} : memref<128x256xf32, #tpu.memory_space<vmem>>, vector<16xf32>,
      }
      %dma_start3A = arith.constant 0 : i32
      %dma_start3A_240 = tpu.memref_slice %arg4[%add3A_183, %dma_start3A] : memref<32768x256xf32, #tpu.memory_space<hbm>> -> memref<128x256xf32, #tpu.memory_space<hbm>>
      %dma_start3A_241 = arith.constant 0 : i32
      %dma_start3A_242 = tpu.memref_slice %arg4[%add3A_183, %dma_start3A_241] : memref<32768x256xf32, #tpu.memory_space<hbm>> -> memref<128x256xf32, #tpu.memory_space<hbm>>
      tpu.enqueue_dma source(%arg8 : memref<128x256xf32, #tpu.memory_space<vmem>>) target(%dma_start3A_242 : memref<128x256xf32, #tpu.memory_space<hbm>>) target_semaphore(%arg15 : memref<!tpu.dma_semaphore, #tpu.memory_space<semaphore_mem>>)
    } else {
    }
    %not3A_187 = arith.constant true
    %not3A_188 = arith.xori %lt3A_181, %not3A_187 : i1
    %convert_element_type3A_189 = arith.extui %not3A_188 : i1 to i32
    %cond3A_190 = arith.constant 0 : i32
    %cond3A_191 = arith.cmpi ne, %convert_element_type3A_189, %cond3A_190 : i32
    scf.if %cond3A_191 {
      %dma_start3A = arith.constant 0 : i32
      %dma_start3A_223 = tpu.memref_slice %arg4[%add3A_183, %dma_start3A] : memref<32768x256xf32, #tpu.memory_space<hbm>> -> memref<128x256xf32, #tpu.memory_space<hbm>>
      %dma_start3A_224 = arith.constant 0 : i32
      %dma_start3A_225 = arith.constant 0 : i32
      %dma_start3A_226 = tpu.memref_slice %dma_start3A_223[%dma_start3A_224, %dma_start3A_225] : memref<128x256xf32, #tpu.memory_space<hbm>> -> memref<64x256xf32, #tpu.memory_space<hbm>>
      %dma_start3A_227 = arith.constant 0 : i32
      %dma_start3A_228 = tpu.memref_slice %arg4[%add3A_183, %dma_start3A_227] : memref<32768x256xf32, #tpu.memory_space<hbm>> -> memref<128x256xf32, #tpu.memory_space<hbm>>
      %dma_start3A_229 = arith.constant 0 : i32
      %dma_start3A_230 = arith.constant 0 : i32
      %dma_start3A_231 = tpu.memref_slice %dma_start3A_228[%dma_start3A_229, %dma_start3A_230] : memref<128x256xf32, #tpu.memory_space<hbm>> -> memref<64x256xf32, #tpu.memory_space<hbm>>
      tpu.enqueue_dma source(%arg11 : memref<64x256xf32, #tpu.memory_space<vmem>>) target(%dma_start3A_231 : memref<64x256xf32, #tpu.memory_space<hbm>>) target_semaphore(%arg15 : memref<!tpu.dma_semaphore, #tpu.memory_space<semaphore_mem>>)
      %dma_start3A_232 = arith.constant 0 : i32
      %dma_start3A_233 = tpu.memref_slice %arg4[%add3A_183, %dma_start3A_232] : memref<32768x256xf32, #tpu.memory_space<hbm>> -> memref<128x256xf32, #tpu.memory_space<hbm>>
      %dma_start3A_234 = arith.constant 64 : i32
      %dma_start3A_235 = arith.constant 0 : i32
      %dma_start3A_236 = tpu.memref_slice %dma_start3A_233[%dma_start3A_234, %dma_start3A_235] : memref<128x256xf32, #tpu.memory_space<hbm>> -> memref<64x256xf32, #tpu.memory_space<hbm>>
      %dma_start3A_237 = arith.constant 0 : i32
      %dma_start3A_238 = tpu.memref_slice %arg4[%add3A_183, %dma_start3A_237] : memref<32768x256xf32, #tpu.memory_space<hbm>> -> memref<128x256xf32, #tpu.memory_space<hbm>>
      %dma_start3A_239 = arith.constant 64 : i32
      %dma_start3A_240 = arith.constant 0 : i32
      %dma_start3A_241 = tpu.memref_slice %dma_start3A_238[%dma_start3A_239, %dma_start3A_240] : memref<128x256xf32, #tpu.memory_space<hbm>> -> memref<64x256xf32, #tpu.memory_space<hbm>>
      tpu.enqueue_dma source(%arg11 : memref<64x256xf32, #tpu.memory_space<vmem>>) target(%dma_start3A_241 : memref<64x256xf32, #tpu.memory_space<hbm>>) target_semaphore(%arg15 : memref<!tpu.dma_semaphore, #tpu.memory_space<semaphore_mem>>)
    } else {
    }
    %add3A_192 = arith.constant 896 : i32
    %add3A_193 = arith.addi %mul3A_9, %add3A_192 : i32
    %lt3A_194 = arith.cmpi slt, %add3A_193, %min3A_17 : i32
    %add3A_195 = arith.constant 896 : i32
    %add3A_196 = arith.addi %add3A_24, %add3A_195 : i32
    %convert_element_type3A_197 = arith.extui %lt3A_194 : i1 to i32
    %cond3A_198 = arith.constant 0 : i32
    %cond3A_199 = arith.cmpi ne, %convert_element_type3A_197, %cond3A_198 : i32
    scf.if %cond3A_199 {
      %dma_wait3A_223 = arith.constant 896 : i32
      %dma_wait3A_224 = tpu.memref_slice %arg7[%dma_wait3A_223] : memref<1024xi32, #tpu.memory_space<vmem>> -> memref<128xi32, #tpu.memory_space<vmem>>
      %dma_wait3A_225 = arith.constant 0 : i32
      %dma_wait3A_226 = arith.constant 0 : i32
      %dma_wait3A_227 = tpu.memref_slice %arg2[%dma_wait3A_225, %dma_wait3A_226] : memref<8192x256xf32, #tpu.memory_space<hbm>> -> memref<8192x256xf32, #tpu.memory_space<hbm>>
      tpu.wait_indirect_dma semaphore(%arg13 : memref<!tpu.dma_semaphore, #tpu.memory_space<semaphore_mem>>) src(%dma_wait3A_227 : memref<8192x256xf32, #tpu.memory_space<hbm>>) dst(%arg9 : memref<128x256xf32, #tpu.memory_space<vmem>>)
      %sub3A = arith.subi %min3A_17, %add3A_193 : i32
      %jit3A_228 = arith.constant 0 : i32
      %jit3A_229 = arith.constant 128 : i32
      %max3A = arith.maxsi %jit3A_228, %sub3A : i32
      %min3A_230 = arith.minsi %jit3A_229, %max3A : i32
      %while3A = arith.constant 0 : i32
      %while3A_231 = arith.constant 128 : i32
      %while3A_232 = arith.subi %while3A_231, %min3A_230 : i32
      %while3A_233 = arith.addi %min3A_230, %while3A_232 : i32
      %while3A_234 = arith.constant 1 : i32
      %while3A_235 = arith.divsi %while3A_232, %while3A_234 : i32
      %while3A_236 = arith.muli %while3A_235, %while3A_234 : i32
      %while3A_237 = arith.addi %min3A_230, %while3A_236 : i32
      %while3A_238 = arith.constant 1 : i32
      scf.for %while3A_243 = %min3A_230 to %while3A_237 step %while3A_238  : i32 {
        %swap3A = arith.index_cast %while3A_243 : i32 to index
        %swap3A_244 = arith.constant 0 : index
        %swap3A_245 = tpu.vector_load %arg9[%swap3A, %swap3A_244] {strides = array<i32>} : memref<128x256xf32, #tpu.memory_space<vmem>>, vector<16xf32>,
        tpu.vector_store %arg9[%swap3A, %swap3A_244], %broadcast_in_dim3A_10 {strides = array<i32>} : memref<128x256xf32, #tpu.memory_space<vmem>>, vector<16xf32>,
        %swap3A_246 = arith.index_cast %while3A_243 : i32 to index
        %swap3A_247 = arith.constant 16 : index
        %swap3A_248 = tpu.vector_load %arg9[%swap3A_246, %swap3A_247] {strides = array<i32>} : memref<128x256xf32, #tpu.memory_space<vmem>>, vector<16xf32>,
        tpu.vector_store %arg9[%swap3A_246, %swap3A_247], %broadcast_in_dim3A_10 {strides = array<i32>} : memref<128x256xf32, #tpu.memory_space<vmem>>, vector<16xf32>,
        %swap3A_249 = arith.index_cast %while3A_243 : i32 to index
        %swap3A_250 = arith.constant 32 : index
        %swap3A_251 = tpu.vector_load %arg9[%swap3A_249, %swap3A_250] {strides = array<i32>} : memref<128x256xf32, #tpu.memory_space<vmem>>, vector<16xf32>,
        tpu.vector_store %arg9[%swap3A_249, %swap3A_250], %broadcast_in_dim3A_10 {strides = array<i32>} : memref<128x256xf32, #tpu.memory_space<vmem>>, vector<16xf32>,
        %swap3A_252 = arith.index_cast %while3A_243 : i32 to index
        %swap3A_253 = arith.constant 48 : index
        %swap3A_254 = tpu.vector_load %arg9[%swap3A_252, %swap3A_253] {strides = array<i32>} : memref<128x256xf32, #tpu.memory_space<vmem>>, vector<16xf32>,
        tpu.vector_store %arg9[%swap3A_252, %swap3A_253], %broadcast_in_dim3A_10 {strides = array<i32>} : memref<128x256xf32, #tpu.memory_space<vmem>>, vector<16xf32>,
        %swap3A_255 = arith.index_cast %while3A_243 : i32 to index
        %swap3A_256 = arith.constant 64 : index
        %swap3A_257 = tpu.vector_load %arg9[%swap3A_255, %swap3A_256] {strides = array<i32>} : memref<128x256xf32, #tpu.memory_space<vmem>>, vector<16xf32>,
        tpu.vector_store %arg9[%swap3A_255, %swap3A_256], %broadcast_in_dim3A_10 {strides = array<i32>} : memref<128x256xf32, #tpu.memory_space<vmem>>, vector<16xf32>,
        %swap3A_258 = arith.index_cast %while3A_243 : i32 to index
        %swap3A_259 = arith.constant 80 : index
        %swap3A_260 = tpu.vector_load %arg9[%swap3A_258, %swap3A_259] {strides = array<i32>} : memref<128x256xf32, #tpu.memory_space<vmem>>, vector<16xf32>,
        tpu.vector_store %arg9[%swap3A_258, %swap3A_259], %broadcast_in_dim3A_10 {strides = array<i32>} : memref<128x256xf32, #tpu.memory_space<vmem>>, vector<16xf32>,
        %swap3A_261 = arith.index_cast %while3A_243 : i32 to index
        %swap3A_262 = arith.constant 96 : index
        %swap3A_263 = tpu.vector_load %arg9[%swap3A_261, %swap3A_262] {strides = array<i32>} : memref<128x256xf32, #tpu.memory_space<vmem>>, vector<16xf32>,
        tpu.vector_store %arg9[%swap3A_261, %swap3A_262], %broadcast_in_dim3A_10 {strides = array<i32>} : memref<128x256xf32, #tpu.memory_space<vmem>>, vector<16xf32>,
        %swap3A_264 = arith.index_cast %while3A_243 : i32 to index
        %swap3A_265 = arith.constant 112 : index
        %swap3A_266 = tpu.vector_load %arg9[%swap3A_264, %swap3A_265] {strides = array<i32>} : memref<128x256xf32, #tpu.memory_space<vmem>>, vector<16xf32>,
        tpu.vector_store %arg9[%swap3A_264, %swap3A_265], %broadcast_in_dim3A_10 {strides = array<i32>} : memref<128x256xf32, #tpu.memory_space<vmem>>, vector<16xf32>,
        %swap3A_267 = arith.index_cast %while3A_243 : i32 to index
        %swap3A_268 = arith.constant 128 : index
        %swap3A_269 = tpu.vector_load %arg9[%swap3A_267, %swap3A_268] {strides = array<i32>} : memref<128x256xf32, #tpu.memory_space<vmem>>, vector<16xf32>,
        tpu.vector_store %arg9[%swap3A_267, %swap3A_268], %broadcast_in_dim3A_10 {strides = array<i32>} : memref<128x256xf32, #tpu.memory_space<vmem>>, vector<16xf32>,
        %swap3A_270 = arith.index_cast %while3A_243 : i32 to index
        %swap3A_271 = arith.constant 144 : index
        %swap3A_272 = tpu.vector_load %arg9[%swap3A_270, %swap3A_271] {strides = array<i32>} : memref<128x256xf32, #tpu.memory_space<vmem>>, vector<16xf32>,
        tpu.vector_store %arg9[%swap3A_270, %swap3A_271], %broadcast_in_dim3A_10 {strides = array<i32>} : memref<128x256xf32, #tpu.memory_space<vmem>>, vector<16xf32>,
        %swap3A_273 = arith.index_cast %while3A_243 : i32 to index
        %swap3A_274 = arith.constant 160 : index
        %swap3A_275 = tpu.vector_load %arg9[%swap3A_273, %swap3A_274] {strides = array<i32>} : memref<128x256xf32, #tpu.memory_space<vmem>>, vector<16xf32>,
        tpu.vector_store %arg9[%swap3A_273, %swap3A_274], %broadcast_in_dim3A_10 {strides = array<i32>} : memref<128x256xf32, #tpu.memory_space<vmem>>, vector<16xf32>,
        %swap3A_276 = arith.index_cast %while3A_243 : i32 to index
        %swap3A_277 = arith.constant 176 : index
        %swap3A_278 = tpu.vector_load %arg9[%swap3A_276, %swap3A_277] {strides = array<i32>} : memref<128x256xf32, #tpu.memory_space<vmem>>, vector<16xf32>,
        tpu.vector_store %arg9[%swap3A_276, %swap3A_277], %broadcast_in_dim3A_10 {strides = array<i32>} : memref<128x256xf32, #tpu.memory_space<vmem>>, vector<16xf32>,
        %swap3A_279 = arith.index_cast %while3A_243 : i32 to index
        %swap3A_280 = arith.constant 192 : index
        %swap3A_281 = tpu.vector_load %arg9[%swap3A_279, %swap3A_280] {strides = array<i32>} : memref<128x256xf32, #tpu.memory_space<vmem>>, vector<16xf32>,
        tpu.vector_store %arg9[%swap3A_279, %swap3A_280], %broadcast_in_dim3A_10 {strides = array<i32>} : memref<128x256xf32, #tpu.memory_space<vmem>>, vector<16xf32>,
        %swap3A_282 = arith.index_cast %while3A_243 : i32 to index
        %swap3A_283 = arith.constant 208 : index
        %swap3A_284 = tpu.vector_load %arg9[%swap3A_282, %swap3A_283] {strides = array<i32>} : memref<128x256xf32, #tpu.memory_space<vmem>>, vector<16xf32>,
        tpu.vector_store %arg9[%swap3A_282, %swap3A_283], %broadcast_in_dim3A_10 {strides = array<i32>} : memref<128x256xf32, #tpu.memory_space<vmem>>, vector<16xf32>,
        %swap3A_285 = arith.index_cast %while3A_243 : i32 to index
        %swap3A_286 = arith.constant 224 : index
        %swap3A_287 = tpu.vector_load %arg9[%swap3A_285, %swap3A_286] {strides = array<i32>} : memref<128x256xf32, #tpu.memory_space<vmem>>, vector<16xf32>,
        tpu.vector_store %arg9[%swap3A_285, %swap3A_286], %broadcast_in_dim3A_10 {strides = array<i32>} : memref<128x256xf32, #tpu.memory_space<vmem>>, vector<16xf32>,
        %swap3A_288 = arith.index_cast %while3A_243 : i32 to index
        %swap3A_289 = arith.constant 240 : index
        %swap3A_290 = tpu.vector_load %arg9[%swap3A_288, %swap3A_289] {strides = array<i32>} : memref<128x256xf32, #tpu.memory_space<vmem>>, vector<16xf32>,
        tpu.vector_store %arg9[%swap3A_288, %swap3A_289], %broadcast_in_dim3A_10 {strides = array<i32>} : memref<128x256xf32, #tpu.memory_space<vmem>>, vector<16xf32>,
      }
      %while3A_239 = arith.constant 1 : i32
      scf.for %while3A_243 = %while3A_237 to %while3A_233 step %while3A_239  : i32 {
        %swap3A = arith.index_cast %while3A_243 : i32 to index
        %swap3A_244 = arith.constant 0 : index
        %swap3A_245 = tpu.vector_load %arg9[%swap3A, %swap3A_244] {strides = array<i32>} : memref<128x256xf32, #tpu.memory_space<vmem>>, vector<16xf32>,
        tpu.vector_store %arg9[%swap3A, %swap3A_244], %broadcast_in_dim3A_10 {strides = array<i32>} : memref<128x256xf32, #tpu.memory_space<vmem>>, vector<16xf32>,
        %swap3A_246 = arith.index_cast %while3A_243 : i32 to index
        %swap3A_247 = arith.constant 16 : index
        %swap3A_248 = tpu.vector_load %arg9[%swap3A_246, %swap3A_247] {strides = array<i32>} : memref<128x256xf32, #tpu.memory_space<vmem>>, vector<16xf32>,
        tpu.vector_store %arg9[%swap3A_246, %swap3A_247], %broadcast_in_dim3A_10 {strides = array<i32>} : memref<128x256xf32, #tpu.memory_space<vmem>>, vector<16xf32>,
        %swap3A_249 = arith.index_cast %while3A_243 : i32 to index
        %swap3A_250 = arith.constant 32 : index
        %swap3A_251 = tpu.vector_load %arg9[%swap3A_249, %swap3A_250] {strides = array<i32>} : memref<128x256xf32, #tpu.memory_space<vmem>>, vector<16xf32>,
        tpu.vector_store %arg9[%swap3A_249, %swap3A_250], %broadcast_in_dim3A_10 {strides = array<i32>} : memref<128x256xf32, #tpu.memory_space<vmem>>, vector<16xf32>,
        %swap3A_252 = arith.index_cast %while3A_243 : i32 to index
        %swap3A_253 = arith.constant 48 : index
        %swap3A_254 = tpu.vector_load %arg9[%swap3A_252, %swap3A_253] {strides = array<i32>} : memref<128x256xf32, #tpu.memory_space<vmem>>, vector<16xf32>,
        tpu.vector_store %arg9[%swap3A_252, %swap3A_253], %broadcast_in_dim3A_10 {strides = array<i32>} : memref<128x256xf32, #tpu.memory_space<vmem>>, vector<16xf32>,
        %swap3A_255 = arith.index_cast %while3A_243 : i32 to index
        %swap3A_256 = arith.constant 64 : index
        %swap3A_257 = tpu.vector_load %arg9[%swap3A_255, %swap3A_256] {strides = array<i32>} : memref<128x256xf32, #tpu.memory_space<vmem>>, vector<16xf32>,
        tpu.vector_store %arg9[%swap3A_255, %swap3A_256], %broadcast_in_dim3A_10 {strides = array<i32>} : memref<128x256xf32, #tpu.memory_space<vmem>>, vector<16xf32>,
        %swap3A_258 = arith.index_cast %while3A_243 : i32 to index
        %swap3A_259 = arith.constant 80 : index
        %swap3A_260 = tpu.vector_load %arg9[%swap3A_258, %swap3A_259] {strides = array<i32>} : memref<128x256xf32, #tpu.memory_space<vmem>>, vector<16xf32>,
        tpu.vector_store %arg9[%swap3A_258, %swap3A_259], %broadcast_in_dim3A_10 {strides = array<i32>} : memref<128x256xf32, #tpu.memory_space<vmem>>, vector<16xf32>,
        %swap3A_261 = arith.index_cast %while3A_243 : i32 to index
        %swap3A_262 = arith.constant 96 : index
        %swap3A_263 = tpu.vector_load %arg9[%swap3A_261, %swap3A_262] {strides = array<i32>} : memref<128x256xf32, #tpu.memory_space<vmem>>, vector<16xf32>,
        tpu.vector_store %arg9[%swap3A_261, %swap3A_262], %broadcast_in_dim3A_10 {strides = array<i32>} : memref<128x256xf32, #tpu.memory_space<vmem>>, vector<16xf32>,
        %swap3A_264 = arith.index_cast %while3A_243 : i32 to index
        %swap3A_265 = arith.constant 112 : index
        %swap3A_266 = tpu.vector_load %arg9[%swap3A_264, %swap3A_265] {strides = array<i32>} : memref<128x256xf32, #tpu.memory_space<vmem>>, vector<16xf32>,
        tpu.vector_store %arg9[%swap3A_264, %swap3A_265], %broadcast_in_dim3A_10 {strides = array<i32>} : memref<128x256xf32, #tpu.memory_space<vmem>>, vector<16xf32>,
        %swap3A_267 = arith.index_cast %while3A_243 : i32 to index
        %swap3A_268 = arith.constant 128 : index
        %swap3A_269 = tpu.vector_load %arg9[%swap3A_267, %swap3A_268] {strides = array<i32>} : memref<128x256xf32, #tpu.memory_space<vmem>>, vector<16xf32>,
        tpu.vector_store %arg9[%swap3A_267, %swap3A_268], %broadcast_in_dim3A_10 {strides = array<i32>} : memref<128x256xf32, #tpu.memory_space<vmem>>, vector<16xf32>,
        %swap3A_270 = arith.index_cast %while3A_243 : i32 to index
        %swap3A_271 = arith.constant 144 : index
        %swap3A_272 = tpu.vector_load %arg9[%swap3A_270, %swap3A_271] {strides = array<i32>} : memref<128x256xf32, #tpu.memory_space<vmem>>, vector<16xf32>,
        tpu.vector_store %arg9[%swap3A_270, %swap3A_271], %broadcast_in_dim3A_10 {strides = array<i32>} : memref<128x256xf32, #tpu.memory_space<vmem>>, vector<16xf32>,
        %swap3A_273 = arith.index_cast %while3A_243 : i32 to index
        %swap3A_274 = arith.constant 160 : index
        %swap3A_275 = tpu.vector_load %arg9[%swap3A_273, %swap3A_274] {strides = array<i32>} : memref<128x256xf32, #tpu.memory_space<vmem>>, vector<16xf32>,
        tpu.vector_store %arg9[%swap3A_273, %swap3A_274], %broadcast_in_dim3A_10 {strides = array<i32>} : memref<128x256xf32, #tpu.memory_space<vmem>>, vector<16xf32>,
        %swap3A_276 = arith.index_cast %while3A_243 : i32 to index
        %swap3A_277 = arith.constant 176 : index
        %swap3A_278 = tpu.vector_load %arg9[%swap3A_276, %swap3A_277] {strides = array<i32>} : memref<128x256xf32, #tpu.memory_space<vmem>>, vector<16xf32>,
        tpu.vector_store %arg9[%swap3A_276, %swap3A_277], %broadcast_in_dim3A_10 {strides = array<i32>} : memref<128x256xf32, #tpu.memory_space<vmem>>, vector<16xf32>,
        %swap3A_279 = arith.index_cast %while3A_243 : i32 to index
        %swap3A_280 = arith.constant 192 : index
        %swap3A_281 = tpu.vector_load %arg9[%swap3A_279, %swap3A_280] {strides = array<i32>} : memref<128x256xf32, #tpu.memory_space<vmem>>, vector<16xf32>,
        tpu.vector_store %arg9[%swap3A_279, %swap3A_280], %broadcast_in_dim3A_10 {strides = array<i32>} : memref<128x256xf32, #tpu.memory_space<vmem>>, vector<16xf32>,
        %swap3A_282 = arith.index_cast %while3A_243 : i32 to index
        %swap3A_283 = arith.constant 208 : index
        %swap3A_284 = tpu.vector_load %arg9[%swap3A_282, %swap3A_283] {strides = array<i32>} : memref<128x256xf32, #tpu.memory_space<vmem>>, vector<16xf32>,
        tpu.vector_store %arg9[%swap3A_282, %swap3A_283], %broadcast_in_dim3A_10 {strides = array<i32>} : memref<128x256xf32, #tpu.memory_space<vmem>>, vector<16xf32>,
        %swap3A_285 = arith.index_cast %while3A_243 : i32 to index
        %swap3A_286 = arith.constant 224 : index
        %swap3A_287 = tpu.vector_load %arg9[%swap3A_285, %swap3A_286] {strides = array<i32>} : memref<128x256xf32, #tpu.memory_space<vmem>>, vector<16xf32>,
        tpu.vector_store %arg9[%swap3A_285, %swap3A_286], %broadcast_in_dim3A_10 {strides = array<i32>} : memref<128x256xf32, #tpu.memory_space<vmem>>, vector<16xf32>,
        %swap3A_288 = arith.index_cast %while3A_243 : i32 to index
        %swap3A_289 = arith.constant 240 : index
        %swap3A_290 = tpu.vector_load %arg9[%swap3A_288, %swap3A_289] {strides = array<i32>} : memref<128x256xf32, #tpu.memory_space<vmem>>, vector<16xf32>,
        tpu.vector_store %arg9[%swap3A_288, %swap3A_289], %broadcast_in_dim3A_10 {strides = array<i32>} : memref<128x256xf32, #tpu.memory_space<vmem>>, vector<16xf32>,
      }
      %dma_start3A = arith.constant 0 : i32
      %dma_start3A_240 = tpu.memref_slice %arg4[%add3A_196, %dma_start3A] : memref<32768x256xf32, #tpu.memory_space<hbm>> -> memref<128x256xf32, #tpu.memory_space<hbm>>
      %dma_start3A_241 = arith.constant 0 : i32
      %dma_start3A_242 = tpu.memref_slice %arg4[%add3A_196, %dma_start3A_241] : memref<32768x256xf32, #tpu.memory_space<hbm>> -> memref<128x256xf32, #tpu.memory_space<hbm>>
      tpu.enqueue_dma source(%arg9 : memref<128x256xf32, #tpu.memory_space<vmem>>) target(%dma_start3A_242 : memref<128x256xf32, #tpu.memory_space<hbm>>) target_semaphore(%arg16 : memref<!tpu.dma_semaphore, #tpu.memory_space<semaphore_mem>>)
    } else {
    }
    %not3A_200 = arith.constant true
    %not3A_201 = arith.xori %lt3A_194, %not3A_200 : i1
    %convert_element_type3A_202 = arith.extui %not3A_201 : i1 to i32
    %cond3A_203 = arith.constant 0 : i32
    %cond3A_204 = arith.cmpi ne, %convert_element_type3A_202, %cond3A_203 : i32
    scf.if %cond3A_204 {
      %dma_start3A = arith.constant 0 : i32
      %dma_start3A_223 = tpu.memref_slice %arg4[%add3A_196, %dma_start3A] : memref<32768x256xf32, #tpu.memory_space<hbm>> -> memref<128x256xf32, #tpu.memory_space<hbm>>
      %dma_start3A_224 = arith.constant 0 : i32
      %dma_start3A_225 = arith.constant 0 : i32
      %dma_start3A_226 = tpu.memref_slice %dma_start3A_223[%dma_start3A_224, %dma_start3A_225] : memref<128x256xf32, #tpu.memory_space<hbm>> -> memref<64x256xf32, #tpu.memory_space<hbm>>
      %dma_start3A_227 = arith.constant 0 : i32
      %dma_start3A_228 = tpu.memref_slice %arg4[%add3A_196, %dma_start3A_227] : memref<32768x256xf32, #tpu.memory_space<hbm>> -> memref<128x256xf32, #tpu.memory_space<hbm>>
      %dma_start3A_229 = arith.constant 0 : i32
      %dma_start3A_230 = arith.constant 0 : i32
      %dma_start3A_231 = tpu.memref_slice %dma_start3A_228[%dma_start3A_229, %dma_start3A_230] : memref<128x256xf32, #tpu.memory_space<hbm>> -> memref<64x256xf32, #tpu.memory_space<hbm>>
      tpu.enqueue_dma source(%arg11 : memref<64x256xf32, #tpu.memory_space<vmem>>) target(%dma_start3A_231 : memref<64x256xf32, #tpu.memory_space<hbm>>) target_semaphore(%arg16 : memref<!tpu.dma_semaphore, #tpu.memory_space<semaphore_mem>>)
      %dma_start3A_232 = arith.constant 0 : i32
      %dma_start3A_233 = tpu.memref_slice %arg4[%add3A_196, %dma_start3A_232] : memref<32768x256xf32, #tpu.memory_space<hbm>> -> memref<128x256xf32, #tpu.memory_space<hbm>>
      %dma_start3A_234 = arith.constant 64 : i32
      %dma_start3A_235 = arith.constant 0 : i32
      %dma_start3A_236 = tpu.memref_slice %dma_start3A_233[%dma_start3A_234, %dma_start3A_235] : memref<128x256xf32, #tpu.memory_space<hbm>> -> memref<64x256xf32, #tpu.memory_space<hbm>>
      %dma_start3A_237 = arith.constant 0 : i32
      %dma_start3A_238 = tpu.memref_slice %arg4[%add3A_196, %dma_start3A_237] : memref<32768x256xf32, #tpu.memory_space<hbm>> -> memref<128x256xf32, #tpu.memory_space<hbm>>
      %dma_start3A_239 = arith.constant 64 : i32
      %dma_start3A_240 = arith.constant 0 : i32
      %dma_start3A_241 = tpu.memref_slice %dma_start3A_238[%dma_start3A_239, %dma_start3A_240] : memref<128x256xf32, #tpu.memory_space<hbm>> -> memref<64x256xf32, #tpu.memory_space<hbm>>
      tpu.enqueue_dma source(%arg11 : memref<64x256xf32, #tpu.memory_space<vmem>>) target(%dma_start3A_241 : memref<64x256xf32, #tpu.memory_space<hbm>>) target_semaphore(%arg16 : memref<!tpu.dma_semaphore, #tpu.memory_space<semaphore_mem>>)
    } else {
    }
    %add3A_205 = arith.constant 640 : i32
    %add3A_206 = arith.addi %add3A_24, %add3A_205 : i32
    %dma_wait3A_207 = arith.constant 0 : i32
    %dma_wait3A_208 = tpu.memref_slice %arg4[%add3A_206, %dma_wait3A_207] : memref<32768x256xf32, #tpu.memory_space<hbm>> -> memref<128x256xf32, #tpu.memory_space<hbm>>
    %dma_wait3A_209 = arith.constant 0 : i32
    %dma_wait3A_210 = tpu.memref_slice %arg4[%add3A_206, %dma_wait3A_209] : memref<32768x256xf32, #tpu.memory_space<hbm>> -> memref<128x256xf32, #tpu.memory_space<hbm>>
    tpu.wait_dma2 semaphore(%arg17 : memref<!tpu.dma_semaphore, #tpu.memory_space<semaphore_mem>>) src(%arg10 : memref<128x256xf32, #tpu.memory_space<vmem>>) dst(%dma_wait3A_210 : memref<128x256xf32, #tpu.memory_space<hbm>>)
    %add3A_211 = arith.constant 768 : i32
    %add3A_212 = arith.addi %add3A_24, %add3A_211 : i32
    %dma_wait3A_213 = arith.constant 0 : i32
    %dma_wait3A_214 = tpu.memref_slice %arg4[%add3A_212, %dma_wait3A_213] : memref<32768x256xf32, #tpu.memory_space<hbm>> -> memref<128x256xf32, #tpu.memory_space<hbm>>
    %dma_wait3A_215 = arith.constant 0 : i32
    %dma_wait3A_216 = tpu.memref_slice %arg4[%add3A_212, %dma_wait3A_215] : memref<32768x256xf32, #tpu.memory_space<hbm>> -> memref<128x256xf32, #tpu.memory_space<hbm>>
    tpu.wait_dma2 semaphore(%arg15 : memref<!tpu.dma_semaphore, #tpu.memory_space<semaphore_mem>>) src(%arg8 : memref<128x256xf32, #tpu.memory_space<vmem>>) dst(%dma_wait3A_216 : memref<128x256xf32, #tpu.memory_space<hbm>>)
    %add3A_217 = arith.constant 896 : i32
    %add3A_218 = arith.addi %add3A_24, %add3A_217 : i32
    %dma_wait3A_219 = arith.constant 0 : i32
    %dma_wait3A_220 = tpu.memref_slice %arg4[%add3A_218, %dma_wait3A_219] : memref<32768x256xf32, #tpu.memory_space<hbm>> -> memref<128x256xf32, #tpu.memory_space<hbm>>
    %dma_wait3A_221 = arith.constant 0 : i32
    %dma_wait3A_222 = tpu.memref_slice %arg4[%add3A_218, %dma_wait3A_221] : memref<32768x256xf32, #tpu.memory_space<hbm>> -> memref<128x256xf32, #tpu.memory_space<hbm>>
    tpu.wait_dma2 semaphore(%arg16 : memref<!tpu.dma_semaphore, #tpu.memory_space<semaphore_mem>>) src(%arg9 : memref<128x256xf32, #tpu.memory_space<vmem>>) dst(%dma_wait3A_222 : memref<128x256xf32, #tpu.memory_space<hbm>>)
    return
  }
}

</mosaic_0001>

<sc_bundles>
// kernel: kernel.3.cloned.1.call-start
scs
__scs_entry_jumppad:
0x0: {  	(pc) =	sbr.rel $0x88, $3  }
0x1: {  	(tag) =	ssettag $0x0;
	lr =	simm.s32 $0x1  }
0x2: {  	[smem:$0x3F9F] =	sst lr;
	_ =	strace $0xD0000000  }
0x3: {  	_ = 	snop  }
0x4: {  	_ = 	snop  }
0x5: {  	_ = 	snop  }
0x6: {  	_ = 	snop  }
0x7: {  	_ = 	snop  }
__scs_overlays_trampoline_lowered:
0x8: {  	[smem:$0x3FAE] =	sst s0  }
0x9: {  	[smem:$0x3FAF] =	sst s1  }
0xa: {  	[smem:$0x3FB0] =	sst s2  }
0xb: {  	[smem:$0x3FB1] =	sst s3  }
0xc: {  	[smem:$0x3FB2] =	sst s4  }
0xd: {  	[smem:$0x3FB3] =	sst s5  }
0xe: {  	[smem:$0x3FB4] =	sst s6  }
0xf: {  	[smem:$0x3FB5] =	sst s7  }
0x10: {  	[smem:$0x3FB6] =	sst s8  }
0x11: {  	[smem:$0x3FB7] =	sst s9;
	s0 =	simm.s32 @!p0 $0x0  }
0x12: {  	s1 =	sld [smem:$0x3F9D];
	s0 =	simm.s32 @p0 $0x1  }
0x13: {  	[smem:$0x3FB8] =	sst s0;
	s0 =	simm.s32 @!p1 $0x0  }
0x14: {  	s2 =	sld [smem:$0x3F9C];
	s0 =	simm.s32 @p1 $0x1  }
0x15: {  	[smem:$0x3FB9] =	sst s0;
	s0 =	simm.s32 @!p2 $0x0  }
0x16: {  	s3 =	sld [smem:$0x3FDB];
	s0 =	simm.s32 @p2 $0x1  }
0x17: {  	s4 =	simm.s32 $0x1BF5;
	[smem:$0x3FBB] =	sst s0  }
0x18: {  	s0 =	sld [smem:$0x3F9E];
	_ =	swait.ge [sflag:s4], $0x0  }
0x19: {  	s7 =	sld [smem:$0x3F9F]  }
0x1a: {  	s8 =	sadd.s32 $0xFFFFE003, lr  }
0x1b: {  	s9 =	sadd.s32 $0xFFFFFEF7, lr;
	s5 =	simm.s32 $0xFFFFFFFF;
	p2 =	slt.u32 s8, $0xFFFFF086  }
0x1c: {  	p1 =	slt.u32 s9, $0xF7A;
	s5 =	simm.s32 @!p2 $0x0  }
0x1d: {  	s5 =	simm.s32 @p1 $0x1;
	p0 =	seq.s32 s7, s2  }
0x1e: {  	s7 =	smul.u32 @!p0 $0xF7A, s2;
	p2 =	seq.s32 @!p0 s5, $0x0  }
0x1f: {  	s9 =	smul.u32 $0xF7A, s1;
	s8 =	simm.s32 @!p0 $0x1BF5;
	p2 =	por !p2, p0  }
0x20: {  	[sflag:s8] =	ssyncset.s32 @!p0 $0xFFFFF086;
	s6 =	sadd.s32 @!p0 s3, s7;
	s7 =	simm.s32 @!p0 $0x108  }
0x21: {  	s3 =	sadd.s32 s3, s9;
	s6 =	sadd.s32 @!p0 $0x88, s6;
	s7 =	simm.s32 @p2 $0x1082  }
0x22: {  	[simem:s7], [sflag:s8] =	dma.local @!p0 [hbm:s6], $0xF7A  }
0x23: {  	s9 =	sor.u32 $0xD0000000, s2;
	s6 =	simm.s32 $0x108;
	_ =	swait.ge @!p0 [sflag:s8], $0x0  }
0x24: {  	s3 =	sadd.s32 $0x88, s3;
	s6 =	simm.s32 @!p1 $0x1082;
	[sflag:s4] =	ssyncset.s32 $0xFFFFF086  }
0x25: {  	[simem:s6], [sflag:s4] =	dma.local [hbm:s3], $0xF7A  }
0x26: {  	[smem:$0x3F9F] =	sst s1;
	(tag) =	ssettag s2;
	_ =	strace s9  }
0x27: {  	s1 =	sld [smem:$0x3FAF]  }
0x28: {  	s2 =	sld [smem:$0x3FB0]  }
0x29: {  	s4 =	sld [smem:$0x3FB2]  }
0x2a: {  	p0 =	seq.s32 s5, $0x0;
	s5 =	sld [smem:$0x3FB3]  }
0x2b: {  	s6 =	sld [smem:$0x3FB4]  }
0x2c: {  	s7 =	sld [smem:$0x3FB5]  }
0x2d: {  	s3 =	simm.s32 $0x108;
	s8 =	sld [smem:$0x3FB6]  }
0x2e: {  	s3 =	simm.s32 @!p0 $0x1082;
	s9 =	sld [smem:$0x3FB7]  }
0x2f: {  	lr =	sadd.s32 s0, s3;
	s0 =	sld [smem:$0x3FAE]  }
0x30: {  	s3 =	sld [smem:$0x3FB1]  }
0x31: {  	[smem:$0x3FBA] =	sst s10  }
0x32: {  	s10 =	sld [smem:$0x3FB8];
	_ =	sdelay $0x3  }
0x33: {  	p0 =	seq.s32 s10, $0x1;
	s10 =	sld [smem:$0x3FBA];
	_ =	sdelay $0x3  }
0x34: {  	[smem:$0x3FBA] =	sst s10  }
0x35: {  	s10 =	sld [smem:$0x3FB9];
	_ =	sdelay $0x3  }
0x36: {  	p1 =	seq.s32 s10, $0x1;
	s10 =	sld [smem:$0x3FBA];
	_ =	sdelay $0x3  }
0x37: {  	[smem:$0x3FBA] =	sst s10  }
0x38: {  	s10 =	sld [smem:$0x3FBB]  }
0x39: {  	_ = 	snop;
	(pc) =	sbr.ind lr, $3  }
0x3a: {  	_ = 	snop  }
0x3b: {  	_ = 	snop  }
0x3c: {  	p2 =	seq.s32 s10, $0x1;
	s10 =	sld [smem:$0x3FBA]  }
0x3d: {  	_ =	shalt  }
0x3e: {  	_ =	shalt  }
0x3f: {  	_ =	shalt  }
0x40: {  	_ =	shalt  }
0x41: {  	_ =	shalt  }
0x42: {  	_ =	shalt  }
0x43: {  	_ =	shalt  }
0x44: {  	_ =	shalt  }
0x45: {  	_ =	shalt  }
0x46: {  	_ =	shalt  }
0x47: {  	_ =	shalt  }
0x48: {  	_ =	shalt  }
0x49: {  	_ =	shalt  }
0x4a: {  	_ =	shalt  }
0x4b: {  	_ =	shalt  }
0x4c: {  	_ =	shalt  }
0x4d: {  	_ =	shalt  }
0x4e: {  	_ =	shalt  }
0x4f: {  	_ =	shalt  }
0x50: {  	_ =	shalt  }
0x51: {  	_ =	shalt  }
0x52: {  	_ =	shalt  }
0x53: {  	_ =	shalt  }
0x54: {  	_ =	shalt  }
0x55: {  	_ =	shalt  }
0x56: {  	_ =	shalt  }
0x57: {  	_ =	shalt  }
0x58: {  	_ =	shalt  }
0x59: {  	_ =	shalt  }
0x5a: {  	_ =	shalt  }
0x5b: {  	_ =	shalt  }
0x5c: {  	_ =	shalt  }
0x5d: {  	_ =	shalt  }
0x5e: {  	_ =	shalt  }
0x5f: {  	_ =	shalt  }
0x60: {  	_ =	shalt  }
0x61: {  	_ =	shalt  }
0x62: {  	_ =	shalt  }
0x63: {  	_ =	shalt  }
0x64: {  	_ =	shalt  }
0x65: {  	_ =	shalt  }
0x66: {  	_ =	shalt  }
0x67: {  	_ =	shalt  }
0x68: {  	_ =	shalt  }
0x69: {  	_ =	shalt  }
0x6a: {  	_ =	shalt  }
0x6b: {  	_ =	shalt  }
0x6c: {  	_ =	shalt  }
0x6d: {  	_ =	shalt  }
0x6e: {  	_ =	shalt  }
0x6f: {  	_ =	shalt  }
0x70: {  	_ =	shalt  }
0x71: {  	_ =	shalt  }
0x72: {  	_ =	shalt  }
0x73: {  	_ =	shalt  }
0x74: {  	_ =	shalt  }
0x75: {  	_ =	shalt  }
0x76: {  	_ =	shalt  }
0x77: {  	_ =	shalt  }
0x78: {  	_ =	shalt  }
0x79: {  	_ =	shalt  }
0x7a: {  	_ =	shalt  }
0x7b: {  	_ =	shalt  }
0x7c: {  	_ =	shalt  }
0x7d: {  	_ =	shalt  }
0x7e: {  	_ =	shalt  }
0x7f: {  	_ =	shalt  }
0x80: {  	_ =	shalt  }
0x81: {  	_ =	shalt  }
0x82: {  	_ =	shalt  }
0x83: {  	_ =	shalt  }
0x84: {  	_ =	shalt  }
0x85: {  	_ =	shalt  }
0x86: {  	_ =	shalt  }
0x87: {  	_ =	shalt  }
.Lfunc_end0:
.L_simem_size_0:
called_computation_lowered:
.L_overlay_start_0:
0x88: {  	s2 =	sld [smem:$0x3FD9]  }
0x89: {  	s3 =	sld [smem:$0x3FFE];
	_ =	sdelay $0x1  }
0x8a: {  	s1 =	srdreg.scid  }
0x8b: {  	s0 =	sand.u32 $0x1, s1  }
0x8c: {  	s18 =	sshll.u32 s0, $0xA;
	s2 =	sadd.s32 s3, s2  }
0x8d: {  	s2 =	sadd.s32 s2, s18  }
0x8e: {  	[smem:$0x3FC6] =	sst s2  }
0x8f: {  	_ = 	snop  }
0x90: {  	s2 =	sld [smem:$0x3FC9]  }
0x91: {  	s19 =	sld [smem:$0x3FC8]  }
0x92: {  	s4 =	sld [smem:$0x3FD0];
	(tm) =	ssettm $0x1  }
0x93: {  	s5 =	sld [smem:$0x3FFB];
	_ =	sdelay $0x3  }
0x94: {  	_ =	strace s5  }
0x95: {  	s5 =	sld [smem:$0x3FFC];
	_ =	sdelay $0x3  }
0x96: {  	_ =	strace s5  }
0x97: {  	s5 =	sld [smem:$0x3FFD];
	_ =	sdelay $0x3  }
0x98: {  	_ =	strace s5  }
0x99: {  	_ =	strace $0x8FFFFFFF  }
0x9a: {  	s20 =	sld [smem:$0x3FDB];
	_ =	sdelay $0x1  }
0x9b: {  	s6 =	simm.s32 $_scs_section_size  }
0x9c: {  	s7 =	simm.s32 $_size__tile_overlayer_lowered;
	s8 =	simm.s32 $_tile_overlayer_lowered  }
0x9d: {  	s23 =	simm.s32 $0x1BFF;
	s22 =	sshll.u32 s8, $0x1;
	s5 =	sadd.s32 s6, s20  }
0x9e: {  	s9 =	simm.s32 $0x0;
	s21 =	sshll.u32 s7, $0x1;
	s7 =	sadd.s32 s22, s5  }
0x9f: {  	[timem:s9], [sflag:s23] =	dma.local [hbm:s7], s21  }
0xa0: {  	_ =	swait.ge [sflag:s23], s21  }
0xa1: {  	s6 =	ssub.s32 $0x0, s21;
	[sflag:s23] =	ssyncset.done $0x0  }
0xa2: {  	[sflag:s23] =	ssyncadd.s32 s6;
	_ =	sdelay $0x1  }
0xa3: {  	s24 =	simm.s32 $0x1B8B  }
0xa4: {  	_ =	swait.ge [sflag:s24], $0x1  }
0xa5: {  	[sflag:s24] =	ssyncset.done $0x0  }
0xa6: {  	s25 =	simm.s32 $0x1B8E;
	[sflag:s24] =	ssyncadd.s32 $0xFFFFFFFF  }
0xa7: {  	s26 =	simm.s32 $execute0_lowered;
	[smem:$0x3FD2] =	sst s25  }
0xa8: {  	s6 =	sshll.u32 s26, $0x1;
	_ =	strace $0x80000046;
	[dreg:$0x1] =	wrdreg $0xFFFFFFFF  }
0xa9: {  	s28 =	simm.s32 $_size_execute0_lowered;
	s5 =	sadd.s32 s5, s6;
	[dreg:$0x0] =	wrdreg $0x0  }
0xaa: {  	s6 =	sshll.u32 s28, $0x1;
	[dreg:$0x2] =	wrdreg s5  }
0xab: {  	[dreg:$0x3] =	wrdreg s6  }
0xac: {  	[dreg:$0x4] =	wrdreg $0xC0  }
0xad: {  	_ =	task [dreg:s9], $0x5FFFF  }
0xae: {  	[dreg:$0x1] =	wrdreg $0xFFFFFFFF  }
0xaf: {  	[dreg:$0x0] =	wrdreg $0x60  }
0xb0: {  	[dreg:$0x2] =	wrdreg s2  }
0xb1: {  	[dreg:$0x3] =	wrdreg s19  }
0xb2: {  	[dreg:$0x4] =	wrdreg s4  }
0xb3: {  	[dreg:$0x5] =	wrdreg $0x9  }
0xb4: {  	_ =	task.clear_ibuf [dreg:s9], $0x6FFFF;
	_ =	strace $0x90000046  }
0xb5: {  	s29 =	simm.s32 $0x9;
	_ =	strace $0x80000048  }
0xb6: {  	_ =	swait.ge [sflag:s29], $0x1  }
0xb7: {  	[sflag:s29] =	ssyncadd.s32 $0xFFFFFFFF  }
0xb8: {  	_ =	strace $0x90000048  }
0xb9: {  	_ =	sfence  }
0xba: {  	s30 =	sld [smem:$0x0];
	_ =	sdelay $0x2  }
0xbb: {  	s31 =	sshll.u32 s1, $0xD;
	s1 =	sshrl.u32 s1, $0x2  }
0xbc: {  	s3 =	sand.u32 $0x4000, s31;
	s1 =	sadd.s32 s1, s30  }
0xbd: {  	s0 =	sor.u32 s3, s0;
	s1 =	sshll.u32 s1, $0x11  }
0xbe: {  	s0 =	sor.u32 s1, s0  }
0xbf: {  	s0 =	sadd.s32 $0x8F2B, s0  }
0xc0: {  	[sflag:s0] =	ssyncadd.remote.s32 $0x1  }
0xc1: {  	_ =	sfence.sel $0xFFFF  }
0xc2: {  	[dreg:$0x0] =	wrdreg $0xFFFFFFFF;
	(pc) =	sbr.abs _section_cstart, $3  }
0xc3: {  	[dreg:$0x1] =	wrdreg $0xFFFFFFFF  }
0xc4: {  	_ =	task.clear_ibuf [dreg:s9], $0x2FFFF;
	_ =	strace $0x9FFFFFFF  }
0xc5: {  	(tm) =	ssettm $0x7FFFFFFF  }
tec
execute0_lowered:
.L_overlay_start_1:
0x0: {  	(tag) =	ssettag $0x1  }
0x1: {  	s1 =	rddreg [dreg:$0x0]  }
0x2: {  	s3 =	rddreg [dreg:$0x1]  }
0x3: {  	s4 =	rddreg [dreg:$0x2]  }
0x4: {  	s2 =	simm.s32 $0x0;
	s0 =	srdreg.scid;
	s10 =	stileid.u32  }
0x5: {  	s28 =	simm.s32 $0x2;
	s29 =	simm.s32 $0x5;
	s30 =	simm.s32 $0x3  }
0x6: {  	[smem:$0x7FF] =	sst s2;
	s5 =	sand.u32 $0x1, s0;
	s6 =	sadd.s32 s10, s0  }
0x7: {  	s0 =	sshll.u32 s10, $0x9;
	s7 =	sshll.u32 s10, $0x7;
	s23 =	sshll.u32 s10, $0x10  }
0x8: {  	_ =	strace $0x80000047;
	s5 =	ssub.s32 $0x2, s5;
	s6 =	sshll.u32 s6, $0xA  }
0x9: {  	s8 =	sand.u32 $0x1000, s0;
	s7 =	sand.u32 $0x380, s7;
	v0 =	vmov s0;
	s0 =	simm.s32 $0x1  }
0xa: {  	s9 =	sshrl.u32 s5, $0x1;
	s24 =	sand.u32 $0x400, s6;
	s22 =	sor.u32 s7, s8  }
0xb: {  	s6 =	sshrl.u32 s22, $0x3;
	s25 =	sshll.u32 s24, $0x5;
	s5 =	ssub.s32 s5, s9  }
0xc: {  	s31 =	sadd.s32 $0x400, s24;
	s7 =	sor.u32 $0x80, s24;
	s9 =	sor.u32 $0x100, s24  }
0xd: {  	s10 =	sor.u32 $0x180, s24;
	s17 =	sor.u32 $0x81, s24;
	[dreg:$0x5] =	wrdreg s31  }
0xe: {  	s12 =	sor.u32 $0x200, s24;
	s19 =	sor.u32 $0x101, s24;
	[dreg:$0xc] =	wrdreg s17  }
0xf: {  	s14 =	sor.u32 $0x280, s24;
	s22 =	sor.u32 $0x181, s24;
	[dreg:$0xd] =	wrdreg s19  }
0x10: {  	s16 =	sor.u32 $0x300, s24;
	s3 =	sadd.s32 s3, s6;
	[dreg:$0xe] =	wrdreg s22  }
0x11: {  	s18 =	sor.u32 $0x380, s24;
	s15 =	smax.u32 s5, $0x1;
	[dreg:$0x4] =	wrdreg s3  }
0x12: {  	s26 =	sor.u32 s25, s23;
	s23 =	sor.u32 $0x201, s24;
	[dreg:$0xb] =	wrdreg s15  }
0x13: {  	s25 =	sor.u32 $0x281, s24;
	s31 =	sor.u32 $0x381, s24;
	[dreg:$0xf] =	wrdreg s23  }
0x14: {  	s5 =	simm.s32 $0x6;
	s22 =	simm.s32 $0x0;
	[dreg:$0x10] =	wrdreg s25  }
0x15: {  	s8 =	sadd.s32 s4, s26;
	s26 =	sor.u32 $0x301, s24;
	[dreg:$0x12] =	wrdreg s31  }
0x16: {  	v1 =	vimm.f32 $0.0e+00;
	v2 =	vlaneseq.u32;
	s23 =	simm.s32 $0x200;
	s3 =	sadd.s32 $0x1000, s8;
	[dreg:$0x11] =	wrdreg s26  }
.Ltmp0:
0x17: {  	v3 =	vimm.s32 $0xFF;
	v4 =	vimm.s32 $0x100;
	v5 =	vimm.s32 $0x80;
	s4 =	sadd.s32 $0x2000, s8;
	[dreg:$0x6] =	wrdreg s3;
	(pc) =	sbr.rel .LBB2_1-.Ltmp0, $4  }
0x18: {  	v6 =	vimm.s32 $0x40;
	v7 =	vimm.s32 $0x20;
	v8 =	vimm.s32 $0x10;
	s25 =	simm.s32 $0x4;
	s6 =	sadd.s32 $0x3000, s8;
	[dreg:$0x7] =	wrdreg s4  }
0x19: {  	v9 =	vimm.s32 $0x8;
	v10 =	vimm.s32 $0x4;
	v11 =	vimm.s32 $0x2;
	s11 =	sadd.s32 $0x4000, s8;
	s13 =	sadd.s32 $0x5000, s8;
	[dreg:$0x8] =	wrdreg s6  }
0x1a: {  	v12 =	vimm.s32 $0x0;
	vm0 =	vmmov $0xffff;
	v14 =	vshrl.u32 v2, $0x3;
	s20 =	sadd.s32 $0x6000, s8;
	s21 =	sadd.s32 $0x7000, s8;
	[dreg:$0x9] =	wrdreg s11  }
0x1b: {  	v13 =	vand.u32 $0x7, v2;
	v15 =	vor.u32 $0x8, v2;
	v14 =	vmul.u32 $0x8, v14;
	s26 =	simm.s32 $0x8800;
	[dreg:$0xa] =	wrdreg s13;
	s6 =	simm.s32 $0x18800  }
.LBB2_102:
0x1c: {  	[hbm4b:s21+s2] =	stream.linear.scatter [tilespmem:s6], [sflag:$0x5], $0x4000, $0x38;
	[tilespmem:$0x1C800] =	vst v63  }
0x1d: {  	s3 =	sadd.s32 $0x800, s21  }
0x1e: {  	[hbm4b:s3+s2] =	stream.linear.scatter [tilespmem:s6], [sflag:$0x5], $0x4000, $0x38;
	[tilespmem:$0x1C800] =	vst v63  }
.LBB2_103:
0x1f: {  	_ =	swait.ge [sflag:s5], $0x8000  }
0x20: {  	[sflag:s5] =	ssyncset.done $0x0  }
0x21: {  	[sflag:s5] =	ssyncadd.s32 $0xFFFF8000  }
0x22: {  	_ =	swait.ge [sflag:s25], $0x8000  }
0x23: {  	[sflag:s25] =	ssyncset.done $0x0  }
0x24: {  	[sflag:s25] =	ssyncadd.s32 $0xFFFF8000  }
0x25: {  	_ =	swait.ge [sflag:s29], $0x8000  }
0x26: {  	s22 =	sadd.s32 $0x1, s22;
	s3 =	rddreg [dreg:$0xb]  }
0x27: {  	p0 =	sne.s32 s22, s3  }
.Ltmp1:
0x28: {  	_ = 	snop;
	(pc) =	sbr.rel @!p0 .LBB2_104-.Ltmp1, $3  }
0x29: {  	_ =	sdelay $0x1  }
0x2a: {  	[sflag:s29] =	ssyncset.done $0x0  }
0x2b: {  	[sflag:s29] =	ssyncadd.s32 $0xFFFF8000  }
.LBB2_1:
0x2c: {  	s3 =	rddreg [dreg:$0x4]  }
0x2d: {  	s4 =	simm.s32 $0x80;
	s11 =	simm.s32 $0x400;
	s19 =	simm.s32 $0x7  }
0x2e: {  	[tilespmem:s2], [sflag:$0x7] =	stream.strided.gather [hbm4b:s3+s4], $0x200, s11, s4, $0x38;
	[tilespmem:$0x1C800] =	vst v63  }
0x2f: {  	_ =	swait.ge [sflag:s19], $0x200  }
0x30: {  	[sflag:s19] =	ssyncset.done $0x0  }
0x31: {  	s31 =	simm.s32 $0x0;
	[sflag:s19] =	ssyncadd.s32 $0xFFFFFE00  }
0x32: {  	v16 =	vld [tilespmem:s31+$0x0];
	_ =	sdelay $0x4  }
0x33: {  	vm1 =	vgt.s32 v16, $0x0  }
0x34: {  	v16 =	vnsel vm1, $0x0, v16  }
0x35: {  	(xrf0) =	vadd.scan.msk.s32 $0xffff, v16;
	_ =	sdelay $0x5  }
0x36: {  	v16, _, _ =	vpop (xrf0)  }
0x37: {  	v16 =	vadd.s32 s2, v16  }
0x38: {  	(v2sf) =	vpush v16, $0xF  }
0x39: {  	s4 =	simm.s32 $0x10;
	s3 =	simm.s32 $0x80;
	[tilespmem:s31+$0x200] =	vst v16  }
.LBB2_2:
0x3a: {  	p0 =	sne.s32 s3, $0x7C0;
	v16 =	vld [tilespmem:s4+$0x0];
	_ =	sdelay $0x4  }
0x3b: {  	vm1 =	vgt.s32 v16, $0x0  }
0x3c: {  	v16 =	vnsel vm1, $0x0, v16  }
0x3d: {  	(xrf0) =	vadd.scan.msk.s32 $0xffff, v16;
	_ =	sdelay $0x4  }
.Ltmp2:
0x3e: {  	(pc) =	sbr.rel @p0 .LBB2_2-.Ltmp2, $4  }
0x3f: {  	v16, _, _ =	vpop (xrf0);
	s11 =	spop (v2sf)  }
0x40: {  	v16 =	vadd.s32 s11, v16  }
0x41: {  	[tilespmem:s4+$0x200] =	vst v16;
	(v2sf) =	vpush v16, $0xF  }
0x42: {  	s4 =	sshra.s32 s3, $0x2;
	s3 =	sadd.s32 $0x40, s3  }
0x43: {  	v16 =	vld [tilespmem:s4+$0x0];
	_ =	sdelay $0x4  }
0x44: {  	vm1 =	vgt.s32 v16, $0x0  }
0x45: {  	v16 =	vnsel vm1, $0x0, v16  }
0x46: {  	(xrf0) =	vadd.scan.msk.s32 $0xffff, v16;
	_ =	sdelay $0x5  }
0x47: {  	v16, _, _ =	vpop (xrf0);
	s3 =	spop (v2sf)  }
0x48: {  	v16 =	vadd.s32 s3, v16  }
0x49: {  	(v2sf) =	vpush v16, $0xF;
	_ =	sdelay $0xe  }
0x4a: {  	s31 =	spop (v2sf)  }
0x4b: {  	p0 =	slt.s32 s31, $0x800;
	s3 =	smov.u32 s31  }
0x4c: {  	s11 =	rddreg [dreg:$0x5];
	s3 =	simm.s32 @!p0 $0x800  }
0x4d: {  	p0 =	sge.s32 s3, s11  }
.Ltmp3:
0x4e: {  	_ = 	snop;
	(pc) =	sbr.rel @p0 .LBB2_7-.Ltmp3, $2  }
0x4f: {  	_ =	sdelay $0x2  }
0x50: {  	[tilespmem:s4+$0x200] =	vst v16;
	s11 =	simm.s32 $0x0  }
0x51: {  	s4 =	sand.u32 $0x3800, s11;
	s13 =	sand.u32 $0x380, s11  }
0x52: {  	s13 =	sor.u32 s13, s4  }
0x53: {  	s4 =	sadd.s32 $0x18800, s13;
	[tilespmem:s13+$0x18800] =	vst v1  }
0x54: {  	[tilespmem:s4+$0x10] =	vst v1  }
0x55: {  	[tilespmem:s4+$0x20] =	vst v1  }
0x56: {  	[tilespmem:s4+$0x30] =	vst v1  }
0x57: {  	[tilespmem:s4+$0x40] =	vst v1  }
0x58: {  	[tilespmem:s4+$0x50] =	vst v1  }
0x59: {  	[tilespmem:s4+$0x60] =	vst v1  }
0x5a: {  	[tilespmem:s4+$0x70] =	vst v1  }
0x5b: {  	[tilespmem:s4+$0x400] =	vst v1  }
0x5c: {  	[tilespmem:s4+$0x410] =	vst v1  }
0x5d: {  	[tilespmem:s4+$0x420] =	vst v1  }
0x5e: {  	[tilespmem:s4+$0x430] =	vst v1  }
0x5f: {  	[tilespmem:s4+$0x440] =	vst v1  }
0x60: {  	s19 =	sadd.s32 $0x100, s11;
	s11 =	sadd.s32 $0x80, s11;
	[tilespmem:s4+$0x450] =	vst v1  }
0x61: {  	s15 =	sand.u32 $0x3800, s19;
	s17 =	sand.u32 $0x380, s11;
	s13 =	sadd.s32 $0x100, s19;
	[tilespmem:s4+$0x460] =	vst v1  }
.LBB2_5:
0x62: {  	p0 =	sne.s32 s13, $0x3F00;
	s15 =	sor.u32 s17, s15;
	[tilespmem:s4+$0x470] =	vst v1  }
0x63: {  	s4 =	sadd.s32 $0x18800, s15;
	[tilespmem:s15+$0x18800] =	vst v1  }
0x64: {  	[tilespmem:s4+$0x10] =	vst v1  }
0x65: {  	[tilespmem:s4+$0x20] =	vst v1  }
0x66: {  	[tilespmem:s4+$0x30] =	vst v1  }
0x67: {  	[tilespmem:s4+$0x40] =	vst v1  }
0x68: {  	[tilespmem:s4+$0x50] =	vst v1  }
0x69: {  	[tilespmem:s4+$0x60] =	vst v1  }
0x6a: {  	[tilespmem:s4+$0x70] =	vst v1  }
0x6b: {  	[tilespmem:s4+$0x400] =	vst v1  }
0x6c: {  	[tilespmem:s4+$0x410] =	vst v1  }
.Ltmp4:
0x6d: {  	[tilespmem:s4+$0x420] =	vst v1;
	(pc) =	sbr.rel @p0 .LBB2_5-.Ltmp4, $4  }
0x6e: {  	[tilespmem:s4+$0x430] =	vst v1  }
0x6f: {  	[tilespmem:s4+$0x440] =	vst v1  }
0x70: {  	s11 =	sadd.s32 $0x80, s11;
	[tilespmem:s4+$0x450] =	vst v1  }
0x71: {  	s15 =	sand.u32 $0x3800, s13;
	s17 =	sand.u32 $0x380, s11;
	s13 =	sadd.s32 $0x100, s13;
	[tilespmem:s4+$0x460] =	vst v1  }
0x72: {  	s11 =	sor.u32 s17, s15;
	[tilespmem:s4+$0x470] =	vst v1  }
0x73: {  	s19 =	sadd.s32 $0x18800, s11;
	[tilespmem:s11+$0x18800] =	vst v1  }
0x74: {  	[tilespmem:s19+$0x10] =	vst v1  }
0x75: {  	[tilespmem:s19+$0x20] =	vst v1  }
0x76: {  	[tilespmem:s19+$0x30] =	vst v1  }
0x77: {  	[tilespmem:s19+$0x40] =	vst v1  }
0x78: {  	[tilespmem:s19+$0x50] =	vst v1  }
0x79: {  	[tilespmem:s19+$0x60] =	vst v1  }
0x7a: {  	[tilespmem:s19+$0x70] =	vst v1  }
0x7b: {  	[tilespmem:s19+$0x400] =	vst v1  }
0x7c: {  	[tilespmem:s19+$0x410] =	vst v1  }
0x7d: {  	[tilespmem:s19+$0x420] =	vst v1  }
0x7e: {  	[tilespmem:s19+$0x430] =	vst v1  }
0x7f: {  	[tilespmem:s19+$0x440] =	vst v1  }
0x80: {  	[tilespmem:s19+$0x450] =	vst v1  }
0x81: {  	[tilespmem:s19+$0x460] =	vst v1  }
0x82: {  	[tilespmem:s19+$0x470] =	vst v1  }
.LBB2_7:
0x83: {  	p0 =	sle.s32 s31, s24  }
.Ltmp5:
0x84: {  	_ = 	snop;
	(pc) =	sbr.rel @p0 .LBB2_10-.Ltmp5, $2  }
0x85: {  	_ =	sdelay $0x2  }
0x86: {  	s31 =	simm.s32 $0x0;
	s4 =	smov.u32 s24  }
.LBB2_8:
0x87: {  	v16 =	vld.idx.msk [tilespmem:v3+s23+$0x0], $0xffff;
	_ =	sdelay $0x3  }
0x88: {  	v17 =	vor.u32 s4, v2  }
0x89: {  	vm1 =	vgt.s32 v16, v17  }
0x8a: {  	v16 =	vsel vm1, $0x0, v4  }
0x8b: {  	v18 =	vor.u32 $0x7F, v16;
	_ =	sdelay $0x4  }
0x8c: {  	v18 =	vld.idx.msk [tilespmem:v18+s23+$0x0], $0xffff;
	_ =	sdelay $0x4  }
0x8d: {  	vm1 =	vgt.s32 v18, v17  }
0x8e: {  	v18 =	vsel vm1, $0x0, v5  }
0x8f: {  	v16 =	vor.u32 v16, v18  }
0x90: {  	v18 =	vor.u32 $0x3F, v16;
	_ =	sdelay $0x4  }
0x91: {  	v18 =	vld.idx.msk [tilespmem:v18+s23+$0x0], $0xffff;
	_ =	sdelay $0x4  }
0x92: {  	vm1 =	vgt.s32 v18, v17  }
0x93: {  	v18 =	vsel vm1, $0x0, v6  }
0x94: {  	v19 =	vor.u32 v16, v18  }
0x95: {  	v19 =	vor.u32 $0x1F, v19;
	_ =	sdelay $0x4  }
0x96: {  	v19 =	vld.idx.msk [tilespmem:v19+s23+$0x0], $0xffff;
	_ =	sdelay $0x4  }
0x97: {  	vm1 =	vgt.s32 v19, v17  }
0x98: {  	v19 =	vsel vm1, $0x0, v7  }
0x99: {  	v18 =	vor.u32 v18, v19  }
0x9a: {  	v19 =	vor.u32 v16, v18  }
0x9b: {  	v20 =	vor.u32 $0xF, v19;
	_ =	sdelay $0x4  }
0x9c: {  	v20 =	vld.idx.msk [tilespmem:v20+s23+$0x0], $0xffff;
	_ =	sdelay $0x4  }
0x9d: {  	vm1 =	vgt.s32 v20, v17  }
0x9e: {  	v20 =	vsel vm1, $0x0, v8  }
0x9f: {  	v21 =	vor.u32 v20, v19  }
0xa0: {  	v21 =	vor.u32 $0x7, v21;
	_ =	sdelay $0x4  }
0xa1: {  	v21 =	vld.idx.msk [tilespmem:v21+s23+$0x0], $0xffff;
	_ =	sdelay $0x4  }
0xa2: {  	vm1 =	vgt.s32 v21, v17  }
0xa3: {  	v21 =	vsel vm1, $0x0, v9  }
0xa4: {  	v20 =	vor.u32 v20, v21  }
0xa5: {  	v19 =	vor.u32 v20, v19  }
0xa6: {  	v19 =	vor.u32 $0x3, v19;
	_ =	sdelay $0x4  }
0xa7: {  	v19 =	vld.idx.msk [tilespmem:v19+s23+$0x0], $0xffff;
	_ =	sdelay $0x4  }
0xa8: {  	vm1 =	vgt.s32 v19, v17  }
0xa9: {  	v19 =	vsel vm1, $0x0, v10  }
0xaa: {  	v19 =	vor.u32 v19, v16  }
0xab: {  	v18 =	vor.u32 v18, v19  }
0xac: {  	v18 =	vor.u32 v20, v18  }
0xad: {  	v63 =	vand.u32 $0x7C, v18  }
0xae: {  	v19 =	vor.u32 v63, v16  }
0xaf: {  	v19 =	vor.u32 $0x1, v19;
	_ =	sdelay $0x4  }
0xb0: {  	v19 =	vld.idx.msk [tilespmem:v19+s23+$0x0], $0xffff;
	_ =	sdelay $0x4  }
0xb1: {  	vm1 =	vgt.s32 v19, v17  }
0xb2: {  	v19 =	vsel vm1, $0x0, v11  }
0xb3: {  	v18 =	vor.u32 v19, v18  }
0xb4: {  	v19 =	vand.u32 $0x7F, v18  }
0xb5: {  	v19 =	vor.u32 v16, v19;
	_ =	sdelay $0x4  }
0xb6: {  	v19 =	vld.idx.msk [tilespmem:v19+s23+$0x0], $0xffff;
	_ =	sdelay $0x4  }
0xb7: {  	vm1 =	vle.s32 v19, v17  }
0xb8: {  	v19 =	vsel vm1, $0x1, v12  }
0xb9: {  	v18 =	vor.u32 v19, v18  }
0xba: {  	v19 =	vand.u32 $0x7F, v18  }
0xbb: {  	v16 =	vor.u32 v16, v19;
	_ =	sdelay $0x4  }
0xbc: {  	v16 =	vld.idx.msk [tilespmem:v16+s23+$0x0], $0xffff;
	_ =	sdelay $0x4  }
0xbd: {  	vm1 =	vle.s32 v16, v17  }
0xbe: {  	p1 =	sne.s32 s31, $0x1C0;
	v16 =	vsel vm1, $0x1, v12  }
.Ltmp6:
0xbf: {  	v16 =	vadd.s32 v16, v18;
	(pc) =	sbr.rel @p1 .LBB2_8-.Ltmp6, $4  }
0xc0: {  	v17 =	vand.u32 $0x7F, v17;
	vm1 =	vgt.u32 v16, $0x1FF  }
0xc1: {  	v16 =	vsel vm1, v17, v16  }
0xc2: {  	s11 =	sshra.s32 s31, $0x2;
	v16 =	vadd.s32 v0, v16  }
0xc3: {  	s4 =	sadd.s32 $0x10, s4;
	s31 =	sadd.s32 $0x40, s31;
	[tilespmem:s11+$0x400] =	vst v16  }
0xc4: {  	v16 =	vld [tilespmem:$0x400];
	_ =	sdelay $0x4  }
0xc5: {  	v17 =	vshll.u32 v16, $0x1  }
0xc6: {  	v16 =	vand.u32 $0x7, v16;
	v17 =	vand.u32 $0xFFFFFFF0, v17  }
0xc7: {  	v16 =	vor.u32 v16, v17  }
0xc8: {  	v17 =	vperm.xlane v16, v13;
	_ =	sdelay $0x1  }
0xc9: {  	v16 =	vperm.xlane v16, v15;
	v17 =	vadd.s32 v14, v17;
	_ =	sdelay $0x1  }
0xca: {  	v16 =	vadd.s32 v14, v16;
	_ =	sdelay $0x1  }
0xcb: {  	s4 =	simm.s32 $0x800  }
0xcc: {  	[tilespmem:s4], [sflag:$0x1] =	stream.indirect_vreg.gather [hbm4b:s1+s2], $0x80, v17, vm0, $0xb8;
	[tilespmem:$0x1C800] =	vst v63  }
0xcd: {  	s17 =	simm.s32 $0x1000  }
0xce: {  	[tilespmem:s17], [sflag:$0x1] =	stream.indirect_vreg.gather [hbm4b:s1+s2], $0x80, v16, vm0, $0xb8;
	[tilespmem:$0x1C800] =	vst v63  }
0xcf: {  	v16 =	vld [tilespmem:$0x410];
	_ =	sdelay $0x4  }
0xd0: {  	v17 =	vshll.u32 v16, $0x1  }
0xd1: {  	v16 =	vand.u32 $0x7, v16;
	v17 =	vand.u32 $0xFFFFFFF0, v17  }
0xd2: {  	v16 =	vor.u32 v16, v17  }
0xd3: {  	v17 =	vperm.xlane v16, v13;
	_ =	sdelay $0x1  }
0xd4: {  	v16 =	vperm.xlane v16, v15;
	v17 =	vadd.s32 v14, v17;
	_ =	sdelay $0x1  }
0xd5: {  	v16 =	vadd.s32 v14, v16;
	_ =	sdelay $0x1  }
0xd6: {  	s19 =	simm.s32 $0x1800  }
0xd7: {  	[tilespmem:s19], [sflag:$0x1] =	stream.indirect_vreg.gather [hbm4b:s1+s2], $0x80, v17, vm0, $0xb8;
	[tilespmem:$0x1C800] =	vst v63  }
0xd8: {  	s31 =	simm.s32 $0x2000  }
0xd9: {  	[tilespmem:s31], [sflag:$0x1] =	stream.indirect_vreg.gather [hbm4b:s1+s2], $0x80, v16, vm0, $0xb8;
	[tilespmem:$0x1C800] =	vst v63  }
0xda: {  	v16 =	vld [tilespmem:$0x420];
	_ =	sdelay $0x4  }
0xdb: {  	v17 =	vshll.u32 v16, $0x1  }
0xdc: {  	v16 =	vand.u32 $0x7, v16;
	v17 =	vand.u32 $0xFFFFFFF0, v17  }
0xdd: {  	v16 =	vor.u32 v16, v17  }
0xde: {  	v17 =	vperm.xlane v16, v13;
	_ =	sdelay $0x1  }
0xdf: {  	v16 =	vperm.xlane v16, v15;
	v17 =	vadd.s32 v14, v17;
	_ =	sdelay $0x1  }
0xe0: {  	v16 =	vadd.s32 v14, v16;
	_ =	sdelay $0x1  }
0xe1: {  	s11 =	simm.s32 $0x2800  }
0xe2: {  	[tilespmem:s11], [sflag:$0x1] =	stream.indirect_vreg.gather [hbm4b:s1+s2], $0x80, v17, vm0, $0xb8;
	[tilespmem:$0x1C800] =	vst v63  }
0xe3: {  	s13 =	simm.s32 $0x3000  }
0xe4: {  	[tilespmem:s13], [sflag:$0x1] =	stream.indirect_vreg.gather [hbm4b:s1+s2], $0x80, v16, vm0, $0xb8;
	[tilespmem:$0x1C800] =	vst v63  }
0xe5: {  	v16 =	vld [tilespmem:$0x430];
	_ =	sdelay $0x4  }
0xe6: {  	v17 =	vshll.u32 v16, $0x1  }
0xe7: {  	v16 =	vand.u32 $0x7, v16;
	v17 =	vand.u32 $0xFFFFFFF0, v17  }
0xe8: {  	v16 =	vor.u32 v16, v17  }
0xe9: {  	v17 =	vperm.xlane v16, v13;
	_ =	sdelay $0x1  }
0xea: {  	v16 =	vperm.xlane v16, v15;
	v17 =	vadd.s32 v14, v17;
	_ =	sdelay $0x1  }
0xeb: {  	v16 =	vadd.s32 v14, v16;
	_ =	sdelay $0x1  }
0xec: {  	s15 =	simm.s32 $0x3800  }
0xed: {  	[tilespmem:s15], [sflag:$0x1] =	stream.indirect_vreg.gather [hbm4b:s1+s2], $0x80, v17, vm0, $0xb8;
	[tilespmem:$0x1C800] =	vst v63  }
0xee: {  	s17 =	simm.s32 $0x4000  }
0xef: {  	[tilespmem:s17], [sflag:$0x1] =	stream.indirect_vreg.gather [hbm4b:s1+s2], $0x80, v16, vm0, $0xb8;
	[tilespmem:$0x1C800] =	vst v63  }
0xf0: {  	v16 =	vld [tilespmem:$0x440];
	_ =	sdelay $0x4  }
0xf1: {  	v17 =	vshll.u32 v16, $0x1  }
0xf2: {  	v16 =	vand.u32 $0x7, v16;
	v17 =	vand.u32 $0xFFFFFFF0, v17  }
0xf3: {  	v16 =	vor.u32 v16, v17  }
0xf4: {  	v17 =	vperm.xlane v16, v13;
	_ =	sdelay $0x1  }
0xf5: {  	v16 =	vperm.xlane v16, v15;
	v17 =	vadd.s32 v14, v17;
	_ =	sdelay $0x1  }
0xf6: {  	v16 =	vadd.s32 v14, v16;
	_ =	sdelay $0x1  }
0xf7: {  	s19 =	simm.s32 $0x4800  }
0xf8: {  	[tilespmem:s19], [sflag:$0x1] =	stream.indirect_vreg.gather [hbm4b:s1+s2], $0x80, v17, vm0, $0xb8;
	[tilespmem:$0x1C800] =	vst v63  }
0xf9: {  	s31 =	simm.s32 $0x5000  }
0xfa: {  	[tilespmem:s31], [sflag:$0x1] =	stream.indirect_vreg.gather [hbm4b:s1+s2], $0x80, v16, vm0, $0xb8;
	[tilespmem:$0x1C800] =	vst v63  }
0xfb: {  	v16 =	vld [tilespmem:$0x450];
	_ =	sdelay $0x4  }
0xfc: {  	v17 =	vshll.u32 v16, $0x1  }
0xfd: {  	v16 =	vand.u32 $0x7, v16;
	v17 =	vand.u32 $0xFFFFFFF0, v17  }
0xfe: {  	v16 =	vor.u32 v16, v17  }
0xff: {  	v17 =	vperm.xlane v16, v13;
	_ =	sdelay $0x1  }
0x100: {  	v16 =	vperm.xlane v16, v15;
	v17 =	vadd.s32 v14, v17;
	_ =	sdelay $0x1  }
0x101: {  	v16 =	vadd.s32 v14, v16;
	_ =	sdelay $0x1  }
0x102: {  	s11 =	simm.s32 $0x5800  }
0x103: {  	[tilespmem:s11], [sflag:$0x1] =	stream.indirect_vreg.gather [hbm4b:s1+s2], $0x80, v17, vm0, $0xb8;
	[tilespmem:$0x1C800] =	vst v63  }
0x104: {  	s13 =	simm.s32 $0x6000  }
0x105: {  	[tilespmem:s13], [sflag:$0x1] =	stream.indirect_vreg.gather [hbm4b:s1+s2], $0x80, v16, vm0, $0xb8;
	[tilespmem:$0x1C800] =	vst v63  }
0x106: {  	v16 =	vld [tilespmem:$0x460];
	_ =	sdelay $0x4  }
0x107: {  	v17 =	vshll.u32 v16, $0x1  }
0x108: {  	v16 =	vand.u32 $0x7, v16;
	v17 =	vand.u32 $0xFFFFFFF0, v17  }
0x109: {  	v16 =	vor.u32 v16, v17  }
0x10a: {  	v17 =	vperm.xlane v16, v13;
	_ =	sdelay $0x1  }
0x10b: {  	v16 =	vperm.xlane v16, v15;
	v17 =	vadd.s32 v14, v17;
	_ =	sdelay $0x1  }
0x10c: {  	v16 =	vadd.s32 v14, v16;
	_ =	sdelay $0x1  }
0x10d: {  	s15 =	simm.s32 $0x6800  }
0x10e: {  	[tilespmem:s15], [sflag:$0x1] =	stream.indirect_vreg.gather [hbm4b:s1+s2], $0x80, v17, vm0, $0xb8;
	[tilespmem:$0x1C800] =	vst v63  }
0x10f: {  	s17 =	simm.s32 $0x7000  }
0x110: {  	[tilespmem:s17], [sflag:$0x1] =	stream.indirect_vreg.gather [hbm4b:s1+s2], $0x80, v16, vm0, $0xb8;
	[tilespmem:$0x1C800] =	vst v63  }
0x111: {  	v16 =	vld [tilespmem:$0x470];
	_ =	sdelay $0x4  }
0x112: {  	v17 =	vshll.u32 v16, $0x1  }
0x113: {  	v16 =	vand.u32 $0x7, v16;
	v17 =	vand.u32 $0xFFFFFFF0, v17  }
0x114: {  	v16 =	vor.u32 v16, v17  }
0x115: {  	v17 =	vperm.xlane v16, v13;
	_ =	sdelay $0x1  }
0x116: {  	v16 =	vperm.xlane v16, v15;
	v17 =	vadd.s32 v14, v17;
	_ =	sdelay $0x1  }
0x117: {  	v16 =	vadd.s32 v14, v16;
	_ =	sdelay $0x1  }
0x118: {  	s19 =	simm.s32 $0x7800  }
0x119: {  	[tilespmem:s19], [sflag:$0x1] =	stream.indirect_vreg.gather [hbm4b:s1+s2], $0x80, v17, vm0, $0xb8;
	[tilespmem:$0x1C800] =	vst v63  }
0x11a: {  	s31 =	simm.s32 $0x8000  }
0x11b: {  	[tilespmem:s31], [sflag:$0x1] =	stream.indirect_vreg.gather [hbm4b:s1+s2], $0x80, v16, vm0, $0xb8;
	[tilespmem:$0x1C800] =	vst v63  }
.LBB2_10:
0x11c: {  	p1 =	sle.s32 s3, s7  }
.Ltmp7:
0x11d: {  	_ = 	snop;
	(pc) =	sbr.rel @p1 .LBB2_13-.Ltmp7, $2  }
0x11e: {  	_ =	sdelay $0x2  }
0x11f: {  	s31 =	simm.s32 $0x0;
	s4 =	smov.u32 s7  }
.LBB2_11:
0x120: {  	v16 =	vld.idx.msk [tilespmem:v3+s23+$0x0], $0xffff;
	_ =	sdelay $0x3  }
0x121: {  	v17 =	vor.u32 s4, v2  }
0x122: {  	vm1 =	vgt.s32 v16, v17  }
0x123: {  	v16 =	vsel vm1, $0x0, v4  }
0x124: {  	v18 =	vor.u32 $0x7F, v16;
	_ =	sdelay $0x4  }
0x125: {  	v18 =	vld.idx.msk [tilespmem:v18+s23+$0x0], $0xffff;
	_ =	sdelay $0x4  }
0x126: {  	vm1 =	vgt.s32 v18, v17  }
0x127: {  	v18 =	vsel vm1, $0x0, v5  }
0x128: {  	v16 =	vor.u32 v16, v18  }
0x129: {  	v18 =	vor.u32 $0x3F, v16;
	_ =	sdelay $0x4  }
0x12a: {  	v18 =	vld.idx.msk [tilespmem:v18+s23+$0x0], $0xffff;
	_ =	sdelay $0x4  }
0x12b: {  	vm1 =	vgt.s32 v18, v17  }
0x12c: {  	v18 =	vsel vm1, $0x0, v6  }
0x12d: {  	v19 =	vor.u32 v16, v18  }
0x12e: {  	v19 =	vor.u32 $0x1F, v19;
	_ =	sdelay $0x4  }
0x12f: {  	v19 =	vld.idx.msk [tilespmem:v19+s23+$0x0], $0xffff;
	_ =	sdelay $0x4  }
0x130: {  	vm1 =	vgt.s32 v19, v17  }
0x131: {  	v19 =	vsel vm1, $0x0, v7  }
0x132: {  	v18 =	vor.u32 v18, v19  }
0x133: {  	v19 =	vor.u32 v16, v18  }
0x134: {  	v20 =	vor.u32 $0xF, v19;
	_ =	sdelay $0x4  }
0x135: {  	v20 =	vld.idx.msk [tilespmem:v20+s23+$0x0], $0xffff;
	_ =	sdelay $0x4  }
0x136: {  	vm1 =	vgt.s32 v20, v17  }
0x137: {  	v20 =	vsel vm1, $0x0, v8  }
0x138: {  	v21 =	vor.u32 v20, v19  }
0x139: {  	v21 =	vor.u32 $0x7, v21;
	_ =	sdelay $0x4  }
0x13a: {  	v21 =	vld.idx.msk [tilespmem:v21+s23+$0x0], $0xffff;
	_ =	sdelay $0x4  }
0x13b: {  	vm1 =	vgt.s32 v21, v17  }
0x13c: {  	v21 =	vsel vm1, $0x0, v9  }
0x13d: {  	v20 =	vor.u32 v20, v21  }
0x13e: {  	v19 =	vor.u32 v20, v19  }
0x13f: {  	v19 =	vor.u32 $0x3, v19;
	_ =	sdelay $0x4  }
0x140: {  	v19 =	vld.idx.msk [tilespmem:v19+s23+$0x0], $0xffff;
	_ =	sdelay $0x4  }
0x141: {  	vm1 =	vgt.s32 v19, v17  }
0x142: {  	v19 =	vsel vm1, $0x0, v10  }
0x143: {  	v19 =	vor.u32 v19, v16  }
0x144: {  	v18 =	vor.u32 v18, v19  }
0x145: {  	v18 =	vor.u32 v20, v18  }
0x146: {  	v63 =	vand.u32 $0x7C, v18  }
0x147: {  	v19 =	vor.u32 v63, v16  }
0x148: {  	v19 =	vor.u32 $0x1, v19;
	_ =	sdelay $0x4  }
0x149: {  	v19 =	vld.idx.msk [tilespmem:v19+s23+$0x0], $0xffff;
	_ =	sdelay $0x4  }
0x14a: {  	vm1 =	vgt.s32 v19, v17  }
0x14b: {  	v19 =	vsel vm1, $0x0, v11  }
0x14c: {  	v18 =	vor.u32 v19, v18  }
0x14d: {  	v19 =	vand.u32 $0x7F, v18  }
0x14e: {  	v19 =	vor.u32 v16, v19;
	_ =	sdelay $0x4  }
0x14f: {  	v19 =	vld.idx.msk [tilespmem:v19+s23+$0x0], $0xffff;
	_ =	sdelay $0x4  }
0x150: {  	vm1 =	vle.s32 v19, v17  }
0x151: {  	v19 =	vsel vm1, $0x1, v12  }
0x152: {  	v18 =	vor.u32 v19, v18  }
0x153: {  	v19 =	vand.u32 $0x7F, v18  }
0x154: {  	v16 =	vor.u32 v16, v19;
	_ =	sdelay $0x4  }
0x155: {  	v16 =	vld.idx.msk [tilespmem:v16+s23+$0x0], $0xffff;
	_ =	sdelay $0x4  }
0x156: {  	vm1 =	vle.s32 v16, v17  }
0x157: {  	p2 =	sne.s32 s31, $0x1C0;
	v16 =	vsel vm1, $0x1, v12  }
.Ltmp8:
0x158: {  	v16 =	vadd.s32 v16, v18;
	(pc) =	sbr.rel @p2 .LBB2_11-.Ltmp8, $4  }
0x159: {  	v17 =	vand.u32 $0xFF, v17;
	vm1 =	vgt.u32 v16, $0x1FF  }
0x15a: {  	v16 =	vsel vm1, v17, v16  }
0x15b: {  	s11 =	sshra.s32 s31, $0x2;
	v16 =	vadd.s32 v0, v16  }
0x15c: {  	s4 =	sadd.s32 $0x10, s4;
	s31 =	sadd.s32 $0x40, s31;
	[tilespmem:s11+$0x480] =	vst v16  }
0x15d: {  	v16 =	vld [tilespmem:$0x480];
	_ =	sdelay $0x4  }
0x15e: {  	v17 =	vshll.u32 v16, $0x1  }
0x15f: {  	v16 =	vand.u32 $0x7, v16;
	v17 =	vand.u32 $0xFFFFFFF0, v17  }
0x160: {  	v16 =	vor.u32 v16, v17  }
0x161: {  	v17 =	vperm.xlane v16, v13;
	_ =	sdelay $0x1  }
0x162: {  	v16 =	vperm.xlane v16, v15;
	v17 =	vadd.s32 v14, v17;
	_ =	sdelay $0x1  }
0x163: {  	v16 =	vadd.s32 v14, v16;
	_ =	sdelay $0x2  }
0x164: {  	[tilespmem:s26], [sflag:$0x2] =	stream.indirect_vreg.gather [hbm4b:s1+s2], $0x80, v17, vm0, $0xb8;
	[tilespmem:$0x1C800] =	vst v63  }
0x165: {  	s4 =	simm.s32 $0x9000  }
0x166: {  	[tilespmem:s4], [sflag:$0x2] =	stream.indirect_vreg.gather [hbm4b:s1+s2], $0x80, v16, vm0, $0xb8;
	[tilespmem:$0x1C800] =	vst v63  }
0x167: {  	v16 =	vld [tilespmem:$0x490];
	_ =	sdelay $0x4  }
0x168: {  	v17 =	vshll.u32 v16, $0x1  }
0x169: {  	v16 =	vand.u32 $0x7, v16;
	v17 =	vand.u32 $0xFFFFFFF0, v17  }
0x16a: {  	v16 =	vor.u32 v16, v17  }
0x16b: {  	v17 =	vperm.xlane v16, v13;
	_ =	sdelay $0x1  }
0x16c: {  	v16 =	vperm.xlane v16, v15;
	v17 =	vadd.s32 v14, v17;
	_ =	sdelay $0x1  }
0x16d: {  	v16 =	vadd.s32 v14, v16;
	_ =	sdelay $0x1  }
0x16e: {  	s19 =	simm.s32 $0x9800  }
0x16f: {  	[tilespmem:s19], [sflag:$0x2] =	stream.indirect_vreg.gather [hbm4b:s1+s2], $0x80, v17, vm0, $0xb8;
	[tilespmem:$0x1C800] =	vst v63  }
0x170: {  	s31 =	simm.s32 $0xA000  }
0x171: {  	[tilespmem:s31], [sflag:$0x2] =	stream.indirect_vreg.gather [hbm4b:s1+s2], $0x80, v16, vm0, $0xb8;
	[tilespmem:$0x1C800] =	vst v63  }
0x172: {  	v16 =	vld [tilespmem:$0x4A0];
	_ =	sdelay $0x4  }
0x173: {  	v17 =	vshll.u32 v16, $0x1  }
0x174: {  	v16 =	vand.u32 $0x7, v16;
	v17 =	vand.u32 $0xFFFFFFF0, v17  }
0x175: {  	v16 =	vor.u32 v16, v17  }
0x176: {  	v17 =	vperm.xlane v16, v13;
	_ =	sdelay $0x1  }
0x177: {  	v16 =	vperm.xlane v16, v15;
	v17 =	vadd.s32 v14, v17;
	_ =	sdelay $0x1  }
0x178: {  	v16 =	vadd.s32 v14, v16;
	_ =	sdelay $0x1  }
0x179: {  	s11 =	simm.s32 $0xA800  }
0x17a: {  	[tilespmem:s11], [sflag:$0x2] =	stream.indirect_vreg.gather [hbm4b:s1+s2], $0x80, v17, vm0, $0xb8;
	[tilespmem:$0x1C800] =	vst v63  }
0x17b: {  	s13 =	simm.s32 $0xB000  }
0x17c: {  	[tilespmem:s13], [sflag:$0x2] =	stream.indirect_vreg.gather [hbm4b:s1+s2], $0x80, v16, vm0, $0xb8;
	[tilespmem:$0x1C800] =	vst v63  }
0x17d: {  	v16 =	vld [tilespmem:$0x4B0];
	_ =	sdelay $0x4  }
0x17e: {  	v17 =	vshll.u32 v16, $0x1  }
0x17f: {  	v16 =	vand.u32 $0x7, v16;
	v17 =	vand.u32 $0xFFFFFFF0, v17  }
0x180: {  	v16 =	vor.u32 v16, v17  }
0x181: {  	v17 =	vperm.xlane v16, v13;
	_ =	sdelay $0x1  }
0x182: {  	v16 =	vperm.xlane v16, v15;
	v17 =	vadd.s32 v14, v17;
	_ =	sdelay $0x1  }
0x183: {  	v16 =	vadd.s32 v14, v16;
	_ =	sdelay $0x1  }
0x184: {  	s15 =	simm.s32 $0xB800  }
0x185: {  	[tilespmem:s15], [sflag:$0x2] =	stream.indirect_vreg.gather [hbm4b:s1+s2], $0x80, v17, vm0, $0xb8;
	[tilespmem:$0x1C800] =	vst v63  }
0x186: {  	s17 =	simm.s32 $0xC000  }
0x187: {  	[tilespmem:s17], [sflag:$0x2] =	stream.indirect_vreg.gather [hbm4b:s1+s2], $0x80, v16, vm0, $0xb8;
	[tilespmem:$0x1C800] =	vst v63  }
0x188: {  	v16 =	vld [tilespmem:$0x4C0];
	_ =	sdelay $0x4  }
0x189: {  	v17 =	vshll.u32 v16, $0x1  }
0x18a: {  	v16 =	vand.u32 $0x7, v16;
	v17 =	vand.u32 $0xFFFFFFF0, v17  }
0x18b: {  	v16 =	vor.u32 v16, v17  }
0x18c: {  	v17 =	vperm.xlane v16, v13;
	_ =	sdelay $0x1  }
0x18d: {  	v16 =	vperm.xlane v16, v15;
	v17 =	vadd.s32 v14, v17;
	_ =	sdelay $0x1  }
0x18e: {  	v16 =	vadd.s32 v14, v16;
	_ =	sdelay $0x1  }
0x18f: {  	s19 =	simm.s32 $0xC800  }
0x190: {  	[tilespmem:s19], [sflag:$0x2] =	stream.indirect_vreg.gather [hbm4b:s1+s2], $0x80, v17, vm0, $0xb8;
	[tilespmem:$0x1C800] =	vst v63  }
0x191: {  	s31 =	simm.s32 $0xD000  }
0x192: {  	[tilespmem:s31], [sflag:$0x2] =	stream.indirect_vreg.gather [hbm4b:s1+s2], $0x80, v16, vm0, $0xb8;
	[tilespmem:$0x1C800] =	vst v63  }
0x193: {  	v16 =	vld [tilespmem:$0x4D0];
	_ =	sdelay $0x4  }
0x194: {  	v17 =	vshll.u32 v16, $0x1  }
0x195: {  	v16 =	vand.u32 $0x7, v16;
	v17 =	vand.u32 $0xFFFFFFF0, v17  }
0x196: {  	v16 =	vor.u32 v16, v17  }
0x197: {  	v17 =	vperm.xlane v16, v13;
	_ =	sdelay $0x1  }
0x198: {  	v16 =	vperm.xlane v16, v15;
	v17 =	vadd.s32 v14, v17;
	_ =	sdelay $0x1  }
0x199: {  	v16 =	vadd.s32 v14, v16;
	_ =	sdelay $0x1  }
0x19a: {  	s11 =	simm.s32 $0xD800  }
0x19b: {  	[tilespmem:s11], [sflag:$0x2] =	stream.indirect_vreg.gather [hbm4b:s1+s2], $0x80, v17, vm0, $0xb8;
	[tilespmem:$0x1C800] =	vst v63  }
0x19c: {  	s13 =	simm.s32 $0xE000  }
0x19d: {  	[tilespmem:s13], [sflag:$0x2] =	stream.indirect_vreg.gather [hbm4b:s1+s2], $0x80, v16, vm0, $0xb8;
	[tilespmem:$0x1C800] =	vst v63  }
0x19e: {  	v16 =	vld [tilespmem:$0x4E0];
	_ =	sdelay $0x4  }
0x19f: {  	v17 =	vshll.u32 v16, $0x1  }
0x1a0: {  	v16 =	vand.u32 $0x7, v16;
	v17 =	vand.u32 $0xFFFFFFF0, v17  }
0x1a1: {  	v16 =	vor.u32 v16, v17  }
0x1a2: {  	v17 =	vperm.xlane v16, v13;
	_ =	sdelay $0x1  }
0x1a3: {  	v16 =	vperm.xlane v16, v15;
	v17 =	vadd.s32 v14, v17;
	_ =	sdelay $0x1  }
0x1a4: {  	v16 =	vadd.s32 v14, v16;
	_ =	sdelay $0x1  }
0x1a5: {  	s15 =	simm.s32 $0xE800  }
0x1a6: {  	[tilespmem:s15], [sflag:$0x2] =	stream.indirect_vreg.gather [hbm4b:s1+s2], $0x80, v17, vm0, $0xb8;
	[tilespmem:$0x1C800] =	vst v63  }
0x1a7: {  	s17 =	simm.s32 $0xF000  }
0x1a8: {  	[tilespmem:s17], [sflag:$0x2] =	stream.indirect_vreg.gather [hbm4b:s1+s2], $0x80, v16, vm0, $0xb8;
	[tilespmem:$0x1C800] =	vst v63  }
0x1a9: {  	v16 =	vld [tilespmem:$0x4F0];
	_ =	sdelay $0x4  }
0x1aa: {  	v17 =	vshll.u32 v16, $0x1  }
0x1ab: {  	v16 =	vand.u32 $0x7, v16;
	v17 =	vand.u32 $0xFFFFFFF0, v17  }
0x1ac: {  	v16 =	vor.u32 v16, v17  }
0x1ad: {  	v17 =	vperm.xlane v16, v13;
	_ =	sdelay $0x1  }
0x1ae: {  	v16 =	vperm.xlane v16, v15;
	v17 =	vadd.s32 v14, v17;
	_ =	sdelay $0x1  }
0x1af: {  	v16 =	vadd.s32 v14, v16;
	_ =	sdelay $0x1  }
0x1b0: {  	s19 =	simm.s32 $0xF800  }
0x1b1: {  	[tilespmem:s19], [sflag:$0x2] =	stream.indirect_vreg.gather [hbm4b:s1+s2], $0x80, v17, vm0, $0xb8;
	[tilespmem:$0x1C800] =	vst v63  }
0x1b2: {  	s31 =	simm.s32 $0x10000  }
0x1b3: {  	[tilespmem:s31], [sflag:$0x2] =	stream.indirect_vreg.gather [hbm4b:s1+s2], $0x80, v16, vm0, $0xb8;
	[tilespmem:$0x1C800] =	vst v63  }
.LBB2_13:
0x1b4: {  	p2 =	sle.s32 s3, s9  }
.Ltmp9:
0x1b5: {  	_ = 	snop;
	(pc) =	sbr.rel @p2 .LBB2_16-.Ltmp9, $2  }
0x1b6: {  	_ =	sdelay $0x2  }
0x1b7: {  	s31 =	simm.s32 $0x0;
	s4 =	smov.u32 s9  }
.LBB2_14:
0x1b8: {  	v16 =	vld.idx.msk [tilespmem:v3+s23+$0x0], $0xffff;
	_ =	sdelay $0x3  }
0x1b9: {  	v17 =	vor.u32 s4, v2  }
0x1ba: {  	vm1 =	vgt.s32 v16, v17  }
0x1bb: {  	v16 =	vsel vm1, $0x0, v4  }
0x1bc: {  	v18 =	vor.u32 $0x7F, v16;
	_ =	sdelay $0x4  }
0x1bd: {  	v18 =	vld.idx.msk [tilespmem:v18+s23+$0x0], $0xffff;
	_ =	sdelay $0x4  }
0x1be: {  	vm1 =	vgt.s32 v18, v17  }
0x1bf: {  	v18 =	vsel vm1, $0x0, v5  }
0x1c0: {  	v16 =	vor.u32 v16, v18  }
0x1c1: {  	v18 =	vor.u32 $0x3F, v16;
	_ =	sdelay $0x4  }
0x1c2: {  	v18 =	vld.idx.msk [tilespmem:v18+s23+$0x0], $0xffff;
	_ =	sdelay $0x4  }
0x1c3: {  	vm1 =	vgt.s32 v18, v17  }
0x1c4: {  	v18 =	vsel vm1, $0x0, v6  }
0x1c5: {  	v19 =	vor.u32 v16, v18  }
0x1c6: {  	v19 =	vor.u32 $0x1F, v19;
	_ =	sdelay $0x4  }
0x1c7: {  	v19 =	vld.idx.msk [tilespmem:v19+s23+$0x0], $0xffff;
	_ =	sdelay $0x4  }
0x1c8: {  	vm1 =	vgt.s32 v19, v17  }
0x1c9: {  	v19 =	vsel vm1, $0x0, v7  }
0x1ca: {  	v18 =	vor.u32 v18, v19  }
0x1cb: {  	v19 =	vor.u32 v16, v18  }
0x1cc: {  	v20 =	vor.u32 $0xF, v19;
	_ =	sdelay $0x4  }
0x1cd: {  	v20 =	vld.idx.msk [tilespmem:v20+s23+$0x0], $0xffff;
	_ =	sdelay $0x4  }
0x1ce: {  	vm1 =	vgt.s32 v20, v17  }
0x1cf: {  	v20 =	vsel vm1, $0x0, v8  }
0x1d0: {  	v21 =	vor.u32 v20, v19  }
0x1d1: {  	v21 =	vor.u32 $0x7, v21;
	_ =	sdelay $0x4  }
0x1d2: {  	v21 =	vld.idx.msk [tilespmem:v21+s23+$0x0], $0xffff;
	_ =	sdelay $0x4  }
0x1d3: {  	vm1 =	vgt.s32 v21, v17  }
0x1d4: {  	v21 =	vsel vm1, $0x0, v9  }
0x1d5: {  	v20 =	vor.u32 v20, v21  }
0x1d6: {  	v19 =	vor.u32 v20, v19  }
0x1d7: {  	v19 =	vor.u32 $0x3, v19;
	_ =	sdelay $0x4  }
0x1d8: {  	v19 =	vld.idx.msk [tilespmem:v19+s23+$0x0], $0xffff;
	_ =	sdelay $0x4  }
0x1d9: {  	vm1 =	vgt.s32 v19, v17  }
0x1da: {  	v19 =	vsel vm1, $0x0, v10  }
0x1db: {  	v19 =	vor.u32 v19, v16  }
0x1dc: {  	v18 =	vor.u32 v18, v19  }
0x1dd: {  	v18 =	vor.u32 v20, v18  }
0x1de: {  	v63 =	vand.u32 $0x7C, v18  }
0x1df: {  	v19 =	vor.u32 v63, v16  }
0x1e0: {  	v19 =	vor.u32 $0x1, v19;
	_ =	sdelay $0x4  }
0x1e1: {  	v19 =	vld.idx.msk [tilespmem:v19+s23+$0x0], $0xffff;
	_ =	sdelay $0x4  }
0x1e2: {  	vm1 =	vgt.s32 v19, v17  }
0x1e3: {  	v19 =	vsel vm1, $0x0, v11  }
0x1e4: {  	v18 =	vor.u32 v19, v18  }
0x1e5: {  	v19 =	vand.u32 $0x7F, v18  }
0x1e6: {  	v19 =	vor.u32 v16, v19;
	_ =	sdelay $0x4  }
0x1e7: {  	v19 =	vld.idx.msk [tilespmem:v19+s23+$0x0], $0xffff;
	_ =	sdelay $0x4  }
0x1e8: {  	vm1 =	vle.s32 v19, v17  }
0x1e9: {  	v19 =	vsel vm1, $0x1, v12  }
0x1ea: {  	v18 =	vor.u32 v19, v18  }
0x1eb: {  	v19 =	vand.u32 $0x7F, v18  }
0x1ec: {  	v16 =	vor.u32 v16, v19;
	_ =	sdelay $0x4  }
0x1ed: {  	v16 =	vld.idx.msk [tilespmem:v16+s23+$0x0], $0xffff;
	_ =	sdelay $0x4  }
0x1ee: {  	vm1 =	vle.s32 v16, v17  }
0x1ef: {  	p3 =	sne.s32 s31, $0x1C0;
	v16 =	vsel vm1, $0x1, v12  }
.Ltmp10:
0x1f0: {  	v16 =	vadd.s32 v16, v18;
	(pc) =	sbr.rel @p3 .LBB2_14-.Ltmp10, $4  }
0x1f1: {  	v17 =	vand.u32 $0x17F, v17;
	vm1 =	vgt.u32 v16, $0x1FF  }
0x1f2: {  	v16 =	vsel vm1, v17, v16  }
0x1f3: {  	s11 =	sshra.s32 s31, $0x2;
	v16 =	vadd.s32 v0, v16  }
0x1f4: {  	s4 =	sadd.s32 $0x10, s4;
	s31 =	sadd.s32 $0x40, s31;
	[tilespmem:s11+$0x500] =	vst v16  }
0x1f5: {  	v16 =	vld [tilespmem:$0x500];
	_ =	sdelay $0x4  }
0x1f6: {  	v17 =	vshll.u32 v16, $0x1  }
0x1f7: {  	v16 =	vand.u32 $0x7, v16;
	v17 =	vand.u32 $0xFFFFFFF0, v17  }
0x1f8: {  	v16 =	vor.u32 v16, v17  }
0x1f9: {  	v17 =	vperm.xlane v16, v13;
	_ =	sdelay $0x1  }
0x1fa: {  	v16 =	vperm.xlane v16, v15;
	v17 =	vadd.s32 v14, v17;
	_ =	sdelay $0x1  }
0x1fb: {  	v16 =	vadd.s32 v14, v16;
	_ =	sdelay $0x1  }
0x1fc: {  	s4 =	simm.s32 $0x10800  }
0x1fd: {  	[tilespmem:s4], [sflag:$0x3] =	stream.indirect_vreg.gather [hbm4b:s1+s2], $0x80, v17, vm0, $0xb8;
	[tilespmem:$0x1C800] =	vst v63  }
0x1fe: {  	s17 =	simm.s32 $0x11000  }
0x1ff: {  	[tilespmem:s17], [sflag:$0x3] =	stream.indirect_vreg.gather [hbm4b:s1+s2], $0x80, v16, vm0, $0xb8;
	[tilespmem:$0x1C800] =	vst v63  }
0x200: {  	v16 =	vld [tilespmem:$0x510];
	_ =	sdelay $0x4  }
0x201: {  	v17 =	vshll.u32 v16, $0x1  }
0x202: {  	v16 =	vand.u32 $0x7, v16;
	v17 =	vand.u32 $0xFFFFFFF0, v17  }
0x203: {  	v16 =	vor.u32 v16, v17  }
0x204: {  	v17 =	vperm.xlane v16, v13;
	_ =	sdelay $0x1  }
0x205: {  	v16 =	vperm.xlane v16, v15;
	v17 =	vadd.s32 v14, v17;
	_ =	sdelay $0x1  }
0x206: {  	v16 =	vadd.s32 v14, v16;
	_ =	sdelay $0x1  }
0x207: {  	s19 =	simm.s32 $0x11800  }
0x208: {  	[tilespmem:s19], [sflag:$0x3] =	stream.indirect_vreg.gather [hbm4b:s1+s2], $0x80, v17, vm0, $0xb8;
	[tilespmem:$0x1C800] =	vst v63  }
0x209: {  	s31 =	simm.s32 $0x12000  }
0x20a: {  	[tilespmem:s31], [sflag:$0x3] =	stream.indirect_vreg.gather [hbm4b:s1+s2], $0x80, v16, vm0, $0xb8;
	[tilespmem:$0x1C800] =	vst v63  }
0x20b: {  	v16 =	vld [tilespmem:$0x520];
	_ =	sdelay $0x4  }
0x20c: {  	v17 =	vshll.u32 v16, $0x1  }
0x20d: {  	v16 =	vand.u32 $0x7, v16;
	v17 =	vand.u32 $0xFFFFFFF0, v17  }
0x20e: {  	v16 =	vor.u32 v16, v17  }
0x20f: {  	v17 =	vperm.xlane v16, v13;
	_ =	sdelay $0x1  }
0x210: {  	v16 =	vperm.xlane v16, v15;
	v17 =	vadd.s32 v14, v17;
	_ =	sdelay $0x1  }
0x211: {  	v16 =	vadd.s32 v14, v16;
	_ =	sdelay $0x1  }
0x212: {  	s11 =	simm.s32 $0x12800  }
0x213: {  	[tilespmem:s11], [sflag:$0x3] =	stream.indirect_vreg.gather [hbm4b:s1+s2], $0x80, v17, vm0, $0xb8;
	[tilespmem:$0x1C800] =	vst v63  }
0x214: {  	s13 =	simm.s32 $0x13000  }
0x215: {  	[tilespmem:s13], [sflag:$0x3] =	stream.indirect_vreg.gather [hbm4b:s1+s2], $0x80, v16, vm0, $0xb8;
	[tilespmem:$0x1C800] =	vst v63  }
0x216: {  	v16 =	vld [tilespmem:$0x530];
	_ =	sdelay $0x4  }
0x217: {  	v17 =	vshll.u32 v16, $0x1  }
0x218: {  	v16 =	vand.u32 $0x7, v16;
	v17 =	vand.u32 $0xFFFFFFF0, v17  }
0x219: {  	v16 =	vor.u32 v16, v17  }
0x21a: {  	v17 =	vperm.xlane v16, v13;
	_ =	sdelay $0x1  }
0x21b: {  	v16 =	vperm.xlane v16, v15;
	v17 =	vadd.s32 v14, v17;
	_ =	sdelay $0x1  }
0x21c: {  	v16 =	vadd.s32 v14, v16;
	_ =	sdelay $0x1  }
0x21d: {  	s15 =	simm.s32 $0x13800  }
0x21e: {  	[tilespmem:s15], [sflag:$0x3] =	stream.indirect_vreg.gather [hbm4b:s1+s2], $0x80, v17, vm0, $0xb8;
	[tilespmem:$0x1C800] =	vst v63  }
0x21f: {  	s17 =	simm.s32 $0x14000  }
0x220: {  	[tilespmem:s17], [sflag:$0x3] =	stream.indirect_vreg.gather [hbm4b:s1+s2], $0x80, v16, vm0, $0xb8;
	[tilespmem:$0x1C800] =	vst v63  }
0x221: {  	v16 =	vld [tilespmem:$0x540];
	_ =	sdelay $0x4  }
0x222: {  	v17 =	vshll.u32 v16, $0x1  }
0x223: {  	v16 =	vand.u32 $0x7, v16;
	v17 =	vand.u32 $0xFFFFFFF0, v17  }
0x224: {  	v16 =	vor.u32 v16, v17  }
0x225: {  	v17 =	vperm.xlane v16, v13;
	_ =	sdelay $0x1  }
0x226: {  	v16 =	vperm.xlane v16, v15;
	v17 =	vadd.s32 v14, v17;
	_ =	sdelay $0x1  }
0x227: {  	v16 =	vadd.s32 v14, v16;
	_ =	sdelay $0x1  }
0x228: {  	s19 =	simm.s32 $0x14800  }
0x229: {  	[tilespmem:s19], [sflag:$0x3] =	stream.indirect_vreg.gather [hbm4b:s1+s2], $0x80, v17, vm0, $0xb8;
	[tilespmem:$0x1C800] =	vst v63  }
0x22a: {  	s31 =	simm.s32 $0x15000  }
0x22b: {  	[tilespmem:s31], [sflag:$0x3] =	stream.indirect_vreg.gather [hbm4b:s1+s2], $0x80, v16, vm0, $0xb8;
	[tilespmem:$0x1C800] =	vst v63  }
0x22c: {  	v16 =	vld [tilespmem:$0x550];
	_ =	sdelay $0x4  }
0x22d: {  	v17 =	vshll.u32 v16, $0x1  }
0x22e: {  	v16 =	vand.u32 $0x7, v16;
	v17 =	vand.u32 $0xFFFFFFF0, v17  }
0x22f: {  	v16 =	vor.u32 v16, v17  }
0x230: {  	v17 =	vperm.xlane v16, v13;
	_ =	sdelay $0x1  }
0x231: {  	v16 =	vperm.xlane v16, v15;
	v17 =	vadd.s32 v14, v17;
	_ =	sdelay $0x1  }
0x232: {  	v16 =	vadd.s32 v14, v16;
	_ =	sdelay $0x1  }
0x233: {  	s11 =	simm.s32 $0x15800  }
0x234: {  	[tilespmem:s11], [sflag:$0x3] =	stream.indirect_vreg.gather [hbm4b:s1+s2], $0x80, v17, vm0, $0xb8;
	[tilespmem:$0x1C800] =	vst v63  }
0x235: {  	s13 =	simm.s32 $0x16000  }
0x236: {  	[tilespmem:s13], [sflag:$0x3] =	stream.indirect_vreg.gather [hbm4b:s1+s2], $0x80, v16, vm0, $0xb8;
	[tilespmem:$0x1C800] =	vst v63  }
0x237: {  	v16 =	vld [tilespmem:$0x560];
	_ =	sdelay $0x4  }
0x238: {  	v17 =	vshll.u32 v16, $0x1  }
0x239: {  	v16 =	vand.u32 $0x7, v16;
	v17 =	vand.u32 $0xFFFFFFF0, v17  }
0x23a: {  	v16 =	vor.u32 v16, v17  }
0x23b: {  	v17 =	vperm.xlane v16, v13;
	_ =	sdelay $0x1  }
0x23c: {  	v16 =	vperm.xlane v16, v15;
	v17 =	vadd.s32 v14, v17;
	_ =	sdelay $0x1  }
0x23d: {  	v16 =	vadd.s32 v14, v16;
	_ =	sdelay $0x1  }
0x23e: {  	s15 =	simm.s32 $0x16800  }
0x23f: {  	[tilespmem:s15], [sflag:$0x3] =	stream.indirect_vreg.gather [hbm4b:s1+s2], $0x80, v17, vm0, $0xb8;
	[tilespmem:$0x1C800] =	vst v63  }
0x240: {  	s17 =	simm.s32 $0x17000  }
0x241: {  	[tilespmem:s17], [sflag:$0x3] =	stream.indirect_vreg.gather [hbm4b:s1+s2], $0x80, v16, vm0, $0xb8;
	[tilespmem:$0x1C800] =	vst v63  }
0x242: {  	v16 =	vld [tilespmem:$0x570];
	_ =	sdelay $0x4  }
0x243: {  	v17 =	vshll.u32 v16, $0x1  }
0x244: {  	v16 =	vand.u32 $0x7, v16;
	v17 =	vand.u32 $0xFFFFFFF0, v17  }
0x245: {  	v16 =	vor.u32 v16, v17  }
0x246: {  	v17 =	vperm.xlane v16, v13;
	_ =	sdelay $0x1  }
0x247: {  	v16 =	vperm.xlane v16, v15;
	v17 =	vadd.s32 v14, v17;
	_ =	sdelay $0x1  }
0x248: {  	v16 =	vadd.s32 v14, v16;
	_ =	sdelay $0x1  }
0x249: {  	s19 =	simm.s32 $0x17800  }
0x24a: {  	[tilespmem:s19], [sflag:$0x3] =	stream.indirect_vreg.gather [hbm4b:s1+s2], $0x80, v17, vm0, $0xb8;
	[tilespmem:$0x1C800] =	vst v63  }
0x24b: {  	s31 =	simm.s32 $0x18000  }
0x24c: {  	[tilespmem:s31], [sflag:$0x3] =	stream.indirect_vreg.gather [hbm4b:s1+s2], $0x80, v16, vm0, $0xb8;
	[tilespmem:$0x1C800] =	vst v63  }
.LBB2_16:
.Ltmp11:
0x24d: {  	(pc) =	sbr.rel @p0 .LBB2_24-.Ltmp11, $1  }
0x24e: {  	_ =	sdelay $0x3  }
0x24f: {  	s4 =	ssub.s32 s3, s24  }
0x250: {  	p0 =	sgt.s32 s4, $0x7F  }
.Ltmp12:
0x251: {  	_ = 	snop;
	(pc) =	sbr.rel @p0 .LBB2_23-.Ltmp12, $4  }
0x252: {  	_ = 	snop  }
0x253: {  	_ =	swait.ge [sflag:s0], $0x8000  }
0x254: {  	[sflag:s0] =	ssyncset.done $0x0  }
0x255: {  	[sflag:s0] =	ssyncadd.s32 $0xFFFF8000  }
0x256: {  	p0 =	sgt.s32 s4, $0x0  }
0x257: {  	s4 =	simm.s32 @!p0 $0x0  }
0x258: {  	s13 =	ssub.s32 $0x80, s4  }
0x259: {  	p3 =	sne.s32 s13, $0x1  }
.Ltmp13:
0x25a: {  	_ = 	snop;
	(pc) =	sbr.rel @!p3 .LBB2_19-.Ltmp13, $3  }
0x25b: {  	_ =	sdelay $0x1  }
0x25c: {  	p0 =	por $0x0, $0x0;
	s19 =	sshll.u32 s4, $0x8;
	s11 =	sshll.u32 s4, $0x7  }
0x25d: {  	s15 =	sand.u32 $0x7800, s19;
	s17 =	sand.u32 $0x380, s11;
	s13 =	sadd.s32 $0xFFFFFFFF, s13  }
0x25e: {  	s4 =	sor.u32 s17, s15  }
0x25f: {  	[tilespmem:s4+$0xC70] =	vst v1  }
0x260: {  	[tilespmem:s4+$0x800] =	vst v1  }
0x261: {  	[tilespmem:s4+$0x810] =	vst v1  }
0x262: {  	[tilespmem:s4+$0x820] =	vst v1  }
0x263: {  	[tilespmem:s4+$0x830] =	vst v1  }
0x264: {  	[tilespmem:s4+$0x840] =	vst v1  }
0x265: {  	[tilespmem:s4+$0x850] =	vst v1  }
0x266: {  	[tilespmem:s4+$0x860] =	vst v1  }
0x267: {  	[tilespmem:s4+$0x870] =	vst v1  }
0x268: {  	p3 =	sne.s32 s13, $0x1;
	[tilespmem:s4+$0xC00] =	vst v1  }
.Ltmp14:
0x269: {  	[tilespmem:s4+$0xC10] =	vst v1;
	(pc) =	sbr.rel @!p3 .LBB2_22-.Ltmp14, $4  }
0x26a: {  	[tilespmem:s4+$0xC20] =	vst v1  }
0x26b: {  	[tilespmem:s4+$0xC30] =	vst v1  }
0x26c: {  	s31 =	sadd.s32 $0x100, s19;
	s11 =	sadd.s32 $0x80, s11;
	s13 =	sadd.s32 $0xFFFFFFFF, s13;
	[tilespmem:s4+$0xC40] =	vst v1  }
0x26d: {  	p0 =	por $0x1, $0x1;
	s15 =	sand.u32 $0x7800, s31;
	s17 =	sand.u32 $0x380, s11;
	[tilespmem:s4+$0xC50] =	vst v1  }
.LBB2_21:
0x26e: {  	p3 =	sne.s32 s13, $0x1;
	[tilespmem:s4+$0xC60] =	vst v1;
	s4 =	sor.u32 s17, s15  }
0x26f: {  	[tilespmem:s4+$0xC70] =	vst v1  }
0x270: {  	[tilespmem:s4+$0x800] =	vst v1  }
0x271: {  	[tilespmem:s4+$0x810] =	vst v1  }
0x272: {  	[tilespmem:s4+$0x820] =	vst v1  }
0x273: {  	[tilespmem:s4+$0x830] =	vst v1  }
0x274: {  	[tilespmem:s4+$0x840] =	vst v1  }
0x275: {  	[tilespmem:s4+$0x850] =	vst v1  }
0x276: {  	[tilespmem:s4+$0x860] =	vst v1  }
0x277: {  	[tilespmem:s4+$0x870] =	vst v1  }
0x278: {  	[tilespmem:s4+$0xC00] =	vst v1  }
.Ltmp15:
0x279: {  	[tilespmem:s4+$0xC10] =	vst v1;
	(pc) =	sbr.rel @p3 .LBB2_21-.Ltmp15, $4  }
0x27a: {  	[tilespmem:s4+$0xC20] =	vst v1  }
0x27b: {  	[tilespmem:s4+$0xC30] =	vst v1  }
0x27c: {  	s11 =	sadd.s32 $0x80, s11;
	s31 =	sadd.s32 $0x100, s31;
	[tilespmem:s4+$0xC40] =	vst v1  }
0x27d: {  	s13 =	sadd.s32 $0xFFFFFFFF, s13;
	s15 =	sand.u32 $0x7800, s31;
	s17 =	sand.u32 $0x380, s11;
	[tilespmem:s4+$0xC50] =	vst v1  }
.LBB2_22:
0x27e: {  	s11 =	sor.u32 s17, s15;
	[tilespmem:s4+$0xC60] =	vst @p0 v1  }
0x27f: {  	[tilespmem:s11+$0xC70] =	vst v1  }
0x280: {  	[tilespmem:s11+$0x800] =	vst v1  }
0x281: {  	[tilespmem:s11+$0x810] =	vst v1  }
0x282: {  	[tilespmem:s11+$0x820] =	vst v1  }
0x283: {  	[tilespmem:s11+$0x830] =	vst v1  }
0x284: {  	[tilespmem:s11+$0x840] =	vst v1  }
0x285: {  	[tilespmem:s11+$0x850] =	vst v1  }
0x286: {  	[tilespmem:s11+$0x860] =	vst v1  }
0x287: {  	[tilespmem:s11+$0x870] =	vst v1  }
0x288: {  	[tilespmem:s11+$0xC00] =	vst v1  }
0x289: {  	[tilespmem:s11+$0xC10] =	vst v1  }
0x28a: {  	[tilespmem:s11+$0xC20] =	vst v1  }
0x28b: {  	[tilespmem:s11+$0xC30] =	vst v1  }
0x28c: {  	[tilespmem:s11+$0xC40] =	vst v1  }
0x28d: {  	[tilespmem:s11+$0xC50] =	vst v1  }
0x28e: {  	[tilespmem:s11+$0xC60] =	vst v1  }
.LBB2_23:
.Ltmp16:
0x28f: {  	(pc) =	sbr.rel .LBB2_25-.Ltmp16, $3  }
0x290: {  	_ =	sdelay $0x1  }
0x291: {  	s4 =	simm.s32 $0x800  }
0x292: {  	[hbm4b:s8+s2] =	stream.linear.scatter [tilespmem:s4], [sflag:$0x4], $0x8000, $0x38;
	[tilespmem:$0x1C800] =	vst v63  }
.LBB2_24:
0x293: {  	[hbm4b:s8+s2] =	stream.linear.scatter [tilespmem:s6], [sflag:$0x4], $0x4000, $0x38;
	[tilespmem:$0x1C800] =	vst v63  }
0x294: {  	s4 =	sadd.s32 $0x800, s8  }
0x295: {  	[hbm4b:s4+s2] =	stream.linear.scatter [tilespmem:s6], [sflag:$0x4], $0x4000, $0x38;
	[tilespmem:$0x1C800] =	vst v63  }
.LBB2_25:
0x296: {  	p0 =	sle.s32 s3, s10  }
.Ltmp17:
0x297: {  	_ = 	snop;
	(pc) =	sbr.rel @p0 .LBB2_28-.Ltmp17, $4  }
0x298: {  	_ = 	snop  }
0x299: {  	_ =	swait.ge [sflag:s25], $0x8000  }
0x29a: {  	[sflag:s25] =	ssyncset.done $0x0  }
0x29b: {  	s31 =	simm.s32 $0x0;
	s4 =	smov.u32 s10;
	[sflag:s25] =	ssyncadd.s32 $0xFFFF8000  }
.LBB2_26:
0x29c: {  	v16 =	vld.idx.msk [tilespmem:v3+s23+$0x0], $0xffff;
	_ =	sdelay $0x3  }
0x29d: {  	v17 =	vor.u32 s4, v2  }
0x29e: {  	vm1 =	vgt.s32 v16, v17  }
0x29f: {  	v16 =	vsel vm1, $0x0, v4  }
0x2a0: {  	v18 =	vor.u32 $0x7F, v16;
	_ =	sdelay $0x4  }
0x2a1: {  	v18 =	vld.idx.msk [tilespmem:v18+s23+$0x0], $0xffff;
	_ =	sdelay $0x4  }
0x2a2: {  	vm1 =	vgt.s32 v18, v17  }
0x2a3: {  	v18 =	vsel vm1, $0x0, v5  }
0x2a4: {  	v16 =	vor.u32 v16, v18  }
0x2a5: {  	v18 =	vor.u32 $0x3F, v16;
	_ =	sdelay $0x4  }
0x2a6: {  	v18 =	vld.idx.msk [tilespmem:v18+s23+$0x0], $0xffff;
	_ =	sdelay $0x4  }
0x2a7: {  	vm1 =	vgt.s32 v18, v17  }
0x2a8: {  	v18 =	vsel vm1, $0x0, v6  }
0x2a9: {  	v19 =	vor.u32 v16, v18  }
0x2aa: {  	v19 =	vor.u32 $0x1F, v19;
	_ =	sdelay $0x4  }
0x2ab: {  	v19 =	vld.idx.msk [tilespmem:v19+s23+$0x0], $0xffff;
	_ =	sdelay $0x4  }
0x2ac: {  	vm1 =	vgt.s32 v19, v17  }
0x2ad: {  	v19 =	vsel vm1, $0x0, v7  }
0x2ae: {  	v18 =	vor.u32 v18, v19  }
0x2af: {  	v19 =	vor.u32 v16, v18  }
0x2b0: {  	v20 =	vor.u32 $0xF, v19;
	_ =	sdelay $0x4  }
0x2b1: {  	v20 =	vld.idx.msk [tilespmem:v20+s23+$0x0], $0xffff;
	_ =	sdelay $0x4  }
0x2b2: {  	vm1 =	vgt.s32 v20, v17  }
0x2b3: {  	v20 =	vsel vm1, $0x0, v8  }
0x2b4: {  	v21 =	vor.u32 v20, v19  }
0x2b5: {  	v21 =	vor.u32 $0x7, v21;
	_ =	sdelay $0x4  }
0x2b6: {  	v21 =	vld.idx.msk [tilespmem:v21+s23+$0x0], $0xffff;
	_ =	sdelay $0x4  }
0x2b7: {  	vm1 =	vgt.s32 v21, v17  }
0x2b8: {  	v21 =	vsel vm1, $0x0, v9  }
0x2b9: {  	v20 =	vor.u32 v20, v21  }
0x2ba: {  	v19 =	vor.u32 v20, v19  }
0x2bb: {  	v19 =	vor.u32 $0x3, v19;
	_ =	sdelay $0x4  }
0x2bc: {  	v19 =	vld.idx.msk [tilespmem:v19+s23+$0x0], $0xffff;
	_ =	sdelay $0x4  }
0x2bd: {  	vm1 =	vgt.s32 v19, v17  }
0x2be: {  	v19 =	vsel vm1, $0x0, v10  }
0x2bf: {  	v19 =	vor.u32 v19, v16  }
0x2c0: {  	v18 =	vor.u32 v18, v19  }
0x2c1: {  	v18 =	vor.u32 v20, v18  }
0x2c2: {  	v63 =	vand.u32 $0x7C, v18  }
0x2c3: {  	v19 =	vor.u32 v63, v16  }
0x2c4: {  	v19 =	vor.u32 $0x1, v19;
	_ =	sdelay $0x4  }
0x2c5: {  	v19 =	vld.idx.msk [tilespmem:v19+s23+$0x0], $0xffff;
	_ =	sdelay $0x4  }
0x2c6: {  	vm1 =	vgt.s32 v19, v17  }
0x2c7: {  	v19 =	vsel vm1, $0x0, v11  }
0x2c8: {  	v18 =	vor.u32 v19, v18  }
0x2c9: {  	v19 =	vand.u32 $0x7F, v18  }
0x2ca: {  	v19 =	vor.u32 v16, v19;
	_ =	sdelay $0x4  }
0x2cb: {  	v19 =	vld.idx.msk [tilespmem:v19+s23+$0x0], $0xffff;
	_ =	sdelay $0x4  }
0x2cc: {  	vm1 =	vle.s32 v19, v17  }
0x2cd: {  	v19 =	vsel vm1, $0x1, v12  }
0x2ce: {  	v18 =	vor.u32 v19, v18  }
0x2cf: {  	v19 =	vand.u32 $0x7F, v18  }
0x2d0: {  	v16 =	vor.u32 v16, v19;
	_ =	sdelay $0x4  }
0x2d1: {  	v16 =	vld.idx.msk [tilespmem:v16+s23+$0x0], $0xffff;
	_ =	sdelay $0x4  }
0x2d2: {  	vm1 =	vle.s32 v16, v17  }
0x2d3: {  	p3 =	sne.s32 s31, $0x1C0;
	v16 =	vsel vm1, $0x1, v12  }
.Ltmp18:
0x2d4: {  	v16 =	vadd.s32 v16, v18;
	(pc) =	sbr.rel @p3 .LBB2_26-.Ltmp18, $4  }
0x2d5: {  	v17 =	vand.u32 $0x1FF, v17;
	vm1 =	vgt.u32 v16, $0x1FF  }
0x2d6: {  	v16 =	vsel vm1, v17, v16  }
0x2d7: {  	s11 =	sshra.s32 s31, $0x2;
	v16 =	vadd.s32 v0, v16  }
0x2d8: {  	s4 =	sadd.s32 $0x10, s4;
	s31 =	sadd.s32 $0x40, s31;
	[tilespmem:s11+$0x580] =	vst v16  }
0x2d9: {  	v16 =	vld [tilespmem:$0x580];
	_ =	sdelay $0x4  }
0x2da: {  	v17 =	vshll.u32 v16, $0x1  }
0x2db: {  	v16 =	vand.u32 $0x7, v16;
	v17 =	vand.u32 $0xFFFFFFF0, v17  }
0x2dc: {  	v16 =	vor.u32 v16, v17  }
0x2dd: {  	v17 =	vperm.xlane v16, v13;
	_ =	sdelay $0x1  }
0x2de: {  	v16 =	vperm.xlane v16, v15;
	v17 =	vadd.s32 v14, v17;
	_ =	sdelay $0x1  }
0x2df: {  	v16 =	vadd.s32 v14, v16;
	_ =	sdelay $0x1  }
0x2e0: {  	s4 =	simm.s32 $0x800  }
0x2e1: {  	[tilespmem:s4], [sflag:$0x1] =	stream.indirect_vreg.gather [hbm4b:s1+s2], $0x80, v17, vm0, $0xb8;
	[tilespmem:$0x1C800] =	vst v63  }
0x2e2: {  	s17 =	simm.s32 $0x1000  }
0x2e3: {  	[tilespmem:s17], [sflag:$0x1] =	stream.indirect_vreg.gather [hbm4b:s1+s2], $0x80, v16, vm0, $0xb8;
	[tilespmem:$0x1C800] =	vst v63  }
0x2e4: {  	v16 =	vld [tilespmem:$0x590];
	_ =	sdelay $0x4  }
0x2e5: {  	v17 =	vshll.u32 v16, $0x1  }
0x2e6: {  	v16 =	vand.u32 $0x7, v16;
	v17 =	vand.u32 $0xFFFFFFF0, v17  }
0x2e7: {  	v16 =	vor.u32 v16, v17  }
0x2e8: {  	v17 =	vperm.xlane v16, v13;
	_ =	sdelay $0x1  }
0x2e9: {  	v16 =	vperm.xlane v16, v15;
	v17 =	vadd.s32 v14, v17;
	_ =	sdelay $0x1  }
0x2ea: {  	v16 =	vadd.s32 v14, v16;
	_ =	sdelay $0x1  }
0x2eb: {  	s19 =	simm.s32 $0x1800  }
0x2ec: {  	[tilespmem:s19], [sflag:$0x1] =	stream.indirect_vreg.gather [hbm4b:s1+s2], $0x80, v17, vm0, $0xb8;
	[tilespmem:$0x1C800] =	vst v63  }
0x2ed: {  	s31 =	simm.s32 $0x2000  }
0x2ee: {  	[tilespmem:s31], [sflag:$0x1] =	stream.indirect_vreg.gather [hbm4b:s1+s2], $0x80, v16, vm0, $0xb8;
	[tilespmem:$0x1C800] =	vst v63  }
0x2ef: {  	v16 =	vld [tilespmem:$0x5A0];
	_ =	sdelay $0x4  }
0x2f0: {  	v17 =	vshll.u32 v16, $0x1  }
0x2f1: {  	v16 =	vand.u32 $0x7, v16;
	v17 =	vand.u32 $0xFFFFFFF0, v17  }
0x2f2: {  	v16 =	vor.u32 v16, v17  }
0x2f3: {  	v17 =	vperm.xlane v16, v13;
	_ =	sdelay $0x1  }
0x2f4: {  	v16 =	vperm.xlane v16, v15;
	v17 =	vadd.s32 v14, v17;
	_ =	sdelay $0x1  }
0x2f5: {  	v16 =	vadd.s32 v14, v16;
	_ =	sdelay $0x1  }
0x2f6: {  	s11 =	simm.s32 $0x2800  }
0x2f7: {  	[tilespmem:s11], [sflag:$0x1] =	stream.indirect_vreg.gather [hbm4b:s1+s2], $0x80, v17, vm0, $0xb8;
	[tilespmem:$0x1C800] =	vst v63  }
0x2f8: {  	s13 =	simm.s32 $0x3000  }
0x2f9: {  	[tilespmem:s13], [sflag:$0x1] =	stream.indirect_vreg.gather [hbm4b:s1+s2], $0x80, v16, vm0, $0xb8;
	[tilespmem:$0x1C800] =	vst v63  }
0x2fa: {  	v16 =	vld [tilespmem:$0x5B0];
	_ =	sdelay $0x4  }
0x2fb: {  	v17 =	vshll.u32 v16, $0x1  }
0x2fc: {  	v16 =	vand.u32 $0x7, v16;
	v17 =	vand.u32 $0xFFFFFFF0, v17  }
0x2fd: {  	v16 =	vor.u32 v16, v17  }
0x2fe: {  	v17 =	vperm.xlane v16, v13;
	_ =	sdelay $0x1  }
0x2ff: {  	v16 =	vperm.xlane v16, v15;
	v17 =	vadd.s32 v14, v17;
	_ =	sdelay $0x1  }
0x300: {  	v16 =	vadd.s32 v14, v16;
	_ =	sdelay $0x1  }
0x301: {  	s15 =	simm.s32 $0x3800  }
0x302: {  	[tilespmem:s15], [sflag:$0x1] =	stream.indirect_vreg.gather [hbm4b:s1+s2], $0x80, v17, vm0, $0xb8;
	[tilespmem:$0x1C800] =	vst v63  }
0x303: {  	s17 =	simm.s32 $0x4000  }
0x304: {  	[tilespmem:s17], [sflag:$0x1] =	stream.indirect_vreg.gather [hbm4b:s1+s2], $0x80, v16, vm0, $0xb8;
	[tilespmem:$0x1C800] =	vst v63  }
0x305: {  	v16 =	vld [tilespmem:$0x5C0];
	_ =	sdelay $0x4  }
0x306: {  	v17 =	vshll.u32 v16, $0x1  }
0x307: {  	v16 =	vand.u32 $0x7, v16;
	v17 =	vand.u32 $0xFFFFFFF0, v17  }
0x308: {  	v16 =	vor.u32 v16, v17  }
0x309: {  	v17 =	vperm.xlane v16, v13;
	_ =	sdelay $0x1  }
0x30a: {  	v16 =	vperm.xlane v16, v15;
	v17 =	vadd.s32 v14, v17;
	_ =	sdelay $0x1  }
0x30b: {  	v16 =	vadd.s32 v14, v16;
	_ =	sdelay $0x1  }
0x30c: {  	s19 =	simm.s32 $0x4800  }
0x30d: {  	[tilespmem:s19], [sflag:$0x1] =	stream.indirect_vreg.gather [hbm4b:s1+s2], $0x80, v17, vm0, $0xb8;
	[tilespmem:$0x1C800] =	vst v63  }
0x30e: {  	s31 =	simm.s32 $0x5000  }
0x30f: {  	[tilespmem:s31], [sflag:$0x1] =	stream.indirect_vreg.gather [hbm4b:s1+s2], $0x80, v16, vm0, $0xb8;
	[tilespmem:$0x1C800] =	vst v63  }
0x310: {  	v16 =	vld [tilespmem:$0x5D0];
	_ =	sdelay $0x4  }
0x311: {  	v17 =	vshll.u32 v16, $0x1  }
0x312: {  	v16 =	vand.u32 $0x7, v16;
	v17 =	vand.u32 $0xFFFFFFF0, v17  }
0x313: {  	v16 =	vor.u32 v16, v17  }
0x314: {  	v17 =	vperm.xlane v16, v13;
	_ =	sdelay $0x1  }
0x315: {  	v16 =	vperm.xlane v16, v15;
	v17 =	vadd.s32 v14, v17;
	_ =	sdelay $0x1  }
0x316: {  	v16 =	vadd.s32 v14, v16;
	_ =	sdelay $0x1  }
0x317: {  	s11 =	simm.s32 $0x5800  }
0x318: {  	[tilespmem:s11], [sflag:$0x1] =	stream.indirect_vreg.gather [hbm4b:s1+s2], $0x80, v17, vm0, $0xb8;
	[tilespmem:$0x1C800] =	vst v63  }
0x319: {  	s13 =	simm.s32 $0x6000  }
0x31a: {  	[tilespmem:s13], [sflag:$0x1] =	stream.indirect_vreg.gather [hbm4b:s1+s2], $0x80, v16, vm0, $0xb8;
	[tilespmem:$0x1C800] =	vst v63  }
0x31b: {  	v16 =	vld [tilespmem:$0x5E0];
	_ =	sdelay $0x4  }
0x31c: {  	v17 =	vshll.u32 v16, $0x1  }
0x31d: {  	v16 =	vand.u32 $0x7, v16;
	v17 =	vand.u32 $0xFFFFFFF0, v17  }
0x31e: {  	v16 =	vor.u32 v16, v17  }
0x31f: {  	v17 =	vperm.xlane v16, v13;
	_ =	sdelay $0x1  }
0x320: {  	v16 =	vperm.xlane v16, v15;
	v17 =	vadd.s32 v14, v17;
	_ =	sdelay $0x1  }
0x321: {  	v16 =	vadd.s32 v14, v16;
	_ =	sdelay $0x1  }
0x322: {  	s15 =	simm.s32 $0x6800  }
0x323: {  	[tilespmem:s15], [sflag:$0x1] =	stream.indirect_vreg.gather [hbm4b:s1+s2], $0x80, v17, vm0, $0xb8;
	[tilespmem:$0x1C800] =	vst v63  }
0x324: {  	s17 =	simm.s32 $0x7000  }
0x325: {  	[tilespmem:s17], [sflag:$0x1] =	stream.indirect_vreg.gather [hbm4b:s1+s2], $0x80, v16, vm0, $0xb8;
	[tilespmem:$0x1C800] =	vst v63  }
0x326: {  	v16 =	vld [tilespmem:$0x5F0];
	_ =	sdelay $0x4  }
0x327: {  	v17 =	vshll.u32 v16, $0x1  }
0x328: {  	v16 =	vand.u32 $0x7, v16;
	v17 =	vand.u32 $0xFFFFFFF0, v17  }
0x329: {  	v16 =	vor.u32 v16, v17  }
0x32a: {  	v17 =	vperm.xlane v16, v13;
	_ =	sdelay $0x1  }
0x32b: {  	v16 =	vperm.xlane v16, v15;
	v17 =	vadd.s32 v14, v17;
	_ =	sdelay $0x1  }
0x32c: {  	v16 =	vadd.s32 v14, v16;
	_ =	sdelay $0x1  }
0x32d: {  	s19 =	simm.s32 $0x7800  }
0x32e: {  	[tilespmem:s19], [sflag:$0x1] =	stream.indirect_vreg.gather [hbm4b:s1+s2], $0x80, v17, vm0, $0xb8;
	[tilespmem:$0x1C800] =	vst v63  }
0x32f: {  	s31 =	simm.s32 $0x8000  }
0x330: {  	[tilespmem:s31], [sflag:$0x1] =	stream.indirect_vreg.gather [hbm4b:s1+s2], $0x80, v16, vm0, $0xb8;
	[tilespmem:$0x1C800] =	vst v63  }
.LBB2_28:
.Ltmp19:
0x331: {  	(pc) =	sbr.rel @p1 .LBB2_36-.Ltmp19, $1  }
0x332: {  	_ =	sdelay $0x3  }
0x333: {  	s4 =	ssub.s32 s3, s7  }
0x334: {  	p1 =	sgt.s32 s4, $0x7F  }
.Ltmp20:
0x335: {  	_ = 	snop;
	(pc) =	sbr.rel @p1 .LBB2_35-.Ltmp20, $4  }
0x336: {  	_ = 	snop  }
0x337: {  	_ =	swait.ge [sflag:s28], $0x8000  }
0x338: {  	[sflag:s28] =	ssyncset.done $0x0  }
0x339: {  	[sflag:s28] =	ssyncadd.s32 $0xFFFF8000  }
0x33a: {  	s11 =	smax.u32 s4, $0x7F;
	s13 =	rddreg [dreg:$0xc]  }
0x33b: {  	s11 =	sadd.s32 s11, s13  }
0x33c: {  	s13 =	ssub.s32 s11, s3  }
0x33d: {  	p3 =	sne.s32 s13, $0x1  }
.Ltmp21:
0x33e: {  	_ = 	snop;
	(pc) =	sbr.rel @!p3 .LBB2_31-.Ltmp21, $3  }
0x33f: {  	_ =	sdelay $0x1  }
0x340: {  	s19 =	sshll.u32 s4, $0x8;
	p1 =	por $0x0, $0x0;
	s11 =	sshll.u32 s4, $0x7  }
0x341: {  	s15 =	sand.u32 $0x7800, s19;
	s17 =	sand.u32 $0x380, s11;
	s13 =	sadd.s32 $0xFFFFFFFF, s13  }
0x342: {  	s4 =	sor.u32 s17, s15  }
0x343: {  	[tilespmem:s4+$0x8C70] =	vst v1  }
0x344: {  	[tilespmem:s4+$0x8800] =	vst v1  }
0x345: {  	[tilespmem:s4+$0x8810] =	vst v1  }
0x346: {  	[tilespmem:s4+$0x8820] =	vst v1  }
0x347: {  	[tilespmem:s4+$0x8830] =	vst v1  }
0x348: {  	[tilespmem:s4+$0x8840] =	vst v1  }
0x349: {  	[tilespmem:s4+$0x8850] =	vst v1  }
0x34a: {  	[tilespmem:s4+$0x8860] =	vst v1  }
0x34b: {  	[tilespmem:s4+$0x8870] =	vst v1  }
0x34c: {  	p3 =	sne.s32 s13, $0x1;
	[tilespmem:s4+$0x8C00] =	vst v1  }
.Ltmp22:
0x34d: {  	[tilespmem:s4+$0x8C10] =	vst v1;
	(pc) =	sbr.rel @!p3 .LBB2_34-.Ltmp22, $4  }
0x34e: {  	[tilespmem:s4+$0x8C20] =	vst v1  }
0x34f: {  	[tilespmem:s4+$0x8C30] =	vst v1  }
0x350: {  	s31 =	sadd.s32 $0x100, s19;
	s11 =	sadd.s32 $0x80, s11;
	s13 =	sadd.s32 $0xFFFFFFFF, s13;
	[tilespmem:s4+$0x8C40] =	vst v1  }
0x351: {  	p1 =	por $0x1, $0x1;
	s15 =	sand.u32 $0x7800, s31;
	s17 =	sand.u32 $0x380, s11;
	[tilespmem:s4+$0x8C50] =	vst v1  }
.LBB2_33:
0x352: {  	p3 =	sne.s32 s13, $0x1;
	[tilespmem:s4+$0x8C60] =	vst v1;
	s4 =	sor.u32 s17, s15  }
0x353: {  	[tilespmem:s4+$0x8C70] =	vst v1  }
0x354: {  	[tilespmem:s4+$0x8800] =	vst v1  }
0x355: {  	[tilespmem:s4+$0x8810] =	vst v1  }
0x356: {  	[tilespmem:s4+$0x8820] =	vst v1  }
0x357: {  	[tilespmem:s4+$0x8830] =	vst v1  }
0x358: {  	[tilespmem:s4+$0x8840] =	vst v1  }
0x359: {  	[tilespmem:s4+$0x8850] =	vst v1  }
0x35a: {  	[tilespmem:s4+$0x8860] =	vst v1  }
0x35b: {  	[tilespmem:s4+$0x8870] =	vst v1  }
0x35c: {  	[tilespmem:s4+$0x8C00] =	vst v1  }
.Ltmp23:
0x35d: {  	[tilespmem:s4+$0x8C10] =	vst v1;
	(pc) =	sbr.rel @p3 .LBB2_33-.Ltmp23, $4  }
0x35e: {  	[tilespmem:s4+$0x8C20] =	vst v1  }
0x35f: {  	[tilespmem:s4+$0x8C30] =	vst v1  }
0x360: {  	s11 =	sadd.s32 $0x80, s11;
	s31 =	sadd.s32 $0x100, s31;
	[tilespmem:s4+$0x8C40] =	vst v1  }
0x361: {  	s13 =	sadd.s32 $0xFFFFFFFF, s13;
	s15 =	sand.u32 $0x7800, s31;
	s17 =	sand.u32 $0x380, s11;
	[tilespmem:s4+$0x8C50] =	vst v1  }
.LBB2_34:
0x362: {  	s11 =	sor.u32 s17, s15;
	[tilespmem:s4+$0x8C60] =	vst @p1 v1  }
0x363: {  	[tilespmem:s11+$0x8C70] =	vst v1  }
0x364: {  	[tilespmem:s11+$0x8800] =	vst v1  }
0x365: {  	[tilespmem:s11+$0x8810] =	vst v1  }
0x366: {  	[tilespmem:s11+$0x8820] =	vst v1  }
0x367: {  	[tilespmem:s11+$0x8830] =	vst v1  }
0x368: {  	[tilespmem:s11+$0x8840] =	vst v1  }
0x369: {  	[tilespmem:s11+$0x8850] =	vst v1  }
0x36a: {  	[tilespmem:s11+$0x8860] =	vst v1  }
0x36b: {  	[tilespmem:s11+$0x8870] =	vst v1  }
0x36c: {  	[tilespmem:s11+$0x8C00] =	vst v1  }
0x36d: {  	[tilespmem:s11+$0x8C10] =	vst v1  }
0x36e: {  	[tilespmem:s11+$0x8C20] =	vst v1  }
0x36f: {  	[tilespmem:s11+$0x8C30] =	vst v1  }
0x370: {  	[tilespmem:s11+$0x8C40] =	vst v1  }
0x371: {  	[tilespmem:s11+$0x8C50] =	vst v1  }
0x372: {  	[tilespmem:s11+$0x8C60] =	vst v1  }
.LBB2_35:
.Ltmp24:
0x373: {  	(pc) =	sbr.rel .LBB2_37-.Ltmp24, $3  }
0x374: {  	_ =	sdelay $0x1  }
0x375: {  	s4 =	rddreg [dreg:$0x6]  }
0x376: {  	[hbm4b:s4+s2] =	stream.linear.scatter [tilespmem:s26], [sflag:$0x5], $0x8000, $0x38;
	[tilespmem:$0x1C800] =	vst v63  }
.LBB2_36:
0x377: {  	s4 =	rddreg [dreg:$0x6]  }
0x378: {  	[hbm4b:s4+s2] =	stream.linear.scatter [tilespmem:s6], [sflag:$0x5], $0x4000, $0x38;
	[tilespmem:$0x1C800] =	vst v63  }
0x379: {  	s4 =	sadd.s32 $0x800, s4  }
0x37a: {  	[hbm4b:s4+s2] =	stream.linear.scatter [tilespmem:s6], [sflag:$0x5], $0x4000, $0x38;
	[tilespmem:$0x1C800] =	vst v63  }
.LBB2_37:
0x37b: {  	p1 =	sle.s32 s3, s12  }
.Ltmp25:
0x37c: {  	_ = 	snop;
	(pc) =	sbr.rel @p1 .LBB2_40-.Ltmp25, $4  }
0x37d: {  	_ = 	snop  }
0x37e: {  	_ =	swait.ge [sflag:s29], $0x8000  }
0x37f: {  	[sflag:s29] =	ssyncset.done $0x0  }
0x380: {  	s31 =	simm.s32 $0x0;
	s4 =	smov.u32 s12;
	[sflag:s29] =	ssyncadd.s32 $0xFFFF8000  }
.LBB2_38:
0x381: {  	v16 =	vld.idx.msk [tilespmem:v3+s23+$0x0], $0xffff;
	_ =	sdelay $0x3  }
0x382: {  	v17 =	vor.u32 s4, v2  }
0x383: {  	vm1 =	vgt.s32 v16, v17  }
0x384: {  	v16 =	vsel vm1, $0x0, v4  }
0x385: {  	v18 =	vor.u32 $0x7F, v16;
	_ =	sdelay $0x4  }
0x386: {  	v18 =	vld.idx.msk [tilespmem:v18+s23+$0x0], $0xffff;
	_ =	sdelay $0x4  }
0x387: {  	vm1 =	vgt.s32 v18, v17  }
0x388: {  	v18 =	vsel vm1, $0x0, v5  }
0x389: {  	v16 =	vor.u32 v16, v18  }
0x38a: {  	v18 =	vor.u32 $0x3F, v16;
	_ =	sdelay $0x4  }
0x38b: {  	v18 =	vld.idx.msk [tilespmem:v18+s23+$0x0], $0xffff;
	_ =	sdelay $0x4  }
0x38c: {  	vm1 =	vgt.s32 v18, v17  }
0x38d: {  	v18 =	vsel vm1, $0x0, v6  }
0x38e: {  	v19 =	vor.u32 v16, v18  }
0x38f: {  	v19 =	vor.u32 $0x1F, v19;
	_ =	sdelay $0x4  }
0x390: {  	v19 =	vld.idx.msk [tilespmem:v19+s23+$0x0], $0xffff;
	_ =	sdelay $0x4  }
0x391: {  	vm1 =	vgt.s32 v19, v17  }
0x392: {  	v19 =	vsel vm1, $0x0, v7  }
0x393: {  	v18 =	vor.u32 v18, v19  }
0x394: {  	v19 =	vor.u32 v16, v18  }
0x395: {  	v20 =	vor.u32 $0xF, v19;
	_ =	sdelay $0x4  }
0x396: {  	v20 =	vld.idx.msk [tilespmem:v20+s23+$0x0], $0xffff;
	_ =	sdelay $0x4  }
0x397: {  	vm1 =	vgt.s32 v20, v17  }
0x398: {  	v20 =	vsel vm1, $0x0, v8  }
0x399: {  	v21 =	vor.u32 v20, v19  }
0x39a: {  	v21 =	vor.u32 $0x7, v21;
	_ =	sdelay $0x4  }
0x39b: {  	v21 =	vld.idx.msk [tilespmem:v21+s23+$0x0], $0xffff;
	_ =	sdelay $0x4  }
0x39c: {  	vm1 =	vgt.s32 v21, v17  }
0x39d: {  	v21 =	vsel vm1, $0x0, v9  }
0x39e: {  	v20 =	vor.u32 v20, v21  }
0x39f: {  	v19 =	vor.u32 v20, v19  }
0x3a0: {  	v19 =	vor.u32 $0x3, v19;
	_ =	sdelay $0x4  }
0x3a1: {  	v19 =	vld.idx.msk [tilespmem:v19+s23+$0x0], $0xffff;
	_ =	sdelay $0x4  }
0x3a2: {  	vm1 =	vgt.s32 v19, v17  }
0x3a3: {  	v19 =	vsel vm1, $0x0, v10  }
0x3a4: {  	v19 =	vor.u32 v19, v16  }
0x3a5: {  	v18 =	vor.u32 v18, v19  }
0x3a6: {  	v18 =	vor.u32 v20, v18  }
0x3a7: {  	v63 =	vand.u32 $0x7C, v18  }
0x3a8: {  	v19 =	vor.u32 v63, v16  }
0x3a9: {  	v19 =	vor.u32 $0x1, v19;
	_ =	sdelay $0x4  }
0x3aa: {  	v19 =	vld.idx.msk [tilespmem:v19+s23+$0x0], $0xffff;
	_ =	sdelay $0x4  }
0x3ab: {  	vm1 =	vgt.s32 v19, v17  }
0x3ac: {  	v19 =	vsel vm1, $0x0, v11  }
0x3ad: {  	v18 =	vor.u32 v19, v18  }
0x3ae: {  	v19 =	vand.u32 $0x7F, v18  }
0x3af: {  	v19 =	vor.u32 v16, v19;
	_ =	sdelay $0x4  }
0x3b0: {  	v19 =	vld.idx.msk [tilespmem:v19+s23+$0x0], $0xffff;
	_ =	sdelay $0x4  }
0x3b1: {  	vm1 =	vle.s32 v19, v17  }
0x3b2: {  	v19 =	vsel vm1, $0x1, v12  }
0x3b3: {  	v18 =	vor.u32 v19, v18  }
0x3b4: {  	v19 =	vand.u32 $0x7F, v18  }
0x3b5: {  	v16 =	vor.u32 v16, v19;
	_ =	sdelay $0x4  }
0x3b6: {  	v16 =	vld.idx.msk [tilespmem:v16+s23+$0x0], $0xffff;
	_ =	sdelay $0x4  }
0x3b7: {  	vm1 =	vle.s32 v16, v17  }
0x3b8: {  	p3 =	sne.s32 s31, $0x1C0;
	v16 =	vsel vm1, $0x1, v12  }
.Ltmp26:
0x3b9: {  	v16 =	vadd.s32 v16, v18;
	(pc) =	sbr.rel @p3 .LBB2_38-.Ltmp26, $4  }
0x3ba: {  	v17 =	vand.u32 $0x7F, v17;
	vm1 =	vgt.u32 v16, $0x1FF  }
0x3bb: {  	v16 =	vsel vm1, v17, v16  }
0x3bc: {  	s11 =	sshra.s32 s31, $0x2;
	v16 =	vadd.s32 v0, v16  }
0x3bd: {  	s4 =	sadd.s32 $0x10, s4;
	s31 =	sadd.s32 $0x40, s31;
	[tilespmem:s11+$0x600] =	vst v16  }
0x3be: {  	v16 =	vld [tilespmem:$0x600];
	_ =	sdelay $0x4  }
0x3bf: {  	v17 =	vshll.u32 v16, $0x1  }
0x3c0: {  	v16 =	vand.u32 $0x7, v16;
	v17 =	vand.u32 $0xFFFFFFF0, v17  }
0x3c1: {  	v16 =	vor.u32 v16, v17  }
0x3c2: {  	v17 =	vperm.xlane v16, v13;
	_ =	sdelay $0x1  }
0x3c3: {  	v16 =	vperm.xlane v16, v15;
	v17 =	vadd.s32 v14, v17;
	_ =	sdelay $0x1  }
0x3c4: {  	v16 =	vadd.s32 v14, v16;
	_ =	sdelay $0x2  }
0x3c5: {  	[tilespmem:s26], [sflag:$0x2] =	stream.indirect_vreg.gather [hbm4b:s1+s2], $0x80, v17, vm0, $0xb8;
	[tilespmem:$0x1C800] =	vst v63  }
0x3c6: {  	s4 =	simm.s32 $0x9000  }
0x3c7: {  	[tilespmem:s4], [sflag:$0x2] =	stream.indirect_vreg.gather [hbm4b:s1+s2], $0x80, v16, vm0, $0xb8;
	[tilespmem:$0x1C800] =	vst v63  }
0x3c8: {  	v16 =	vld [tilespmem:$0x610];
	_ =	sdelay $0x4  }
0x3c9: {  	v17 =	vshll.u32 v16, $0x1  }
0x3ca: {  	v16 =	vand.u32 $0x7, v16;
	v17 =	vand.u32 $0xFFFFFFF0, v17  }
0x3cb: {  	v16 =	vor.u32 v16, v17  }
0x3cc: {  	v17 =	vperm.xlane v16, v13;
	_ =	sdelay $0x1  }
0x3cd: {  	v16 =	vperm.xlane v16, v15;
	v17 =	vadd.s32 v14, v17;
	_ =	sdelay $0x1  }
0x3ce: {  	v16 =	vadd.s32 v14, v16;
	_ =	sdelay $0x1  }
0x3cf: {  	s19 =	simm.s32 $0x9800  }
0x3d0: {  	[tilespmem:s19], [sflag:$0x2] =	stream.indirect_vreg.gather [hbm4b:s1+s2], $0x80, v17, vm0, $0xb8;
	[tilespmem:$0x1C800] =	vst v63  }
0x3d1: {  	s31 =	simm.s32 $0xA000  }
0x3d2: {  	[tilespmem:s31], [sflag:$0x2] =	stream.indirect_vreg.gather [hbm4b:s1+s2], $0x80, v16, vm0, $0xb8;
	[tilespmem:$0x1C800] =	vst v63  }
0x3d3: {  	v16 =	vld [tilespmem:$0x620];
	_ =	sdelay $0x4  }
0x3d4: {  	v17 =	vshll.u32 v16, $0x1  }
0x3d5: {  	v16 =	vand.u32 $0x7, v16;
	v17 =	vand.u32 $0xFFFFFFF0, v17  }
0x3d6: {  	v16 =	vor.u32 v16, v17  }
0x3d7: {  	v17 =	vperm.xlane v16, v13;
	_ =	sdelay $0x1  }
0x3d8: {  	v16 =	vperm.xlane v16, v15;
	v17 =	vadd.s32 v14, v17;
	_ =	sdelay $0x1  }
0x3d9: {  	v16 =	vadd.s32 v14, v16;
	_ =	sdelay $0x1  }
0x3da: {  	s11 =	simm.s32 $0xA800  }
0x3db: {  	[tilespmem:s11], [sflag:$0x2] =	stream.indirect_vreg.gather [hbm4b:s1+s2], $0x80, v17, vm0, $0xb8;
	[tilespmem:$0x1C800] =	vst v63  }
0x3dc: {  	s13 =	simm.s32 $0xB000  }
0x3dd: {  	[tilespmem:s13], [sflag:$0x2] =	stream.indirect_vreg.gather [hbm4b:s1+s2], $0x80, v16, vm0, $0xb8;
	[tilespmem:$0x1C800] =	vst v63  }
0x3de: {  	v16 =	vld [tilespmem:$0x630];
	_ =	sdelay $0x4  }
0x3df: {  	v17 =	vshll.u32 v16, $0x1  }
0x3e0: {  	v16 =	vand.u32 $0x7, v16;
	v17 =	vand.u32 $0xFFFFFFF0, v17  }
0x3e1: {  	v16 =	vor.u32 v16, v17  }
0x3e2: {  	v17 =	vperm.xlane v16, v13;
	_ =	sdelay $0x1  }
0x3e3: {  	v16 =	vperm.xlane v16, v15;
	v17 =	vadd.s32 v14, v17;
	_ =	sdelay $0x1  }
0x3e4: {  	v16 =	vadd.s32 v14, v16;
	_ =	sdelay $0x1  }
0x3e5: {  	s15 =	simm.s32 $0xB800  }
0x3e6: {  	[tilespmem:s15], [sflag:$0x2] =	stream.indirect_vreg.gather [hbm4b:s1+s2], $0x80, v17, vm0, $0xb8;
	[tilespmem:$0x1C800] =	vst v63  }
0x3e7: {  	s17 =	simm.s32 $0xC000  }
0x3e8: {  	[tilespmem:s17], [sflag:$0x2] =	stream.indirect_vreg.gather [hbm4b:s1+s2], $0x80, v16, vm0, $0xb8;
	[tilespmem:$0x1C800] =	vst v63  }
0x3e9: {  	v16 =	vld [tilespmem:$0x640];
	_ =	sdelay $0x4  }
0x3ea: {  	v17 =	vshll.u32 v16, $0x1  }
0x3eb: {  	v16 =	vand.u32 $0x7, v16;
	v17 =	vand.u32 $0xFFFFFFF0, v17  }
0x3ec: {  	v16 =	vor.u32 v16, v17  }
0x3ed: {  	v17 =	vperm.xlane v16, v13;
	_ =	sdelay $0x1  }
0x3ee: {  	v16 =	vperm.xlane v16, v15;
	v17 =	vadd.s32 v14, v17;
	_ =	sdelay $0x1  }
0x3ef: {  	v16 =	vadd.s32 v14, v16;
	_ =	sdelay $0x1  }
0x3f0: {  	s19 =	simm.s32 $0xC800  }
0x3f1: {  	[tilespmem:s19], [sflag:$0x2] =	stream.indirect_vreg.gather [hbm4b:s1+s2], $0x80, v17, vm0, $0xb8;
	[tilespmem:$0x1C800] =	vst v63  }
0x3f2: {  	s31 =	simm.s32 $0xD000  }
0x3f3: {  	[tilespmem:s31], [sflag:$0x2] =	stream.indirect_vreg.gather [hbm4b:s1+s2], $0x80, v16, vm0, $0xb8;
	[tilespmem:$0x1C800] =	vst v63  }
0x3f4: {  	v16 =	vld [tilespmem:$0x650];
	_ =	sdelay $0x4  }
0x3f5: {  	v17 =	vshll.u32 v16, $0x1  }
0x3f6: {  	v16 =	vand.u32 $0x7, v16;
	v17 =	vand.u32 $0xFFFFFFF0, v17  }
0x3f7: {  	v16 =	vor.u32 v16, v17  }
0x3f8: {  	v17 =	vperm.xlane v16, v13;
	_ =	sdelay $0x1  }
0x3f9: {  	v16 =	vperm.xlane v16, v15;
	v17 =	vadd.s32 v14, v17;
	_ =	sdelay $0x1  }
0x3fa: {  	v16 =	vadd.s32 v14, v16;
	_ =	sdelay $0x1  }
0x3fb: {  	s11 =	simm.s32 $0xD800  }
0x3fc: {  	[tilespmem:s11], [sflag:$0x2] =	stream.indirect_vreg.gather [hbm4b:s1+s2], $0x80, v17, vm0, $0xb8;
	[tilespmem:$0x1C800] =	vst v63  }
0x3fd: {  	s13 =	simm.s32 $0xE000  }
0x3fe: {  	[tilespmem:s13], [sflag:$0x2] =	stream.indirect_vreg.gather [hbm4b:s1+s2], $0x80, v16, vm0, $0xb8;
	[tilespmem:$0x1C800] =	vst v63  }
0x3ff: {  	v16 =	vld [tilespmem:$0x660];
	_ =	sdelay $0x4  }
0x400: {  	v17 =	vshll.u32 v16, $0x1  }
0x401: {  	v16 =	vand.u32 $0x7, v16;
	v17 =	vand.u32 $0xFFFFFFF0, v17  }
0x402: {  	v16 =	vor.u32 v16, v17  }
0x403: {  	v17 =	vperm.xlane v16, v13;
	_ =	sdelay $0x1  }
0x404: {  	v16 =	vperm.xlane v16, v15;
	v17 =	vadd.s32 v14, v17;
	_ =	sdelay $0x1  }
0x405: {  	v16 =	vadd.s32 v14, v16;
	_ =	sdelay $0x1  }
0x406: {  	s15 =	simm.s32 $0xE800  }
0x407: {  	[tilespmem:s15], [sflag:$0x2] =	stream.indirect_vreg.gather [hbm4b:s1+s2], $0x80, v17, vm0, $0xb8;
	[tilespmem:$0x1C800] =	vst v63  }
0x408: {  	s17 =	simm.s32 $0xF000  }
0x409: {  	[tilespmem:s17], [sflag:$0x2] =	stream.indirect_vreg.gather [hbm4b:s1+s2], $0x80, v16, vm0, $0xb8;
	[tilespmem:$0x1C800] =	vst v63  }
0x40a: {  	v16 =	vld [tilespmem:$0x670];
	_ =	sdelay $0x4  }
0x40b: {  	v17 =	vshll.u32 v16, $0x1  }
0x40c: {  	v16 =	vand.u32 $0x7, v16;
	v17 =	vand.u32 $0xFFFFFFF0, v17  }
0x40d: {  	v16 =	vor.u32 v16, v17  }
0x40e: {  	v17 =	vperm.xlane v16, v13;
	_ =	sdelay $0x1  }
0x40f: {  	v16 =	vperm.xlane v16, v15;
	v17 =	vadd.s32 v14, v17;
	_ =	sdelay $0x1  }
0x410: {  	v16 =	vadd.s32 v14, v16;
	_ =	sdelay $0x1  }
0x411: {  	s19 =	simm.s32 $0xF800  }
0x412: {  	[tilespmem:s19], [sflag:$0x2] =	stream.indirect_vreg.gather [hbm4b:s1+s2], $0x80, v17, vm0, $0xb8;
	[tilespmem:$0x1C800] =	vst v63  }
0x413: {  	s31 =	simm.s32 $0x10000  }
0x414: {  	[tilespmem:s31], [sflag:$0x2] =	stream.indirect_vreg.gather [hbm4b:s1+s2], $0x80, v16, vm0, $0xb8;
	[tilespmem:$0x1C800] =	vst v63  }
.LBB2_40:
.Ltmp27:
0x415: {  	(pc) =	sbr.rel @p2 .LBB2_48-.Ltmp27, $1  }
0x416: {  	_ =	sdelay $0x3  }
0x417: {  	s4 =	ssub.s32 s3, s9  }
0x418: {  	p2 =	sgt.s32 s4, $0x7F  }
.Ltmp28:
0x419: {  	_ = 	snop;
	(pc) =	sbr.rel @p2 .LBB2_47-.Ltmp28, $4  }
0x41a: {  	_ = 	snop  }
0x41b: {  	_ =	swait.ge [sflag:s30], $0x8000  }
0x41c: {  	[sflag:s30] =	ssyncset.done $0x0  }
0x41d: {  	[sflag:s30] =	ssyncadd.s32 $0xFFFF8000  }
0x41e: {  	s11 =	smax.u32 s4, $0x7F;
	s13 =	rddreg [dreg:$0xd]  }
0x41f: {  	s11 =	sadd.s32 s11, s13  }
0x420: {  	s13 =	ssub.s32 s11, s3  }
0x421: {  	p3 =	sne.s32 s13, $0x1  }
.Ltmp29:
0x422: {  	_ = 	snop;
	(pc) =	sbr.rel @!p3 .LBB2_43-.Ltmp29, $3  }
0x423: {  	_ =	sdelay $0x1  }
0x424: {  	s17 =	sshll.u32 s4, $0x8;
	p2 =	por $0x0, $0x0;
	s11 =	sshll.u32 s4, $0x7  }
0x425: {  	s15 =	sand.u32 $0x7800, s17;
	s19 =	sand.u32 $0x380, s11;
	s13 =	sadd.s32 $0xFFFFFFFF, s13  }
0x426: {  	s15 =	sor.u32 s19, s15  }
0x427: {  	s4 =	sadd.s32 $0x10800, s15;
	[tilespmem:s15+$0x10800] =	vst v1  }
0x428: {  	[tilespmem:s4+$0x10] =	vst v1  }
0x429: {  	[tilespmem:s4+$0x20] =	vst v1  }
0x42a: {  	[tilespmem:s4+$0x30] =	vst v1  }
0x42b: {  	[tilespmem:s4+$0x40] =	vst v1  }
0x42c: {  	[tilespmem:s4+$0x50] =	vst v1  }
0x42d: {  	[tilespmem:s4+$0x60] =	vst v1  }
0x42e: {  	[tilespmem:s4+$0x70] =	vst v1  }
0x42f: {  	[tilespmem:s4+$0x400] =	vst v1  }
0x430: {  	p3 =	sne.s32 s13, $0x1;
	[tilespmem:s4+$0x410] =	vst v1  }
.Ltmp30:
0x431: {  	[tilespmem:s4+$0x420] =	vst v1;
	(pc) =	sbr.rel @!p3 .LBB2_46-.Ltmp30, $4  }
0x432: {  	[tilespmem:s4+$0x430] =	vst v1  }
0x433: {  	[tilespmem:s4+$0x440] =	vst v1  }
0x434: {  	s31 =	sadd.s32 $0x100, s17;
	s11 =	sadd.s32 $0x80, s11;
	s13 =	sadd.s32 $0xFFFFFFFF, s13;
	[tilespmem:s4+$0x450] =	vst v1  }
0x435: {  	p2 =	por $0x1, $0x1;
	s15 =	sand.u32 $0x7800, s31;
	s19 =	sand.u32 $0x380, s11;
	[tilespmem:s4+$0x460] =	vst v1  }
.LBB2_45:
0x436: {  	p3 =	sne.s32 s13, $0x1;
	s15 =	sor.u32 s19, s15;
	[tilespmem:s4+$0x470] =	vst v1  }
0x437: {  	s4 =	sadd.s32 $0x10800, s15;
	[tilespmem:s15+$0x10800] =	vst v1  }
0x438: {  	[tilespmem:s4+$0x10] =	vst v1  }
0x439: {  	[tilespmem:s4+$0x20] =	vst v1  }
0x43a: {  	[tilespmem:s4+$0x30] =	vst v1  }
0x43b: {  	[tilespmem:s4+$0x40] =	vst v1  }
0x43c: {  	[tilespmem:s4+$0x50] =	vst v1  }
0x43d: {  	[tilespmem:s4+$0x60] =	vst v1  }
0x43e: {  	[tilespmem:s4+$0x70] =	vst v1  }
0x43f: {  	[tilespmem:s4+$0x400] =	vst v1  }
0x440: {  	[tilespmem:s4+$0x410] =	vst v1  }
.Ltmp31:
0x441: {  	[tilespmem:s4+$0x420] =	vst v1;
	(pc) =	sbr.rel @p3 .LBB2_45-.Ltmp31, $4  }
0x442: {  	[tilespmem:s4+$0x430] =	vst v1  }
0x443: {  	[tilespmem:s4+$0x440] =	vst v1  }
0x444: {  	s11 =	sadd.s32 $0x80, s11;
	s31 =	sadd.s32 $0x100, s31;
	[tilespmem:s4+$0x450] =	vst v1  }
0x445: {  	s13 =	sadd.s32 $0xFFFFFFFF, s13;
	s15 =	sand.u32 $0x7800, s31;
	s19 =	sand.u32 $0x380, s11;
	[tilespmem:s4+$0x460] =	vst v1  }
.LBB2_46:
0x446: {  	s11 =	sor.u32 s19, s15;
	[tilespmem:s4+$0x470] =	vst @p2 v1  }
0x447: {  	s31 =	sadd.s32 $0x10800, s11;
	[tilespmem:s11+$0x10800] =	vst v1  }
0x448: {  	[tilespmem:s31+$0x10] =	vst v1  }
0x449: {  	[tilespmem:s31+$0x20] =	vst v1  }
0x44a: {  	[tilespmem:s31+$0x30] =	vst v1  }
0x44b: {  	[tilespmem:s31+$0x40] =	vst v1  }
0x44c: {  	[tilespmem:s31+$0x50] =	vst v1  }
0x44d: {  	[tilespmem:s31+$0x60] =	vst v1  }
0x44e: {  	[tilespmem:s31+$0x70] =	vst v1  }
0x44f: {  	[tilespmem:s31+$0x400] =	vst v1  }
0x450: {  	[tilespmem:s31+$0x410] =	vst v1  }
0x451: {  	[tilespmem:s31+$0x420] =	vst v1  }
0x452: {  	[tilespmem:s31+$0x430] =	vst v1  }
0x453: {  	[tilespmem:s31+$0x440] =	vst v1  }
0x454: {  	[tilespmem:s31+$0x450] =	vst v1  }
0x455: {  	[tilespmem:s31+$0x460] =	vst v1  }
0x456: {  	[tilespmem:s31+$0x470] =	vst v1  }
.LBB2_47:
.Ltmp32:
0x457: {  	(pc) =	sbr.rel .LBB2_49-.Ltmp32, $3  }
0x458: {  	_ =	sdelay $0x1  }
0x459: {  	s4 =	rddreg [dreg:$0x7];
	s11 =	simm.s32 $0x10800  }
0x45a: {  	[hbm4b:s4+s2] =	stream.linear.scatter [tilespmem:s11], [sflag:$0x6], $0x8000, $0x38;
	[tilespmem:$0x1C800] =	vst v63  }
.LBB2_48:
0x45b: {  	s4 =	rddreg [dreg:$0x7]  }
0x45c: {  	[hbm4b:s4+s2] =	stream.linear.scatter [tilespmem:s6], [sflag:$0x6], $0x4000, $0x38;
	[tilespmem:$0x1C800] =	vst v63  }
0x45d: {  	s4 =	sadd.s32 $0x800, s4  }
0x45e: {  	[hbm4b:s4+s2] =	stream.linear.scatter [tilespmem:s6], [sflag:$0x6], $0x4000, $0x38;
	[tilespmem:$0x1C800] =	vst v63  }
.LBB2_49:
0x45f: {  	p2 =	sle.s32 s3, s14  }
.Ltmp33:
0x460: {  	_ = 	snop;
	(pc) =	sbr.rel @p2 .LBB2_52-.Ltmp33, $4  }
0x461: {  	_ = 	snop  }
0x462: {  	_ =	swait.ge [sflag:s5], $0x8000  }
0x463: {  	[sflag:s5] =	ssyncset.done $0x0  }
0x464: {  	s31 =	simm.s32 $0x0;
	s4 =	smov.u32 s14;
	[sflag:s5] =	ssyncadd.s32 $0xFFFF8000  }
.LBB2_50:
0x465: {  	v16 =	vld.idx.msk [tilespmem:v3+s23+$0x0], $0xffff;
	_ =	sdelay $0x3  }
0x466: {  	v17 =	vor.u32 s4, v2  }
0x467: {  	vm1 =	vgt.s32 v16, v17  }
0x468: {  	v16 =	vsel vm1, $0x0, v4  }
0x469: {  	v18 =	vor.u32 $0x7F, v16;
	_ =	sdelay $0x4  }
0x46a: {  	v18 =	vld.idx.msk [tilespmem:v18+s23+$0x0], $0xffff;
	_ =	sdelay $0x4  }
0x46b: {  	vm1 =	vgt.s32 v18, v17  }
0x46c: {  	v18 =	vsel vm1, $0x0, v5  }
0x46d: {  	v16 =	vor.u32 v16, v18  }
0x46e: {  	v18 =	vor.u32 $0x3F, v16;
	_ =	sdelay $0x4  }
0x46f: {  	v18 =	vld.idx.msk [tilespmem:v18+s23+$0x0], $0xffff;
	_ =	sdelay $0x4  }
0x470: {  	vm1 =	vgt.s32 v18, v17  }
0x471: {  	v18 =	vsel vm1, $0x0, v6  }
0x472: {  	v19 =	vor.u32 v16, v18  }
0x473: {  	v19 =	vor.u32 $0x1F, v19;
	_ =	sdelay $0x4  }
0x474: {  	v19 =	vld.idx.msk [tilespmem:v19+s23+$0x0], $0xffff;
	_ =	sdelay $0x4  }
0x475: {  	vm1 =	vgt.s32 v19, v17  }
0x476: {  	v19 =	vsel vm1, $0x0, v7  }
0x477: {  	v18 =	vor.u32 v18, v19  }
0x478: {  	v19 =	vor.u32 v16, v18  }
0x479: {  	v20 =	vor.u32 $0xF, v19;
	_ =	sdelay $0x4  }
0x47a: {  	v20 =	vld.idx.msk [tilespmem:v20+s23+$0x0], $0xffff;
	_ =	sdelay $0x4  }
0x47b: {  	vm1 =	vgt.s32 v20, v17  }
0x47c: {  	v20 =	vsel vm1, $0x0, v8  }
0x47d: {  	v21 =	vor.u32 v20, v19  }
0x47e: {  	v21 =	vor.u32 $0x7, v21;
	_ =	sdelay $0x4  }
0x47f: {  	v21 =	vld.idx.msk [tilespmem:v21+s23+$0x0], $0xffff;
	_ =	sdelay $0x4  }
0x480: {  	vm1 =	vgt.s32 v21, v17  }
0x481: {  	v21 =	vsel vm1, $0x0, v9  }
0x482: {  	v20 =	vor.u32 v20, v21  }
0x483: {  	v19 =	vor.u32 v20, v19  }
0x484: {  	v19 =	vor.u32 $0x3, v19;
	_ =	sdelay $0x4  }
0x485: {  	v19 =	vld.idx.msk [tilespmem:v19+s23+$0x0], $0xffff;
	_ =	sdelay $0x4  }
0x486: {  	vm1 =	vgt.s32 v19, v17  }
0x487: {  	v19 =	vsel vm1, $0x0, v10  }
0x488: {  	v19 =	vor.u32 v19, v16  }
0x489: {  	v18 =	vor.u32 v18, v19  }
0x48a: {  	v18 =	vor.u32 v20, v18  }
0x48b: {  	v63 =	vand.u32 $0x7C, v18  }
0x48c: {  	v19 =	vor.u32 v63, v16  }
0x48d: {  	v19 =	vor.u32 $0x1, v19;
	_ =	sdelay $0x4  }
0x48e: {  	v19 =	vld.idx.msk [tilespmem:v19+s23+$0x0], $0xffff;
	_ =	sdelay $0x4  }
0x48f: {  	vm1 =	vgt.s32 v19, v17  }
0x490: {  	v19 =	vsel vm1, $0x0, v11  }
0x491: {  	v18 =	vor.u32 v19, v18  }
0x492: {  	v19 =	vand.u32 $0x7F, v18  }
0x493: {  	v19 =	vor.u32 v16, v19;
	_ =	sdelay $0x4  }
0x494: {  	v19 =	vld.idx.msk [tilespmem:v19+s23+$0x0], $0xffff;
	_ =	sdelay $0x4  }
0x495: {  	vm1 =	vle.s32 v19, v17  }
0x496: {  	v19 =	vsel vm1, $0x1, v12  }
0x497: {  	v18 =	vor.u32 v19, v18  }
0x498: {  	v19 =	vand.u32 $0x7F, v18  }
0x499: {  	v16 =	vor.u32 v16, v19;
	_ =	sdelay $0x4  }
0x49a: {  	v16 =	vld.idx.msk [tilespmem:v16+s23+$0x0], $0xffff;
	_ =	sdelay $0x4  }
0x49b: {  	vm1 =	vle.s32 v16, v17  }
0x49c: {  	p3 =	sne.s32 s31, $0x1C0;
	v16 =	vsel vm1, $0x1, v12  }
.Ltmp34:
0x49d: {  	v16 =	vadd.s32 v16, v18;
	(pc) =	sbr.rel @p3 .LBB2_50-.Ltmp34, $4  }
0x49e: {  	v17 =	vand.u32 $0xFF, v17;
	vm1 =	vgt.u32 v16, $0x1FF  }
0x49f: {  	v16 =	vsel vm1, v17, v16  }
0x4a0: {  	s11 =	sshra.s32 s31, $0x2;
	v16 =	vadd.s32 v0, v16  }
0x4a1: {  	s4 =	sadd.s32 $0x10, s4;
	s31 =	sadd.s32 $0x40, s31;
	[tilespmem:s11+$0x680] =	vst v16  }
0x4a2: {  	v16 =	vld [tilespmem:$0x680];
	_ =	sdelay $0x4  }
0x4a3: {  	v17 =	vshll.u32 v16, $0x1  }
0x4a4: {  	v16 =	vand.u32 $0x7, v16;
	v17 =	vand.u32 $0xFFFFFFF0, v17  }
0x4a5: {  	v16 =	vor.u32 v16, v17  }
0x4a6: {  	v17 =	vperm.xlane v16, v13;
	_ =	sdelay $0x1  }
0x4a7: {  	v16 =	vperm.xlane v16, v15;
	v17 =	vadd.s32 v14, v17;
	_ =	sdelay $0x1  }
0x4a8: {  	v16 =	vadd.s32 v14, v16;
	_ =	sdelay $0x1  }
0x4a9: {  	s4 =	simm.s32 $0x10800  }
0x4aa: {  	[tilespmem:s4], [sflag:$0x3] =	stream.indirect_vreg.gather [hbm4b:s1+s2], $0x80, v17, vm0, $0xb8;
	[tilespmem:$0x1C800] =	vst v63  }
0x4ab: {  	s17 =	simm.s32 $0x11000  }
0x4ac: {  	[tilespmem:s17], [sflag:$0x3] =	stream.indirect_vreg.gather [hbm4b:s1+s2], $0x80, v16, vm0, $0xb8;
	[tilespmem:$0x1C800] =	vst v63  }
0x4ad: {  	v16 =	vld [tilespmem:$0x690];
	_ =	sdelay $0x4  }
0x4ae: {  	v17 =	vshll.u32 v16, $0x1  }
0x4af: {  	v16 =	vand.u32 $0x7, v16;
	v17 =	vand.u32 $0xFFFFFFF0, v17  }
0x4b0: {  	v16 =	vor.u32 v16, v17  }
0x4b1: {  	v17 =	vperm.xlane v16, v13;
	_ =	sdelay $0x1  }
0x4b2: {  	v16 =	vperm.xlane v16, v15;
	v17 =	vadd.s32 v14, v17;
	_ =	sdelay $0x1  }
0x4b3: {  	v16 =	vadd.s32 v14, v16;
	_ =	sdelay $0x1  }
0x4b4: {  	s19 =	simm.s32 $0x11800  }
0x4b5: {  	[tilespmem:s19], [sflag:$0x3] =	stream.indirect_vreg.gather [hbm4b:s1+s2], $0x80, v17, vm0, $0xb8;
	[tilespmem:$0x1C800] =	vst v63  }
0x4b6: {  	s31 =	simm.s32 $0x12000  }
0x4b7: {  	[tilespmem:s31], [sflag:$0x3] =	stream.indirect_vreg.gather [hbm4b:s1+s2], $0x80, v16, vm0, $0xb8;
	[tilespmem:$0x1C800] =	vst v63  }
0x4b8: {  	v16 =	vld [tilespmem:$0x6A0];
	_ =	sdelay $0x4  }
0x4b9: {  	v17 =	vshll.u32 v16, $0x1  }
0x4ba: {  	v16 =	vand.u32 $0x7, v16;
	v17 =	vand.u32 $0xFFFFFFF0, v17  }
0x4bb: {  	v16 =	vor.u32 v16, v17  }
0x4bc: {  	v17 =	vperm.xlane v16, v13;
	_ =	sdelay $0x1  }
0x4bd: {  	v16 =	vperm.xlane v16, v15;
	v17 =	vadd.s32 v14, v17;
	_ =	sdelay $0x1  }
0x4be: {  	v16 =	vadd.s32 v14, v16;
	_ =	sdelay $0x1  }
0x4bf: {  	s11 =	simm.s32 $0x12800  }
0x4c0: {  	[tilespmem:s11], [sflag:$0x3] =	stream.indirect_vreg.gather [hbm4b:s1+s2], $0x80, v17, vm0, $0xb8;
	[tilespmem:$0x1C800] =	vst v63  }
0x4c1: {  	s13 =	simm.s32 $0x13000  }
0x4c2: {  	[tilespmem:s13], [sflag:$0x3] =	stream.indirect_vreg.gather [hbm4b:s1+s2], $0x80, v16, vm0, $0xb8;
	[tilespmem:$0x1C800] =	vst v63  }
0x4c3: {  	v16 =	vld [tilespmem:$0x6B0];
	_ =	sdelay $0x4  }
0x4c4: {  	v17 =	vshll.u32 v16, $0x1  }
0x4c5: {  	v16 =	vand.u32 $0x7, v16;
	v17 =	vand.u32 $0xFFFFFFF0, v17  }
0x4c6: {  	v16 =	vor.u32 v16, v17  }
0x4c7: {  	v17 =	vperm.xlane v16, v13;
	_ =	sdelay $0x1  }
0x4c8: {  	v16 =	vperm.xlane v16, v15;
	v17 =	vadd.s32 v14, v17;
	_ =	sdelay $0x1  }
0x4c9: {  	v16 =	vadd.s32 v14, v16;
	_ =	sdelay $0x1  }
0x4ca: {  	s15 =	simm.s32 $0x13800  }
0x4cb: {  	[tilespmem:s15], [sflag:$0x3] =	stream.indirect_vreg.gather [hbm4b:s1+s2], $0x80, v17, vm0, $0xb8;
	[tilespmem:$0x1C800] =	vst v63  }
0x4cc: {  	s17 =	simm.s32 $0x14000  }
0x4cd: {  	[tilespmem:s17], [sflag:$0x3] =	stream.indirect_vreg.gather [hbm4b:s1+s2], $0x80, v16, vm0, $0xb8;
	[tilespmem:$0x1C800] =	vst v63  }
0x4ce: {  	v16 =	vld [tilespmem:$0x6C0];
	_ =	sdelay $0x4  }
0x4cf: {  	v17 =	vshll.u32 v16, $0x1  }
0x4d0: {  	v16 =	vand.u32 $0x7, v16;
	v17 =	vand.u32 $0xFFFFFFF0, v17  }
0x4d1: {  	v16 =	vor.u32 v16, v17  }
0x4d2: {  	v17 =	vperm.xlane v16, v13;
	_ =	sdelay $0x1  }
0x4d3: {  	v16 =	vperm.xlane v16, v15;
	v17 =	vadd.s32 v14, v17;
	_ =	sdelay $0x1  }
0x4d4: {  	v16 =	vadd.s32 v14, v16;
	_ =	sdelay $0x1  }
0x4d5: {  	s19 =	simm.s32 $0x14800  }
0x4d6: {  	[tilespmem:s19], [sflag:$0x3] =	stream.indirect_vreg.gather [hbm4b:s1+s2], $0x80, v17, vm0, $0xb8;
	[tilespmem:$0x1C800] =	vst v63  }
0x4d7: {  	s31 =	simm.s32 $0x15000  }
0x4d8: {  	[tilespmem:s31], [sflag:$0x3] =	stream.indirect_vreg.gather [hbm4b:s1+s2], $0x80, v16, vm0, $0xb8;
	[tilespmem:$0x1C800] =	vst v63  }
0x4d9: {  	v16 =	vld [tilespmem:$0x6D0];
	_ =	sdelay $0x4  }
0x4da: {  	v17 =	vshll.u32 v16, $0x1  }
0x4db: {  	v16 =	vand.u32 $0x7, v16;
	v17 =	vand.u32 $0xFFFFFFF0, v17  }
0x4dc: {  	v16 =	vor.u32 v16, v17  }
0x4dd: {  	v17 =	vperm.xlane v16, v13;
	_ =	sdelay $0x1  }
0x4de: {  	v16 =	vperm.xlane v16, v15;
	v17 =	vadd.s32 v14, v17;
	_ =	sdelay $0x1  }
0x4df: {  	v16 =	vadd.s32 v14, v16;
	_ =	sdelay $0x1  }
0x4e0: {  	s11 =	simm.s32 $0x15800  }
0x4e1: {  	[tilespmem:s11], [sflag:$0x3] =	stream.indirect_vreg.gather [hbm4b:s1+s2], $0x80, v17, vm0, $0xb8;
	[tilespmem:$0x1C800] =	vst v63  }
0x4e2: {  	s13 =	simm.s32 $0x16000  }
0x4e3: {  	[tilespmem:s13], [sflag:$0x3] =	stream.indirect_vreg.gather [hbm4b:s1+s2], $0x80, v16, vm0, $0xb8;
	[tilespmem:$0x1C800] =	vst v63  }
0x4e4: {  	v16 =	vld [tilespmem:$0x6E0];
	_ =	sdelay $0x4  }
0x4e5: {  	v17 =	vshll.u32 v16, $0x1  }
0x4e6: {  	v16 =	vand.u32 $0x7, v16;
	v17 =	vand.u32 $0xFFFFFFF0, v17  }
0x4e7: {  	v16 =	vor.u32 v16, v17  }
0x4e8: {  	v17 =	vperm.xlane v16, v13;
	_ =	sdelay $0x1  }
0x4e9: {  	v16 =	vperm.xlane v16, v15;
	v17 =	vadd.s32 v14, v17;
	_ =	sdelay $0x1  }
0x4ea: {  	v16 =	vadd.s32 v14, v16;
	_ =	sdelay $0x1  }
0x4eb: {  	s15 =	simm.s32 $0x16800  }
0x4ec: {  	[tilespmem:s15], [sflag:$0x3] =	stream.indirect_vreg.gather [hbm4b:s1+s2], $0x80, v17, vm0, $0xb8;
	[tilespmem:$0x1C800] =	vst v63  }
0x4ed: {  	s17 =	simm.s32 $0x17000  }
0x4ee: {  	[tilespmem:s17], [sflag:$0x3] =	stream.indirect_vreg.gather [hbm4b:s1+s2], $0x80, v16, vm0, $0xb8;
	[tilespmem:$0x1C800] =	vst v63  }
0x4ef: {  	v16 =	vld [tilespmem:$0x6F0];
	_ =	sdelay $0x4  }
0x4f0: {  	v17 =	vshll.u32 v16, $0x1  }
0x4f1: {  	v16 =	vand.u32 $0x7, v16;
	v17 =	vand.u32 $0xFFFFFFF0, v17  }
0x4f2: {  	v16 =	vor.u32 v16, v17  }
0x4f3: {  	v17 =	vperm.xlane v16, v13;
	_ =	sdelay $0x1  }
0x4f4: {  	v16 =	vperm.xlane v16, v15;
	v17 =	vadd.s32 v14, v17;
	_ =	sdelay $0x1  }
0x4f5: {  	v16 =	vadd.s32 v14, v16;
	_ =	sdelay $0x1  }
0x4f6: {  	s19 =	simm.s32 $0x17800  }
0x4f7: {  	[tilespmem:s19], [sflag:$0x3] =	stream.indirect_vreg.gather [hbm4b:s1+s2], $0x80, v17, vm0, $0xb8;
	[tilespmem:$0x1C800] =	vst v63  }
0x4f8: {  	s31 =	simm.s32 $0x18000  }
0x4f9: {  	[tilespmem:s31], [sflag:$0x3] =	stream.indirect_vreg.gather [hbm4b:s1+s2], $0x80, v16, vm0, $0xb8;
	[tilespmem:$0x1C800] =	vst v63  }
.LBB2_52:
.Ltmp35:
0x4fa: {  	(pc) =	sbr.rel @p0 .LBB2_60-.Ltmp35, $1  }
0x4fb: {  	_ =	sdelay $0x3  }
0x4fc: {  	s4 =	ssub.s32 s3, s10  }
0x4fd: {  	p0 =	sgt.s32 s4, $0x7F  }
.Ltmp36:
0x4fe: {  	_ = 	snop;
	(pc) =	sbr.rel @p0 .LBB2_59-.Ltmp36, $4  }
0x4ff: {  	_ = 	snop  }
0x500: {  	_ =	swait.ge [sflag:s0], $0x8000  }
0x501: {  	[sflag:s0] =	ssyncset.done $0x0  }
0x502: {  	[sflag:s0] =	ssyncadd.s32 $0xFFFF8000  }
0x503: {  	s11 =	smax.u32 s4, $0x7F;
	s13 =	rddreg [dreg:$0xe]  }
0x504: {  	s11 =	sadd.s32 s11, s13  }
0x505: {  	s13 =	ssub.s32 s11, s3  }
0x506: {  	p3 =	sne.s32 s13, $0x1  }
.Ltmp37:
0x507: {  	_ = 	snop;
	(pc) =	sbr.rel @!p3 .LBB2_55-.Ltmp37, $3  }
0x508: {  	_ =	sdelay $0x1  }
0x509: {  	s19 =	sshll.u32 s4, $0x8;
	p0 =	por $0x0, $0x0;
	s11 =	sshll.u32 s4, $0x7  }
0x50a: {  	s15 =	sand.u32 $0x7800, s19;
	s17 =	sand.u32 $0x380, s11;
	s13 =	sadd.s32 $0xFFFFFFFF, s13  }
0x50b: {  	s4 =	sor.u32 s17, s15  }
0x50c: {  	[tilespmem:s4+$0xC70] =	vst v1  }
0x50d: {  	[tilespmem:s4+$0x800] =	vst v1  }
0x50e: {  	[tilespmem:s4+$0x810] =	vst v1  }
0x50f: {  	[tilespmem:s4+$0x820] =	vst v1  }
0x510: {  	[tilespmem:s4+$0x830] =	vst v1  }
0x511: {  	[tilespmem:s4+$0x840] =	vst v1  }
0x512: {  	[tilespmem:s4+$0x850] =	vst v1  }
0x513: {  	[tilespmem:s4+$0x860] =	vst v1  }
0x514: {  	[tilespmem:s4+$0x870] =	vst v1  }
0x515: {  	p3 =	sne.s32 s13, $0x1;
	[tilespmem:s4+$0xC00] =	vst v1  }
.Ltmp38:
0x516: {  	[tilespmem:s4+$0xC10] =	vst v1;
	(pc) =	sbr.rel @!p3 .LBB2_58-.Ltmp38, $4  }
0x517: {  	[tilespmem:s4+$0xC20] =	vst v1  }
0x518: {  	[tilespmem:s4+$0xC30] =	vst v1  }
0x519: {  	s31 =	sadd.s32 $0x100, s19;
	s11 =	sadd.s32 $0x80, s11;
	s13 =	sadd.s32 $0xFFFFFFFF, s13;
	[tilespmem:s4+$0xC40] =	vst v1  }
0x51a: {  	p0 =	por $0x1, $0x1;
	s15 =	sand.u32 $0x7800, s31;
	s17 =	sand.u32 $0x380, s11;
	[tilespmem:s4+$0xC50] =	vst v1  }
.LBB2_57:
0x51b: {  	p3 =	sne.s32 s13, $0x1;
	[tilespmem:s4+$0xC60] =	vst v1;
	s4 =	sor.u32 s17, s15  }
0x51c: {  	[tilespmem:s4+$0xC70] =	vst v1  }
0x51d: {  	[tilespmem:s4+$0x800] =	vst v1  }
0x51e: {  	[tilespmem:s4+$0x810] =	vst v1  }
0x51f: {  	[tilespmem:s4+$0x820] =	vst v1  }
0x520: {  	[tilespmem:s4+$0x830] =	vst v1  }
0x521: {  	[tilespmem:s4+$0x840] =	vst v1  }
0x522: {  	[tilespmem:s4+$0x850] =	vst v1  }
0x523: {  	[tilespmem:s4+$0x860] =	vst v1  }
0x524: {  	[tilespmem:s4+$0x870] =	vst v1  }
0x525: {  	[tilespmem:s4+$0xC00] =	vst v1  }
.Ltmp39:
0x526: {  	[tilespmem:s4+$0xC10] =	vst v1;
	(pc) =	sbr.rel @p3 .LBB2_57-.Ltmp39, $4  }
0x527: {  	[tilespmem:s4+$0xC20] =	vst v1  }
0x528: {  	[tilespmem:s4+$0xC30] =	vst v1  }
0x529: {  	s11 =	sadd.s32 $0x80, s11;
	s31 =	sadd.s32 $0x100, s31;
	[tilespmem:s4+$0xC40] =	vst v1  }
0x52a: {  	s13 =	sadd.s32 $0xFFFFFFFF, s13;
	s15 =	sand.u32 $0x7800, s31;
	s17 =	sand.u32 $0x380, s11;
	[tilespmem:s4+$0xC50] =	vst v1  }
.LBB2_58:
0x52b: {  	s11 =	sor.u32 s17, s15;
	[tilespmem:s4+$0xC60] =	vst @p0 v1  }
0x52c: {  	[tilespmem:s11+$0xC70] =	vst v1  }
0x52d: {  	[tilespmem:s11+$0x800] =	vst v1  }
0x52e: {  	[tilespmem:s11+$0x810] =	vst v1  }
0x52f: {  	[tilespmem:s11+$0x820] =	vst v1  }
0x530: {  	[tilespmem:s11+$0x830] =	vst v1  }
0x531: {  	[tilespmem:s11+$0x840] =	vst v1  }
0x532: {  	[tilespmem:s11+$0x850] =	vst v1  }
0x533: {  	[tilespmem:s11+$0x860] =	vst v1  }
0x534: {  	[tilespmem:s11+$0x870] =	vst v1  }
0x535: {  	[tilespmem:s11+$0xC00] =	vst v1  }
0x536: {  	[tilespmem:s11+$0xC10] =	vst v1  }
0x537: {  	[tilespmem:s11+$0xC20] =	vst v1  }
0x538: {  	[tilespmem:s11+$0xC30] =	vst v1  }
0x539: {  	[tilespmem:s11+$0xC40] =	vst v1  }
0x53a: {  	[tilespmem:s11+$0xC50] =	vst v1  }
0x53b: {  	[tilespmem:s11+$0xC60] =	vst v1  }
.LBB2_59:
.Ltmp40:
0x53c: {  	(pc) =	sbr.rel .LBB2_61-.Ltmp40, $3  }
0x53d: {  	_ =	sdelay $0x1  }
0x53e: {  	s4 =	rddreg [dreg:$0x8];
	s11 =	simm.s32 $0x800  }
0x53f: {  	[hbm4b:s4+s2] =	stream.linear.scatter [tilespmem:s11], [sflag:$0x4], $0x8000, $0x38;
	[tilespmem:$0x1C800] =	vst v63  }
.LBB2_60:
0x540: {  	s4 =	rddreg [dreg:$0x8]  }
0x541: {  	[hbm4b:s4+s2] =	stream.linear.scatter [tilespmem:s6], [sflag:$0x4], $0x4000, $0x38;
	[tilespmem:$0x1C800] =	vst v63  }
0x542: {  	s4 =	sadd.s32 $0x800, s4  }
0x543: {  	[hbm4b:s4+s2] =	stream.linear.scatter [tilespmem:s6], [sflag:$0x4], $0x4000, $0x38;
	[tilespmem:$0x1C800] =	vst v63  }
.LBB2_61:
0x544: {  	p0 =	sle.s32 s3, s16  }
.Ltmp41:
0x545: {  	_ = 	snop;
	(pc) =	sbr.rel @p0 .LBB2_64-.Ltmp41, $4  }
0x546: {  	_ = 	snop  }
0x547: {  	_ =	swait.ge [sflag:s25], $0x8000  }
0x548: {  	[sflag:s25] =	ssyncset.done $0x0  }
0x549: {  	s31 =	simm.s32 $0x0;
	s4 =	smov.u32 s16;
	[sflag:s25] =	ssyncadd.s32 $0xFFFF8000  }
.LBB2_62:
0x54a: {  	v16 =	vld.idx.msk [tilespmem:v3+s23+$0x0], $0xffff;
	_ =	sdelay $0x3  }
0x54b: {  	v17 =	vor.u32 s4, v2  }
0x54c: {  	vm1 =	vgt.s32 v16, v17  }
0x54d: {  	v16 =	vsel vm1, $0x0, v4  }
0x54e: {  	v18 =	vor.u32 $0x7F, v16;
	_ =	sdelay $0x4  }
0x54f: {  	v18 =	vld.idx.msk [tilespmem:v18+s23+$0x0], $0xffff;
	_ =	sdelay $0x4  }
0x550: {  	vm1 =	vgt.s32 v18, v17  }
0x551: {  	v18 =	vsel vm1, $0x0, v5  }
0x552: {  	v16 =	vor.u32 v16, v18  }
0x553: {  	v18 =	vor.u32 $0x3F, v16;
	_ =	sdelay $0x4  }
0x554: {  	v18 =	vld.idx.msk [tilespmem:v18+s23+$0x0], $0xffff;
	_ =	sdelay $0x4  }
0x555: {  	vm1 =	vgt.s32 v18, v17  }
0x556: {  	v18 =	vsel vm1, $0x0, v6  }
0x557: {  	v19 =	vor.u32 v16, v18  }
0x558: {  	v19 =	vor.u32 $0x1F, v19;
	_ =	sdelay $0x4  }
0x559: {  	v19 =	vld.idx.msk [tilespmem:v19+s23+$0x0], $0xffff;
	_ =	sdelay $0x4  }
0x55a: {  	vm1 =	vgt.s32 v19, v17  }
0x55b: {  	v19 =	vsel vm1, $0x0, v7  }
0x55c: {  	v18 =	vor.u32 v18, v19  }
0x55d: {  	v19 =	vor.u32 v16, v18  }
0x55e: {  	v20 =	vor.u32 $0xF, v19;
	_ =	sdelay $0x4  }
0x55f: {  	v20 =	vld.idx.msk [tilespmem:v20+s23+$0x0], $0xffff;
	_ =	sdelay $0x4  }
0x560: {  	vm1 =	vgt.s32 v20, v17  }
0x561: {  	v20 =	vsel vm1, $0x0, v8  }
0x562: {  	v21 =	vor.u32 v20, v19  }
0x563: {  	v21 =	vor.u32 $0x7, v21;
	_ =	sdelay $0x4  }
0x564: {  	v21 =	vld.idx.msk [tilespmem:v21+s23+$0x0], $0xffff;
	_ =	sdelay $0x4  }
0x565: {  	vm1 =	vgt.s32 v21, v17  }
0x566: {  	v21 =	vsel vm1, $0x0, v9  }
0x567: {  	v20 =	vor.u32 v20, v21  }
0x568: {  	v19 =	vor.u32 v20, v19  }
0x569: {  	v19 =	vor.u32 $0x3, v19;
	_ =	sdelay $0x4  }
0x56a: {  	v19 =	vld.idx.msk [tilespmem:v19+s23+$0x0], $0xffff;
	_ =	sdelay $0x4  }
0x56b: {  	vm1 =	vgt.s32 v19, v17  }
0x56c: {  	v19 =	vsel vm1, $0x0, v10  }
0x56d: {  	v19 =	vor.u32 v19, v16  }
0x56e: {  	v18 =	vor.u32 v18, v19  }
0x56f: {  	v18 =	vor.u32 v20, v18  }
0x570: {  	v63 =	vand.u32 $0x7C, v18  }
0x571: {  	v19 =	vor.u32 v63, v16  }
0x572: {  	v19 =	vor.u32 $0x1, v19;
	_ =	sdelay $0x4  }
0x573: {  	v19 =	vld.idx.msk [tilespmem:v19+s23+$0x0], $0xffff;
	_ =	sdelay $0x4  }
0x574: {  	vm1 =	vgt.s32 v19, v17  }
0x575: {  	v19 =	vsel vm1, $0x0, v11  }
0x576: {  	v18 =	vor.u32 v19, v18  }
0x577: {  	v19 =	vand.u32 $0x7F, v18  }
0x578: {  	v19 =	vor.u32 v16, v19;
	_ =	sdelay $0x4  }
0x579: {  	v19 =	vld.idx.msk [tilespmem:v19+s23+$0x0], $0xffff;
	_ =	sdelay $0x4  }
0x57a: {  	vm1 =	vle.s32 v19, v17  }
0x57b: {  	v19 =	vsel vm1, $0x1, v12  }
0x57c: {  	v18 =	vor.u32 v19, v18  }
0x57d: {  	v19 =	vand.u32 $0x7F, v18  }
0x57e: {  	v16 =	vor.u32 v16, v19;
	_ =	sdelay $0x4  }
0x57f: {  	v16 =	vld.idx.msk [tilespmem:v16+s23+$0x0], $0xffff;
	_ =	sdelay $0x4  }
0x580: {  	vm1 =	vle.s32 v16, v17  }
0x581: {  	p3 =	sne.s32 s31, $0x1C0;
	v16 =	vsel vm1, $0x1, v12  }
.Ltmp42:
0x582: {  	v16 =	vadd.s32 v16, v18;
	(pc) =	sbr.rel @p3 .LBB2_62-.Ltmp42, $4  }
0x583: {  	v17 =	vand.u32 $0x17F, v17;
	vm1 =	vgt.u32 v16, $0x1FF  }
0x584: {  	v16 =	vsel vm1, v17, v16  }
0x585: {  	s11 =	sshra.s32 s31, $0x2;
	v16 =	vadd.s32 v0, v16  }
0x586: {  	s4 =	sadd.s32 $0x10, s4;
	s31 =	sadd.s32 $0x40, s31;
	[tilespmem:s11+$0x700] =	vst v16  }
0x587: {  	v16 =	vld [tilespmem:$0x700];
	_ =	sdelay $0x4  }
0x588: {  	v17 =	vshll.u32 v16, $0x1  }
0x589: {  	v16 =	vand.u32 $0x7, v16;
	v17 =	vand.u32 $0xFFFFFFF0, v17  }
0x58a: {  	v16 =	vor.u32 v16, v17  }
0x58b: {  	v17 =	vperm.xlane v16, v13;
	_ =	sdelay $0x1  }
0x58c: {  	v16 =	vperm.xlane v16, v15;
	v17 =	vadd.s32 v14, v17;
	_ =	sdelay $0x1  }
0x58d: {  	v16 =	vadd.s32 v14, v16;
	_ =	sdelay $0x1  }
0x58e: {  	s4 =	simm.s32 $0x800  }
0x58f: {  	[tilespmem:s4], [sflag:$0x1] =	stream.indirect_vreg.gather [hbm4b:s1+s2], $0x80, v17, vm0, $0xb8;
	[tilespmem:$0x1C800] =	vst v63  }
0x590: {  	s17 =	simm.s32 $0x1000  }
0x591: {  	[tilespmem:s17], [sflag:$0x1] =	stream.indirect_vreg.gather [hbm4b:s1+s2], $0x80, v16, vm0, $0xb8;
	[tilespmem:$0x1C800] =	vst v63  }
0x592: {  	v16 =	vld [tilespmem:$0x710];
	_ =	sdelay $0x4  }
0x593: {  	v17 =	vshll.u32 v16, $0x1  }
0x594: {  	v16 =	vand.u32 $0x7, v16;
	v17 =	vand.u32 $0xFFFFFFF0, v17  }
0x595: {  	v16 =	vor.u32 v16, v17  }
0x596: {  	v17 =	vperm.xlane v16, v13;
	_ =	sdelay $0x1  }
0x597: {  	v16 =	vperm.xlane v16, v15;
	v17 =	vadd.s32 v14, v17;
	_ =	sdelay $0x1  }
0x598: {  	v16 =	vadd.s32 v14, v16;
	_ =	sdelay $0x1  }
0x599: {  	s19 =	simm.s32 $0x1800  }
0x59a: {  	[tilespmem:s19], [sflag:$0x1] =	stream.indirect_vreg.gather [hbm4b:s1+s2], $0x80, v17, vm0, $0xb8;
	[tilespmem:$0x1C800] =	vst v63  }
0x59b: {  	s31 =	simm.s32 $0x2000  }
0x59c: {  	[tilespmem:s31], [sflag:$0x1] =	stream.indirect_vreg.gather [hbm4b:s1+s2], $0x80, v16, vm0, $0xb8;
	[tilespmem:$0x1C800] =	vst v63  }
0x59d: {  	v16 =	vld [tilespmem:$0x720];
	_ =	sdelay $0x4  }
0x59e: {  	v17 =	vshll.u32 v16, $0x1  }
0x59f: {  	v16 =	vand.u32 $0x7, v16;
	v17 =	vand.u32 $0xFFFFFFF0, v17  }
0x5a0: {  	v16 =	vor.u32 v16, v17  }
0x5a1: {  	v17 =	vperm.xlane v16, v13;
	_ =	sdelay $0x1  }
0x5a2: {  	v16 =	vperm.xlane v16, v15;
	v17 =	vadd.s32 v14, v17;
	_ =	sdelay $0x1  }
0x5a3: {  	v16 =	vadd.s32 v14, v16;
	_ =	sdelay $0x1  }
0x5a4: {  	s11 =	simm.s32 $0x2800  }
0x5a5: {  	[tilespmem:s11], [sflag:$0x1] =	stream.indirect_vreg.gather [hbm4b:s1+s2], $0x80, v17, vm0, $0xb8;
	[tilespmem:$0x1C800] =	vst v63  }
0x5a6: {  	s13 =	simm.s32 $0x3000  }
0x5a7: {  	[tilespmem:s13], [sflag:$0x1] =	stream.indirect_vreg.gather [hbm4b:s1+s2], $0x80, v16, vm0, $0xb8;
	[tilespmem:$0x1C800] =	vst v63  }
0x5a8: {  	v16 =	vld [tilespmem:$0x730];
	_ =	sdelay $0x4  }
0x5a9: {  	v17 =	vshll.u32 v16, $0x1  }
0x5aa: {  	v16 =	vand.u32 $0x7, v16;
	v17 =	vand.u32 $0xFFFFFFF0, v17  }
0x5ab: {  	v16 =	vor.u32 v16, v17  }
0x5ac: {  	v17 =	vperm.xlane v16, v13;
	_ =	sdelay $0x1  }
0x5ad: {  	v16 =	vperm.xlane v16, v15;
	v17 =	vadd.s32 v14, v17;
	_ =	sdelay $0x1  }
0x5ae: {  	v16 =	vadd.s32 v14, v16;
	_ =	sdelay $0x1  }
0x5af: {  	s15 =	simm.s32 $0x3800  }
0x5b0: {  	[tilespmem:s15], [sflag:$0x1] =	stream.indirect_vreg.gather [hbm4b:s1+s2], $0x80, v17, vm0, $0xb8;
	[tilespmem:$0x1C800] =	vst v63  }
0x5b1: {  	s17 =	simm.s32 $0x4000  }
0x5b2: {  	[tilespmem:s17], [sflag:$0x1] =	stream.indirect_vreg.gather [hbm4b:s1+s2], $0x80, v16, vm0, $0xb8;
	[tilespmem:$0x1C800] =	vst v63  }
0x5b3: {  	v16 =	vld [tilespmem:$0x740];
	_ =	sdelay $0x4  }
0x5b4: {  	v17 =	vshll.u32 v16, $0x1  }
0x5b5: {  	v16 =	vand.u32 $0x7, v16;
	v17 =	vand.u32 $0xFFFFFFF0, v17  }
0x5b6: {  	v16 =	vor.u32 v16, v17  }
0x5b7: {  	v17 =	vperm.xlane v16, v13;
	_ =	sdelay $0x1  }
0x5b8: {  	v16 =	vperm.xlane v16, v15;
	v17 =	vadd.s32 v14, v17;
	_ =	sdelay $0x1  }
0x5b9: {  	v16 =	vadd.s32 v14, v16;
	_ =	sdelay $0x1  }
0x5ba: {  	s19 =	simm.s32 $0x4800  }
0x5bb: {  	[tilespmem:s19], [sflag:$0x1] =	stream.indirect_vreg.gather [hbm4b:s1+s2], $0x80, v17, vm0, $0xb8;
	[tilespmem:$0x1C800] =	vst v63  }
0x5bc: {  	s31 =	simm.s32 $0x5000  }
0x5bd: {  	[tilespmem:s31], [sflag:$0x1] =	stream.indirect_vreg.gather [hbm4b:s1+s2], $0x80, v16, vm0, $0xb8;
	[tilespmem:$0x1C800] =	vst v63  }
0x5be: {  	v16 =	vld [tilespmem:$0x750];
	_ =	sdelay $0x4  }
0x5bf: {  	v17 =	vshll.u32 v16, $0x1  }
0x5c0: {  	v16 =	vand.u32 $0x7, v16;
	v17 =	vand.u32 $0xFFFFFFF0, v17  }
0x5c1: {  	v16 =	vor.u32 v16, v17  }
0x5c2: {  	v17 =	vperm.xlane v16, v13;
	_ =	sdelay $0x1  }
0x5c3: {  	v16 =	vperm.xlane v16, v15;
	v17 =	vadd.s32 v14, v17;
	_ =	sdelay $0x1  }
0x5c4: {  	v16 =	vadd.s32 v14, v16;
	_ =	sdelay $0x1  }
0x5c5: {  	s11 =	simm.s32 $0x5800  }
0x5c6: {  	[tilespmem:s11], [sflag:$0x1] =	stream.indirect_vreg.gather [hbm4b:s1+s2], $0x80, v17, vm0, $0xb8;
	[tilespmem:$0x1C800] =	vst v63  }
0x5c7: {  	s13 =	simm.s32 $0x6000  }
0x5c8: {  	[tilespmem:s13], [sflag:$0x1] =	stream.indirect_vreg.gather [hbm4b:s1+s2], $0x80, v16, vm0, $0xb8;
	[tilespmem:$0x1C800] =	vst v63  }
0x5c9: {  	v16 =	vld [tilespmem:$0x760];
	_ =	sdelay $0x4  }
0x5ca: {  	v17 =	vshll.u32 v16, $0x1  }
0x5cb: {  	v16 =	vand.u32 $0x7, v16;
	v17 =	vand.u32 $0xFFFFFFF0, v17  }
0x5cc: {  	v16 =	vor.u32 v16, v17  }
0x5cd: {  	v17 =	vperm.xlane v16, v13;
	_ =	sdelay $0x1  }
0x5ce: {  	v16 =	vperm.xlane v16, v15;
	v17 =	vadd.s32 v14, v17;
	_ =	sdelay $0x1  }
0x5cf: {  	v16 =	vadd.s32 v14, v16;
	_ =	sdelay $0x1  }
0x5d0: {  	s15 =	simm.s32 $0x6800  }
0x5d1: {  	[tilespmem:s15], [sflag:$0x1] =	stream.indirect_vreg.gather [hbm4b:s1+s2], $0x80, v17, vm0, $0xb8;
	[tilespmem:$0x1C800] =	vst v63  }
0x5d2: {  	s17 =	simm.s32 $0x7000  }
0x5d3: {  	[tilespmem:s17], [sflag:$0x1] =	stream.indirect_vreg.gather [hbm4b:s1+s2], $0x80, v16, vm0, $0xb8;
	[tilespmem:$0x1C800] =	vst v63  }
0x5d4: {  	v16 =	vld [tilespmem:$0x770];
	_ =	sdelay $0x4  }
0x5d5: {  	v17 =	vshll.u32 v16, $0x1  }
0x5d6: {  	v16 =	vand.u32 $0x7, v16;
	v17 =	vand.u32 $0xFFFFFFF0, v17  }
0x5d7: {  	v16 =	vor.u32 v16, v17  }
0x5d8: {  	v17 =	vperm.xlane v16, v13;
	_ =	sdelay $0x1  }
0x5d9: {  	v16 =	vperm.xlane v16, v15;
	v17 =	vadd.s32 v14, v17;
	_ =	sdelay $0x1  }
0x5da: {  	v16 =	vadd.s32 v14, v16;
	_ =	sdelay $0x1  }
0x5db: {  	s19 =	simm.s32 $0x7800  }
0x5dc: {  	[tilespmem:s19], [sflag:$0x1] =	stream.indirect_vreg.gather [hbm4b:s1+s2], $0x80, v17, vm0, $0xb8;
	[tilespmem:$0x1C800] =	vst v63  }
0x5dd: {  	s31 =	simm.s32 $0x8000  }
0x5de: {  	[tilespmem:s31], [sflag:$0x1] =	stream.indirect_vreg.gather [hbm4b:s1+s2], $0x80, v16, vm0, $0xb8;
	[tilespmem:$0x1C800] =	vst v63  }
.LBB2_64:
.Ltmp43:
0x5df: {  	(pc) =	sbr.rel @p1 .LBB2_72-.Ltmp43, $1  }
0x5e0: {  	_ =	sdelay $0x3  }
0x5e1: {  	s4 =	ssub.s32 s3, s12  }
0x5e2: {  	p1 =	sgt.s32 s4, $0x7F  }
.Ltmp44:
0x5e3: {  	_ = 	snop;
	(pc) =	sbr.rel @p1 .LBB2_71-.Ltmp44, $4  }
0x5e4: {  	_ = 	snop  }
0x5e5: {  	_ =	swait.ge [sflag:s28], $0x8000  }
0x5e6: {  	[sflag:s28] =	ssyncset.done $0x0  }
0x5e7: {  	[sflag:s28] =	ssyncadd.s32 $0xFFFF8000  }
0x5e8: {  	s11 =	smax.u32 s4, $0x7F;
	s13 =	rddreg [dreg:$0xf]  }
0x5e9: {  	s11 =	sadd.s32 s11, s13  }
0x5ea: {  	s13 =	ssub.s32 s11, s3  }
0x5eb: {  	p3 =	sne.s32 s13, $0x1  }
.Ltmp45:
0x5ec: {  	_ = 	snop;
	(pc) =	sbr.rel @!p3 .LBB2_67-.Ltmp45, $3  }
0x5ed: {  	_ =	sdelay $0x1  }
0x5ee: {  	s19 =	sshll.u32 s4, $0x8;
	p1 =	por $0x0, $0x0;
	s11 =	sshll.u32 s4, $0x7  }
0x5ef: {  	s15 =	sand.u32 $0x7800, s19;
	s17 =	sand.u32 $0x380, s11;
	s13 =	sadd.s32 $0xFFFFFFFF, s13  }
0x5f0: {  	s4 =	sor.u32 s17, s15  }
0x5f1: {  	[tilespmem:s4+$0x8C70] =	vst v1  }
0x5f2: {  	[tilespmem:s4+$0x8800] =	vst v1  }
0x5f3: {  	[tilespmem:s4+$0x8810] =	vst v1  }
0x5f4: {  	[tilespmem:s4+$0x8820] =	vst v1  }
0x5f5: {  	[tilespmem:s4+$0x8830] =	vst v1  }
0x5f6: {  	[tilespmem:s4+$0x8840] =	vst v1  }
0x5f7: {  	[tilespmem:s4+$0x8850] =	vst v1  }
0x5f8: {  	[tilespmem:s4+$0x8860] =	vst v1  }
0x5f9: {  	[tilespmem:s4+$0x8870] =	vst v1  }
0x5fa: {  	p3 =	sne.s32 s13, $0x1;
	[tilespmem:s4+$0x8C00] =	vst v1  }
.Ltmp46:
0x5fb: {  	[tilespmem:s4+$0x8C10] =	vst v1;
	(pc) =	sbr.rel @!p3 .LBB2_70-.Ltmp46, $4  }
0x5fc: {  	[tilespmem:s4+$0x8C20] =	vst v1  }
0x5fd: {  	[tilespmem:s4+$0x8C30] =	vst v1  }
0x5fe: {  	s31 =	sadd.s32 $0x100, s19;
	s11 =	sadd.s32 $0x80, s11;
	s13 =	sadd.s32 $0xFFFFFFFF, s13;
	[tilespmem:s4+$0x8C40] =	vst v1  }
0x5ff: {  	p1 =	por $0x1, $0x1;
	s15 =	sand.u32 $0x7800, s31;
	s17 =	sand.u32 $0x380, s11;
	[tilespmem:s4+$0x8C50] =	vst v1  }
.LBB2_69:
0x600: {  	p3 =	sne.s32 s13, $0x1;
	[tilespmem:s4+$0x8C60] =	vst v1;
	s4 =	sor.u32 s17, s15  }
0x601: {  	[tilespmem:s4+$0x8C70] =	vst v1  }
0x602: {  	[tilespmem:s4+$0x8800] =	vst v1  }
0x603: {  	[tilespmem:s4+$0x8810] =	vst v1  }
0x604: {  	[tilespmem:s4+$0x8820] =	vst v1  }
0x605: {  	[tilespmem:s4+$0x8830] =	vst v1  }
0x606: {  	[tilespmem:s4+$0x8840] =	vst v1  }
0x607: {  	[tilespmem:s4+$0x8850] =	vst v1  }
0x608: {  	[tilespmem:s4+$0x8860] =	vst v1  }
0x609: {  	[tilespmem:s4+$0x8870] =	vst v1  }
0x60a: {  	[tilespmem:s4+$0x8C00] =	vst v1  }
.Ltmp47:
0x60b: {  	[tilespmem:s4+$0x8C10] =	vst v1;
	(pc) =	sbr.rel @p3 .LBB2_69-.Ltmp47, $4  }
0x60c: {  	[tilespmem:s4+$0x8C20] =	vst v1  }
0x60d: {  	[tilespmem:s4+$0x8C30] =	vst v1  }
0x60e: {  	s11 =	sadd.s32 $0x80, s11;
	s31 =	sadd.s32 $0x100, s31;
	[tilespmem:s4+$0x8C40] =	vst v1  }
0x60f: {  	s13 =	sadd.s32 $0xFFFFFFFF, s13;
	s15 =	sand.u32 $0x7800, s31;
	s17 =	sand.u32 $0x380, s11;
	[tilespmem:s4+$0x8C50] =	vst v1  }
.LBB2_70:
0x610: {  	s11 =	sor.u32 s17, s15;
	[tilespmem:s4+$0x8C60] =	vst @p1 v1  }
0x611: {  	[tilespmem:s11+$0x8C70] =	vst v1  }
0x612: {  	[tilespmem:s11+$0x8800] =	vst v1  }
0x613: {  	[tilespmem:s11+$0x8810] =	vst v1  }
0x614: {  	[tilespmem:s11+$0x8820] =	vst v1  }
0x615: {  	[tilespmem:s11+$0x8830] =	vst v1  }
0x616: {  	[tilespmem:s11+$0x8840] =	vst v1  }
0x617: {  	[tilespmem:s11+$0x8850] =	vst v1  }
0x618: {  	[tilespmem:s11+$0x8860] =	vst v1  }
0x619: {  	[tilespmem:s11+$0x8870] =	vst v1  }
0x61a: {  	[tilespmem:s11+$0x8C00] =	vst v1  }
0x61b: {  	[tilespmem:s11+$0x8C10] =	vst v1  }
0x61c: {  	[tilespmem:s11+$0x8C20] =	vst v1  }
0x61d: {  	[tilespmem:s11+$0x8C30] =	vst v1  }
0x61e: {  	[tilespmem:s11+$0x8C40] =	vst v1  }
0x61f: {  	[tilespmem:s11+$0x8C50] =	vst v1  }
0x620: {  	[tilespmem:s11+$0x8C60] =	vst v1  }
.LBB2_71:
.Ltmp48:
0x621: {  	(pc) =	sbr.rel .LBB2_73-.Ltmp48, $3  }
0x622: {  	_ =	sdelay $0x1  }
0x623: {  	s4 =	rddreg [dreg:$0x9]  }
0x624: {  	[hbm4b:s4+s2] =	stream.linear.scatter [tilespmem:s26], [sflag:$0x5], $0x8000, $0x38;
	[tilespmem:$0x1C800] =	vst v63  }
.LBB2_72:
0x625: {  	s4 =	rddreg [dreg:$0x9]  }
0x626: {  	[hbm4b:s4+s2] =	stream.linear.scatter [tilespmem:s6], [sflag:$0x5], $0x4000, $0x38;
	[tilespmem:$0x1C800] =	vst v63  }
0x627: {  	s4 =	sadd.s32 $0x800, s4  }
0x628: {  	[hbm4b:s4+s2] =	stream.linear.scatter [tilespmem:s6], [sflag:$0x5], $0x4000, $0x38;
	[tilespmem:$0x1C800] =	vst v63  }
.LBB2_73:
0x629: {  	p1 =	sle.s32 s3, s18  }
.Ltmp49:
0x62a: {  	_ = 	snop;
	(pc) =	sbr.rel @p1 .LBB2_76-.Ltmp49, $4  }
0x62b: {  	_ = 	snop  }
0x62c: {  	_ =	swait.ge [sflag:s29], $0x8000  }
0x62d: {  	[sflag:s29] =	ssyncset.done $0x0  }
0x62e: {  	s31 =	simm.s32 $0x0;
	s4 =	smov.u32 s18;
	[sflag:s29] =	ssyncadd.s32 $0xFFFF8000  }
.LBB2_74:
0x62f: {  	v16 =	vld.idx.msk [tilespmem:v3+s23+$0x0], $0xffff;
	_ =	sdelay $0x3  }
0x630: {  	v17 =	vor.u32 s4, v2  }
0x631: {  	vm1 =	vgt.s32 v16, v17  }
0x632: {  	v16 =	vsel vm1, $0x0, v4  }
0x633: {  	v18 =	vor.u32 $0x7F, v16;
	_ =	sdelay $0x4  }
0x634: {  	v18 =	vld.idx.msk [tilespmem:v18+s23+$0x0], $0xffff;
	_ =	sdelay $0x4  }
0x635: {  	vm1 =	vgt.s32 v18, v17  }
0x636: {  	v18 =	vsel vm1, $0x0, v5  }
0x637: {  	v16 =	vor.u32 v16, v18  }
0x638: {  	v18 =	vor.u32 $0x3F, v16;
	_ =	sdelay $0x4  }
0x639: {  	v18 =	vld.idx.msk [tilespmem:v18+s23+$0x0], $0xffff;
	_ =	sdelay $0x4  }
0x63a: {  	vm1 =	vgt.s32 v18, v17  }
0x63b: {  	v18 =	vsel vm1, $0x0, v6  }
0x63c: {  	v19 =	vor.u32 v16, v18  }
0x63d: {  	v19 =	vor.u32 $0x1F, v19;
	_ =	sdelay $0x4  }
0x63e: {  	v19 =	vld.idx.msk [tilespmem:v19+s23+$0x0], $0xffff;
	_ =	sdelay $0x4  }
0x63f: {  	vm1 =	vgt.s32 v19, v17  }
0x640: {  	v19 =	vsel vm1, $0x0, v7  }
0x641: {  	v18 =	vor.u32 v18, v19  }
0x642: {  	v19 =	vor.u32 v16, v18  }
0x643: {  	v20 =	vor.u32 $0xF, v19;
	_ =	sdelay $0x4  }
0x644: {  	v20 =	vld.idx.msk [tilespmem:v20+s23+$0x0], $0xffff;
	_ =	sdelay $0x4  }
0x645: {  	vm1 =	vgt.s32 v20, v17  }
0x646: {  	v20 =	vsel vm1, $0x0, v8  }
0x647: {  	v21 =	vor.u32 v20, v19  }
0x648: {  	v21 =	vor.u32 $0x7, v21;
	_ =	sdelay $0x4  }
0x649: {  	v21 =	vld.idx.msk [tilespmem:v21+s23+$0x0], $0xffff;
	_ =	sdelay $0x4  }
0x64a: {  	vm1 =	vgt.s32 v21, v17  }
0x64b: {  	v21 =	vsel vm1, $0x0, v9  }
0x64c: {  	v20 =	vor.u32 v20, v21  }
0x64d: {  	v19 =	vor.u32 v20, v19  }
0x64e: {  	v19 =	vor.u32 $0x3, v19;
	_ =	sdelay $0x4  }
0x64f: {  	v19 =	vld.idx.msk [tilespmem:v19+s23+$0x0], $0xffff;
	_ =	sdelay $0x4  }
0x650: {  	vm1 =	vgt.s32 v19, v17  }
0x651: {  	v19 =	vsel vm1, $0x0, v10  }
0x652: {  	v19 =	vor.u32 v19, v16  }
0x653: {  	v18 =	vor.u32 v18, v19  }
0x654: {  	v18 =	vor.u32 v20, v18  }
0x655: {  	v63 =	vand.u32 $0x7C, v18  }
0x656: {  	v19 =	vor.u32 v63, v16  }
0x657: {  	v19 =	vor.u32 $0x1, v19;
	_ =	sdelay $0x4  }
0x658: {  	v19 =	vld.idx.msk [tilespmem:v19+s23+$0x0], $0xffff;
	_ =	sdelay $0x4  }
0x659: {  	vm1 =	vgt.s32 v19, v17  }
0x65a: {  	v19 =	vsel vm1, $0x0, v11  }
0x65b: {  	v18 =	vor.u32 v19, v18  }
0x65c: {  	v19 =	vand.u32 $0x7F, v18  }
0x65d: {  	v19 =	vor.u32 v16, v19;
	_ =	sdelay $0x4  }
0x65e: {  	v19 =	vld.idx.msk [tilespmem:v19+s23+$0x0], $0xffff;
	_ =	sdelay $0x4  }
0x65f: {  	vm1 =	vle.s32 v19, v17  }
0x660: {  	v19 =	vsel vm1, $0x1, v12  }
0x661: {  	v18 =	vor.u32 v19, v18  }
0x662: {  	v19 =	vand.u32 $0x7F, v18  }
0x663: {  	v16 =	vor.u32 v16, v19;
	_ =	sdelay $0x4  }
0x664: {  	v16 =	vld.idx.msk [tilespmem:v16+s23+$0x0], $0xffff;
	_ =	sdelay $0x4  }
0x665: {  	vm1 =	vle.s32 v16, v17  }
0x666: {  	p3 =	sne.s32 s31, $0x1C0;
	v16 =	vsel vm1, $0x1, v12  }
.Ltmp50:
0x667: {  	v16 =	vadd.s32 v16, v18;
	(pc) =	sbr.rel @p3 .LBB2_74-.Ltmp50, $4  }
0x668: {  	v17 =	vand.u32 $0x1FF, v17;
	vm1 =	vgt.u32 v16, $0x1FF  }
0x669: {  	v16 =	vsel vm1, v17, v16  }
0x66a: {  	s11 =	sshra.s32 s31, $0x2;
	v16 =	vadd.s32 v0, v16  }
0x66b: {  	s4 =	sadd.s32 $0x10, s4;
	s31 =	sadd.s32 $0x40, s31;
	[tilespmem:s11+$0x780] =	vst v16  }
0x66c: {  	v16 =	vld [tilespmem:$0x780];
	_ =	sdelay $0x4  }
0x66d: {  	v17 =	vshll.u32 v16, $0x1  }
0x66e: {  	v16 =	vand.u32 $0x7, v16;
	v17 =	vand.u32 $0xFFFFFFF0, v17  }
0x66f: {  	v16 =	vor.u32 v16, v17  }
0x670: {  	v17 =	vperm.xlane v16, v13;
	_ =	sdelay $0x1  }
0x671: {  	v16 =	vperm.xlane v16, v15;
	v17 =	vadd.s32 v14, v17;
	_ =	sdelay $0x1  }
0x672: {  	v16 =	vadd.s32 v14, v16;
	_ =	sdelay $0x2  }
0x673: {  	[tilespmem:s26], [sflag:$0x2] =	stream.indirect_vreg.gather [hbm4b:s1+s2], $0x80, v17, vm0, $0xb8;
	[tilespmem:$0x1C800] =	vst v63  }
0x674: {  	s4 =	simm.s32 $0x9000  }
0x675: {  	[tilespmem:s4], [sflag:$0x2] =	stream.indirect_vreg.gather [hbm4b:s1+s2], $0x80, v16, vm0, $0xb8;
	[tilespmem:$0x1C800] =	vst v63  }
0x676: {  	v16 =	vld [tilespmem:$0x790];
	_ =	sdelay $0x4  }
0x677: {  	v17 =	vshll.u32 v16, $0x1  }
0x678: {  	v16 =	vand.u32 $0x7, v16;
	v17 =	vand.u32 $0xFFFFFFF0, v17  }
0x679: {  	v16 =	vor.u32 v16, v17  }
0x67a: {  	v17 =	vperm.xlane v16, v13;
	_ =	sdelay $0x1  }
0x67b: {  	v16 =	vperm.xlane v16, v15;
	v17 =	vadd.s32 v14, v17;
	_ =	sdelay $0x1  }
0x67c: {  	v16 =	vadd.s32 v14, v16;
	_ =	sdelay $0x1  }
0x67d: {  	s19 =	simm.s32 $0x9800  }
0x67e: {  	[tilespmem:s19], [sflag:$0x2] =	stream.indirect_vreg.gather [hbm4b:s1+s2], $0x80, v17, vm0, $0xb8;
	[tilespmem:$0x1C800] =	vst v63  }
0x67f: {  	s31 =	simm.s32 $0xA000  }
0x680: {  	[tilespmem:s31], [sflag:$0x2] =	stream.indirect_vreg.gather [hbm4b:s1+s2], $0x80, v16, vm0, $0xb8;
	[tilespmem:$0x1C800] =	vst v63  }
0x681: {  	v16 =	vld [tilespmem:$0x7A0];
	_ =	sdelay $0x4  }
0x682: {  	v17 =	vshll.u32 v16, $0x1  }
0x683: {  	v16 =	vand.u32 $0x7, v16;
	v17 =	vand.u32 $0xFFFFFFF0, v17  }
0x684: {  	v16 =	vor.u32 v16, v17  }
0x685: {  	v17 =	vperm.xlane v16, v13;
	_ =	sdelay $0x1  }
0x686: {  	v16 =	vperm.xlane v16, v15;
	v17 =	vadd.s32 v14, v17;
	_ =	sdelay $0x1  }
0x687: {  	v16 =	vadd.s32 v14, v16;
	_ =	sdelay $0x1  }
0x688: {  	s11 =	simm.s32 $0xA800  }
0x689: {  	[tilespmem:s11], [sflag:$0x2] =	stream.indirect_vreg.gather [hbm4b:s1+s2], $0x80, v17, vm0, $0xb8;
	[tilespmem:$0x1C800] =	vst v63  }
0x68a: {  	s13 =	simm.s32 $0xB000  }
0x68b: {  	[tilespmem:s13], [sflag:$0x2] =	stream.indirect_vreg.gather [hbm4b:s1+s2], $0x80, v16, vm0, $0xb8;
	[tilespmem:$0x1C800] =	vst v63  }
0x68c: {  	v16 =	vld [tilespmem:$0x7B0];
	_ =	sdelay $0x4  }
0x68d: {  	v17 =	vshll.u32 v16, $0x1  }
0x68e: {  	v16 =	vand.u32 $0x7, v16;
	v17 =	vand.u32 $0xFFFFFFF0, v17  }
0x68f: {  	v16 =	vor.u32 v16, v17  }
0x690: {  	v17 =	vperm.xlane v16, v13;
	_ =	sdelay $0x1  }
0x691: {  	v16 =	vperm.xlane v16, v15;
	v17 =	vadd.s32 v14, v17;
	_ =	sdelay $0x1  }
0x692: {  	v16 =	vadd.s32 v14, v16;
	_ =	sdelay $0x1  }
0x693: {  	s15 =	simm.s32 $0xB800  }
0x694: {  	[tilespmem:s15], [sflag:$0x2] =	stream.indirect_vreg.gather [hbm4b:s1+s2], $0x80, v17, vm0, $0xb8;
	[tilespmem:$0x1C800] =	vst v63  }
0x695: {  	s17 =	simm.s32 $0xC000  }
0x696: {  	[tilespmem:s17], [sflag:$0x2] =	stream.indirect_vreg.gather [hbm4b:s1+s2], $0x80, v16, vm0, $0xb8;
	[tilespmem:$0x1C800] =	vst v63  }
0x697: {  	v16 =	vld [tilespmem:$0x7C0];
	_ =	sdelay $0x4  }
0x698: {  	v17 =	vshll.u32 v16, $0x1  }
0x699: {  	v16 =	vand.u32 $0x7, v16;
	v17 =	vand.u32 $0xFFFFFFF0, v17  }
0x69a: {  	v16 =	vor.u32 v16, v17  }
0x69b: {  	v17 =	vperm.xlane v16, v13;
	_ =	sdelay $0x1  }
0x69c: {  	v16 =	vperm.xlane v16, v15;
	v17 =	vadd.s32 v14, v17;
	_ =	sdelay $0x1  }
0x69d: {  	v16 =	vadd.s32 v14, v16;
	_ =	sdelay $0x1  }
0x69e: {  	s19 =	simm.s32 $0xC800  }
0x69f: {  	[tilespmem:s19], [sflag:$0x2] =	stream.indirect_vreg.gather [hbm4b:s1+s2], $0x80, v17, vm0, $0xb8;
	[tilespmem:$0x1C800] =	vst v63  }
0x6a0: {  	s31 =	simm.s32 $0xD000  }
0x6a1: {  	[tilespmem:s31], [sflag:$0x2] =	stream.indirect_vreg.gather [hbm4b:s1+s2], $0x80, v16, vm0, $0xb8;
	[tilespmem:$0x1C800] =	vst v63  }
0x6a2: {  	v16 =	vld [tilespmem:$0x7D0];
	_ =	sdelay $0x4  }
0x6a3: {  	v17 =	vshll.u32 v16, $0x1  }
0x6a4: {  	v16 =	vand.u32 $0x7, v16;
	v17 =	vand.u32 $0xFFFFFFF0, v17  }
0x6a5: {  	v16 =	vor.u32 v16, v17  }
0x6a6: {  	v17 =	vperm.xlane v16, v13;
	_ =	sdelay $0x1  }
0x6a7: {  	v16 =	vperm.xlane v16, v15;
	v17 =	vadd.s32 v14, v17;
	_ =	sdelay $0x1  }
0x6a8: {  	v16 =	vadd.s32 v14, v16;
	_ =	sdelay $0x1  }
0x6a9: {  	s11 =	simm.s32 $0xD800  }
0x6aa: {  	[tilespmem:s11], [sflag:$0x2] =	stream.indirect_vreg.gather [hbm4b:s1+s2], $0x80, v17, vm0, $0xb8;
	[tilespmem:$0x1C800] =	vst v63  }
0x6ab: {  	s13 =	simm.s32 $0xE000  }
0x6ac: {  	[tilespmem:s13], [sflag:$0x2] =	stream.indirect_vreg.gather [hbm4b:s1+s2], $0x80, v16, vm0, $0xb8;
	[tilespmem:$0x1C800] =	vst v63  }
0x6ad: {  	v16 =	vld [tilespmem:$0x7E0];
	_ =	sdelay $0x4  }
0x6ae: {  	v17 =	vshll.u32 v16, $0x1  }
0x6af: {  	v16 =	vand.u32 $0x7, v16;
	v17 =	vand.u32 $0xFFFFFFF0, v17  }
0x6b0: {  	v16 =	vor.u32 v16, v17  }
0x6b1: {  	v17 =	vperm.xlane v16, v13;
	_ =	sdelay $0x1  }
0x6b2: {  	v16 =	vperm.xlane v16, v15;
	v17 =	vadd.s32 v14, v17;
	_ =	sdelay $0x1  }
0x6b3: {  	v16 =	vadd.s32 v14, v16;
	_ =	sdelay $0x1  }
0x6b4: {  	s15 =	simm.s32 $0xE800  }
0x6b5: {  	[tilespmem:s15], [sflag:$0x2] =	stream.indirect_vreg.gather [hbm4b:s1+s2], $0x80, v17, vm0, $0xb8;
	[tilespmem:$0x1C800] =	vst v63  }
0x6b6: {  	s17 =	simm.s32 $0xF000  }
0x6b7: {  	[tilespmem:s17], [sflag:$0x2] =	stream.indirect_vreg.gather [hbm4b:s1+s2], $0x80, v16, vm0, $0xb8;
	[tilespmem:$0x1C800] =	vst v63  }
0x6b8: {  	v16 =	vld [tilespmem:$0x7F0];
	_ =	sdelay $0x4  }
0x6b9: {  	v17 =	vshll.u32 v16, $0x1  }
0x6ba: {  	v16 =	vand.u32 $0x7, v16;
	v17 =	vand.u32 $0xFFFFFFF0, v17  }
0x6bb: {  	v16 =	vor.u32 v16, v17  }
0x6bc: {  	v17 =	vperm.xlane v16, v13;
	_ =	sdelay $0x1  }
0x6bd: {  	v16 =	vperm.xlane v16, v15;
	v17 =	vadd.s32 v14, v17;
	_ =	sdelay $0x1  }
0x6be: {  	v16 =	vadd.s32 v14, v16;
	_ =	sdelay $0x1  }
0x6bf: {  	s19 =	simm.s32 $0xF800  }
0x6c0: {  	[tilespmem:s19], [sflag:$0x2] =	stream.indirect_vreg.gather [hbm4b:s1+s2], $0x80, v17, vm0, $0xb8;
	[tilespmem:$0x1C800] =	vst v63  }
0x6c1: {  	s31 =	simm.s32 $0x10000  }
0x6c2: {  	[tilespmem:s31], [sflag:$0x2] =	stream.indirect_vreg.gather [hbm4b:s1+s2], $0x80, v16, vm0, $0xb8;
	[tilespmem:$0x1C800] =	vst v63  }
.LBB2_76:
.Ltmp51:
0x6c3: {  	(pc) =	sbr.rel @p2 .LBB2_84-.Ltmp51, $1  }
0x6c4: {  	_ =	sdelay $0x3  }
0x6c5: {  	s4 =	ssub.s32 s3, s14  }
0x6c6: {  	p2 =	sgt.s32 s4, $0x7F  }
.Ltmp52:
0x6c7: {  	_ = 	snop;
	(pc) =	sbr.rel @p2 .LBB2_83-.Ltmp52, $4  }
0x6c8: {  	_ = 	snop  }
0x6c9: {  	_ =	swait.ge [sflag:s30], $0x8000  }
0x6ca: {  	[sflag:s30] =	ssyncset.done $0x0  }
0x6cb: {  	[sflag:s30] =	ssyncadd.s32 $0xFFFF8000  }
0x6cc: {  	s11 =	smax.u32 s4, $0x7F;
	s13 =	rddreg [dreg:$0x10]  }
0x6cd: {  	s11 =	sadd.s32 s11, s13  }
0x6ce: {  	s13 =	ssub.s32 s11, s3  }
0x6cf: {  	p3 =	sne.s32 s13, $0x1  }
.Ltmp53:
0x6d0: {  	_ = 	snop;
	(pc) =	sbr.rel @!p3 .LBB2_79-.Ltmp53, $3  }
0x6d1: {  	_ =	sdelay $0x1  }
0x6d2: {  	s17 =	sshll.u32 s4, $0x8;
	p2 =	por $0x0, $0x0;
	s11 =	sshll.u32 s4, $0x7  }
0x6d3: {  	s15 =	sand.u32 $0x7800, s17;
	s19 =	sand.u32 $0x380, s11;
	s13 =	sadd.s32 $0xFFFFFFFF, s13  }
0x6d4: {  	s15 =	sor.u32 s19, s15  }
0x6d5: {  	s4 =	sadd.s32 $0x10800, s15;
	[tilespmem:s15+$0x10800] =	vst v1  }
0x6d6: {  	[tilespmem:s4+$0x10] =	vst v1  }
0x6d7: {  	[tilespmem:s4+$0x20] =	vst v1  }
0x6d8: {  	[tilespmem:s4+$0x30] =	vst v1  }
0x6d9: {  	[tilespmem:s4+$0x40] =	vst v1  }
0x6da: {  	[tilespmem:s4+$0x50] =	vst v1  }
0x6db: {  	[tilespmem:s4+$0x60] =	vst v1  }
0x6dc: {  	[tilespmem:s4+$0x70] =	vst v1  }
0x6dd: {  	[tilespmem:s4+$0x400] =	vst v1  }
0x6de: {  	p3 =	sne.s32 s13, $0x1;
	[tilespmem:s4+$0x410] =	vst v1  }
.Ltmp54:
0x6df: {  	[tilespmem:s4+$0x420] =	vst v1;
	(pc) =	sbr.rel @!p3 .LBB2_82-.Ltmp54, $4  }
0x6e0: {  	[tilespmem:s4+$0x430] =	vst v1  }
0x6e1: {  	[tilespmem:s4+$0x440] =	vst v1  }
0x6e2: {  	s31 =	sadd.s32 $0x100, s17;
	s11 =	sadd.s32 $0x80, s11;
	s13 =	sadd.s32 $0xFFFFFFFF, s13;
	[tilespmem:s4+$0x450] =	vst v1  }
0x6e3: {  	p2 =	por $0x1, $0x1;
	s15 =	sand.u32 $0x7800, s31;
	s19 =	sand.u32 $0x380, s11;
	[tilespmem:s4+$0x460] =	vst v1  }
.LBB2_81:
0x6e4: {  	p3 =	sne.s32 s13, $0x1;
	s15 =	sor.u32 s19, s15;
	[tilespmem:s4+$0x470] =	vst v1  }
0x6e5: {  	s4 =	sadd.s32 $0x10800, s15;
	[tilespmem:s15+$0x10800] =	vst v1  }
0x6e6: {  	[tilespmem:s4+$0x10] =	vst v1  }
0x6e7: {  	[tilespmem:s4+$0x20] =	vst v1  }
0x6e8: {  	[tilespmem:s4+$0x30] =	vst v1  }
0x6e9: {  	[tilespmem:s4+$0x40] =	vst v1  }
0x6ea: {  	[tilespmem:s4+$0x50] =	vst v1  }
0x6eb: {  	[tilespmem:s4+$0x60] =	vst v1  }
0x6ec: {  	[tilespmem:s4+$0x70] =	vst v1  }
0x6ed: {  	[tilespmem:s4+$0x400] =	vst v1  }
0x6ee: {  	[tilespmem:s4+$0x410] =	vst v1  }
.Ltmp55:
0x6ef: {  	[tilespmem:s4+$0x420] =	vst v1;
	(pc) =	sbr.rel @p3 .LBB2_81-.Ltmp55, $4  }
0x6f0: {  	[tilespmem:s4+$0x430] =	vst v1  }
0x6f1: {  	[tilespmem:s4+$0x440] =	vst v1  }
0x6f2: {  	s11 =	sadd.s32 $0x80, s11;
	s31 =	sadd.s32 $0x100, s31;
	[tilespmem:s4+$0x450] =	vst v1  }
0x6f3: {  	s13 =	sadd.s32 $0xFFFFFFFF, s13;
	s15 =	sand.u32 $0x7800, s31;
	s19 =	sand.u32 $0x380, s11;
	[tilespmem:s4+$0x460] =	vst v1  }
.LBB2_82:
0x6f4: {  	s11 =	sor.u32 s19, s15;
	[tilespmem:s4+$0x470] =	vst @p2 v1  }
0x6f5: {  	s31 =	sadd.s32 $0x10800, s11;
	[tilespmem:s11+$0x10800] =	vst v1  }
0x6f6: {  	[tilespmem:s31+$0x10] =	vst v1  }
0x6f7: {  	[tilespmem:s31+$0x20] =	vst v1  }
0x6f8: {  	[tilespmem:s31+$0x30] =	vst v1  }
0x6f9: {  	[tilespmem:s31+$0x40] =	vst v1  }
0x6fa: {  	[tilespmem:s31+$0x50] =	vst v1  }
0x6fb: {  	[tilespmem:s31+$0x60] =	vst v1  }
0x6fc: {  	[tilespmem:s31+$0x70] =	vst v1  }
0x6fd: {  	[tilespmem:s31+$0x400] =	vst v1  }
0x6fe: {  	[tilespmem:s31+$0x410] =	vst v1  }
0x6ff: {  	[tilespmem:s31+$0x420] =	vst v1  }
0x700: {  	[tilespmem:s31+$0x430] =	vst v1  }
0x701: {  	[tilespmem:s31+$0x440] =	vst v1  }
0x702: {  	[tilespmem:s31+$0x450] =	vst v1  }
0x703: {  	[tilespmem:s31+$0x460] =	vst v1  }
0x704: {  	[tilespmem:s31+$0x470] =	vst v1  }
.LBB2_83:
.Ltmp56:
0x705: {  	(pc) =	sbr.rel .LBB2_85-.Ltmp56, $3  }
0x706: {  	_ =	sdelay $0x1  }
0x707: {  	s4 =	rddreg [dreg:$0xa];
	s11 =	simm.s32 $0x10800  }
0x708: {  	[hbm4b:s4+s2] =	stream.linear.scatter [tilespmem:s11], [sflag:$0x6], $0x8000, $0x38;
	[tilespmem:$0x1C800] =	vst v63  }
.LBB2_84:
0x709: {  	s4 =	rddreg [dreg:$0xa]  }
0x70a: {  	[hbm4b:s4+s2] =	stream.linear.scatter [tilespmem:s6], [sflag:$0x6], $0x4000, $0x38;
	[tilespmem:$0x1C800] =	vst v63  }
0x70b: {  	s4 =	sadd.s32 $0x800, s4  }
0x70c: {  	[hbm4b:s4+s2] =	stream.linear.scatter [tilespmem:s6], [sflag:$0x6], $0x4000, $0x38;
	[tilespmem:$0x1C800] =	vst v63  }
.LBB2_85:
.Ltmp57:
0x70d: {  	(pc) =	sbr.rel @p0 .LBB2_93-.Ltmp57, $1  }
0x70e: {  	_ =	sdelay $0x3  }
0x70f: {  	s4 =	ssub.s32 s3, s16  }
0x710: {  	p0 =	sgt.s32 s4, $0x7F  }
.Ltmp58:
0x711: {  	_ = 	snop;
	(pc) =	sbr.rel @p0 .LBB2_92-.Ltmp58, $4  }
0x712: {  	_ = 	snop  }
0x713: {  	_ =	swait.ge [sflag:s0], $0x8000  }
0x714: {  	[sflag:s0] =	ssyncset.done $0x0  }
0x715: {  	[sflag:s0] =	ssyncadd.s32 $0xFFFF8000  }
0x716: {  	s11 =	smax.u32 s4, $0x7F;
	s13 =	rddreg [dreg:$0x11]  }
0x717: {  	s11 =	sadd.s32 s11, s13  }
0x718: {  	s13 =	ssub.s32 s11, s3  }
0x719: {  	p2 =	sne.s32 s13, $0x1  }
.Ltmp59:
0x71a: {  	_ = 	snop;
	(pc) =	sbr.rel @!p2 .LBB2_88-.Ltmp59, $3  }
0x71b: {  	_ =	sdelay $0x1  }
0x71c: {  	s19 =	sshll.u32 s4, $0x8;
	p0 =	por $0x0, $0x0;
	s11 =	sshll.u32 s4, $0x7  }
0x71d: {  	s15 =	sand.u32 $0x7800, s19;
	s17 =	sand.u32 $0x380, s11;
	s13 =	sadd.s32 $0xFFFFFFFF, s13  }
0x71e: {  	s4 =	sor.u32 s17, s15  }
0x71f: {  	[tilespmem:s4+$0xC70] =	vst v1  }
0x720: {  	[tilespmem:s4+$0x800] =	vst v1  }
0x721: {  	[tilespmem:s4+$0x810] =	vst v1  }
0x722: {  	[tilespmem:s4+$0x820] =	vst v1  }
0x723: {  	[tilespmem:s4+$0x830] =	vst v1  }
0x724: {  	[tilespmem:s4+$0x840] =	vst v1  }
0x725: {  	[tilespmem:s4+$0x850] =	vst v1  }
0x726: {  	[tilespmem:s4+$0x860] =	vst v1  }
0x727: {  	[tilespmem:s4+$0x870] =	vst v1  }
0x728: {  	p2 =	sne.s32 s13, $0x1;
	[tilespmem:s4+$0xC00] =	vst v1  }
.Ltmp60:
0x729: {  	[tilespmem:s4+$0xC10] =	vst v1;
	(pc) =	sbr.rel @!p2 .LBB2_91-.Ltmp60, $4  }
0x72a: {  	[tilespmem:s4+$0xC20] =	vst v1  }
0x72b: {  	[tilespmem:s4+$0xC30] =	vst v1  }
0x72c: {  	s31 =	sadd.s32 $0x100, s19;
	s11 =	sadd.s32 $0x80, s11;
	s13 =	sadd.s32 $0xFFFFFFFF, s13;
	[tilespmem:s4+$0xC40] =	vst v1  }
0x72d: {  	p0 =	por $0x1, $0x1;
	s15 =	sand.u32 $0x7800, s31;
	s17 =	sand.u32 $0x380, s11;
	[tilespmem:s4+$0xC50] =	vst v1  }
.LBB2_90:
0x72e: {  	p2 =	sne.s32 s13, $0x1;
	[tilespmem:s4+$0xC60] =	vst v1;
	s4 =	sor.u32 s17, s15  }
0x72f: {  	[tilespmem:s4+$0xC70] =	vst v1  }
0x730: {  	[tilespmem:s4+$0x800] =	vst v1  }
0x731: {  	[tilespmem:s4+$0x810] =	vst v1  }
0x732: {  	[tilespmem:s4+$0x820] =	vst v1  }
0x733: {  	[tilespmem:s4+$0x830] =	vst v1  }
0x734: {  	[tilespmem:s4+$0x840] =	vst v1  }
0x735: {  	[tilespmem:s4+$0x850] =	vst v1  }
0x736: {  	[tilespmem:s4+$0x860] =	vst v1  }
0x737: {  	[tilespmem:s4+$0x870] =	vst v1  }
0x738: {  	[tilespmem:s4+$0xC00] =	vst v1  }
.Ltmp61:
0x739: {  	[tilespmem:s4+$0xC10] =	vst v1;
	(pc) =	sbr.rel @p2 .LBB2_90-.Ltmp61, $4  }
0x73a: {  	[tilespmem:s4+$0xC20] =	vst v1  }
0x73b: {  	[tilespmem:s4+$0xC30] =	vst v1  }
0x73c: {  	s11 =	sadd.s32 $0x80, s11;
	s31 =	sadd.s32 $0x100, s31;
	[tilespmem:s4+$0xC40] =	vst v1  }
0x73d: {  	s13 =	sadd.s32 $0xFFFFFFFF, s13;
	s15 =	sand.u32 $0x7800, s31;
	s17 =	sand.u32 $0x380, s11;
	[tilespmem:s4+$0xC50] =	vst v1  }
.LBB2_91:
0x73e: {  	s11 =	sor.u32 s17, s15;
	[tilespmem:s4+$0xC60] =	vst @p0 v1  }
0x73f: {  	[tilespmem:s11+$0xC70] =	vst v1  }
0x740: {  	[tilespmem:s11+$0x800] =	vst v1  }
0x741: {  	[tilespmem:s11+$0x810] =	vst v1  }
0x742: {  	[tilespmem:s11+$0x820] =	vst v1  }
0x743: {  	[tilespmem:s11+$0x830] =	vst v1  }
0x744: {  	[tilespmem:s11+$0x840] =	vst v1  }
0x745: {  	[tilespmem:s11+$0x850] =	vst v1  }
0x746: {  	[tilespmem:s11+$0x860] =	vst v1  }
0x747: {  	[tilespmem:s11+$0x870] =	vst v1  }
0x748: {  	[tilespmem:s11+$0xC00] =	vst v1  }
0x749: {  	[tilespmem:s11+$0xC10] =	vst v1  }
0x74a: {  	[tilespmem:s11+$0xC20] =	vst v1  }
0x74b: {  	[tilespmem:s11+$0xC30] =	vst v1  }
0x74c: {  	[tilespmem:s11+$0xC40] =	vst v1  }
0x74d: {  	[tilespmem:s11+$0xC50] =	vst v1  }
0x74e: {  	[tilespmem:s11+$0xC60] =	vst v1  }
.LBB2_92:
.Ltmp62:
0x74f: {  	(pc) =	sbr.rel .LBB2_94-.Ltmp62, $3  }
0x750: {  	_ =	sdelay $0x1  }
0x751: {  	s4 =	simm.s32 $0x800  }
0x752: {  	[hbm4b:s20+s2] =	stream.linear.scatter [tilespmem:s4], [sflag:$0x4], $0x8000, $0x38;
	[tilespmem:$0x1C800] =	vst v63  }
.LBB2_93:
0x753: {  	[hbm4b:s20+s2] =	stream.linear.scatter [tilespmem:s6], [sflag:$0x4], $0x4000, $0x38;
	[tilespmem:$0x1C800] =	vst v63  }
0x754: {  	s4 =	sadd.s32 $0x800, s20  }
0x755: {  	[hbm4b:s4+s2] =	stream.linear.scatter [tilespmem:s6], [sflag:$0x4], $0x4000, $0x38;
	[tilespmem:$0x1C800] =	vst v63  }
.LBB2_94:
.Ltmp63:
0x756: {  	(pc) =	sbr.rel @p1 .LBB2_102-.Ltmp63, $1  }
0x757: {  	_ =	sdelay $0x3  }
0x758: {  	s11 =	ssub.s32 s3, s18  }
0x759: {  	p0 =	sgt.s32 s11, $0x7F  }
.Ltmp64:
0x75a: {  	_ = 	snop;
	(pc) =	sbr.rel @p0 .LBB2_101-.Ltmp64, $4  }
0x75b: {  	_ = 	snop  }
0x75c: {  	_ =	swait.ge [sflag:s28], $0x8000  }
0x75d: {  	[sflag:s28] =	ssyncset.done $0x0  }
0x75e: {  	[sflag:s28] =	ssyncadd.s32 $0xFFFF8000  }
0x75f: {  	s4 =	smax.u32 s11, $0x7F;
	s13 =	rddreg [dreg:$0x12]  }
0x760: {  	s4 =	sadd.s32 s4, s13  }
0x761: {  	s3 =	ssub.s32 s4, s3  }
0x762: {  	p1 =	sne.s32 s3, $0x1  }
.Ltmp65:
0x763: {  	_ = 	snop;
	(pc) =	sbr.rel @!p1 .LBB2_97-.Ltmp65, $3  }
0x764: {  	_ =	sdelay $0x1  }
0x765: {  	p0 =	por $0x0, $0x0;
	s4 =	sshll.u32 s11, $0x8;
	s11 =	sshll.u32 s11, $0x7  }
0x766: {  	s15 =	sand.u32 $0x7800, s4;
	s17 =	sand.u32 $0x380, s11;
	s13 =	sadd.s32 $0xFFFFFFFF, s3  }
0x767: {  	s3 =	sor.u32 s17, s15  }
0x768: {  	[tilespmem:s3+$0x8C70] =	vst v1  }
0x769: {  	[tilespmem:s3+$0x8800] =	vst v1  }
0x76a: {  	[tilespmem:s3+$0x8810] =	vst v1  }
0x76b: {  	[tilespmem:s3+$0x8820] =	vst v1  }
0x76c: {  	[tilespmem:s3+$0x8830] =	vst v1  }
0x76d: {  	[tilespmem:s3+$0x8840] =	vst v1  }
0x76e: {  	[tilespmem:s3+$0x8850] =	vst v1  }
0x76f: {  	[tilespmem:s3+$0x8860] =	vst v1  }
0x770: {  	[tilespmem:s3+$0x8870] =	vst v1  }
0x771: {  	p1 =	sne.s32 s13, $0x1;
	[tilespmem:s3+$0x8C00] =	vst v1  }
.Ltmp66:
0x772: {  	[tilespmem:s3+$0x8C10] =	vst v1;
	(pc) =	sbr.rel @!p1 .LBB2_100-.Ltmp66, $4  }
0x773: {  	[tilespmem:s3+$0x8C20] =	vst v1  }
0x774: {  	[tilespmem:s3+$0x8C30] =	vst v1  }
0x775: {  	s4 =	sadd.s32 $0x100, s4;
	s11 =	sadd.s32 $0x80, s11;
	s13 =	sadd.s32 $0xFFFFFFFF, s13;
	[tilespmem:s3+$0x8C40] =	vst v1  }
0x776: {  	p0 =	por $0x1, $0x1;
	s15 =	sand.u32 $0x7800, s4;
	s17 =	sand.u32 $0x380, s11;
	[tilespmem:s3+$0x8C50] =	vst v1  }
.LBB2_99:
0x777: {  	p1 =	sne.s32 s13, $0x1;
	[tilespmem:s3+$0x8C60] =	vst v1;
	s3 =	sor.u32 s17, s15  }
0x778: {  	[tilespmem:s3+$0x8C70] =	vst v1  }
0x779: {  	[tilespmem:s3+$0x8800] =	vst v1  }
0x77a: {  	[tilespmem:s3+$0x8810] =	vst v1  }
0x77b: {  	[tilespmem:s3+$0x8820] =	vst v1  }
0x77c: {  	[tilespmem:s3+$0x8830] =	vst v1  }
0x77d: {  	[tilespmem:s3+$0x8840] =	vst v1  }
0x77e: {  	[tilespmem:s3+$0x8850] =	vst v1  }
0x77f: {  	[tilespmem:s3+$0x8860] =	vst v1  }
0x780: {  	[tilespmem:s3+$0x8870] =	vst v1  }
0x781: {  	[tilespmem:s3+$0x8C00] =	vst v1  }
.Ltmp67:
0x782: {  	[tilespmem:s3+$0x8C10] =	vst v1;
	(pc) =	sbr.rel @p1 .LBB2_99-.Ltmp67, $4  }
0x783: {  	[tilespmem:s3+$0x8C20] =	vst v1  }
0x784: {  	[tilespmem:s3+$0x8C30] =	vst v1  }
0x785: {  	s11 =	sadd.s32 $0x80, s11;
	s4 =	sadd.s32 $0x100, s4;
	[tilespmem:s3+$0x8C40] =	vst v1  }
0x786: {  	s13 =	sadd.s32 $0xFFFFFFFF, s13;
	s15 =	sand.u32 $0x7800, s4;
	s17 =	sand.u32 $0x380, s11;
	[tilespmem:s3+$0x8C50] =	vst v1  }
.LBB2_100:
0x787: {  	s4 =	sor.u32 s17, s15;
	[tilespmem:s3+$0x8C60] =	vst @p0 v1  }
0x788: {  	[tilespmem:s4+$0x8C70] =	vst v1  }
0x789: {  	[tilespmem:s4+$0x8800] =	vst v1  }
0x78a: {  	[tilespmem:s4+$0x8810] =	vst v1  }
0x78b: {  	[tilespmem:s4+$0x8820] =	vst v1  }
0x78c: {  	[tilespmem:s4+$0x8830] =	vst v1  }
0x78d: {  	[tilespmem:s4+$0x8840] =	vst v1  }
0x78e: {  	[tilespmem:s4+$0x8850] =	vst v1  }
0x78f: {  	[tilespmem:s4+$0x8860] =	vst v1  }
0x790: {  	[tilespmem:s4+$0x8870] =	vst v1  }
0x791: {  	[tilespmem:s4+$0x8C00] =	vst v1  }
0x792: {  	[tilespmem:s4+$0x8C10] =	vst v1  }
0x793: {  	[tilespmem:s4+$0x8C20] =	vst v1  }
0x794: {  	[tilespmem:s4+$0x8C30] =	vst v1  }
0x795: {  	[tilespmem:s4+$0x8C40] =	vst v1  }
0x796: {  	[tilespmem:s4+$0x8C50] =	vst v1  }
0x797: {  	[tilespmem:s4+$0x8C60] =	vst v1  }
.LBB2_101:
.Ltmp68:
0x798: {  	(pc) =	sbr.rel .LBB2_103-.Ltmp68, $2  }
0x799: {  	_ =	sdelay $0x2  }
0x79a: {  	[hbm4b:s21+s2] =	stream.linear.scatter [tilespmem:s26], [sflag:$0x5], $0x8000, $0x38;
	[tilespmem:$0x1C800] =	vst v63  }
.LBB2_19:
.Ltmp69:
0x79b: {  	(pc) =	sbr.rel .LBB2_22-.Ltmp69, $2  }
0x79c: {  	_ =	sdelay $0x2  }
0x79d: {  	_ = 	snop  }
.LBB2_31:
.Ltmp70:
0x79e: {  	(pc) =	sbr.rel .LBB2_34-.Ltmp70, $2  }
0x79f: {  	_ =	sdelay $0x2  }
0x7a0: {  	_ = 	snop  }
.LBB2_43:
.Ltmp71:
0x7a1: {  	(pc) =	sbr.rel .LBB2_46-.Ltmp71, $2  }
0x7a2: {  	_ =	sdelay $0x2  }
0x7a3: {  	_ = 	snop  }
.LBB2_55:
.Ltmp72:
0x7a4: {  	(pc) =	sbr.rel .LBB2_58-.Ltmp72, $2  }
0x7a5: {  	_ =	sdelay $0x2  }
0x7a6: {  	_ = 	snop  }
.LBB2_67:
.Ltmp73:
0x7a7: {  	(pc) =	sbr.rel .LBB2_70-.Ltmp73, $2  }
0x7a8: {  	_ =	sdelay $0x2  }
0x7a9: {  	_ = 	snop  }
.LBB2_79:
.Ltmp74:
0x7aa: {  	(pc) =	sbr.rel .LBB2_82-.Ltmp74, $2  }
0x7ab: {  	_ =	sdelay $0x2  }
0x7ac: {  	_ = 	snop  }
.LBB2_88:
.Ltmp75:
0x7ad: {  	(pc) =	sbr.rel .LBB2_91-.Ltmp75, $2  }
0x7ae: {  	_ =	sdelay $0x2  }
0x7af: {  	_ = 	snop  }
.LBB2_97:
.Ltmp76:
0x7b0: {  	(pc) =	sbr.rel .LBB2_100-.Ltmp76, $2  }
0x7b1: {  	_ =	sdelay $0x2  }
0x7b2: {  	_ = 	snop  }
.LBB2_104:
0x7b3: {  	_ =	sfence.sel $0x180000  }
0x7b4: {  	[bflag:$0x0] =	sbarrier.arrive $0xFFFF  }
0x7b5: {  	_ =	strace $0x90000047  }
0x7b6: {  	s0 =	stileid.u32;
	[bflag:$0x2] =	sbarrier.arrive $0xFFFF  }
0x7b7: {  	p0 =	sne.s32 s0, $0x0;
	s0 =	rddreg [dreg:$0x3]  }
0x7b8: {  	s0 =	sadd.s32 @!p0 $0x100000, s0  }
0x7b9: {  	[sflag:s0] =	ssyncadd.tile.s32 @!p0 $0x1;
	_ =	shalt  }
.Lfunc_end2:
_tile_overlayer_lowered:
.L_overlay_start_2:
0x7ba: {  	(tag) =	ssettag $0x2  }
0x7bb: {  	s0 =	rddreg [dreg:$0x0];
	s2 =	stileid.u32  }
0x7bc: {  	s1 =	rddreg [dreg:$0x1];
	p0 =	sne.s32 s2, $0x0  }
0x7bd: {  	s3 =	rddreg [dreg:$0x2];
	[bflag:$0x3] =	sbarrier.arrive $0xFFFF;
	s2 =	simm.s32 @!p0 $0x1C07  }
0x7be: {  	[timem:s3], [sflag:s2] =	dma.local @!p0 [hbm:s0], s1  }
0x7bf: {  	s0 =	simm.s32 @!p0 $0x7  }
0x7c0: {  	_ =	swait.ge @!p0 [sflag:s0], s1  }
0x7c1: {  	s1 =	ssub.s32 @!p0 $0x0, s1;
	[sflag:s0] =	ssyncset.done @!p0 $0x0  }
0x7c2: {  	[sflag:s0] =	ssyncadd.s32 @!p0 s1  }
0x7c3: {  	[bflag:$0x3] =	sbarrier.arrive $0xFFFF  }
0x7c4: {  	_ =	shalt  }

</sc_bundles>
